<compile_context>
chip_gen: v7x
topology: tpu7x:2x2x1
jax: 0.10.2.dev20260603
libtpu: 0.0.44.dev20260713+nightly
codegen_flags: <defaults>
</compile_context>

<pallas_src>
import functools

import jax
import jax.numpy as jnp
from jax import lax
from jax.experimental import pallas as pl
from jax.experimental.pallas import tpu as pltpu
from jax.experimental.pallas import tpu_sc as plsc

_EPS = 0.3
_NC = 2
_NS = 16
_LANES = 16
_CHUNK = 128
_DCHUNK = 2048
_IDXW = 128


def _rsqrt_newton(x):
    xi = lax.bitcast_convert_type(x, jnp.int32)
    yi = jnp.int32(0x5F3759DF) - (xi >> 1)
    y = lax.bitcast_convert_type(yi, jnp.float32)
    for _ in range(3):
        y = y * (1.5 - 0.5 * x * y * y)
    return y


def _tanh_via_exp(x):
    t = jnp.exp(-2.0 * jnp.abs(x))
    th = (1.0 - t) / (1.0 + t)
    return jnp.where(x < 0.0, -th, th)


def _make_sc_kernel(N, D, NPAD, n0, n1):
    RPT = NPAD // _NS
    T = n0 + n1
    DSUB = _DCHUNK // _IDXW
    nd16 = T // DSUB
    dtail = T % DSUB
    G = _CHUNK // _LANES

    mesh = plsc.VectorSubcoreMesh(
        core_axis_name="c", subcore_axis_name="s",
        num_cores=_NC, num_subcores=_NS)

    @functools.partial(
        pl.kernel,
        out_type=jax.ShapeDtypeStruct((_NC, NPAD, D), jnp.float32),
        mesh=mesh,
        compiler_params=pltpu.CompilerParams(needs_layout_passes=False,
                                             use_tc_tiling_on_sc=False),
        scratch_types=[
            pltpu.VMEM_SHARED((NPAD,), jnp.float32),
            pltpu.VMEM_SHARED((NPAD,), jnp.float32),
            pltpu.VMEM_SHARED((NPAD,), jnp.float32),
            pltpu.VMEM_SHARED((NPAD,), jnp.float32),
            pltpu.VMEM_SHARED((NPAD, D), jnp.float32),
            pltpu.VMEM((2, _CHUNK), jnp.int32),
            pltpu.VMEM((2, _CHUNK), jnp.int32),
            pltpu.VMEM((2, _CHUNK + _LANES), jnp.float32),
            pltpu.VMEM((2, _CHUNK), jnp.float32),
            pltpu.VMEM((2, _CHUNK), jnp.float32),
            pltpu.VMEM((2, _CHUNK), jnp.float32),
            pltpu.VMEM((2, _CHUNK), jnp.float32),
            pltpu.VMEM((_DCHUNK,), jnp.float32),
            pltpu.VMEM((DSUB, _IDXW), jnp.int32),
            pltpu.VMEM((RPT,), jnp.float32),
            pltpu.VMEM((2, _CHUNK, D // 2), jnp.int32),
            pltpu.VMEM((_CHUNK, D), jnp.float32),
            pltpu.SemaphoreType.DMA,
            pltpu.SemaphoreType.DMA,
            pltpu.SemaphoreType.DMA,
            pltpu.SemaphoreType.DMA,
        ],
    )
    def sc_kernel(h_hbm, src_hbm, dst_hbm, a1_hbm, a2_hbm, mm_hbm,
                  deg_sh, a1_sh, a2_sh, d_sh, m_sh, src_v, dst_v, e_v,
                  a1g_v, a2g_v, ddg_v, dsg_v, ones_v, didx_v, z_v,
                  rows_v, frows_v, sem0, sem1, ssem0, ssem1):
        sems = (sem0, sem1)
        ssems = (ssem0, ssem1)
        cid = lax.axis_index("c")
        sid = lax.axis_index("s")
        zeros = jnp.zeros((_LANES,), jnp.float32)
        ones = jnp.ones((_LANES,), jnp.float32)

        @pl.loop(0, RPT // _LANES)
        def _(i):
            z_v[pl.ds(i * _LANES, _LANES)] = zeros

        @pl.loop(0, _DCHUNK // _LANES)
        def _(i):
            ones_v[pl.ds(i * _LANES, _LANES)] = ones

        @pl.loop(0, _IDXW)
        def _(i):
            for k in range(D // _LANES):
                frows_v[i, pl.ds(k * _LANES, _LANES)] = zeros

        base = sid * RPT
        pltpu.sync_copy(z_v, deg_sh.at[pl.ds(base, RPT)])
        for r in range(RPT // _IDXW):
            pltpu.sync_copy(frows_v.at[pl.ds(0, _IDXW), :],
                            m_sh.at[pl.ds(base + r * _IDXW, _IDXW), :])
        pltpu.sync_copy(a1_hbm.at[pl.ds(base, RPT)], a1_sh.at[pl.ds(base, RPT)])
        pltpu.sync_copy(a2_hbm.at[pl.ds(base, RPT)], a2_sh.at[pl.ds(base, RPT)])
        plsc.subcore_barrier()

        drow0 = sid * T

        @pl.loop(0, nd16)
        def _(k):
            row = drow0 + k * DSUB
            pltpu.sync_copy(dst_hbm.at[pl.ds(row, DSUB), :], didx_v)
            for j in range(DSUB):
                pltpu.sync_copy(ones_v.at[pl.ds(j * _IDXW, _IDXW)],
                                deg_sh.at[didx_v.at[j]], add=True)
        if dtail:
            trow = drow0 + nd16 * DSUB
            pltpu.sync_copy(dst_hbm.at[pl.ds(trow, dtail), :],
                            didx_v.at[pl.ds(0, dtail), :])
            for j in range(dtail):
                pltpu.sync_copy(ones_v.at[pl.ds(j * _IDXW, _IDXW)],
                                deg_sh.at[didx_v.at[j]], add=True)
        plsc.subcore_barrier()

        pltpu.sync_copy(deg_sh.at[pl.ds(base, RPT)], z_v)

        @pl.loop(0, RPT // _LANES)
        def _(i):
            idx = lax.iota(jnp.int32, _LANES) + (base + i * _LANES)
            x = jnp.maximum(z_v[pl.ds(i * _LANES, _LANES)], 1.0)
            y = _rsqrt_newton(x)
            z_v[pl.ds(i * _LANES, _LANES)] = jnp.where(idx >= N, 0.0, y)

        pltpu.sync_copy(z_v, d_sh.at[pl.ds(base, RPT)])
        plsc.subcore_barrier()

        n_c = jnp.where(cid == 0, n0, n1)
        erow0 = jnp.where(cid == 0, sid * n0, _NS * n0 + sid * n1)

        def _prefetch(krow, nb):
            pltpu.sync_copy(src_hbm.at[krow], src_v.at[nb])
            pltpu.sync_copy(dst_hbm.at[krow], dst_v.at[nb])
            pltpu.async_copy(h_hbm.at[src_v.at[nb]], rows_v.at[nb], sems[nb])
            pltpu.async_copy(a1_sh.at[dst_v.at[nb]], a1g_v.at[nb], ssems[nb])
            pltpu.async_copy(a2_sh.at[src_v.at[nb]], a2g_v.at[nb], ssems[nb])
            pltpu.async_copy(d_sh.at[dst_v.at[nb]], ddg_v.at[nb], ssems[nb])
            pltpu.async_copy(d_sh.at[src_v.at[nb]], dsg_v.at[nb], ssems[nb])

        def _drain(b):
            pltpu.make_async_copy(a1_sh.at[dst_v.at[b]], a1g_v.at[b],
                                  ssems[b]).wait()
            pltpu.make_async_copy(a2_sh.at[src_v.at[b]], a2g_v.at[b],
                                  ssems[b]).wait()
            pltpu.make_async_copy(d_sh.at[dst_v.at[b]], ddg_v.at[b],
                                  ssems[b]).wait()
            pltpu.make_async_copy(d_sh.at[src_v.at[b]], dsg_v.at[b],
                                  ssems[b]).wait()

        def _drain_rows(b):
            pltpu.make_async_copy(h_hbm.at[src_v.at[b]],
                                  rows_v.at[b], sems[b]).wait()

        _prefetch(erow0, 0)

        @pl.loop(0, n_c // 2)
        def _(p):
            for b in range(2):
                k = p * 2 + b
                nb = 1 - b
                nk = jnp.minimum(k + 1, n_c - 1)
                _prefetch(erow0 + nk, nb)
                _drain(b)
                for g in range(G):
                    sl = pl.ds(g * _LANES, _LANES)
                    e_v[b, sl] = (_tanh_via_exp(a1g_v[b, sl] + a2g_v[b, sl])
                                  * ddg_v[b, sl] * dsg_v[b, sl])
                _drain_rows(b)

                @plsc.parallel_loop(0, _CHUNK, unroll=4)
                def _(i):
                    es = e_v[b, pl.ds(i, _LANES)][0]
                    for kk in range(D // (2 * _LANES)):
                        x32 = rows_v[b, i, pl.ds(kk * _LANES, _LANES)]
                        x = plsc.bitcast(x32, jnp.bfloat16)
                        pa, pb = plsc.unpack(
                            x, format=plsc.PackFormat.INTERLEAVED)
                        frows_v[i, pl.ds(kk * 2 * _LANES, _LANES)] = pa * es
                        frows_v[i, pl.ds(kk * 2 * _LANES + _LANES,
                                         _LANES)] = pb * es

                pltpu.sync_copy(frows_v, m_sh.at[dst_v.at[b]], add=True)

        _drain(0)
        _drain_rows(0)
        plsc.subcore_barrier()

        for r in range(RPT // _IDXW):
            pltpu.sync_copy(m_sh.at[pl.ds(base + r * _IDXW, _IDXW), :],
                            mm_hbm.at[cid, pl.ds(base + r * _IDXW, _IDXW), :])

    return sc_kernel


def _pick_bs(n):
    for cand in (1024, 1000, 512, 500, 256, 250, 128, 125, 64, 40, 32, 25,
                 16, 10, 8, 5, 4, 2, 1):
        if n % cand == 0:
            return cand
    return 1


def _gate_proj(h, w2, b2):
    n, d = h.shape
    bs = _pick_bs(n)

    def body(h_ref, w_ref, b_ref, o_ref):
        o_ref[...] = jnp.dot(h_ref[...], w_ref[...],
                             preferred_element_type=jnp.float32) + b_ref[...]

    return pl.pallas_call(
        body,
        grid=(n // bs,),
        in_specs=[pl.BlockSpec((bs, d), lambda i: (i, 0)),
                  pl.BlockSpec((d, 2), lambda i: (0, 0)),
                  pl.BlockSpec((1, 2), lambda i: (0, 0))],
        out_specs=pl.BlockSpec((bs, 2), lambda i: (i, 0)),
        out_shape=jax.ShapeDtypeStruct((n, 2), jnp.float32),
    )(h, w2, b2)


def _combine(h, mm):
    n, d = h.shape
    bs = _pick_bs(n)

    def body(h_ref, m0_ref, m1_ref, o_ref):
        o_ref[...] = jnp.maximum(
            _EPS * h_ref[...] + m0_ref[0] + m1_ref[0], 0.0)

    return pl.pallas_call(
        body,
        grid=(n // bs,),
        in_specs=[pl.BlockSpec((bs, d), lambda i: (i, 0)),
                  pl.BlockSpec((1, bs, d), lambda i: (0, i, 0)),
                  pl.BlockSpec((1, bs, d), lambda i: (1, i, 0))],
        out_specs=pl.BlockSpec((bs, d), lambda i: (i, 0)),
        out_shape=jax.ShapeDtypeStruct((n, d), jnp.float32),
    )(h, mm, mm)


_SC0_FRAC = 0.55


def kernel(h, edge_index, gate_w, gate_b):
    n, d = h.shape
    e = edge_index.shape[1]

    npad = -((n + 1) // -(_NS * _LANES)) * (_NS * _LANES)
    per_chunk = _NS * _CHUNK
    t = -(e // -(per_chunk * 16)) * 16
    n0 = int(round(t * _SC0_FRAC / 2)) * 2
    n0 = min(max(n0, 2), t - 2)
    n1 = t - n0
    e_pad = t * per_chunk

    src = edge_index[0]
    dst = edge_index[1]
    pad = e_pad - e
    srcp = jnp.concatenate(
        [src, jnp.zeros((pad,), jnp.int32)]).reshape(e_pad // _IDXW, _IDXW)
    dstp = jnp.concatenate(
        [dst, jnp.full((pad,), n, jnp.int32)]).reshape(e_pad // _IDXW, _IDXW)

    w_dst = gate_w[:d, 0]
    w_src = gate_w[d:, 0]
    w2 = jnp.stack([w_dst, w_src], axis=1)
    b2 = jnp.stack([gate_b[0], jnp.zeros((), jnp.float32)]).reshape(1, 2)

    a = _gate_proj(h, w2, b2)
    a1 = jnp.pad(a[:, 0], (0, npad - n))
    a2 = jnp.pad(a[:, 1], (0, npad - n))

    hbf = (h.reshape(n, d // 32, 2, 16).transpose(0, 1, 3, 2).reshape(n, d)
           .astype(jnp.bfloat16))
    hbf = jnp.pad(hbf, ((0, npad - n), (0, 0)))
    hbf = lax.bitcast_convert_type(hbf.reshape(npad, d // 2, 2), jnp.int32)

    mm = _make_sc_kernel(n, d, npad, n0, n1)(hbf, srcp, dstp, a1, a2)
    return _combine(h, mm)

# --- scband reference (transcript-rebuilt; emitter-appended) ---
"""Pipeline reference for scband-fagcn-64501818851477 (READ-ONLY COPY).

The authoritative reference and input builder live on the scoring server;
editing this copy changes nothing except your own understanding.
"""

import jax, jax.numpy as jnp
import numpy as np

N = 10000
E = 320000
D = 128
EPS = 0.3

def setup_inputs(seed: int = 0) -> dict:
    key = jax.random.key(seed)
    k1, k2, k3 = jax.random.split(key, 3)
    h = jax.random.normal(k1, (N, D), dtype=jnp.float32)
    edge_index = jax.random.randint(k2, (2, E), 0, N, dtype=jnp.int32)
    # FALayer gate: Linear(2*hidden_dim, 1) with xavier_normal gain=1.414
    std = 1.414 * np.sqrt(2.0 / (2 * D + 1))
    gate_w = jax.random.normal(k3, (2 * D, 1), dtype=jnp.float32) * std
    gate_b = jnp.zeros((1,), dtype=jnp.float32)
    return {"h": h, "edge_index": edge_index, "gate_w": gate_w, "gate_b": gate_b}

def reference(h, edge_index, gate_w, gate_b):
    src = edge_index[0]
    dst = edge_index[1]
    # normalized degree d = deg^-0.5 (in-degree, as in FAGCN)
    deg = jnp.zeros((N,), jnp.float32).at[dst].add(1.0)
    deg = jnp.clip(deg, 1.0, None)
    d = jax.lax.rsqrt(deg)
    # single FALayer (layer_num=1), dropout=0 (eval)
    h_src = jnp.take(h, src, axis=0)
    h_dst = jnp.take(h, dst, axis=0)
    h2 = jnp.concatenate([h_dst, h_src], axis=1)
    g_e = jnp.tanh(h2 @ gate_w + gate_b)[:, 0]
    e = g_e * jnp.take(d, dst) * jnp.take(d, src)
    m = jnp.zeros((N, D), jnp.float32).at[dst].add(h_src * e[:, None])
    out = jax.nn.relu(EPS * h + m)
    return out

if __name__ == "__main__":
    import jax
    _d = setup_inputs()
    print(jax.jit(kernel)(*tuple(_d.values())))

</pallas_src>

<mosaic_0001>
#map = affine_map<(d0, d1) -> (0, 0)>
#map1 = affine_map<(d0, d1) -> (0)>
#map2 = affine_map<(d0, d1) -> (0, 0, 0)>
module attributes {stable_mosaic.version = 14 : i64} {
  func.func @sc_kernel(%arg0: i32, %arg1: i32, %arg2: memref<10240x64xi32, #tpu.memory_space<hbm>>, %arg3: memref<2560x128xi32, #tpu.memory_space<hbm>>, %arg4: memref<2560x128xi32, #tpu.memory_space<hbm>>, %arg5: memref<10240xf32, #tpu.memory_space<hbm>>, %arg6: memref<10240xf32, #tpu.memory_space<hbm>>, %arg7: memref<2x10240x128xf32, #tpu.memory_space<hbm>>, %arg8: memref<10240xf32, #tpu.memory_space<vmem_shared>>, %arg9: memref<10240xf32, #tpu.memory_space<vmem_shared>>, %arg10: memref<10240xf32, #tpu.memory_space<vmem_shared>>, %arg11: memref<10240xf32, #tpu.memory_space<vmem_shared>>, %arg12: memref<10240x128xf32, #tpu.memory_space<vmem_shared>>, %arg13: memref<2x128xi32, #tpu.memory_space<vmem>>, %arg14: memref<2x128xi32, #tpu.memory_space<vmem>>, %arg15: memref<2x144xf32, #tpu.memory_space<vmem>>, %arg16: memref<2x128xf32, #tpu.memory_space<vmem>>, %arg17: memref<2x128xf32, #tpu.memory_space<vmem>>, %arg18: memref<2x128xf32, #tpu.memory_space<vmem>>, %arg19: memref<2x128xf32, #tpu.memory_space<vmem>>, %arg20: memref<2048xf32, #tpu.memory_space<vmem>>, %arg21: memref<16x128xi32, #tpu.memory_space<vmem>>, %arg22: memref<640xf32, #tpu.memory_space<vmem>>, %arg23: memref<2x128x64xi32, #tpu.memory_space<vmem>>, %arg24: memref<128x128xf32, #tpu.memory_space<vmem>>, %arg25: memref<!tpu.dma_semaphore, #tpu.memory_space<semaphore_mem>>, %arg26: memref<!tpu.dma_semaphore, #tpu.memory_space<semaphore_mem>>, %arg27: memref<!tpu.dma_semaphore, #tpu.memory_space<semaphore_mem>>, %arg28: memref<!tpu.dma_semaphore, #tpu.memory_space<semaphore_mem>>) attributes {dimension_semantics = [#tpu.dimension_semantics<core_parallel>, #tpu.dimension_semantics<subcore_parallel>], iteration_bounds = array<i64: 2, 16>, scalar_prefetch = 0 : i64, scratch_operands = 21 : i64, tpu.core_type = #tpu.core_type<sc_vector_subcore>, window_params = [{transform_indices = #map}, {transform_indices = #map}, {transform_indices = #map}, {transform_indices = #map1}, {transform_indices = #map1}, {transform_indices = #map2}]} {
    %broadcast_in_dim3A = arith.constant 0.000000e+00 : f32
    %broadcast_in_dim3A_0 = vector.broadcast %broadcast_in_dim3A : f32 to vector<16xf32>
    %broadcast_in_dim3A_1 = arith.constant 1.000000e+00 : f32
    %broadcast_in_dim3A_2 = vector.broadcast %broadcast_in_dim3A_1 : f32 to vector<16xf32>
    %scan3A = arith.constant 0 : i32
    %scan3A_3 = arith.constant 40 : i32
    %scan3A_4 = arith.addi %scan3A, %scan3A_3 : i32
    %scan3A_5 = arith.constant 1 : i32
    scf.for %scan3A_212 = %scan3A to %scan3A_4 step %scan3A_5  : i32 {
      %mul3A_213 = arith.constant 1 : i32
      %mul3A_214 = arith.muli %scan3A_212, %mul3A_213 : i32
      %add3A_215 = arith.constant 0 : i32
      %add3A_216 = arith.addi %add3A_215, %mul3A_214 : i32
      %mul3A_217 = arith.constant 16 : i32
      %mul3A_218 = arith.muli %add3A_216, %mul3A_217 : i32
      %swap3A = arith.index_cast %mul3A_218 : i32 to index
      %swap3A_219 = tpu.vector_load %arg22[%swap3A] {strides = array<i32>} : memref<640xf32, #tpu.memory_space<vmem>>, vector<16xf32>,
      tpu.vector_store %arg22[%swap3A], %broadcast_in_dim3A_0 {strides = array<i32>} : memref<640xf32, #tpu.memory_space<vmem>>, vector<16xf32>,
    }
    %scan3A_6 = arith.constant 40 : i32
    %scan3A_7 = arith.constant 0 : i32
    %scan3A_8 = arith.constant 128 : i32
    %scan3A_9 = arith.addi %scan3A_7, %scan3A_8 : i32
    %scan3A_10 = arith.constant 1 : i32
    scf.for %scan3A_212 = %scan3A_7 to %scan3A_9 step %scan3A_10  : i32 {
      %mul3A_213 = arith.constant 1 : i32
      %mul3A_214 = arith.muli %scan3A_212, %mul3A_213 : i32
      %add3A_215 = arith.constant 0 : i32
      %add3A_216 = arith.addi %add3A_215, %mul3A_214 : i32
      %mul3A_217 = arith.constant 16 : i32
      %mul3A_218 = arith.muli %add3A_216, %mul3A_217 : i32
      %swap3A = arith.index_cast %mul3A_218 : i32 to index
      %swap3A_219 = tpu.vector_load %arg20[%swap3A] {strides = array<i32>} : memref<2048xf32, #tpu.memory_space<vmem>>, vector<16xf32>,
      tpu.vector_store %arg20[%swap3A], %broadcast_in_dim3A_2 {strides = array<i32>} : memref<2048xf32, #tpu.memory_space<vmem>>, vector<16xf32>,
    }
    %scan3A_11 = arith.constant 128 : i32
    %scan3A_12 = arith.constant 0 : i32
    %scan3A_13 = arith.constant 128 : i32
    %scan3A_14 = arith.addi %scan3A_12, %scan3A_13 : i32
    %scan3A_15 = arith.constant 1 : i32
    scf.for %scan3A_212 = %scan3A_12 to %scan3A_14 step %scan3A_15  : i32 {
      %mul3A_213 = arith.constant 1 : i32
      %mul3A_214 = arith.muli %scan3A_212, %mul3A_213 : i32
      %add3A_215 = arith.constant 0 : i32
      %add3A_216 = arith.addi %add3A_215, %mul3A_214 : i32
      %swap3A = arith.index_cast %add3A_216 : i32 to index
      %swap3A_217 = arith.constant 0 : index
      %swap3A_218 = tpu.vector_load %arg24[%swap3A, %swap3A_217] {strides = array<i32>} : memref<128x128xf32, #tpu.memory_space<vmem>>, vector<16xf32>,
      tpu.vector_store %arg24[%swap3A, %swap3A_217], %broadcast_in_dim3A_0 {strides = array<i32>} : memref<128x128xf32, #tpu.memory_space<vmem>>, vector<16xf32>,
      %swap3A_219 = arith.index_cast %add3A_216 : i32 to index
      %swap3A_220 = arith.constant 16 : index
      %swap3A_221 = tpu.vector_load %arg24[%swap3A_219, %swap3A_220] {strides = array<i32>} : memref<128x128xf32, #tpu.memory_space<vmem>>, vector<16xf32>,
      tpu.vector_store %arg24[%swap3A_219, %swap3A_220], %broadcast_in_dim3A_0 {strides = array<i32>} : memref<128x128xf32, #tpu.memory_space<vmem>>, vector<16xf32>,
      %swap3A_222 = arith.index_cast %add3A_216 : i32 to index
      %swap3A_223 = arith.constant 32 : index
      %swap3A_224 = tpu.vector_load %arg24[%swap3A_222, %swap3A_223] {strides = array<i32>} : memref<128x128xf32, #tpu.memory_space<vmem>>, vector<16xf32>,
      tpu.vector_store %arg24[%swap3A_222, %swap3A_223], %broadcast_in_dim3A_0 {strides = array<i32>} : memref<128x128xf32, #tpu.memory_space<vmem>>, vector<16xf32>,
      %swap3A_225 = arith.index_cast %add3A_216 : i32 to index
      %swap3A_226 = arith.constant 48 : index
      %swap3A_227 = tpu.vector_load %arg24[%swap3A_225, %swap3A_226] {strides = array<i32>} : memref<128x128xf32, #tpu.memory_space<vmem>>, vector<16xf32>,
      tpu.vector_store %arg24[%swap3A_225, %swap3A_226], %broadcast_in_dim3A_0 {strides = array<i32>} : memref<128x128xf32, #tpu.memory_space<vmem>>, vector<16xf32>,
      %swap3A_228 = arith.index_cast %add3A_216 : i32 to index
      %swap3A_229 = arith.constant 64 : index
      %swap3A_230 = tpu.vector_load %arg24[%swap3A_228, %swap3A_229] {strides = array<i32>} : memref<128x128xf32, #tpu.memory_space<vmem>>, vector<16xf32>,
      tpu.vector_store %arg24[%swap3A_228, %swap3A_229], %broadcast_in_dim3A_0 {strides = array<i32>} : memref<128x128xf32, #tpu.memory_space<vmem>>, vector<16xf32>,
      %swap3A_231 = arith.index_cast %add3A_216 : i32 to index
      %swap3A_232 = arith.constant 80 : index
      %swap3A_233 = tpu.vector_load %arg24[%swap3A_231, %swap3A_232] {strides = array<i32>} : memref<128x128xf32, #tpu.memory_space<vmem>>, vector<16xf32>,
      tpu.vector_store %arg24[%swap3A_231, %swap3A_232], %broadcast_in_dim3A_0 {strides = array<i32>} : memref<128x128xf32, #tpu.memory_space<vmem>>, vector<16xf32>,
      %swap3A_234 = arith.index_cast %add3A_216 : i32 to index
      %swap3A_235 = arith.constant 96 : index
      %swap3A_236 = tpu.vector_load %arg24[%swap3A_234, %swap3A_235] {strides = array<i32>} : memref<128x128xf32, #tpu.memory_space<vmem>>, vector<16xf32>,
      tpu.vector_store %arg24[%swap3A_234, %swap3A_235], %broadcast_in_dim3A_0 {strides = array<i32>} : memref<128x128xf32, #tpu.memory_space<vmem>>, vector<16xf32>,
      %swap3A_237 = arith.index_cast %add3A_216 : i32 to index
      %swap3A_238 = arith.constant 112 : index
      %swap3A_239 = tpu.vector_load %arg24[%swap3A_237, %swap3A_238] {strides = array<i32>} : memref<128x128xf32, #tpu.memory_space<vmem>>, vector<16xf32>,
      tpu.vector_store %arg24[%swap3A_237, %swap3A_238], %broadcast_in_dim3A_0 {strides = array<i32>} : memref<128x128xf32, #tpu.memory_space<vmem>>, vector<16xf32>,
    }
    %scan3A_16 = arith.constant 128 : i32
    %mul3A = arith.constant 640 : i32
    %mul3A_17 = arith.muli %arg1, %mul3A : i32
    "tpu.region"() ({
      %run_scoped3A_212 = tpu.sem_alloc : memref<!tpu.dma_semaphore, #tpu.memory_space<semaphore_mem>>
      %dma_start3A_213 = tpu.memref_slice %arg8[%mul3A_17] : memref<10240xf32, #tpu.memory_space<vmem_shared>> -> memref<640xf32, #tpu.memory_space<vmem_shared>>
      %dma_start3A_214 = tpu.memref_slice %arg8[%mul3A_17] : memref<10240xf32, #tpu.memory_space<vmem_shared>> -> memref<640xf32, #tpu.memory_space<vmem_shared>>
      tpu.enqueue_dma source(%arg22 : memref<640xf32, #tpu.memory_space<vmem>>) target(%dma_start3A_214 : memref<640xf32, #tpu.memory_space<vmem_shared>>) target_semaphore(%run_scoped3A_212 : memref<!tpu.dma_semaphore, #tpu.memory_space<semaphore_mem>>)
      %dma_wait3A_215 = tpu.memref_slice %arg8[%mul3A_17] : memref<10240xf32, #tpu.memory_space<vmem_shared>> -> memref<640xf32, #tpu.memory_space<vmem_shared>>
      %dma_wait3A_216 = tpu.memref_slice %arg8[%mul3A_17] : memref<10240xf32, #tpu.memory_space<vmem_shared>> -> memref<640xf32, #tpu.memory_space<vmem_shared>>
      tpu.wait_dma2 semaphore(%run_scoped3A_212 : memref<!tpu.dma_semaphore, #tpu.memory_space<semaphore_mem>>) src(%arg22 : memref<640xf32, #tpu.memory_space<vmem>>) dst(%dma_wait3A_216 : memref<640xf32, #tpu.memory_space<vmem_shared>>)
      tpu.yield
    }) : () -> ()
    %add3A = arith.constant 0 : i32
    %add3A_18 = arith.addi %mul3A_17, %add3A : i32
    "tpu.region"() ({
      %run_scoped3A_212 = tpu.sem_alloc : memref<!tpu.dma_semaphore, #tpu.memory_space<semaphore_mem>>
      %dma_start3A_213 = arith.constant 0 : i32
      %dma_start3A_214 = arith.constant 0 : i32
      %dma_start3A_215 = tpu.memref_slice %arg24[%dma_start3A_213, %dma_start3A_214] : memref<128x128xf32, #tpu.memory_space<vmem>> -> memref<128x128xf32, #tpu.memory_space<vmem>>
      %dma_start3A_216 = arith.constant 0 : i32
      %dma_start3A_217 = tpu.memref_slice %arg12[%add3A_18, %dma_start3A_216] : memref<10240x128xf32, #tpu.memory_space<vmem_shared>> -> memref<128x128xf32, #tpu.memory_space<vmem_shared>>
      %dma_start3A_218 = arith.constant 0 : i32
      %dma_start3A_219 = tpu.memref_slice %arg12[%add3A_18, %dma_start3A_218] : memref<10240x128xf32, #tpu.memory_space<vmem_shared>> -> memref<128x128xf32, #tpu.memory_space<vmem_shared>>
      %dma_start3A_220 = arith.constant 0 : i32
      %dma_start3A_221 = arith.constant 0 : i32
      %dma_start3A_222 = tpu.memref_slice %arg24[%dma_start3A_220, %dma_start3A_221] : memref<128x128xf32, #tpu.memory_space<vmem>> -> memref<128x128xf32, #tpu.memory_space<vmem>>
      tpu.enqueue_dma source(%dma_start3A_222 : memref<128x128xf32, #tpu.memory_space<vmem>>) target(%dma_start3A_219 : memref<128x128xf32, #tpu.memory_space<vmem_shared>>) target_semaphore(%run_scoped3A_212 : memref<!tpu.dma_semaphore, #tpu.memory_space<semaphore_mem>>)
      %dma_wait3A_223 = arith.constant 0 : i32
      %dma_wait3A_224 = arith.constant 0 : i32
      %dma_wait3A_225 = tpu.memref_slice %arg24[%dma_wait3A_223, %dma_wait3A_224] : memref<128x128xf32, #tpu.memory_space<vmem>> -> memref<128x128xf32, #tpu.memory_space<vmem>>
      %dma_wait3A_226 = arith.constant 0 : i32
      %dma_wait3A_227 = tpu.memref_slice %arg12[%add3A_18, %dma_wait3A_226] : memref<10240x128xf32, #tpu.memory_space<vmem_shared>> -> memref<128x128xf32, #tpu.memory_space<vmem_shared>>
      %dma_wait3A_228 = arith.constant 0 : i32
      %dma_wait3A_229 = tpu.memref_slice %arg12[%add3A_18, %dma_wait3A_228] : memref<10240x128xf32, #tpu.memory_space<vmem_shared>> -> memref<128x128xf32, #tpu.memory_space<vmem_shared>>
      %dma_wait3A_230 = arith.constant 0 : i32
      %dma_wait3A_231 = arith.constant 0 : i32
      %dma_wait3A_232 = tpu.memref_slice %arg24[%dma_wait3A_230, %dma_wait3A_231] : memref<128x128xf32, #tpu.memory_space<vmem>> -> memref<128x128xf32, #tpu.memory_space<vmem>>
      tpu.wait_dma2 semaphore(%run_scoped3A_212 : memref<!tpu.dma_semaphore, #tpu.memory_space<semaphore_mem>>) src(%dma_wait3A_232 : memref<128x128xf32, #tpu.memory_space<vmem>>) dst(%dma_wait3A_229 : memref<128x128xf32, #tpu.memory_space<vmem_shared>>)
      tpu.yield
    }) : () -> ()
    %add3A_19 = arith.constant 128 : i32
    %add3A_20 = arith.addi %mul3A_17, %add3A_19 : i32
    "tpu.region"() ({
      %run_scoped3A_212 = tpu.sem_alloc : memref<!tpu.dma_semaphore, #tpu.memory_space<semaphore_mem>>
      %dma_start3A_213 = arith.constant 0 : i32
      %dma_start3A_214 = arith.constant 0 : i32
      %dma_start3A_215 = tpu.memref_slice %arg24[%dma_start3A_213, %dma_start3A_214] : memref<128x128xf32, #tpu.memory_space<vmem>> -> memref<128x128xf32, #tpu.memory_space<vmem>>
      %dma_start3A_216 = arith.constant 0 : i32
      %dma_start3A_217 = tpu.memref_slice %arg12[%add3A_20, %dma_start3A_216] : memref<10240x128xf32, #tpu.memory_space<vmem_shared>> -> memref<128x128xf32, #tpu.memory_space<vmem_shared>>
      %dma_start3A_218 = arith.constant 0 : i32
      %dma_start3A_219 = tpu.memref_slice %arg12[%add3A_20, %dma_start3A_218] : memref<10240x128xf32, #tpu.memory_space<vmem_shared>> -> memref<128x128xf32, #tpu.memory_space<vmem_shared>>
      %dma_start3A_220 = arith.constant 0 : i32
      %dma_start3A_221 = arith.constant 0 : i32
      %dma_start3A_222 = tpu.memref_slice %arg24[%dma_start3A_220, %dma_start3A_221] : memref<128x128xf32, #tpu.memory_space<vmem>> -> memref<128x128xf32, #tpu.memory_space<vmem>>
      tpu.enqueue_dma source(%dma_start3A_222 : memref<128x128xf32, #tpu.memory_space<vmem>>) target(%dma_start3A_219 : memref<128x128xf32, #tpu.memory_space<vmem_shared>>) target_semaphore(%run_scoped3A_212 : memref<!tpu.dma_semaphore, #tpu.memory_space<semaphore_mem>>)
      %dma_wait3A_223 = arith.constant 0 : i32
      %dma_wait3A_224 = arith.constant 0 : i32
      %dma_wait3A_225 = tpu.memref_slice %arg24[%dma_wait3A_223, %dma_wait3A_224] : memref<128x128xf32, #tpu.memory_space<vmem>> -> memref<128x128xf32, #tpu.memory_space<vmem>>
      %dma_wait3A_226 = arith.constant 0 : i32
      %dma_wait3A_227 = tpu.memref_slice %arg12[%add3A_20, %dma_wait3A_226] : memref<10240x128xf32, #tpu.memory_space<vmem_shared>> -> memref<128x128xf32, #tpu.memory_space<vmem_shared>>
      %dma_wait3A_228 = arith.constant 0 : i32
      %dma_wait3A_229 = tpu.memref_slice %arg12[%add3A_20, %dma_wait3A_228] : memref<10240x128xf32, #tpu.memory_space<vmem_shared>> -> memref<128x128xf32, #tpu.memory_space<vmem_shared>>
      %dma_wait3A_230 = arith.constant 0 : i32
      %dma_wait3A_231 = arith.constant 0 : i32
      %dma_wait3A_232 = tpu.memref_slice %arg24[%dma_wait3A_230, %dma_wait3A_231] : memref<128x128xf32, #tpu.memory_space<vmem>> -> memref<128x128xf32, #tpu.memory_space<vmem>>
      tpu.wait_dma2 semaphore(%run_scoped3A_212 : memref<!tpu.dma_semaphore, #tpu.memory_space<semaphore_mem>>) src(%dma_wait3A_232 : memref<128x128xf32, #tpu.memory_space<vmem>>) dst(%dma_wait3A_229 : memref<128x128xf32, #tpu.memory_space<vmem_shared>>)
      tpu.yield
    }) : () -> ()
    %add3A_21 = arith.constant 256 : i32
    %add3A_22 = arith.addi %mul3A_17, %add3A_21 : i32
    "tpu.region"() ({
      %run_scoped3A_212 = tpu.sem_alloc : memref<!tpu.dma_semaphore, #tpu.memory_space<semaphore_mem>>
      %dma_start3A_213 = arith.constant 0 : i32
      %dma_start3A_214 = arith.constant 0 : i32
      %dma_start3A_215 = tpu.memref_slice %arg24[%dma_start3A_213, %dma_start3A_214] : memref<128x128xf32, #tpu.memory_space<vmem>> -> memref<128x128xf32, #tpu.memory_space<vmem>>
      %dma_start3A_216 = arith.constant 0 : i32
      %dma_start3A_217 = tpu.memref_slice %arg12[%add3A_22, %dma_start3A_216] : memref<10240x128xf32, #tpu.memory_space<vmem_shared>> -> memref<128x128xf32, #tpu.memory_space<vmem_shared>>
      %dma_start3A_218 = arith.constant 0 : i32
      %dma_start3A_219 = tpu.memref_slice %arg12[%add3A_22, %dma_start3A_218] : memref<10240x128xf32, #tpu.memory_space<vmem_shared>> -> memref<128x128xf32, #tpu.memory_space<vmem_shared>>
      %dma_start3A_220 = arith.constant 0 : i32
      %dma_start3A_221 = arith.constant 0 : i32
      %dma_start3A_222 = tpu.memref_slice %arg24[%dma_start3A_220, %dma_start3A_221] : memref<128x128xf32, #tpu.memory_space<vmem>> -> memref<128x128xf32, #tpu.memory_space<vmem>>
      tpu.enqueue_dma source(%dma_start3A_222 : memref<128x128xf32, #tpu.memory_space<vmem>>) target(%dma_start3A_219 : memref<128x128xf32, #tpu.memory_space<vmem_shared>>) target_semaphore(%run_scoped3A_212 : memref<!tpu.dma_semaphore, #tpu.memory_space<semaphore_mem>>)
      %dma_wait3A_223 = arith.constant 0 : i32
      %dma_wait3A_224 = arith.constant 0 : i32
      %dma_wait3A_225 = tpu.memref_slice %arg24[%dma_wait3A_223, %dma_wait3A_224] : memref<128x128xf32, #tpu.memory_space<vmem>> -> memref<128x128xf32, #tpu.memory_space<vmem>>
      %dma_wait3A_226 = arith.constant 0 : i32
      %dma_wait3A_227 = tpu.memref_slice %arg12[%add3A_22, %dma_wait3A_226] : memref<10240x128xf32, #tpu.memory_space<vmem_shared>> -> memref<128x128xf32, #tpu.memory_space<vmem_shared>>
      %dma_wait3A_228 = arith.constant 0 : i32
      %dma_wait3A_229 = tpu.memref_slice %arg12[%add3A_22, %dma_wait3A_228] : memref<10240x128xf32, #tpu.memory_space<vmem_shared>> -> memref<128x128xf32, #tpu.memory_space<vmem_shared>>
      %dma_wait3A_230 = arith.constant 0 : i32
      %dma_wait3A_231 = arith.constant 0 : i32
      %dma_wait3A_232 = tpu.memref_slice %arg24[%dma_wait3A_230, %dma_wait3A_231] : memref<128x128xf32, #tpu.memory_space<vmem>> -> memref<128x128xf32, #tpu.memory_space<vmem>>
      tpu.wait_dma2 semaphore(%run_scoped3A_212 : memref<!tpu.dma_semaphore, #tpu.memory_space<semaphore_mem>>) src(%dma_wait3A_232 : memref<128x128xf32, #tpu.memory_space<vmem>>) dst(%dma_wait3A_229 : memref<128x128xf32, #tpu.memory_space<vmem_shared>>)
      tpu.yield
    }) : () -> ()
    %add3A_23 = arith.constant 384 : i32
    %add3A_24 = arith.addi %mul3A_17, %add3A_23 : i32
    "tpu.region"() ({
      %run_scoped3A_212 = tpu.sem_alloc : memref<!tpu.dma_semaphore, #tpu.memory_space<semaphore_mem>>
      %dma_start3A_213 = arith.constant 0 : i32
      %dma_start3A_214 = arith.constant 0 : i32
      %dma_start3A_215 = tpu.memref_slice %arg24[%dma_start3A_213, %dma_start3A_214] : memref<128x128xf32, #tpu.memory_space<vmem>> -> memref<128x128xf32, #tpu.memory_space<vmem>>
      %dma_start3A_216 = arith.constant 0 : i32
      %dma_start3A_217 = tpu.memref_slice %arg12[%add3A_24, %dma_start3A_216] : memref<10240x128xf32, #tpu.memory_space<vmem_shared>> -> memref<128x128xf32, #tpu.memory_space<vmem_shared>>
      %dma_start3A_218 = arith.constant 0 : i32
      %dma_start3A_219 = tpu.memref_slice %arg12[%add3A_24, %dma_start3A_218] : memref<10240x128xf32, #tpu.memory_space<vmem_shared>> -> memref<128x128xf32, #tpu.memory_space<vmem_shared>>
      %dma_start3A_220 = arith.constant 0 : i32
      %dma_start3A_221 = arith.constant 0 : i32
      %dma_start3A_222 = tpu.memref_slice %arg24[%dma_start3A_220, %dma_start3A_221] : memref<128x128xf32, #tpu.memory_space<vmem>> -> memref<128x128xf32, #tpu.memory_space<vmem>>
      tpu.enqueue_dma source(%dma_start3A_222 : memref<128x128xf32, #tpu.memory_space<vmem>>) target(%dma_start3A_219 : memref<128x128xf32, #tpu.memory_space<vmem_shared>>) target_semaphore(%run_scoped3A_212 : memref<!tpu.dma_semaphore, #tpu.memory_space<semaphore_mem>>)
      %dma_wait3A_223 = arith.constant 0 : i32
      %dma_wait3A_224 = arith.constant 0 : i32
      %dma_wait3A_225 = tpu.memref_slice %arg24[%dma_wait3A_223, %dma_wait3A_224] : memref<128x128xf32, #tpu.memory_space<vmem>> -> memref<128x128xf32, #tpu.memory_space<vmem>>
      %dma_wait3A_226 = arith.constant 0 : i32
      %dma_wait3A_227 = tpu.memref_slice %arg12[%add3A_24, %dma_wait3A_226] : memref<10240x128xf32, #tpu.memory_space<vmem_shared>> -> memref<128x128xf32, #tpu.memory_space<vmem_shared>>
      %dma_wait3A_228 = arith.constant 0 : i32
      %dma_wait3A_229 = tpu.memref_slice %arg12[%add3A_24, %dma_wait3A_228] : memref<10240x128xf32, #tpu.memory_space<vmem_shared>> -> memref<128x128xf32, #tpu.memory_space<vmem_shared>>
      %dma_wait3A_230 = arith.constant 0 : i32
      %dma_wait3A_231 = arith.constant 0 : i32
      %dma_wait3A_232 = tpu.memref_slice %arg24[%dma_wait3A_230, %dma_wait3A_231] : memref<128x128xf32, #tpu.memory_space<vmem>> -> memref<128x128xf32, #tpu.memory_space<vmem>>
      tpu.wait_dma2 semaphore(%run_scoped3A_212 : memref<!tpu.dma_semaphore, #tpu.memory_space<semaphore_mem>>) src(%dma_wait3A_232 : memref<128x128xf32, #tpu.memory_space<vmem>>) dst(%dma_wait3A_229 : memref<128x128xf32, #tpu.memory_space<vmem_shared>>)
      tpu.yield
    }) : () -> ()
    %add3A_25 = arith.constant 512 : i32
    %add3A_26 = arith.addi %mul3A_17, %add3A_25 : i32
    "tpu.region"() ({
      %run_scoped3A_212 = tpu.sem_alloc : memref<!tpu.dma_semaphore, #tpu.memory_space<semaphore_mem>>
      %dma_start3A_213 = arith.constant 0 : i32
      %dma_start3A_214 = arith.constant 0 : i32
      %dma_start3A_215 = tpu.memref_slice %arg24[%dma_start3A_213, %dma_start3A_214] : memref<128x128xf32, #tpu.memory_space<vmem>> -> memref<128x128xf32, #tpu.memory_space<vmem>>
      %dma_start3A_216 = arith.constant 0 : i32
      %dma_start3A_217 = tpu.memref_slice %arg12[%add3A_26, %dma_start3A_216] : memref<10240x128xf32, #tpu.memory_space<vmem_shared>> -> memref<128x128xf32, #tpu.memory_space<vmem_shared>>
      %dma_start3A_218 = arith.constant 0 : i32
      %dma_start3A_219 = tpu.memref_slice %arg12[%add3A_26, %dma_start3A_218] : memref<10240x128xf32, #tpu.memory_space<vmem_shared>> -> memref<128x128xf32, #tpu.memory_space<vmem_shared>>
      %dma_start3A_220 = arith.constant 0 : i32
      %dma_start3A_221 = arith.constant 0 : i32
      %dma_start3A_222 = tpu.memref_slice %arg24[%dma_start3A_220, %dma_start3A_221] : memref<128x128xf32, #tpu.memory_space<vmem>> -> memref<128x128xf32, #tpu.memory_space<vmem>>
      tpu.enqueue_dma source(%dma_start3A_222 : memref<128x128xf32, #tpu.memory_space<vmem>>) target(%dma_start3A_219 : memref<128x128xf32, #tpu.memory_space<vmem_shared>>) target_semaphore(%run_scoped3A_212 : memref<!tpu.dma_semaphore, #tpu.memory_space<semaphore_mem>>)
      %dma_wait3A_223 = arith.constant 0 : i32
      %dma_wait3A_224 = arith.constant 0 : i32
      %dma_wait3A_225 = tpu.memref_slice %arg24[%dma_wait3A_223, %dma_wait3A_224] : memref<128x128xf32, #tpu.memory_space<vmem>> -> memref<128x128xf32, #tpu.memory_space<vmem>>
      %dma_wait3A_226 = arith.constant 0 : i32
      %dma_wait3A_227 = tpu.memref_slice %arg12[%add3A_26, %dma_wait3A_226] : memref<10240x128xf32, #tpu.memory_space<vmem_shared>> -> memref<128x128xf32, #tpu.memory_space<vmem_shared>>
      %dma_wait3A_228 = arith.constant 0 : i32
      %dma_wait3A_229 = tpu.memref_slice %arg12[%add3A_26, %dma_wait3A_228] : memref<10240x128xf32, #tpu.memory_space<vmem_shared>> -> memref<128x128xf32, #tpu.memory_space<vmem_shared>>
      %dma_wait3A_230 = arith.constant 0 : i32
      %dma_wait3A_231 = arith.constant 0 : i32
      %dma_wait3A_232 = tpu.memref_slice %arg24[%dma_wait3A_230, %dma_wait3A_231] : memref<128x128xf32, #tpu.memory_space<vmem>> -> memref<128x128xf32, #tpu.memory_space<vmem>>
      tpu.wait_dma2 semaphore(%run_scoped3A_212 : memref<!tpu.dma_semaphore, #tpu.memory_space<semaphore_mem>>) src(%dma_wait3A_232 : memref<128x128xf32, #tpu.memory_space<vmem>>) dst(%dma_wait3A_229 : memref<128x128xf32, #tpu.memory_space<vmem_shared>>)
      tpu.yield
    }) : () -> ()
    "tpu.region"() ({
      %run_scoped3A_212 = tpu.sem_alloc : memref<!tpu.dma_semaphore, #tpu.memory_space<semaphore_mem>>
      %dma_start3A_213 = tpu.memref_slice %arg9[%mul3A_17] : memref<10240xf32, #tpu.memory_space<vmem_shared>> -> memref<640xf32, #tpu.memory_space<vmem_shared>>
      %dma_start3A_214 = tpu.memref_slice %arg5[%mul3A_17] : memref<10240xf32, #tpu.memory_space<hbm>> -> memref<640xf32, #tpu.memory_space<hbm>>
      tpu.enqueue_dma source(%dma_start3A_214 : memref<640xf32, #tpu.memory_space<hbm>>) target(%dma_start3A_213 : memref<640xf32, #tpu.memory_space<vmem_shared>>) target_semaphore(%run_scoped3A_212 : memref<!tpu.dma_semaphore, #tpu.memory_space<semaphore_mem>>)
      %dma_wait3A_215 = tpu.memref_slice %arg9[%mul3A_17] : memref<10240xf32, #tpu.memory_space<vmem_shared>> -> memref<640xf32, #tpu.memory_space<vmem_shared>>
      %dma_wait3A_216 = tpu.memref_slice %arg5[%mul3A_17] : memref<10240xf32, #tpu.memory_space<hbm>> -> memref<640xf32, #tpu.memory_space<hbm>>
      tpu.wait_dma2 semaphore(%run_scoped3A_212 : memref<!tpu.dma_semaphore, #tpu.memory_space<semaphore_mem>>) src(%dma_wait3A_216 : memref<640xf32, #tpu.memory_space<hbm>>) dst(%dma_wait3A_215 : memref<640xf32, #tpu.memory_space<vmem_shared>>)
      tpu.yield
    }) : () -> ()
    "tpu.region"() ({
      %run_scoped3A_212 = tpu.sem_alloc : memref<!tpu.dma_semaphore, #tpu.memory_space<semaphore_mem>>
      %dma_start3A_213 = tpu.memref_slice %arg10[%mul3A_17] : memref<10240xf32, #tpu.memory_space<vmem_shared>> -> memref<640xf32, #tpu.memory_space<vmem_shared>>
      %dma_start3A_214 = tpu.memref_slice %arg6[%mul3A_17] : memref<10240xf32, #tpu.memory_space<hbm>> -> memref<640xf32, #tpu.memory_space<hbm>>
      tpu.enqueue_dma source(%dma_start3A_214 : memref<640xf32, #tpu.memory_space<hbm>>) target(%dma_start3A_213 : memref<640xf32, #tpu.memory_space<vmem_shared>>) target_semaphore(%run_scoped3A_212 : memref<!tpu.dma_semaphore, #tpu.memory_space<semaphore_mem>>)
      %dma_wait3A_215 = tpu.memref_slice %arg10[%mul3A_17] : memref<10240xf32, #tpu.memory_space<vmem_shared>> -> memref<640xf32, #tpu.memory_space<vmem_shared>>
      %dma_wait3A_216 = tpu.memref_slice %arg6[%mul3A_17] : memref<10240xf32, #tpu.memory_space<hbm>> -> memref<640xf32, #tpu.memory_space<hbm>>
      tpu.wait_dma2 semaphore(%run_scoped3A_212 : memref<!tpu.dma_semaphore, #tpu.memory_space<semaphore_mem>>) src(%dma_wait3A_216 : memref<640xf32, #tpu.memory_space<hbm>>) dst(%dma_wait3A_215 : memref<640xf32, #tpu.memory_space<vmem_shared>>)
      tpu.yield
    }) : () -> ()
    %barrier3A = arith.constant 0 : index
    tpu.barrier barrier_id(%barrier3A)
    %mul3A_27 = arith.constant 160 : i32
    %mul3A_28 = arith.muli %arg1, %mul3A_27 : i32
    %scan3A_29 = arith.constant 0 : i32
    %scan3A_30 = arith.constant 10 : i32
    %scan3A_31 = arith.addi %scan3A_29, %scan3A_30 : i32
    %scan3A_32 = arith.constant 1 : i32
    scf.for %scan3A_212 = %scan3A_29 to %scan3A_31 step %scan3A_32  : i32 {
      %mul3A_213 = arith.constant 1 : i32
      %mul3A_214 = arith.muli %scan3A_212, %mul3A_213 : i32
      %add3A_215 = arith.constant 0 : i32
      %add3A_216 = arith.addi %add3A_215, %mul3A_214 : i32
      %mul3A_217 = arith.constant 16 : i32
      %mul3A_218 = arith.muli %add3A_216, %mul3A_217 : i32
      %add3A_219 = arith.addi %mul3A_28, %mul3A_218 : i32
      "tpu.region"() ({
        %run_scoped3A_236 = tpu.sem_alloc : memref<!tpu.dma_semaphore, #tpu.memory_space<semaphore_mem>>
        %dma_start3A_237 = arith.constant 0 : i32
        %dma_start3A_238 = tpu.memref_slice %arg4[%add3A_219, %dma_start3A_237] : memref<2560x128xi32, #tpu.memory_space<hbm>> -> memref<16x128xi32, #tpu.memory_space<hbm>>
        %dma_start3A_239 = arith.constant 0 : i32
        %dma_start3A_240 = tpu.memref_slice %arg4[%add3A_219, %dma_start3A_239] : memref<2560x128xi32, #tpu.memory_space<hbm>> -> memref<16x128xi32, #tpu.memory_space<hbm>>
        tpu.enqueue_dma source(%dma_start3A_240 : memref<16x128xi32, #tpu.memory_space<hbm>>) target(%arg21 : memref<16x128xi32, #tpu.memory_space<vmem>>) target_semaphore(%run_scoped3A_236 : memref<!tpu.dma_semaphore, #tpu.memory_space<semaphore_mem>>)
        %dma_wait3A_241 = arith.constant 0 : i32
        %dma_wait3A_242 = tpu.memref_slice %arg4[%add3A_219, %dma_wait3A_241] : memref<2560x128xi32, #tpu.memory_space<hbm>> -> memref<16x128xi32, #tpu.memory_space<hbm>>
        %dma_wait3A_243 = arith.constant 0 : i32
        %dma_wait3A_244 = tpu.memref_slice %arg4[%add3A_219, %dma_wait3A_243] : memref<2560x128xi32, #tpu.memory_space<hbm>> -> memref<16x128xi32, #tpu.memory_space<hbm>>
        tpu.wait_dma2 semaphore(%run_scoped3A_236 : memref<!tpu.dma_semaphore, #tpu.memory_space<semaphore_mem>>) src(%dma_wait3A_244 : memref<16x128xi32, #tpu.memory_space<hbm>>) dst(%arg21 : memref<16x128xi32, #tpu.memory_space<vmem>>)
        tpu.yield
      }) : () -> ()
      %run_scoped3A_220 = arith.constant 0 : i32
      "tpu.region"() ({
        %run_scoped3A_236 = tpu.sem_alloc : memref<!tpu.dma_semaphore, #tpu.memory_space<semaphore_mem>>
        %dma_start3A_237 = arith.constant 0 : i32
        %dma_start3A_238 = tpu.memref_slice %arg20[%dma_start3A_237] : memref<2048xf32, #tpu.memory_space<vmem>> -> memref<128xf32, #tpu.memory_space<vmem>>
        %dma_start3A_239 = arith.constant 0 : i32
        %dma_start3A_240 = tpu.memref_slice %arg21[%run_scoped3A_220, %dma_start3A_239] : memref<16x128xi32, #tpu.memory_space<vmem>> -> memref<1x128xi32, #tpu.memory_space<vmem>>
        %dma_start3A_241 = tpu.memref_squeeze %dma_start3A_240 : memref<1x128xi32, #tpu.memory_space<vmem>> -> memref<128xi32, #tpu.memory_space<vmem>>
        %dma_start3A_242 = arith.constant 0 : i32
        %dma_start3A_243 = tpu.memref_slice %arg8[%dma_start3A_242] : memref<10240xf32, #tpu.memory_space<vmem_shared>> -> memref<10240xf32, #tpu.memory_space<vmem_shared>>
        tpu.enqueue_indirect_dma source(%dma_start3A_238 : memref<128xf32, #tpu.memory_space<vmem>>) target(%dma_start3A_243 : memref<10240xf32, #tpu.memory_space<vmem_shared>>) offsets(%dma_start3A_241 : memref<128xi32, #tpu.memory_space<vmem>>) semaphore(%run_scoped3A_236 : memref<!tpu.dma_semaphore, #tpu.memory_space<semaphore_mem>>) {add = true}
        %dma_wait3A_244 = arith.constant 0 : i32
        %dma_wait3A_245 = tpu.memref_slice %arg20[%dma_wait3A_244] : memref<2048xf32, #tpu.memory_space<vmem>> -> memref<128xf32, #tpu.memory_space<vmem>>
        %dma_wait3A_246 = arith.constant 0 : i32
        %dma_wait3A_247 = tpu.memref_slice %arg21[%run_scoped3A_220, %dma_wait3A_246] : memref<16x128xi32, #tpu.memory_space<vmem>> -> memref<1x128xi32, #tpu.memory_space<vmem>>
        %dma_wait3A_248 = tpu.memref_squeeze %dma_wait3A_247 : memref<1x128xi32, #tpu.memory_space<vmem>> -> memref<128xi32, #tpu.memory_space<vmem>>
        %dma_wait3A_249 = arith.constant 0 : i32
        %dma_wait3A_250 = tpu.memref_slice %arg8[%dma_wait3A_249] : memref<10240xf32, #tpu.memory_space<vmem_shared>> -> memref<10240xf32, #tpu.memory_space<vmem_shared>>
        tpu.wait_indirect_dma semaphore(%run_scoped3A_236 : memref<!tpu.dma_semaphore, #tpu.memory_space<semaphore_mem>>) src(%dma_wait3A_245 : memref<128xf32, #tpu.memory_space<vmem>>) dst(%dma_wait3A_250 : memref<10240xf32, #tpu.memory_space<vmem_shared>>)
        tpu.yield
      }) : () -> ()
      %run_scoped3A_221 = arith.constant 1 : i32
      "tpu.region"() ({
        %run_scoped3A_236 = tpu.sem_alloc : memref<!tpu.dma_semaphore, #tpu.memory_space<semaphore_mem>>
        %dma_start3A_237 = arith.constant 128 : i32
        %dma_start3A_238 = tpu.memref_slice %arg20[%dma_start3A_237] : memref<2048xf32, #tpu.memory_space<vmem>> -> memref<128xf32, #tpu.memory_space<vmem>>
        %dma_start3A_239 = arith.constant 0 : i32
        %dma_start3A_240 = tpu.memref_slice %arg21[%run_scoped3A_221, %dma_start3A_239] : memref<16x128xi32, #tpu.memory_space<vmem>> -> memref<1x128xi32, #tpu.memory_space<vmem>>
        %dma_start3A_241 = tpu.memref_squeeze %dma_start3A_240 : memref<1x128xi32, #tpu.memory_space<vmem>> -> memref<128xi32, #tpu.memory_space<vmem>>
        %dma_start3A_242 = arith.constant 0 : i32
        %dma_start3A_243 = tpu.memref_slice %arg8[%dma_start3A_242] : memref<10240xf32, #tpu.memory_space<vmem_shared>> -> memref<10240xf32, #tpu.memory_space<vmem_shared>>
        tpu.enqueue_indirect_dma source(%dma_start3A_238 : memref<128xf32, #tpu.memory_space<vmem>>) target(%dma_start3A_243 : memref<10240xf32, #tpu.memory_space<vmem_shared>>) offsets(%dma_start3A_241 : memref<128xi32, #tpu.memory_space<vmem>>) semaphore(%run_scoped3A_236 : memref<!tpu.dma_semaphore, #tpu.memory_space<semaphore_mem>>) {add = true}
        %dma_wait3A_244 = arith.constant 128 : i32
        %dma_wait3A_245 = tpu.memref_slice %arg20[%dma_wait3A_244] : memref<2048xf32, #tpu.memory_space<vmem>> -> memref<128xf32, #tpu.memory_space<vmem>>
        %dma_wait3A_246 = arith.constant 0 : i32
        %dma_wait3A_247 = tpu.memref_slice %arg21[%run_scoped3A_221, %dma_wait3A_246] : memref<16x128xi32, #tpu.memory_space<vmem>> -> memref<1x128xi32, #tpu.memory_space<vmem>>
        %dma_wait3A_248 = tpu.memref_squeeze %dma_wait3A_247 : memref<1x128xi32, #tpu.memory_space<vmem>> -> memref<128xi32, #tpu.memory_space<vmem>>
        %dma_wait3A_249 = arith.constant 0 : i32
        %dma_wait3A_250 = tpu.memref_slice %arg8[%dma_wait3A_249] : memref<10240xf32, #tpu.memory_space<vmem_shared>> -> memref<10240xf32, #tpu.memory_space<vmem_shared>>
        tpu.wait_indirect_dma semaphore(%run_scoped3A_236 : memref<!tpu.dma_semaphore, #tpu.memory_space<semaphore_mem>>) src(%dma_wait3A_245 : memref<128xf32, #tpu.memory_space<vmem>>) dst(%dma_wait3A_250 : memref<10240xf32, #tpu.memory_space<vmem_shared>>)
        tpu.yield
      }) : () -> ()
      %run_scoped3A_222 = arith.constant 2 : i32
      "tpu.region"() ({
        %run_scoped3A_236 = tpu.sem_alloc : memref<!tpu.dma_semaphore, #tpu.memory_space<semaphore_mem>>
        %dma_start3A_237 = arith.constant 256 : i32
        %dma_start3A_238 = tpu.memref_slice %arg20[%dma_start3A_237] : memref<2048xf32, #tpu.memory_space<vmem>> -> memref<128xf32, #tpu.memory_space<vmem>>
        %dma_start3A_239 = arith.constant 0 : i32
        %dma_start3A_240 = tpu.memref_slice %arg21[%run_scoped3A_222, %dma_start3A_239] : memref<16x128xi32, #tpu.memory_space<vmem>> -> memref<1x128xi32, #tpu.memory_space<vmem>>
        %dma_start3A_241 = tpu.memref_squeeze %dma_start3A_240 : memref<1x128xi32, #tpu.memory_space<vmem>> -> memref<128xi32, #tpu.memory_space<vmem>>
        %dma_start3A_242 = arith.constant 0 : i32
        %dma_start3A_243 = tpu.memref_slice %arg8[%dma_start3A_242] : memref<10240xf32, #tpu.memory_space<vmem_shared>> -> memref<10240xf32, #tpu.memory_space<vmem_shared>>
        tpu.enqueue_indirect_dma source(%dma_start3A_238 : memref<128xf32, #tpu.memory_space<vmem>>) target(%dma_start3A_243 : memref<10240xf32, #tpu.memory_space<vmem_shared>>) offsets(%dma_start3A_241 : memref<128xi32, #tpu.memory_space<vmem>>) semaphore(%run_scoped3A_236 : memref<!tpu.dma_semaphore, #tpu.memory_space<semaphore_mem>>) {add = true}
        %dma_wait3A_244 = arith.constant 256 : i32
        %dma_wait3A_245 = tpu.memref_slice %arg20[%dma_wait3A_244] : memref<2048xf32, #tpu.memory_space<vmem>> -> memref<128xf32, #tpu.memory_space<vmem>>
        %dma_wait3A_246 = arith.constant 0 : i32
        %dma_wait3A_247 = tpu.memref_slice %arg21[%run_scoped3A_222, %dma_wait3A_246] : memref<16x128xi32, #tpu.memory_space<vmem>> -> memref<1x128xi32, #tpu.memory_space<vmem>>
        %dma_wait3A_248 = tpu.memref_squeeze %dma_wait3A_247 : memref<1x128xi32, #tpu.memory_space<vmem>> -> memref<128xi32, #tpu.memory_space<vmem>>
        %dma_wait3A_249 = arith.constant 0 : i32
        %dma_wait3A_250 = tpu.memref_slice %arg8[%dma_wait3A_249] : memref<10240xf32, #tpu.memory_space<vmem_shared>> -> memref<10240xf32, #tpu.memory_space<vmem_shared>>
        tpu.wait_indirect_dma semaphore(%run_scoped3A_236 : memref<!tpu.dma_semaphore, #tpu.memory_space<semaphore_mem>>) src(%dma_wait3A_245 : memref<128xf32, #tpu.memory_space<vmem>>) dst(%dma_wait3A_250 : memref<10240xf32, #tpu.memory_space<vmem_shared>>)
        tpu.yield
      }) : () -> ()
      %run_scoped3A_223 = arith.constant 3 : i32
      "tpu.region"() ({
        %run_scoped3A_236 = tpu.sem_alloc : memref<!tpu.dma_semaphore, #tpu.memory_space<semaphore_mem>>
        %dma_start3A_237 = arith.constant 384 : i32
        %dma_start3A_238 = tpu.memref_slice %arg20[%dma_start3A_237] : memref<2048xf32, #tpu.memory_space<vmem>> -> memref<128xf32, #tpu.memory_space<vmem>>
        %dma_start3A_239 = arith.constant 0 : i32
        %dma_start3A_240 = tpu.memref_slice %arg21[%run_scoped3A_223, %dma_start3A_239] : memref<16x128xi32, #tpu.memory_space<vmem>> -> memref<1x128xi32, #tpu.memory_space<vmem>>
        %dma_start3A_241 = tpu.memref_squeeze %dma_start3A_240 : memref<1x128xi32, #tpu.memory_space<vmem>> -> memref<128xi32, #tpu.memory_space<vmem>>
        %dma_start3A_242 = arith.constant 0 : i32
        %dma_start3A_243 = tpu.memref_slice %arg8[%dma_start3A_242] : memref<10240xf32, #tpu.memory_space<vmem_shared>> -> memref<10240xf32, #tpu.memory_space<vmem_shared>>
        tpu.enqueue_indirect_dma source(%dma_start3A_238 : memref<128xf32, #tpu.memory_space<vmem>>) target(%dma_start3A_243 : memref<10240xf32, #tpu.memory_space<vmem_shared>>) offsets(%dma_start3A_241 : memref<128xi32, #tpu.memory_space<vmem>>) semaphore(%run_scoped3A_236 : memref<!tpu.dma_semaphore, #tpu.memory_space<semaphore_mem>>) {add = true}
        %dma_wait3A_244 = arith.constant 384 : i32
        %dma_wait3A_245 = tpu.memref_slice %arg20[%dma_wait3A_244] : memref<2048xf32, #tpu.memory_space<vmem>> -> memref<128xf32, #tpu.memory_space<vmem>>
        %dma_wait3A_246 = arith.constant 0 : i32
        %dma_wait3A_247 = tpu.memref_slice %arg21[%run_scoped3A_223, %dma_wait3A_246] : memref<16x128xi32, #tpu.memory_space<vmem>> -> memref<1x128xi32, #tpu.memory_space<vmem>>
        %dma_wait3A_248 = tpu.memref_squeeze %dma_wait3A_247 : memref<1x128xi32, #tpu.memory_space<vmem>> -> memref<128xi32, #tpu.memory_space<vmem>>
        %dma_wait3A_249 = arith.constant 0 : i32
        %dma_wait3A_250 = tpu.memref_slice %arg8[%dma_wait3A_249] : memref<10240xf32, #tpu.memory_space<vmem_shared>> -> memref<10240xf32, #tpu.memory_space<vmem_shared>>
        tpu.wait_indirect_dma semaphore(%run_scoped3A_236 : memref<!tpu.dma_semaphore, #tpu.memory_space<semaphore_mem>>) src(%dma_wait3A_245 : memref<128xf32, #tpu.memory_space<vmem>>) dst(%dma_wait3A_250 : memref<10240xf32, #tpu.memory_space<vmem_shared>>)
        tpu.yield
      }) : () -> ()
      %run_scoped3A_224 = arith.constant 4 : i32
      "tpu.region"() ({
        %run_scoped3A_236 = tpu.sem_alloc : memref<!tpu.dma_semaphore, #tpu.memory_space<semaphore_mem>>
        %dma_start3A_237 = arith.constant 512 : i32
        %dma_start3A_238 = tpu.memref_slice %arg20[%dma_start3A_237] : memref<2048xf32, #tpu.memory_space<vmem>> -> memref<128xf32, #tpu.memory_space<vmem>>
        %dma_start3A_239 = arith.constant 0 : i32
        %dma_start3A_240 = tpu.memref_slice %arg21[%run_scoped3A_224, %dma_start3A_239] : memref<16x128xi32, #tpu.memory_space<vmem>> -> memref<1x128xi32, #tpu.memory_space<vmem>>
        %dma_start3A_241 = tpu.memref_squeeze %dma_start3A_240 : memref<1x128xi32, #tpu.memory_space<vmem>> -> memref<128xi32, #tpu.memory_space<vmem>>
        %dma_start3A_242 = arith.constant 0 : i32
        %dma_start3A_243 = tpu.memref_slice %arg8[%dma_start3A_242] : memref<10240xf32, #tpu.memory_space<vmem_shared>> -> memref<10240xf32, #tpu.memory_space<vmem_shared>>
        tpu.enqueue_indirect_dma source(%dma_start3A_238 : memref<128xf32, #tpu.memory_space<vmem>>) target(%dma_start3A_243 : memref<10240xf32, #tpu.memory_space<vmem_shared>>) offsets(%dma_start3A_241 : memref<128xi32, #tpu.memory_space<vmem>>) semaphore(%run_scoped3A_236 : memref<!tpu.dma_semaphore, #tpu.memory_space<semaphore_mem>>) {add = true}
        %dma_wait3A_244 = arith.constant 512 : i32
        %dma_wait3A_245 = tpu.memref_slice %arg20[%dma_wait3A_244] : memref<2048xf32, #tpu.memory_space<vmem>> -> memref<128xf32, #tpu.memory_space<vmem>>
        %dma_wait3A_246 = arith.constant 0 : i32
        %dma_wait3A_247 = tpu.memref_slice %arg21[%run_scoped3A_224, %dma_wait3A_246] : memref<16x128xi32, #tpu.memory_space<vmem>> -> memref<1x128xi32, #tpu.memory_space<vmem>>
        %dma_wait3A_248 = tpu.memref_squeeze %dma_wait3A_247 : memref<1x128xi32, #tpu.memory_space<vmem>> -> memref<128xi32, #tpu.memory_space<vmem>>
        %dma_wait3A_249 = arith.constant 0 : i32
        %dma_wait3A_250 = tpu.memref_slice %arg8[%dma_wait3A_249] : memref<10240xf32, #tpu.memory_space<vmem_shared>> -> memref<10240xf32, #tpu.memory_space<vmem_shared>>
        tpu.wait_indirect_dma semaphore(%run_scoped3A_236 : memref<!tpu.dma_semaphore, #tpu.memory_space<semaphore_mem>>) src(%dma_wait3A_245 : memref<128xf32, #tpu.memory_space<vmem>>) dst(%dma_wait3A_250 : memref<10240xf32, #tpu.memory_space<vmem_shared>>)
        tpu.yield
      }) : () -> ()
      %run_scoped3A_225 = arith.constant 5 : i32
      "tpu.region"() ({
        %run_scoped3A_236 = tpu.sem_alloc : memref<!tpu.dma_semaphore, #tpu.memory_space<semaphore_mem>>
        %dma_start3A_237 = arith.constant 640 : i32
        %dma_start3A_238 = tpu.memref_slice %arg20[%dma_start3A_237] : memref<2048xf32, #tpu.memory_space<vmem>> -> memref<128xf32, #tpu.memory_space<vmem>>
        %dma_start3A_239 = arith.constant 0 : i32
        %dma_start3A_240 = tpu.memref_slice %arg21[%run_scoped3A_225, %dma_start3A_239] : memref<16x128xi32, #tpu.memory_space<vmem>> -> memref<1x128xi32, #tpu.memory_space<vmem>>
        %dma_start3A_241 = tpu.memref_squeeze %dma_start3A_240 : memref<1x128xi32, #tpu.memory_space<vmem>> -> memref<128xi32, #tpu.memory_space<vmem>>
        %dma_start3A_242 = arith.constant 0 : i32
        %dma_start3A_243 = tpu.memref_slice %arg8[%dma_start3A_242] : memref<10240xf32, #tpu.memory_space<vmem_shared>> -> memref<10240xf32, #tpu.memory_space<vmem_shared>>
        tpu.enqueue_indirect_dma source(%dma_start3A_238 : memref<128xf32, #tpu.memory_space<vmem>>) target(%dma_start3A_243 : memref<10240xf32, #tpu.memory_space<vmem_shared>>) offsets(%dma_start3A_241 : memref<128xi32, #tpu.memory_space<vmem>>) semaphore(%run_scoped3A_236 : memref<!tpu.dma_semaphore, #tpu.memory_space<semaphore_mem>>) {add = true}
        %dma_wait3A_244 = arith.constant 640 : i32
        %dma_wait3A_245 = tpu.memref_slice %arg20[%dma_wait3A_244] : memref<2048xf32, #tpu.memory_space<vmem>> -> memref<128xf32, #tpu.memory_space<vmem>>
        %dma_wait3A_246 = arith.constant 0 : i32
        %dma_wait3A_247 = tpu.memref_slice %arg21[%run_scoped3A_225, %dma_wait3A_246] : memref<16x128xi32, #tpu.memory_space<vmem>> -> memref<1x128xi32, #tpu.memory_space<vmem>>
        %dma_wait3A_248 = tpu.memref_squeeze %dma_wait3A_247 : memref<1x128xi32, #tpu.memory_space<vmem>> -> memref<128xi32, #tpu.memory_space<vmem>>
        %dma_wait3A_249 = arith.constant 0 : i32
        %dma_wait3A_250 = tpu.memref_slice %arg8[%dma_wait3A_249] : memref<10240xf32, #tpu.memory_space<vmem_shared>> -> memref<10240xf32, #tpu.memory_space<vmem_shared>>
        tpu.wait_indirect_dma semaphore(%run_scoped3A_236 : memref<!tpu.dma_semaphore, #tpu.memory_space<semaphore_mem>>) src(%dma_wait3A_245 : memref<128xf32, #tpu.memory_space<vmem>>) dst(%dma_wait3A_250 : memref<10240xf32, #tpu.memory_space<vmem_shared>>)
        tpu.yield
      }) : () -> ()
      %run_scoped3A_226 = arith.constant 6 : i32
      "tpu.region"() ({
        %run_scoped3A_236 = tpu.sem_alloc : memref<!tpu.dma_semaphore, #tpu.memory_space<semaphore_mem>>
        %dma_start3A_237 = arith.constant 768 : i32
        %dma_start3A_238 = tpu.memref_slice %arg20[%dma_start3A_237] : memref<2048xf32, #tpu.memory_space<vmem>> -> memref<128xf32, #tpu.memory_space<vmem>>
        %dma_start3A_239 = arith.constant 0 : i32
        %dma_start3A_240 = tpu.memref_slice %arg21[%run_scoped3A_226, %dma_start3A_239] : memref<16x128xi32, #tpu.memory_space<vmem>> -> memref<1x128xi32, #tpu.memory_space<vmem>>
        %dma_start3A_241 = tpu.memref_squeeze %dma_start3A_240 : memref<1x128xi32, #tpu.memory_space<vmem>> -> memref<128xi32, #tpu.memory_space<vmem>>
        %dma_start3A_242 = arith.constant 0 : i32
        %dma_start3A_243 = tpu.memref_slice %arg8[%dma_start3A_242] : memref<10240xf32, #tpu.memory_space<vmem_shared>> -> memref<10240xf32, #tpu.memory_space<vmem_shared>>
        tpu.enqueue_indirect_dma source(%dma_start3A_238 : memref<128xf32, #tpu.memory_space<vmem>>) target(%dma_start3A_243 : memref<10240xf32, #tpu.memory_space<vmem_shared>>) offsets(%dma_start3A_241 : memref<128xi32, #tpu.memory_space<vmem>>) semaphore(%run_scoped3A_236 : memref<!tpu.dma_semaphore, #tpu.memory_space<semaphore_mem>>) {add = true}
        %dma_wait3A_244 = arith.constant 768 : i32
        %dma_wait3A_245 = tpu.memref_slice %arg20[%dma_wait3A_244] : memref<2048xf32, #tpu.memory_space<vmem>> -> memref<128xf32, #tpu.memory_space<vmem>>
        %dma_wait3A_246 = arith.constant 0 : i32
        %dma_wait3A_247 = tpu.memref_slice %arg21[%run_scoped3A_226, %dma_wait3A_246] : memref<16x128xi32, #tpu.memory_space<vmem>> -> memref<1x128xi32, #tpu.memory_space<vmem>>
        %dma_wait3A_248 = tpu.memref_squeeze %dma_wait3A_247 : memref<1x128xi32, #tpu.memory_space<vmem>> -> memref<128xi32, #tpu.memory_space<vmem>>
        %dma_wait3A_249 = arith.constant 0 : i32
        %dma_wait3A_250 = tpu.memref_slice %arg8[%dma_wait3A_249] : memref<10240xf32, #tpu.memory_space<vmem_shared>> -> memref<10240xf32, #tpu.memory_space<vmem_shared>>
        tpu.wait_indirect_dma semaphore(%run_scoped3A_236 : memref<!tpu.dma_semaphore, #tpu.memory_space<semaphore_mem>>) src(%dma_wait3A_245 : memref<128xf32, #tpu.memory_space<vmem>>) dst(%dma_wait3A_250 : memref<10240xf32, #tpu.memory_space<vmem_shared>>)
        tpu.yield
      }) : () -> ()
      %run_scoped3A_227 = arith.constant 7 : i32
      "tpu.region"() ({
        %run_scoped3A_236 = tpu.sem_alloc : memref<!tpu.dma_semaphore, #tpu.memory_space<semaphore_mem>>
        %dma_start3A_237 = arith.constant 896 : i32
        %dma_start3A_238 = tpu.memref_slice %arg20[%dma_start3A_237] : memref<2048xf32, #tpu.memory_space<vmem>> -> memref<128xf32, #tpu.memory_space<vmem>>
        %dma_start3A_239 = arith.constant 0 : i32
        %dma_start3A_240 = tpu.memref_slice %arg21[%run_scoped3A_227, %dma_start3A_239] : memref<16x128xi32, #tpu.memory_space<vmem>> -> memref<1x128xi32, #tpu.memory_space<vmem>>
        %dma_start3A_241 = tpu.memref_squeeze %dma_start3A_240 : memref<1x128xi32, #tpu.memory_space<vmem>> -> memref<128xi32, #tpu.memory_space<vmem>>
        %dma_start3A_242 = arith.constant 0 : i32
        %dma_start3A_243 = tpu.memref_slice %arg8[%dma_start3A_242] : memref<10240xf32, #tpu.memory_space<vmem_shared>> -> memref<10240xf32, #tpu.memory_space<vmem_shared>>
        tpu.enqueue_indirect_dma source(%dma_start3A_238 : memref<128xf32, #tpu.memory_space<vmem>>) target(%dma_start3A_243 : memref<10240xf32, #tpu.memory_space<vmem_shared>>) offsets(%dma_start3A_241 : memref<128xi32, #tpu.memory_space<vmem>>) semaphore(%run_scoped3A_236 : memref<!tpu.dma_semaphore, #tpu.memory_space<semaphore_mem>>) {add = true}
        %dma_wait3A_244 = arith.constant 896 : i32
        %dma_wait3A_245 = tpu.memref_slice %arg20[%dma_wait3A_244] : memref<2048xf32, #tpu.memory_space<vmem>> -> memref<128xf32, #tpu.memory_space<vmem>>
        %dma_wait3A_246 = arith.constant 0 : i32
        %dma_wait3A_247 = tpu.memref_slice %arg21[%run_scoped3A_227, %dma_wait3A_246] : memref<16x128xi32, #tpu.memory_space<vmem>> -> memref<1x128xi32, #tpu.memory_space<vmem>>
        %dma_wait3A_248 = tpu.memref_squeeze %dma_wait3A_247 : memref<1x128xi32, #tpu.memory_space<vmem>> -> memref<128xi32, #tpu.memory_space<vmem>>
        %dma_wait3A_249 = arith.constant 0 : i32
        %dma_wait3A_250 = tpu.memref_slice %arg8[%dma_wait3A_249] : memref<10240xf32, #tpu.memory_space<vmem_shared>> -> memref<10240xf32, #tpu.memory_space<vmem_shared>>
        tpu.wait_indirect_dma semaphore(%run_scoped3A_236 : memref<!tpu.dma_semaphore, #tpu.memory_space<semaphore_mem>>) src(%dma_wait3A_245 : memref<128xf32, #tpu.memory_space<vmem>>) dst(%dma_wait3A_250 : memref<10240xf32, #tpu.memory_space<vmem_shared>>)
        tpu.yield
      }) : () -> ()
      %run_scoped3A_228 = arith.constant 8 : i32
      "tpu.region"() ({
        %run_scoped3A_236 = tpu.sem_alloc : memref<!tpu.dma_semaphore, #tpu.memory_space<semaphore_mem>>
        %dma_start3A_237 = arith.constant 1024 : i32
        %dma_start3A_238 = tpu.memref_slice %arg20[%dma_start3A_237] : memref<2048xf32, #tpu.memory_space<vmem>> -> memref<128xf32, #tpu.memory_space<vmem>>
        %dma_start3A_239 = arith.constant 0 : i32
        %dma_start3A_240 = tpu.memref_slice %arg21[%run_scoped3A_228, %dma_start3A_239] : memref<16x128xi32, #tpu.memory_space<vmem>> -> memref<1x128xi32, #tpu.memory_space<vmem>>
        %dma_start3A_241 = tpu.memref_squeeze %dma_start3A_240 : memref<1x128xi32, #tpu.memory_space<vmem>> -> memref<128xi32, #tpu.memory_space<vmem>>
        %dma_start3A_242 = arith.constant 0 : i32
        %dma_start3A_243 = tpu.memref_slice %arg8[%dma_start3A_242] : memref<10240xf32, #tpu.memory_space<vmem_shared>> -> memref<10240xf32, #tpu.memory_space<vmem_shared>>
        tpu.enqueue_indirect_dma source(%dma_start3A_238 : memref<128xf32, #tpu.memory_space<vmem>>) target(%dma_start3A_243 : memref<10240xf32, #tpu.memory_space<vmem_shared>>) offsets(%dma_start3A_241 : memref<128xi32, #tpu.memory_space<vmem>>) semaphore(%run_scoped3A_236 : memref<!tpu.dma_semaphore, #tpu.memory_space<semaphore_mem>>) {add = true}
        %dma_wait3A_244 = arith.constant 1024 : i32
        %dma_wait3A_245 = tpu.memref_slice %arg20[%dma_wait3A_244] : memref<2048xf32, #tpu.memory_space<vmem>> -> memref<128xf32, #tpu.memory_space<vmem>>
        %dma_wait3A_246 = arith.constant 0 : i32
        %dma_wait3A_247 = tpu.memref_slice %arg21[%run_scoped3A_228, %dma_wait3A_246] : memref<16x128xi32, #tpu.memory_space<vmem>> -> memref<1x128xi32, #tpu.memory_space<vmem>>
        %dma_wait3A_248 = tpu.memref_squeeze %dma_wait3A_247 : memref<1x128xi32, #tpu.memory_space<vmem>> -> memref<128xi32, #tpu.memory_space<vmem>>
        %dma_wait3A_249 = arith.constant 0 : i32
        %dma_wait3A_250 = tpu.memref_slice %arg8[%dma_wait3A_249] : memref<10240xf32, #tpu.memory_space<vmem_shared>> -> memref<10240xf32, #tpu.memory_space<vmem_shared>>
        tpu.wait_indirect_dma semaphore(%run_scoped3A_236 : memref<!tpu.dma_semaphore, #tpu.memory_space<semaphore_mem>>) src(%dma_wait3A_245 : memref<128xf32, #tpu.memory_space<vmem>>) dst(%dma_wait3A_250 : memref<10240xf32, #tpu.memory_space<vmem_shared>>)
        tpu.yield
      }) : () -> ()
      %run_scoped3A_229 = arith.constant 9 : i32
      "tpu.region"() ({
        %run_scoped3A_236 = tpu.sem_alloc : memref<!tpu.dma_semaphore, #tpu.memory_space<semaphore_mem>>
        %dma_start3A_237 = arith.constant 1152 : i32
        %dma_start3A_238 = tpu.memref_slice %arg20[%dma_start3A_237] : memref<2048xf32, #tpu.memory_space<vmem>> -> memref<128xf32, #tpu.memory_space<vmem>>
        %dma_start3A_239 = arith.constant 0 : i32
        %dma_start3A_240 = tpu.memref_slice %arg21[%run_scoped3A_229, %dma_start3A_239] : memref<16x128xi32, #tpu.memory_space<vmem>> -> memref<1x128xi32, #tpu.memory_space<vmem>>
        %dma_start3A_241 = tpu.memref_squeeze %dma_start3A_240 : memref<1x128xi32, #tpu.memory_space<vmem>> -> memref<128xi32, #tpu.memory_space<vmem>>
        %dma_start3A_242 = arith.constant 0 : i32
        %dma_start3A_243 = tpu.memref_slice %arg8[%dma_start3A_242] : memref<10240xf32, #tpu.memory_space<vmem_shared>> -> memref<10240xf32, #tpu.memory_space<vmem_shared>>
        tpu.enqueue_indirect_dma source(%dma_start3A_238 : memref<128xf32, #tpu.memory_space<vmem>>) target(%dma_start3A_243 : memref<10240xf32, #tpu.memory_space<vmem_shared>>) offsets(%dma_start3A_241 : memref<128xi32, #tpu.memory_space<vmem>>) semaphore(%run_scoped3A_236 : memref<!tpu.dma_semaphore, #tpu.memory_space<semaphore_mem>>) {add = true}
        %dma_wait3A_244 = arith.constant 1152 : i32
        %dma_wait3A_245 = tpu.memref_slice %arg20[%dma_wait3A_244] : memref<2048xf32, #tpu.memory_space<vmem>> -> memref<128xf32, #tpu.memory_space<vmem>>
        %dma_wait3A_246 = arith.constant 0 : i32
        %dma_wait3A_247 = tpu.memref_slice %arg21[%run_scoped3A_229, %dma_wait3A_246] : memref<16x128xi32, #tpu.memory_space<vmem>> -> memref<1x128xi32, #tpu.memory_space<vmem>>
        %dma_wait3A_248 = tpu.memref_squeeze %dma_wait3A_247 : memref<1x128xi32, #tpu.memory_space<vmem>> -> memref<128xi32, #tpu.memory_space<vmem>>
        %dma_wait3A_249 = arith.constant 0 : i32
        %dma_wait3A_250 = tpu.memref_slice %arg8[%dma_wait3A_249] : memref<10240xf32, #tpu.memory_space<vmem_shared>> -> memref<10240xf32, #tpu.memory_space<vmem_shared>>
        tpu.wait_indirect_dma semaphore(%run_scoped3A_236 : memref<!tpu.dma_semaphore, #tpu.memory_space<semaphore_mem>>) src(%dma_wait3A_245 : memref<128xf32, #tpu.memory_space<vmem>>) dst(%dma_wait3A_250 : memref<10240xf32, #tpu.memory_space<vmem_shared>>)
        tpu.yield
      }) : () -> ()
      %run_scoped3A_230 = arith.constant 10 : i32
      "tpu.region"() ({
        %run_scoped3A_236 = tpu.sem_alloc : memref<!tpu.dma_semaphore, #tpu.memory_space<semaphore_mem>>
        %dma_start3A_237 = arith.constant 1280 : i32
        %dma_start3A_238 = tpu.memref_slice %arg20[%dma_start3A_237] : memref<2048xf32, #tpu.memory_space<vmem>> -> memref<128xf32, #tpu.memory_space<vmem>>
        %dma_start3A_239 = arith.constant 0 : i32
        %dma_start3A_240 = tpu.memref_slice %arg21[%run_scoped3A_230, %dma_start3A_239] : memref<16x128xi32, #tpu.memory_space<vmem>> -> memref<1x128xi32, #tpu.memory_space<vmem>>
        %dma_start3A_241 = tpu.memref_squeeze %dma_start3A_240 : memref<1x128xi32, #tpu.memory_space<vmem>> -> memref<128xi32, #tpu.memory_space<vmem>>
        %dma_start3A_242 = arith.constant 0 : i32
        %dma_start3A_243 = tpu.memref_slice %arg8[%dma_start3A_242] : memref<10240xf32, #tpu.memory_space<vmem_shared>> -> memref<10240xf32, #tpu.memory_space<vmem_shared>>
        tpu.enqueue_indirect_dma source(%dma_start3A_238 : memref<128xf32, #tpu.memory_space<vmem>>) target(%dma_start3A_243 : memref<10240xf32, #tpu.memory_space<vmem_shared>>) offsets(%dma_start3A_241 : memref<128xi32, #tpu.memory_space<vmem>>) semaphore(%run_scoped3A_236 : memref<!tpu.dma_semaphore, #tpu.memory_space<semaphore_mem>>) {add = true}
        %dma_wait3A_244 = arith.constant 1280 : i32
        %dma_wait3A_245 = tpu.memref_slice %arg20[%dma_wait3A_244] : memref<2048xf32, #tpu.memory_space<vmem>> -> memref<128xf32, #tpu.memory_space<vmem>>
        %dma_wait3A_246 = arith.constant 0 : i32
        %dma_wait3A_247 = tpu.memref_slice %arg21[%run_scoped3A_230, %dma_wait3A_246] : memref<16x128xi32, #tpu.memory_space<vmem>> -> memref<1x128xi32, #tpu.memory_space<vmem>>
        %dma_wait3A_248 = tpu.memref_squeeze %dma_wait3A_247 : memref<1x128xi32, #tpu.memory_space<vmem>> -> memref<128xi32, #tpu.memory_space<vmem>>
        %dma_wait3A_249 = arith.constant 0 : i32
        %dma_wait3A_250 = tpu.memref_slice %arg8[%dma_wait3A_249] : memref<10240xf32, #tpu.memory_space<vmem_shared>> -> memref<10240xf32, #tpu.memory_space<vmem_shared>>
        tpu.wait_indirect_dma semaphore(%run_scoped3A_236 : memref<!tpu.dma_semaphore, #tpu.memory_space<semaphore_mem>>) src(%dma_wait3A_245 : memref<128xf32, #tpu.memory_space<vmem>>) dst(%dma_wait3A_250 : memref<10240xf32, #tpu.memory_space<vmem_shared>>)
        tpu.yield
      }) : () -> ()
      %run_scoped3A_231 = arith.constant 11 : i32
      "tpu.region"() ({
        %run_scoped3A_236 = tpu.sem_alloc : memref<!tpu.dma_semaphore, #tpu.memory_space<semaphore_mem>>
        %dma_start3A_237 = arith.constant 1408 : i32
        %dma_start3A_238 = tpu.memref_slice %arg20[%dma_start3A_237] : memref<2048xf32, #tpu.memory_space<vmem>> -> memref<128xf32, #tpu.memory_space<vmem>>
        %dma_start3A_239 = arith.constant 0 : i32
        %dma_start3A_240 = tpu.memref_slice %arg21[%run_scoped3A_231, %dma_start3A_239] : memref<16x128xi32, #tpu.memory_space<vmem>> -> memref<1x128xi32, #tpu.memory_space<vmem>>
        %dma_start3A_241 = tpu.memref_squeeze %dma_start3A_240 : memref<1x128xi32, #tpu.memory_space<vmem>> -> memref<128xi32, #tpu.memory_space<vmem>>
        %dma_start3A_242 = arith.constant 0 : i32
        %dma_start3A_243 = tpu.memref_slice %arg8[%dma_start3A_242] : memref<10240xf32, #tpu.memory_space<vmem_shared>> -> memref<10240xf32, #tpu.memory_space<vmem_shared>>
        tpu.enqueue_indirect_dma source(%dma_start3A_238 : memref<128xf32, #tpu.memory_space<vmem>>) target(%dma_start3A_243 : memref<10240xf32, #tpu.memory_space<vmem_shared>>) offsets(%dma_start3A_241 : memref<128xi32, #tpu.memory_space<vmem>>) semaphore(%run_scoped3A_236 : memref<!tpu.dma_semaphore, #tpu.memory_space<semaphore_mem>>) {add = true}
        %dma_wait3A_244 = arith.constant 1408 : i32
        %dma_wait3A_245 = tpu.memref_slice %arg20[%dma_wait3A_244] : memref<2048xf32, #tpu.memory_space<vmem>> -> memref<128xf32, #tpu.memory_space<vmem>>
        %dma_wait3A_246 = arith.constant 0 : i32
        %dma_wait3A_247 = tpu.memref_slice %arg21[%run_scoped3A_231, %dma_wait3A_246] : memref<16x128xi32, #tpu.memory_space<vmem>> -> memref<1x128xi32, #tpu.memory_space<vmem>>
        %dma_wait3A_248 = tpu.memref_squeeze %dma_wait3A_247 : memref<1x128xi32, #tpu.memory_space<vmem>> -> memref<128xi32, #tpu.memory_space<vmem>>
        %dma_wait3A_249 = arith.constant 0 : i32
        %dma_wait3A_250 = tpu.memref_slice %arg8[%dma_wait3A_249] : memref<10240xf32, #tpu.memory_space<vmem_shared>> -> memref<10240xf32, #tpu.memory_space<vmem_shared>>
        tpu.wait_indirect_dma semaphore(%run_scoped3A_236 : memref<!tpu.dma_semaphore, #tpu.memory_space<semaphore_mem>>) src(%dma_wait3A_245 : memref<128xf32, #tpu.memory_space<vmem>>) dst(%dma_wait3A_250 : memref<10240xf32, #tpu.memory_space<vmem_shared>>)
        tpu.yield
      }) : () -> ()
      %run_scoped3A_232 = arith.constant 12 : i32
      "tpu.region"() ({
        %run_scoped3A_236 = tpu.sem_alloc : memref<!tpu.dma_semaphore, #tpu.memory_space<semaphore_mem>>
        %dma_start3A_237 = arith.constant 1536 : i32
        %dma_start3A_238 = tpu.memref_slice %arg20[%dma_start3A_237] : memref<2048xf32, #tpu.memory_space<vmem>> -> memref<128xf32, #tpu.memory_space<vmem>>
        %dma_start3A_239 = arith.constant 0 : i32
        %dma_start3A_240 = tpu.memref_slice %arg21[%run_scoped3A_232, %dma_start3A_239] : memref<16x128xi32, #tpu.memory_space<vmem>> -> memref<1x128xi32, #tpu.memory_space<vmem>>
        %dma_start3A_241 = tpu.memref_squeeze %dma_start3A_240 : memref<1x128xi32, #tpu.memory_space<vmem>> -> memref<128xi32, #tpu.memory_space<vmem>>
        %dma_start3A_242 = arith.constant 0 : i32
        %dma_start3A_243 = tpu.memref_slice %arg8[%dma_start3A_242] : memref<10240xf32, #tpu.memory_space<vmem_shared>> -> memref<10240xf32, #tpu.memory_space<vmem_shared>>
        tpu.enqueue_indirect_dma source(%dma_start3A_238 : memref<128xf32, #tpu.memory_space<vmem>>) target(%dma_start3A_243 : memref<10240xf32, #tpu.memory_space<vmem_shared>>) offsets(%dma_start3A_241 : memref<128xi32, #tpu.memory_space<vmem>>) semaphore(%run_scoped3A_236 : memref<!tpu.dma_semaphore, #tpu.memory_space<semaphore_mem>>) {add = true}
        %dma_wait3A_244 = arith.constant 1536 : i32
        %dma_wait3A_245 = tpu.memref_slice %arg20[%dma_wait3A_244] : memref<2048xf32, #tpu.memory_space<vmem>> -> memref<128xf32, #tpu.memory_space<vmem>>
        %dma_wait3A_246 = arith.constant 0 : i32
        %dma_wait3A_247 = tpu.memref_slice %arg21[%run_scoped3A_232, %dma_wait3A_246] : memref<16x128xi32, #tpu.memory_space<vmem>> -> memref<1x128xi32, #tpu.memory_space<vmem>>
        %dma_wait3A_248 = tpu.memref_squeeze %dma_wait3A_247 : memref<1x128xi32, #tpu.memory_space<vmem>> -> memref<128xi32, #tpu.memory_space<vmem>>
        %dma_wait3A_249 = arith.constant 0 : i32
        %dma_wait3A_250 = tpu.memref_slice %arg8[%dma_wait3A_249] : memref<10240xf32, #tpu.memory_space<vmem_shared>> -> memref<10240xf32, #tpu.memory_space<vmem_shared>>
        tpu.wait_indirect_dma semaphore(%run_scoped3A_236 : memref<!tpu.dma_semaphore, #tpu.memory_space<semaphore_mem>>) src(%dma_wait3A_245 : memref<128xf32, #tpu.memory_space<vmem>>) dst(%dma_wait3A_250 : memref<10240xf32, #tpu.memory_space<vmem_shared>>)
        tpu.yield
      }) : () -> ()
      %run_scoped3A_233 = arith.constant 13 : i32
      "tpu.region"() ({
        %run_scoped3A_236 = tpu.sem_alloc : memref<!tpu.dma_semaphore, #tpu.memory_space<semaphore_mem>>
        %dma_start3A_237 = arith.constant 1664 : i32
        %dma_start3A_238 = tpu.memref_slice %arg20[%dma_start3A_237] : memref<2048xf32, #tpu.memory_space<vmem>> -> memref<128xf32, #tpu.memory_space<vmem>>
        %dma_start3A_239 = arith.constant 0 : i32
        %dma_start3A_240 = tpu.memref_slice %arg21[%run_scoped3A_233, %dma_start3A_239] : memref<16x128xi32, #tpu.memory_space<vmem>> -> memref<1x128xi32, #tpu.memory_space<vmem>>
        %dma_start3A_241 = tpu.memref_squeeze %dma_start3A_240 : memref<1x128xi32, #tpu.memory_space<vmem>> -> memref<128xi32, #tpu.memory_space<vmem>>
        %dma_start3A_242 = arith.constant 0 : i32
        %dma_start3A_243 = tpu.memref_slice %arg8[%dma_start3A_242] : memref<10240xf32, #tpu.memory_space<vmem_shared>> -> memref<10240xf32, #tpu.memory_space<vmem_shared>>
        tpu.enqueue_indirect_dma source(%dma_start3A_238 : memref<128xf32, #tpu.memory_space<vmem>>) target(%dma_start3A_243 : memref<10240xf32, #tpu.memory_space<vmem_shared>>) offsets(%dma_start3A_241 : memref<128xi32, #tpu.memory_space<vmem>>) semaphore(%run_scoped3A_236 : memref<!tpu.dma_semaphore, #tpu.memory_space<semaphore_mem>>) {add = true}
        %dma_wait3A_244 = arith.constant 1664 : i32
        %dma_wait3A_245 = tpu.memref_slice %arg20[%dma_wait3A_244] : memref<2048xf32, #tpu.memory_space<vmem>> -> memref<128xf32, #tpu.memory_space<vmem>>
        %dma_wait3A_246 = arith.constant 0 : i32
        %dma_wait3A_247 = tpu.memref_slice %arg21[%run_scoped3A_233, %dma_wait3A_246] : memref<16x128xi32, #tpu.memory_space<vmem>> -> memref<1x128xi32, #tpu.memory_space<vmem>>
        %dma_wait3A_248 = tpu.memref_squeeze %dma_wait3A_247 : memref<1x128xi32, #tpu.memory_space<vmem>> -> memref<128xi32, #tpu.memory_space<vmem>>
        %dma_wait3A_249 = arith.constant 0 : i32
        %dma_wait3A_250 = tpu.memref_slice %arg8[%dma_wait3A_249] : memref<10240xf32, #tpu.memory_space<vmem_shared>> -> memref<10240xf32, #tpu.memory_space<vmem_shared>>
        tpu.wait_indirect_dma semaphore(%run_scoped3A_236 : memref<!tpu.dma_semaphore, #tpu.memory_space<semaphore_mem>>) src(%dma_wait3A_245 : memref<128xf32, #tpu.memory_space<vmem>>) dst(%dma_wait3A_250 : memref<10240xf32, #tpu.memory_space<vmem_shared>>)
        tpu.yield
      }) : () -> ()
      %run_scoped3A_234 = arith.constant 14 : i32
      "tpu.region"() ({
        %run_scoped3A_236 = tpu.sem_alloc : memref<!tpu.dma_semaphore, #tpu.memory_space<semaphore_mem>>
        %dma_start3A_237 = arith.constant 1792 : i32
        %dma_start3A_238 = tpu.memref_slice %arg20[%dma_start3A_237] : memref<2048xf32, #tpu.memory_space<vmem>> -> memref<128xf32, #tpu.memory_space<vmem>>
        %dma_start3A_239 = arith.constant 0 : i32
        %dma_start3A_240 = tpu.memref_slice %arg21[%run_scoped3A_234, %dma_start3A_239] : memref<16x128xi32, #tpu.memory_space<vmem>> -> memref<1x128xi32, #tpu.memory_space<vmem>>
        %dma_start3A_241 = tpu.memref_squeeze %dma_start3A_240 : memref<1x128xi32, #tpu.memory_space<vmem>> -> memref<128xi32, #tpu.memory_space<vmem>>
        %dma_start3A_242 = arith.constant 0 : i32
        %dma_start3A_243 = tpu.memref_slice %arg8[%dma_start3A_242] : memref<10240xf32, #tpu.memory_space<vmem_shared>> -> memref<10240xf32, #tpu.memory_space<vmem_shared>>
        tpu.enqueue_indirect_dma source(%dma_start3A_238 : memref<128xf32, #tpu.memory_space<vmem>>) target(%dma_start3A_243 : memref<10240xf32, #tpu.memory_space<vmem_shared>>) offsets(%dma_start3A_241 : memref<128xi32, #tpu.memory_space<vmem>>) semaphore(%run_scoped3A_236 : memref<!tpu.dma_semaphore, #tpu.memory_space<semaphore_mem>>) {add = true}
        %dma_wait3A_244 = arith.constant 1792 : i32
        %dma_wait3A_245 = tpu.memref_slice %arg20[%dma_wait3A_244] : memref<2048xf32, #tpu.memory_space<vmem>> -> memref<128xf32, #tpu.memory_space<vmem>>
        %dma_wait3A_246 = arith.constant 0 : i32
        %dma_wait3A_247 = tpu.memref_slice %arg21[%run_scoped3A_234, %dma_wait3A_246] : memref<16x128xi32, #tpu.memory_space<vmem>> -> memref<1x128xi32, #tpu.memory_space<vmem>>
        %dma_wait3A_248 = tpu.memref_squeeze %dma_wait3A_247 : memref<1x128xi32, #tpu.memory_space<vmem>> -> memref<128xi32, #tpu.memory_space<vmem>>
        %dma_wait3A_249 = arith.constant 0 : i32
        %dma_wait3A_250 = tpu.memref_slice %arg8[%dma_wait3A_249] : memref<10240xf32, #tpu.memory_space<vmem_shared>> -> memref<10240xf32, #tpu.memory_space<vmem_shared>>
        tpu.wait_indirect_dma semaphore(%run_scoped3A_236 : memref<!tpu.dma_semaphore, #tpu.memory_space<semaphore_mem>>) src(%dma_wait3A_245 : memref<128xf32, #tpu.memory_space<vmem>>) dst(%dma_wait3A_250 : memref<10240xf32, #tpu.memory_space<vmem_shared>>)
        tpu.yield
      }) : () -> ()
      %run_scoped3A_235 = arith.constant 15 : i32
      "tpu.region"() ({
        %run_scoped3A_236 = tpu.sem_alloc : memref<!tpu.dma_semaphore, #tpu.memory_space<semaphore_mem>>
        %dma_start3A_237 = arith.constant 1920 : i32
        %dma_start3A_238 = tpu.memref_slice %arg20[%dma_start3A_237] : memref<2048xf32, #tpu.memory_space<vmem>> -> memref<128xf32, #tpu.memory_space<vmem>>
        %dma_start3A_239 = arith.constant 0 : i32
        %dma_start3A_240 = tpu.memref_slice %arg21[%run_scoped3A_235, %dma_start3A_239] : memref<16x128xi32, #tpu.memory_space<vmem>> -> memref<1x128xi32, #tpu.memory_space<vmem>>
        %dma_start3A_241 = tpu.memref_squeeze %dma_start3A_240 : memref<1x128xi32, #tpu.memory_space<vmem>> -> memref<128xi32, #tpu.memory_space<vmem>>
        %dma_start3A_242 = arith.constant 0 : i32
        %dma_start3A_243 = tpu.memref_slice %arg8[%dma_start3A_242] : memref<10240xf32, #tpu.memory_space<vmem_shared>> -> memref<10240xf32, #tpu.memory_space<vmem_shared>>
        tpu.enqueue_indirect_dma source(%dma_start3A_238 : memref<128xf32, #tpu.memory_space<vmem>>) target(%dma_start3A_243 : memref<10240xf32, #tpu.memory_space<vmem_shared>>) offsets(%dma_start3A_241 : memref<128xi32, #tpu.memory_space<vmem>>) semaphore(%run_scoped3A_236 : memref<!tpu.dma_semaphore, #tpu.memory_space<semaphore_mem>>) {add = true}
        %dma_wait3A_244 = arith.constant 1920 : i32
        %dma_wait3A_245 = tpu.memref_slice %arg20[%dma_wait3A_244] : memref<2048xf32, #tpu.memory_space<vmem>> -> memref<128xf32, #tpu.memory_space<vmem>>
        %dma_wait3A_246 = arith.constant 0 : i32
        %dma_wait3A_247 = tpu.memref_slice %arg21[%run_scoped3A_235, %dma_wait3A_246] : memref<16x128xi32, #tpu.memory_space<vmem>> -> memref<1x128xi32, #tpu.memory_space<vmem>>
        %dma_wait3A_248 = tpu.memref_squeeze %dma_wait3A_247 : memref<1x128xi32, #tpu.memory_space<vmem>> -> memref<128xi32, #tpu.memory_space<vmem>>
        %dma_wait3A_249 = arith.constant 0 : i32
        %dma_wait3A_250 = tpu.memref_slice %arg8[%dma_wait3A_249] : memref<10240xf32, #tpu.memory_space<vmem_shared>> -> memref<10240xf32, #tpu.memory_space<vmem_shared>>
        tpu.wait_indirect_dma semaphore(%run_scoped3A_236 : memref<!tpu.dma_semaphore, #tpu.memory_space<semaphore_mem>>) src(%dma_wait3A_245 : memref<128xf32, #tpu.memory_space<vmem>>) dst(%dma_wait3A_250 : memref<10240xf32, #tpu.memory_space<vmem_shared>>)
        tpu.yield
      }) : () -> ()
    }
    %scan3A_33 = arith.constant 10 : i32
    %barrier3A_34 = arith.constant 0 : index
    tpu.barrier barrier_id(%barrier3A_34)
    "tpu.region"() ({
      %run_scoped3A_212 = tpu.sem_alloc : memref<!tpu.dma_semaphore, #tpu.memory_space<semaphore_mem>>
      %dma_start3A_213 = tpu.memref_slice %arg8[%mul3A_17] : memref<10240xf32, #tpu.memory_space<vmem_shared>> -> memref<640xf32, #tpu.memory_space<vmem_shared>>
      %dma_start3A_214 = tpu.memref_slice %arg8[%mul3A_17] : memref<10240xf32, #tpu.memory_space<vmem_shared>> -> memref<640xf32, #tpu.memory_space<vmem_shared>>
      tpu.enqueue_dma source(%dma_start3A_214 : memref<640xf32, #tpu.memory_space<vmem_shared>>) target(%arg22 : memref<640xf32, #tpu.memory_space<vmem>>) target_semaphore(%run_scoped3A_212 : memref<!tpu.dma_semaphore, #tpu.memory_space<semaphore_mem>>)
      %dma_wait3A_215 = tpu.memref_slice %arg8[%mul3A_17] : memref<10240xf32, #tpu.memory_space<vmem_shared>> -> memref<640xf32, #tpu.memory_space<vmem_shared>>
      %dma_wait3A_216 = tpu.memref_slice %arg8[%mul3A_17] : memref<10240xf32, #tpu.memory_space<vmem_shared>> -> memref<640xf32, #tpu.memory_space<vmem_shared>>
      tpu.wait_dma2 semaphore(%run_scoped3A_212 : memref<!tpu.dma_semaphore, #tpu.memory_space<semaphore_mem>>) src(%dma_wait3A_216 : memref<640xf32, #tpu.memory_space<vmem_shared>>) dst(%arg22 : memref<640xf32, #tpu.memory_space<vmem>>)
      tpu.yield
    }) : () -> ()
    %scan3A_35 = arith.constant 0 : i32
    %scan3A_36 = arith.constant 40 : i32
    %scan3A_37 = arith.addi %scan3A_35, %scan3A_36 : i32
    %scan3A_38 = arith.constant 1 : i32
    scf.for %scan3A_212 = %scan3A_35 to %scan3A_37 step %scan3A_38  : i32 {
      %mul3A_213 = arith.constant 1 : i32
      %mul3A_214 = arith.muli %scan3A_212, %mul3A_213 : i32
      %add3A_215 = arith.constant 0 : i32
      %add3A_216 = arith.addi %add3A_215, %mul3A_214 : i32
      %iota3A = tpu.iota {dimensions = array<i32: 0>} : vector<16xi32>
      %mul3A_217 = arith.constant 16 : i32
      %mul3A_218 = arith.muli %add3A_216, %mul3A_217 : i32
      %add3A_219 = arith.addi %mul3A_17, %mul3A_218 : i32
      %add3A_220 = vector.broadcast %add3A_219 : i32 to vector<16xi32>
      %add3A_221 = arith.addi %iota3A, %add3A_220 : vector<16xi32>
      %mul3A_222 = arith.constant 16 : i32
      %mul3A_223 = arith.muli %add3A_216, %mul3A_222 : i32
      %get3A = arith.index_cast %mul3A_223 : i32 to index
      %get3A_224 = tpu.vector_load %arg22[%get3A] {strides = array<i32>} : memref<640xf32, #tpu.memory_space<vmem>>, vector<16xf32>,
      %max3A = arith.constant 1.000000e+00 : f32
      %max3A_225 = vector.broadcast %max3A : f32 to vector<16xf32>
      %max3A_226 = arith.maximumf %get3A_224, %max3A_225 : vector<16xf32>
      %bitcast_convert_type3A = tpu.bitcast %max3A_226 : vector<16xf32> -> vector<16xi32>
      %shift_right_arithmetic3A = arith.constant 1 : i32
      %shift_right_arithmetic3A_227 = vector.broadcast %shift_right_arithmetic3A : i32 to vector<16xi32>
      %shift_right_arithmetic3A_228 = arith.shrsi %bitcast_convert_type3A, %shift_right_arithmetic3A_227 : vector<16xi32>
      %sub3A_229 = arith.constant 1597463007 : i32
      %sub3A_230 = vector.broadcast %sub3A_229 : i32 to vector<16xi32>
      %sub3A_231 = arith.subi %sub3A_230, %shift_right_arithmetic3A_228 : vector<16xi32>
      %bitcast_convert_type3A_232 = tpu.bitcast %sub3A_231 : vector<16xi32> -> vector<16xf32>
      %mul3A_233 = arith.constant 5.000000e-01 : f32
      %mul3A_234 = vector.broadcast %mul3A_233 : f32 to vector<16xf32>
      %mul3A_235 = arith.mulf %mul3A_234, %max3A_226 : vector<16xf32>
      %mul3A_236 = arith.mulf %mul3A_235, %bitcast_convert_type3A_232 : vector<16xf32>
      %mul3A_237 = arith.mulf %mul3A_236, %bitcast_convert_type3A_232 : vector<16xf32>
      %sub3A_238 = arith.constant 1.500000e+00 : f32
      %sub3A_239 = vector.broadcast %sub3A_238 : f32 to vector<16xf32>
      %sub3A_240 = arith.subf %sub3A_239, %mul3A_237 : vector<16xf32>
      %mul3A_241 = arith.mulf %bitcast_convert_type3A_232, %sub3A_240 : vector<16xf32>
      %mul3A_242 = arith.constant 5.000000e-01 : f32
      %mul3A_243 = vector.broadcast %mul3A_242 : f32 to vector<16xf32>
      %mul3A_244 = arith.mulf %mul3A_243, %max3A_226 : vector<16xf32>
      %mul3A_245 = arith.mulf %mul3A_244, %mul3A_241 : vector<16xf32>
      %mul3A_246 = arith.mulf %mul3A_245, %mul3A_241 : vector<16xf32>
      %sub3A_247 = arith.constant 1.500000e+00 : f32
      %sub3A_248 = vector.broadcast %sub3A_247 : f32 to vector<16xf32>
      %sub3A_249 = arith.subf %sub3A_248, %mul3A_246 : vector<16xf32>
      %mul3A_250 = arith.mulf %mul3A_241, %sub3A_249 : vector<16xf32>
      %mul3A_251 = arith.constant 5.000000e-01 : f32
      %mul3A_252 = vector.broadcast %mul3A_251 : f32 to vector<16xf32>
      %mul3A_253 = arith.mulf %mul3A_252, %max3A_226 : vector<16xf32>
      %mul3A_254 = arith.mulf %mul3A_253, %mul3A_250 : vector<16xf32>
      %mul3A_255 = arith.mulf %mul3A_254, %mul3A_250 : vector<16xf32>
      %sub3A_256 = arith.constant 1.500000e+00 : f32
      %sub3A_257 = vector.broadcast %sub3A_256 : f32 to vector<16xf32>
      %sub3A_258 = arith.subf %sub3A_257, %mul3A_255 : vector<16xf32>
      %mul3A_259 = arith.mulf %mul3A_250, %sub3A_258 : vector<16xf32>
      %ge3A = arith.constant 10000 : i32
      %ge3A_260 = vector.broadcast %ge3A : i32 to vector<16xi32>
      %ge3A_261 = arith.cmpi sge, %add3A_221, %ge3A_260 : vector<16xi32>
      %jit3A_262 = arith.constant 0.000000e+00 : f32
      %broadcast_in_dim3A_263 = vector.broadcast %jit3A_262 : f32 to vector<16xf32>
      %select_n3A_264 = arith.select %ge3A_261, %broadcast_in_dim3A_263, %mul3A_259 : vector<16xi1>, vector<16xf32>
      %mul3A_265 = arith.constant 16 : i32
      %mul3A_266 = arith.muli %add3A_216, %mul3A_265 : i32
      %swap3A = arith.index_cast %mul3A_266 : i32 to index
      %swap3A_267 = tpu.vector_load %arg22[%swap3A] {strides = array<i32>} : memref<640xf32, #tpu.memory_space<vmem>>, vector<16xf32>,
      tpu.vector_store %arg22[%swap3A], %select_n3A_264 {strides = array<i32>} : memref<640xf32, #tpu.memory_space<vmem>>, vector<16xf32>,
    }
    %scan3A_39 = arith.constant 40 : i32
    "tpu.region"() ({
      %run_scoped3A_212 = tpu.sem_alloc : memref<!tpu.dma_semaphore, #tpu.memory_space<semaphore_mem>>
      %dma_start3A_213 = tpu.memref_slice %arg11[%mul3A_17] : memref<10240xf32, #tpu.memory_space<vmem_shared>> -> memref<640xf32, #tpu.memory_space<vmem_shared>>
      %dma_start3A_214 = tpu.memref_slice %arg11[%mul3A_17] : memref<10240xf32, #tpu.memory_space<vmem_shared>> -> memref<640xf32, #tpu.memory_space<vmem_shared>>
      tpu.enqueue_dma source(%arg22 : memref<640xf32, #tpu.memory_space<vmem>>) target(%dma_start3A_214 : memref<640xf32, #tpu.memory_space<vmem_shared>>) target_semaphore(%run_scoped3A_212 : memref<!tpu.dma_semaphore, #tpu.memory_space<semaphore_mem>>)
      %dma_wait3A_215 = tpu.memref_slice %arg11[%mul3A_17] : memref<10240xf32, #tpu.memory_space<vmem_shared>> -> memref<640xf32, #tpu.memory_space<vmem_shared>>
      %dma_wait3A_216 = tpu.memref_slice %arg11[%mul3A_17] : memref<10240xf32, #tpu.memory_space<vmem_shared>> -> memref<640xf32, #tpu.memory_space<vmem_shared>>
      tpu.wait_dma2 semaphore(%run_scoped3A_212 : memref<!tpu.dma_semaphore, #tpu.memory_space<semaphore_mem>>) src(%arg22 : memref<640xf32, #tpu.memory_space<vmem>>) dst(%dma_wait3A_216 : memref<640xf32, #tpu.memory_space<vmem_shared>>)
      tpu.yield
    }) : () -> ()
    %barrier3A_40 = arith.constant 0 : index
    tpu.barrier barrier_id(%barrier3A_40)
    %eq3A = arith.constant 0 : i32
    %eq3A_41 = arith.cmpi eq, %arg0, %eq3A : i32
    %jit3A = arith.constant 88 : i32
    %jit3A_42 = arith.constant 72 : i32
    %select_n3A = arith.select %eq3A_41, %jit3A, %jit3A_42 : i32
    %eq3A_43 = arith.constant 0 : i32
    %eq3A_44 = arith.cmpi eq, %arg0, %eq3A_43 : i32
    %mul3A_45 = arith.constant 88 : i32
    %mul3A_46 = arith.muli %arg1, %mul3A_45 : i32
    %mul3A_47 = arith.constant 72 : i32
    %mul3A_48 = arith.muli %arg1, %mul3A_47 : i32
    %add3A_49 = arith.constant 1408 : i32
    %add3A_50 = arith.addi %add3A_49, %mul3A_48 : i32
    %select_n3A_51 = arith.select %eq3A_44, %mul3A_46, %add3A_50 : i32
    %run_scoped3A = arith.constant 0 : i32
    "tpu.region"() ({
      %run_scoped3A_212 = tpu.sem_alloc : memref<!tpu.dma_semaphore, #tpu.memory_space<semaphore_mem>>
      %dma_start3A_213 = arith.constant 0 : i32
      %dma_start3A_214 = tpu.memref_slice %arg13[%run_scoped3A, %dma_start3A_213] : memref<2x128xi32, #tpu.memory_space<vmem>> -> memref<1x128xi32, #tpu.memory_space<vmem>>
      %dma_start3A_215 = tpu.memref_squeeze %dma_start3A_214 : memref<1x128xi32, #tpu.memory_space<vmem>> -> memref<128xi32, #tpu.memory_space<vmem>>
      %dma_start3A_216 = arith.constant 0 : i32
      %dma_start3A_217 = tpu.memref_slice %arg3[%select_n3A_51, %dma_start3A_216] : memref<2560x128xi32, #tpu.memory_space<hbm>> -> memref<1x128xi32, #tpu.memory_space<hbm>>
      %dma_start3A_218 = tpu.memref_squeeze %dma_start3A_217 : memref<1x128xi32, #tpu.memory_space<hbm>> -> memref<128xi32, #tpu.memory_space<hbm>>
      %dma_start3A_219 = arith.constant 0 : i32
      %dma_start3A_220 = tpu.memref_slice %arg13[%run_scoped3A, %dma_start3A_219] : memref<2x128xi32, #tpu.memory_space<vmem>> -> memref<1x128xi32, #tpu.memory_space<vmem>>
      %dma_start3A_221 = tpu.memref_squeeze %dma_start3A_220 : memref<1x128xi32, #tpu.memory_space<vmem>> -> memref<128xi32, #tpu.memory_space<vmem>>
      %dma_start3A_222 = arith.constant 0 : i32
      %dma_start3A_223 = tpu.memref_slice %arg3[%select_n3A_51, %dma_start3A_222] : memref<2560x128xi32, #tpu.memory_space<hbm>> -> memref<1x128xi32, #tpu.memory_space<hbm>>
      %dma_start3A_224 = tpu.memref_squeeze %dma_start3A_223 : memref<1x128xi32, #tpu.memory_space<hbm>> -> memref<128xi32, #tpu.memory_space<hbm>>
      tpu.enqueue_dma source(%dma_start3A_224 : memref<128xi32, #tpu.memory_space<hbm>>) target(%dma_start3A_221 : memref<128xi32, #tpu.memory_space<vmem>>) target_semaphore(%run_scoped3A_212 : memref<!tpu.dma_semaphore, #tpu.memory_space<semaphore_mem>>)
      %dma_wait3A_225 = arith.constant 0 : i32
      %dma_wait3A_226 = tpu.memref_slice %arg13[%run_scoped3A, %dma_wait3A_225] : memref<2x128xi32, #tpu.memory_space<vmem>> -> memref<1x128xi32, #tpu.memory_space<vmem>>
      %dma_wait3A_227 = tpu.memref_squeeze %dma_wait3A_226 : memref<1x128xi32, #tpu.memory_space<vmem>> -> memref<128xi32, #tpu.memory_space<vmem>>
      %dma_wait3A_228 = arith.constant 0 : i32
      %dma_wait3A_229 = tpu.memref_slice %arg3[%select_n3A_51, %dma_wait3A_228] : memref<2560x128xi32, #tpu.memory_space<hbm>> -> memref<1x128xi32, #tpu.memory_space<hbm>>
      %dma_wait3A_230 = tpu.memref_squeeze %dma_wait3A_229 : memref<1x128xi32, #tpu.memory_space<hbm>> -> memref<128xi32, #tpu.memory_space<hbm>>
      %dma_wait3A_231 = arith.constant 0 : i32
      %dma_wait3A_232 = tpu.memref_slice %arg13[%run_scoped3A, %dma_wait3A_231] : memref<2x128xi32, #tpu.memory_space<vmem>> -> memref<1x128xi32, #tpu.memory_space<vmem>>
      %dma_wait3A_233 = tpu.memref_squeeze %dma_wait3A_232 : memref<1x128xi32, #tpu.memory_space<vmem>> -> memref<128xi32, #tpu.memory_space<vmem>>
      %dma_wait3A_234 = arith.constant 0 : i32
      %dma_wait3A_235 = tpu.memref_slice %arg3[%select_n3A_51, %dma_wait3A_234] : memref<2560x128xi32, #tpu.memory_space<hbm>> -> memref<1x128xi32, #tpu.memory_space<hbm>>
      %dma_wait3A_236 = tpu.memref_squeeze %dma_wait3A_235 : memref<1x128xi32, #tpu.memory_space<hbm>> -> memref<128xi32, #tpu.memory_space<hbm>>
      tpu.wait_dma2 semaphore(%run_scoped3A_212 : memref<!tpu.dma_semaphore, #tpu.memory_space<semaphore_mem>>) src(%dma_wait3A_236 : memref<128xi32, #tpu.memory_space<hbm>>) dst(%dma_wait3A_233 : memref<128xi32, #tpu.memory_space<vmem>>)
      tpu.yield
    }) : () -> ()
    %run_scoped3A_52 = arith.constant 0 : i32
    "tpu.region"() ({
      %run_scoped3A_212 = tpu.sem_alloc : memref<!tpu.dma_semaphore, #tpu.memory_space<semaphore_mem>>
      %dma_start3A_213 = arith.constant 0 : i32
      %dma_start3A_214 = tpu.memref_slice %arg14[%run_scoped3A_52, %dma_start3A_213] : memref<2x128xi32, #tpu.memory_space<vmem>> -> memref<1x128xi32, #tpu.memory_space<vmem>>
      %dma_start3A_215 = tpu.memref_squeeze %dma_start3A_214 : memref<1x128xi32, #tpu.memory_space<vmem>> -> memref<128xi32, #tpu.memory_space<vmem>>
      %dma_start3A_216 = arith.constant 0 : i32
      %dma_start3A_217 = tpu.memref_slice %arg4[%select_n3A_51, %dma_start3A_216] : memref<2560x128xi32, #tpu.memory_space<hbm>> -> memref<1x128xi32, #tpu.memory_space<hbm>>
      %dma_start3A_218 = tpu.memref_squeeze %dma_start3A_217 : memref<1x128xi32, #tpu.memory_space<hbm>> -> memref<128xi32, #tpu.memory_space<hbm>>
      %dma_start3A_219 = arith.constant 0 : i32
      %dma_start3A_220 = tpu.memref_slice %arg14[%run_scoped3A_52, %dma_start3A_219] : memref<2x128xi32, #tpu.memory_space<vmem>> -> memref<1x128xi32, #tpu.memory_space<vmem>>
      %dma_start3A_221 = tpu.memref_squeeze %dma_start3A_220 : memref<1x128xi32, #tpu.memory_space<vmem>> -> memref<128xi32, #tpu.memory_space<vmem>>
      %dma_start3A_222 = arith.constant 0 : i32
      %dma_start3A_223 = tpu.memref_slice %arg4[%select_n3A_51, %dma_start3A_222] : memref<2560x128xi32, #tpu.memory_space<hbm>> -> memref<1x128xi32, #tpu.memory_space<hbm>>
      %dma_start3A_224 = tpu.memref_squeeze %dma_start3A_223 : memref<1x128xi32, #tpu.memory_space<hbm>> -> memref<128xi32, #tpu.memory_space<hbm>>
      tpu.enqueue_dma source(%dma_start3A_224 : memref<128xi32, #tpu.memory_space<hbm>>) target(%dma_start3A_221 : memref<128xi32, #tpu.memory_space<vmem>>) target_semaphore(%run_scoped3A_212 : memref<!tpu.dma_semaphore, #tpu.memory_space<semaphore_mem>>)
      %dma_wait3A_225 = arith.constant 0 : i32
      %dma_wait3A_226 = tpu.memref_slice %arg14[%run_scoped3A_52, %dma_wait3A_225] : memref<2x128xi32, #tpu.memory_space<vmem>> -> memref<1x128xi32, #tpu.memory_space<vmem>>
      %dma_wait3A_227 = tpu.memref_squeeze %dma_wait3A_226 : memref<1x128xi32, #tpu.memory_space<vmem>> -> memref<128xi32, #tpu.memory_space<vmem>>
      %dma_wait3A_228 = arith.constant 0 : i32
      %dma_wait3A_229 = tpu.memref_slice %arg4[%select_n3A_51, %dma_wait3A_228] : memref<2560x128xi32, #tpu.memory_space<hbm>> -> memref<1x128xi32, #tpu.memory_space<hbm>>
      %dma_wait3A_230 = tpu.memref_squeeze %dma_wait3A_229 : memref<1x128xi32, #tpu.memory_space<hbm>> -> memref<128xi32, #tpu.memory_space<hbm>>
      %dma_wait3A_231 = arith.constant 0 : i32
      %dma_wait3A_232 = tpu.memref_slice %arg14[%run_scoped3A_52, %dma_wait3A_231] : memref<2x128xi32, #tpu.memory_space<vmem>> -> memref<1x128xi32, #tpu.memory_space<vmem>>
      %dma_wait3A_233 = tpu.memref_squeeze %dma_wait3A_232 : memref<1x128xi32, #tpu.memory_space<vmem>> -> memref<128xi32, #tpu.memory_space<vmem>>
      %dma_wait3A_234 = arith.constant 0 : i32
      %dma_wait3A_235 = tpu.memref_slice %arg4[%select_n3A_51, %dma_wait3A_234] : memref<2560x128xi32, #tpu.memory_space<hbm>> -> memref<1x128xi32, #tpu.memory_space<hbm>>
      %dma_wait3A_236 = tpu.memref_squeeze %dma_wait3A_235 : memref<1x128xi32, #tpu.memory_space<hbm>> -> memref<128xi32, #tpu.memory_space<hbm>>
      tpu.wait_dma2 semaphore(%run_scoped3A_212 : memref<!tpu.dma_semaphore, #tpu.memory_space<semaphore_mem>>) src(%dma_wait3A_236 : memref<128xi32, #tpu.memory_space<hbm>>) dst(%dma_wait3A_233 : memref<128xi32, #tpu.memory_space<vmem>>)
      tpu.yield
    }) : () -> ()
    %dma_start3A = arith.constant 0 : i32
    %dma_start3A_53 = arith.constant 0 : i32
    %dma_start3A_54 = arith.constant 0 : i32
    %dma_start3A_55 = arith.constant 0 : i32
    %dma_start3A_56 = tpu.memref_slice %arg23[%dma_start3A_53, %dma_start3A_54, %dma_start3A_55] : memref<2x128x64xi32, #tpu.memory_space<vmem>> -> memref<1x128x64xi32, #tpu.memory_space<vmem>>
    %dma_start3A_57 = tpu.memref_squeeze %dma_start3A_56 : memref<1x128x64xi32, #tpu.memory_space<vmem>> -> memref<128x64xi32, #tpu.memory_space<vmem>>
    %dma_start3A_58 = arith.constant 0 : i32
    %dma_start3A_59 = tpu.memref_slice %arg13[%dma_start3A, %dma_start3A_58] : memref<2x128xi32, #tpu.memory_space<vmem>> -> memref<1x128xi32, #tpu.memory_space<vmem>>
    %dma_start3A_60 = tpu.memref_squeeze %dma_start3A_59 : memref<1x128xi32, #tpu.memory_space<vmem>> -> memref<128xi32, #tpu.memory_space<vmem>>
    %dma_start3A_61 = arith.constant 0 : i32
    %dma_start3A_62 = arith.constant 0 : i32
    %dma_start3A_63 = tpu.memref_slice %arg2[%dma_start3A_61, %dma_start3A_62] : memref<10240x64xi32, #tpu.memory_space<hbm>> -> memref<10240x64xi32, #tpu.memory_space<hbm>>
    tpu.enqueue_indirect_dma source(%dma_start3A_63 : memref<10240x64xi32, #tpu.memory_space<hbm>>) target(%dma_start3A_57 : memref<128x64xi32, #tpu.memory_space<vmem>>) offsets(%dma_start3A_60 : memref<128xi32, #tpu.memory_space<vmem>>) semaphore(%arg25 : memref<!tpu.dma_semaphore, #tpu.memory_space<semaphore_mem>>)
    %dma_start3A_64 = arith.constant 0 : i32
    %dma_start3A_65 = arith.constant 0 : i32
    %dma_start3A_66 = arith.constant 0 : i32
    %dma_start3A_67 = tpu.memref_slice %arg16[%dma_start3A_65, %dma_start3A_66] : memref<2x128xf32, #tpu.memory_space<vmem>> -> memref<1x128xf32, #tpu.memory_space<vmem>>
    %dma_start3A_68 = tpu.memref_squeeze %dma_start3A_67 : memref<1x128xf32, #tpu.memory_space<vmem>> -> memref<128xf32, #tpu.memory_space<vmem>>
    %dma_start3A_69 = arith.constant 0 : i32
    %dma_start3A_70 = tpu.memref_slice %arg14[%dma_start3A_64, %dma_start3A_69] : memref<2x128xi32, #tpu.memory_space<vmem>> -> memref<1x128xi32, #tpu.memory_space<vmem>>
    %dma_start3A_71 = tpu.memref_squeeze %dma_start3A_70 : memref<1x128xi32, #tpu.memory_space<vmem>> -> memref<128xi32, #tpu.memory_space<vmem>>
    %dma_start3A_72 = arith.constant 0 : i32
    %dma_start3A_73 = tpu.memref_slice %arg9[%dma_start3A_72] : memref<10240xf32, #tpu.memory_space<vmem_shared>> -> memref<10240xf32, #tpu.memory_space<vmem_shared>>
    tpu.enqueue_indirect_dma source(%dma_start3A_73 : memref<10240xf32, #tpu.memory_space<vmem_shared>>) target(%dma_start3A_68 : memref<128xf32, #tpu.memory_space<vmem>>) offsets(%dma_start3A_71 : memref<128xi32, #tpu.memory_space<vmem>>) semaphore(%arg27 : memref<!tpu.dma_semaphore, #tpu.memory_space<semaphore_mem>>)
    %dma_start3A_74 = arith.constant 0 : i32
    %dma_start3A_75 = arith.constant 0 : i32
    %dma_start3A_76 = arith.constant 0 : i32
    %dma_start3A_77 = tpu.memref_slice %arg17[%dma_start3A_75, %dma_start3A_76] : memref<2x128xf32, #tpu.memory_space<vmem>> -> memref<1x128xf32, #tpu.memory_space<vmem>>
    %dma_start3A_78 = tpu.memref_squeeze %dma_start3A_77 : memref<1x128xf32, #tpu.memory_space<vmem>> -> memref<128xf32, #tpu.memory_space<vmem>>
    %dma_start3A_79 = arith.constant 0 : i32
    %dma_start3A_80 = tpu.memref_slice %arg13[%dma_start3A_74, %dma_start3A_79] : memref<2x128xi32, #tpu.memory_space<vmem>> -> memref<1x128xi32, #tpu.memory_space<vmem>>
    %dma_start3A_81 = tpu.memref_squeeze %dma_start3A_80 : memref<1x128xi32, #tpu.memory_space<vmem>> -> memref<128xi32, #tpu.memory_space<vmem>>
    %dma_start3A_82 = arith.constant 0 : i32
    %dma_start3A_83 = tpu.memref_slice %arg10[%dma_start3A_82] : memref<10240xf32, #tpu.memory_space<vmem_shared>> -> memref<10240xf32, #tpu.memory_space<vmem_shared>>
    tpu.enqueue_indirect_dma source(%dma_start3A_83 : memref<10240xf32, #tpu.memory_space<vmem_shared>>) target(%dma_start3A_78 : memref<128xf32, #tpu.memory_space<vmem>>) offsets(%dma_start3A_81 : memref<128xi32, #tpu.memory_space<vmem>>) semaphore(%arg27 : memref<!tpu.dma_semaphore, #tpu.memory_space<semaphore_mem>>)
    %dma_start3A_84 = arith.constant 0 : i32
    %dma_start3A_85 = arith.constant 0 : i32
    %dma_start3A_86 = arith.constant 0 : i32
    %dma_start3A_87 = tpu.memref_slice %arg18[%dma_start3A_85, %dma_start3A_86] : memref<2x128xf32, #tpu.memory_space<vmem>> -> memref<1x128xf32, #tpu.memory_space<vmem>>
    %dma_start3A_88 = tpu.memref_squeeze %dma_start3A_87 : memref<1x128xf32, #tpu.memory_space<vmem>> -> memref<128xf32, #tpu.memory_space<vmem>>
    %dma_start3A_89 = arith.constant 0 : i32
    %dma_start3A_90 = tpu.memref_slice %arg14[%dma_start3A_84, %dma_start3A_89] : memref<2x128xi32, #tpu.memory_space<vmem>> -> memref<1x128xi32, #tpu.memory_space<vmem>>
    %dma_start3A_91 = tpu.memref_squeeze %dma_start3A_90 : memref<1x128xi32, #tpu.memory_space<vmem>> -> memref<128xi32, #tpu.memory_space<vmem>>
    %dma_start3A_92 = arith.constant 0 : i32
    %dma_start3A_93 = tpu.memref_slice %arg11[%dma_start3A_92] : memref<10240xf32, #tpu.memory_space<vmem_shared>> -> memref<10240xf32, #tpu.memory_space<vmem_shared>>
    tpu.enqueue_indirect_dma source(%dma_start3A_93 : memref<10240xf32, #tpu.memory_space<vmem_shared>>) target(%dma_start3A_88 : memref<128xf32, #tpu.memory_space<vmem>>) offsets(%dma_start3A_91 : memref<128xi32, #tpu.memory_space<vmem>>) semaphore(%arg27 : memref<!tpu.dma_semaphore, #tpu.memory_space<semaphore_mem>>)
    %dma_start3A_94 = arith.constant 0 : i32
    %dma_start3A_95 = arith.constant 0 : i32
    %dma_start3A_96 = arith.constant 0 : i32
    %dma_start3A_97 = tpu.memref_slice %arg19[%dma_start3A_95, %dma_start3A_96] : memref<2x128xf32, #tpu.memory_space<vmem>> -> memref<1x128xf32, #tpu.memory_space<vmem>>
    %dma_start3A_98 = tpu.memref_squeeze %dma_start3A_97 : memref<1x128xf32, #tpu.memory_space<vmem>> -> memref<128xf32, #tpu.memory_space<vmem>>
    %dma_start3A_99 = arith.constant 0 : i32
    %dma_start3A_100 = tpu.memref_slice %arg13[%dma_start3A_94, %dma_start3A_99] : memref<2x128xi32, #tpu.memory_space<vmem>> -> memref<1x128xi32, #tpu.memory_space<vmem>>
    %dma_start3A_101 = tpu.memref_squeeze %dma_start3A_100 : memref<1x128xi32, #tpu.memory_space<vmem>> -> memref<128xi32, #tpu.memory_space<vmem>>
    %dma_start3A_102 = arith.constant 0 : i32
    %dma_start3A_103 = tpu.memref_slice %arg11[%dma_start3A_102] : memref<10240xf32, #tpu.memory_space<vmem_shared>> -> memref<10240xf32, #tpu.memory_space<vmem_shared>>
    tpu.enqueue_indirect_dma source(%dma_start3A_103 : memref<10240xf32, #tpu.memory_space<vmem_shared>>) target(%dma_start3A_98 : memref<128xf32, #tpu.memory_space<vmem>>) offsets(%dma_start3A_101 : memref<128xi32, #tpu.memory_space<vmem>>) semaphore(%arg27 : memref<!tpu.dma_semaphore, #tpu.memory_space<semaphore_mem>>)
    %jit3A_104 = arith.constant 2 : i32
    %div3A = arith.divsi %select_n3A, %jit3A_104 : i32
    %sign3A = arith.constant 0 : i32
    %sign3A_105 = arith.cmpi sgt, %select_n3A, %sign3A : i32
    %sign3A_106 = arith.extui %sign3A_105 : i1 to i32
    %sign3A_107 = arith.constant 0 : i32
    %sign3A_108 = arith.cmpi slt, %select_n3A, %sign3A_107 : i32
    %sign3A_109 = arith.extui %sign3A_108 : i1 to i32
    %sign3A_110 = arith.subi %sign3A_106, %sign3A_109 : i32
    %sign3A_111 = arith.constant 0 : i32
    %sign3A_112 = arith.cmpi sgt, %jit3A_104, %sign3A_111 : i32
    %sign3A_113 = arith.extui %sign3A_112 : i1 to i32
    %sign3A_114 = arith.constant 0 : i32
    %sign3A_115 = arith.cmpi slt, %jit3A_104, %sign3A_114 : i32
    %sign3A_116 = arith.extui %sign3A_115 : i1 to i32
    %sign3A_117 = arith.subi %sign3A_113, %sign3A_116 : i32
    %ne3A = arith.cmpi ne, %sign3A_110, %sign3A_117 : i32
    %rem3A = arith.remsi %select_n3A, %jit3A_104 : i32
    %ne3A_118 = arith.constant 0 : i32
    %ne3A_119 = arith.cmpi ne, %rem3A, %ne3A_118 : i32
    %and3A = arith.andi %ne3A, %ne3A_119 : i1
    %sub3A = arith.constant 1 : i32
    %sub3A_120 = arith.subi %div3A, %sub3A : i32
    %select_n3A_121 = arith.select %and3A, %sub3A_120, %div3A : i32
    %sub3A_122 = arith.constant 0 : i32
    %sub3A_123 = arith.subi %select_n3A_121, %sub3A_122 : i32
    %sub3A_124 = arith.constant 1 : i32
    %sub3A_125 = arith.constant 1 : i32
    %sub3A_126 = arith.subi %sub3A_124, %sub3A_125 : i32
    %add3A_127 = arith.addi %sub3A_123, %sub3A_126 : i32
    %div3A_128 = arith.constant 1 : i32
    %div3A_129 = arith.divsi %add3A_127, %div3A_128 : i32
    %while3A = arith.constant 1 : i32
    %while3A_130 = arith.constant 0 : i32
    %while3A_131 = arith.constant 0 : i32
    %while3A_132 = arith.subi %div3A_129, %while3A_131 : i32
    %while3A_133 = arith.addi %while3A_131, %while3A_132 : i32
    %while3A_134 = arith.constant 1 : i32
    %while3A_135 = arith.divsi %while3A_132, %while3A_134 : i32
    %while3A_136 = arith.muli %while3A_135, %while3A_134 : i32
    %while3A_137 = arith.addi %while3A_131, %while3A_136 : i32
    %while3A_138 = arith.constant 1 : i32
    scf.for %while3A_212 = %while3A_131 to %while3A_137 step %while3A_138  : i32 {
      %mul3A_213 = arith.muli %while3A_212, %while3A : i32
      %add3A_214 = arith.addi %while3A_130, %mul3A_213 : i32
      %mul3A_215 = arith.constant 2 : i32
      %mul3A_216 = arith.muli %add3A_214, %mul3A_215 : i32
      %add3A_217 = arith.constant 0 : i32
      %add3A_218 = arith.addi %mul3A_216, %add3A_217 : i32
      %add3A_219 = arith.constant 1 : i32
      %add3A_220 = arith.addi %add3A_218, %add3A_219 : i32
      %sub3A_221 = arith.constant 1 : i32
      %sub3A_222 = arith.subi %select_n3A, %sub3A_221 : i32
      %min3A = arith.minsi %add3A_220, %sub3A_222 : i32
      %add3A_223 = arith.addi %select_n3A_51, %min3A : i32
      %run_scoped3A_224 = arith.constant 1 : i32
      "tpu.region"() ({
        %run_scoped3A_1119 = tpu.sem_alloc : memref<!tpu.dma_semaphore, #tpu.memory_space<semaphore_mem>>
        %dma_start3A_1120 = arith.constant 0 : i32
        %dma_start3A_1121 = tpu.memref_slice %arg13[%run_scoped3A_224, %dma_start3A_1120] : memref<2x128xi32, #tpu.memory_space<vmem>> -> memref<1x128xi32, #tpu.memory_space<vmem>>
        %dma_start3A_1122 = tpu.memref_squeeze %dma_start3A_1121 : memref<1x128xi32, #tpu.memory_space<vmem>> -> memref<128xi32, #tpu.memory_space<vmem>>
        %dma_start3A_1123 = arith.constant 0 : i32
        %dma_start3A_1124 = tpu.memref_slice %arg3[%add3A_223, %dma_start3A_1123] : memref<2560x128xi32, #tpu.memory_space<hbm>> -> memref<1x128xi32, #tpu.memory_space<hbm>>
        %dma_start3A_1125 = tpu.memref_squeeze %dma_start3A_1124 : memref<1x128xi32, #tpu.memory_space<hbm>> -> memref<128xi32, #tpu.memory_space<hbm>>
        %dma_start3A_1126 = arith.constant 0 : i32
        %dma_start3A_1127 = tpu.memref_slice %arg13[%run_scoped3A_224, %dma_start3A_1126] : memref<2x128xi32, #tpu.memory_space<vmem>> -> memref<1x128xi32, #tpu.memory_space<vmem>>
        %dma_start3A_1128 = tpu.memref_squeeze %dma_start3A_1127 : memref<1x128xi32, #tpu.memory_space<vmem>> -> memref<128xi32, #tpu.memory_space<vmem>>
        %dma_start3A_1129 = arith.constant 0 : i32
        %dma_start3A_1130 = tpu.memref_slice %arg3[%add3A_223, %dma_start3A_1129] : memref<2560x128xi32, #tpu.memory_space<hbm>> -> memref<1x128xi32, #tpu.memory_space<hbm>>
        %dma_start3A_1131 = tpu.memref_squeeze %dma_start3A_1130 : memref<1x128xi32, #tpu.memory_space<hbm>> -> memref<128xi32, #tpu.memory_space<hbm>>
        tpu.enqueue_dma source(%dma_start3A_1131 : memref<128xi32, #tpu.memory_space<hbm>>) target(%dma_start3A_1128 : memref<128xi32, #tpu.memory_space<vmem>>) target_semaphore(%run_scoped3A_1119 : memref<!tpu.dma_semaphore, #tpu.memory_space<semaphore_mem>>)
        %dma_wait3A_1132 = arith.constant 0 : i32
        %dma_wait3A_1133 = tpu.memref_slice %arg13[%run_scoped3A_224, %dma_wait3A_1132] : memref<2x128xi32, #tpu.memory_space<vmem>> -> memref<1x128xi32, #tpu.memory_space<vmem>>
        %dma_wait3A_1134 = tpu.memref_squeeze %dma_wait3A_1133 : memref<1x128xi32, #tpu.memory_space<vmem>> -> memref<128xi32, #tpu.memory_space<vmem>>
        %dma_wait3A_1135 = arith.constant 0 : i32
        %dma_wait3A_1136 = tpu.memref_slice %arg3[%add3A_223, %dma_wait3A_1135] : memref<2560x128xi32, #tpu.memory_space<hbm>> -> memref<1x128xi32, #tpu.memory_space<hbm>>
        %dma_wait3A_1137 = tpu.memref_squeeze %dma_wait3A_1136 : memref<1x128xi32, #tpu.memory_space<hbm>> -> memref<128xi32, #tpu.memory_space<hbm>>
        %dma_wait3A_1138 = arith.constant 0 : i32
        %dma_wait3A_1139 = tpu.memref_slice %arg13[%run_scoped3A_224, %dma_wait3A_1138] : memref<2x128xi32, #tpu.memory_space<vmem>> -> memref<1x128xi32, #tpu.memory_space<vmem>>
        %dma_wait3A_1140 = tpu.memref_squeeze %dma_wait3A_1139 : memref<1x128xi32, #tpu.memory_space<vmem>> -> memref<128xi32, #tpu.memory_space<vmem>>
        %dma_wait3A_1141 = arith.constant 0 : i32
        %dma_wait3A_1142 = tpu.memref_slice %arg3[%add3A_223, %dma_wait3A_1141] : memref<2560x128xi32, #tpu.memory_space<hbm>> -> memref<1x128xi32, #tpu.memory_space<hbm>>
        %dma_wait3A_1143 = tpu.memref_squeeze %dma_wait3A_1142 : memref<1x128xi32, #tpu.memory_space<hbm>> -> memref<128xi32, #tpu.memory_space<hbm>>
        tpu.wait_dma2 semaphore(%run_scoped3A_1119 : memref<!tpu.dma_semaphore, #tpu.memory_space<semaphore_mem>>) src(%dma_wait3A_1143 : memref<128xi32, #tpu.memory_space<hbm>>) dst(%dma_wait3A_1140 : memref<128xi32, #tpu.memory_space<vmem>>)
        tpu.yield
      }) : () -> ()
      %run_scoped3A_225 = arith.constant 1 : i32
      "tpu.region"() ({
        %run_scoped3A_1119 = tpu.sem_alloc : memref<!tpu.dma_semaphore, #tpu.memory_space<semaphore_mem>>
        %dma_start3A_1120 = arith.constant 0 : i32
        %dma_start3A_1121 = tpu.memref_slice %arg14[%run_scoped3A_225, %dma_start3A_1120] : memref<2x128xi32, #tpu.memory_space<vmem>> -> memref<1x128xi32, #tpu.memory_space<vmem>>
        %dma_start3A_1122 = tpu.memref_squeeze %dma_start3A_1121 : memref<1x128xi32, #tpu.memory_space<vmem>> -> memref<128xi32, #tpu.memory_space<vmem>>
        %dma_start3A_1123 = arith.constant 0 : i32
        %dma_start3A_1124 = tpu.memref_slice %arg4[%add3A_223, %dma_start3A_1123] : memref<2560x128xi32, #tpu.memory_space<hbm>> -> memref<1x128xi32, #tpu.memory_space<hbm>>
        %dma_start3A_1125 = tpu.memref_squeeze %dma_start3A_1124 : memref<1x128xi32, #tpu.memory_space<hbm>> -> memref<128xi32, #tpu.memory_space<hbm>>
        %dma_start3A_1126 = arith.constant 0 : i32
        %dma_start3A_1127 = tpu.memref_slice %arg14[%run_scoped3A_225, %dma_start3A_1126] : memref<2x128xi32, #tpu.memory_space<vmem>> -> memref<1x128xi32, #tpu.memory_space<vmem>>
        %dma_start3A_1128 = tpu.memref_squeeze %dma_start3A_1127 : memref<1x128xi32, #tpu.memory_space<vmem>> -> memref<128xi32, #tpu.memory_space<vmem>>
        %dma_start3A_1129 = arith.constant 0 : i32
        %dma_start3A_1130 = tpu.memref_slice %arg4[%add3A_223, %dma_start3A_1129] : memref<2560x128xi32, #tpu.memory_space<hbm>> -> memref<1x128xi32, #tpu.memory_space<hbm>>
        %dma_start3A_1131 = tpu.memref_squeeze %dma_start3A_1130 : memref<1x128xi32, #tpu.memory_space<hbm>> -> memref<128xi32, #tpu.memory_space<hbm>>
        tpu.enqueue_dma source(%dma_start3A_1131 : memref<128xi32, #tpu.memory_space<hbm>>) target(%dma_start3A_1128 : memref<128xi32, #tpu.memory_space<vmem>>) target_semaphore(%run_scoped3A_1119 : memref<!tpu.dma_semaphore, #tpu.memory_space<semaphore_mem>>)
        %dma_wait3A_1132 = arith.constant 0 : i32
        %dma_wait3A_1133 = tpu.memref_slice %arg14[%run_scoped3A_225, %dma_wait3A_1132] : memref<2x128xi32, #tpu.memory_space<vmem>> -> memref<1x128xi32, #tpu.memory_space<vmem>>
        %dma_wait3A_1134 = tpu.memref_squeeze %dma_wait3A_1133 : memref<1x128xi32, #tpu.memory_space<vmem>> -> memref<128xi32, #tpu.memory_space<vmem>>
        %dma_wait3A_1135 = arith.constant 0 : i32
        %dma_wait3A_1136 = tpu.memref_slice %arg4[%add3A_223, %dma_wait3A_1135] : memref<2560x128xi32, #tpu.memory_space<hbm>> -> memref<1x128xi32, #tpu.memory_space<hbm>>
        %dma_wait3A_1137 = tpu.memref_squeeze %dma_wait3A_1136 : memref<1x128xi32, #tpu.memory_space<hbm>> -> memref<128xi32, #tpu.memory_space<hbm>>
        %dma_wait3A_1138 = arith.constant 0 : i32
        %dma_wait3A_1139 = tpu.memref_slice %arg14[%run_scoped3A_225, %dma_wait3A_1138] : memref<2x128xi32, #tpu.memory_space<vmem>> -> memref<1x128xi32, #tpu.memory_space<vmem>>
        %dma_wait3A_1140 = tpu.memref_squeeze %dma_wait3A_1139 : memref<1x128xi32, #tpu.memory_space<vmem>> -> memref<128xi32, #tpu.memory_space<vmem>>
        %dma_wait3A_1141 = arith.constant 0 : i32
        %dma_wait3A_1142 = tpu.memref_slice %arg4[%add3A_223, %dma_wait3A_1141] : memref<2560x128xi32, #tpu.memory_space<hbm>> -> memref<1x128xi32, #tpu.memory_space<hbm>>
        %dma_wait3A_1143 = tpu.memref_squeeze %dma_wait3A_1142 : memref<1x128xi32, #tpu.memory_space<hbm>> -> memref<128xi32, #tpu.memory_space<hbm>>
        tpu.wait_dma2 semaphore(%run_scoped3A_1119 : memref<!tpu.dma_semaphore, #tpu.memory_space<semaphore_mem>>) src(%dma_wait3A_1143 : memref<128xi32, #tpu.memory_space<hbm>>) dst(%dma_wait3A_1140 : memref<128xi32, #tpu.memory_space<vmem>>)
        tpu.yield
      }) : () -> ()
      %dma_start3A_226 = arith.constant 1 : i32
      %dma_start3A_227 = arith.constant 1 : i32
      %dma_start3A_228 = arith.constant 0 : i32
      %dma_start3A_229 = arith.constant 0 : i32
      %dma_start3A_230 = tpu.memref_slice %arg23[%dma_start3A_227, %dma_start3A_228, %dma_start3A_229] : memref<2x128x64xi32, #tpu.memory_space<vmem>> -> memref<1x128x64xi32, #tpu.memory_space<vmem>>
      %dma_start3A_231 = tpu.memref_squeeze %dma_start3A_230 : memref<1x128x64xi32, #tpu.memory_space<vmem>> -> memref<128x64xi32, #tpu.memory_space<vmem>>
      %dma_start3A_232 = arith.constant 0 : i32
      %dma_start3A_233 = tpu.memref_slice %arg13[%dma_start3A_226, %dma_start3A_232] : memref<2x128xi32, #tpu.memory_space<vmem>> -> memref<1x128xi32, #tpu.memory_space<vmem>>
      %dma_start3A_234 = tpu.memref_squeeze %dma_start3A_233 : memref<1x128xi32, #tpu.memory_space<vmem>> -> memref<128xi32, #tpu.memory_space<vmem>>
      %dma_start3A_235 = arith.constant 0 : i32
      %dma_start3A_236 = arith.constant 0 : i32
      %dma_start3A_237 = tpu.memref_slice %arg2[%dma_start3A_235, %dma_start3A_236] : memref<10240x64xi32, #tpu.memory_space<hbm>> -> memref<10240x64xi32, #tpu.memory_space<hbm>>
      tpu.enqueue_indirect_dma source(%dma_start3A_237 : memref<10240x64xi32, #tpu.memory_space<hbm>>) target(%dma_start3A_231 : memref<128x64xi32, #tpu.memory_space<vmem>>) offsets(%dma_start3A_234 : memref<128xi32, #tpu.memory_space<vmem>>) semaphore(%arg26 : memref<!tpu.dma_semaphore, #tpu.memory_space<semaphore_mem>>)
      %dma_start3A_238 = arith.constant 1 : i32
      %dma_start3A_239 = arith.constant 1 : i32
      %dma_start3A_240 = arith.constant 0 : i32
      %dma_start3A_241 = tpu.memref_slice %arg16[%dma_start3A_239, %dma_start3A_240] : memref<2x128xf32, #tpu.memory_space<vmem>> -> memref<1x128xf32, #tpu.memory_space<vmem>>
      %dma_start3A_242 = tpu.memref_squeeze %dma_start3A_241 : memref<1x128xf32, #tpu.memory_space<vmem>> -> memref<128xf32, #tpu.memory_space<vmem>>
      %dma_start3A_243 = arith.constant 0 : i32
      %dma_start3A_244 = tpu.memref_slice %arg14[%dma_start3A_238, %dma_start3A_243] : memref<2x128xi32, #tpu.memory_space<vmem>> -> memref<1x128xi32, #tpu.memory_space<vmem>>
      %dma_start3A_245 = tpu.memref_squeeze %dma_start3A_244 : memref<1x128xi32, #tpu.memory_space<vmem>> -> memref<128xi32, #tpu.memory_space<vmem>>
      %dma_start3A_246 = arith.constant 0 : i32
      %dma_start3A_247 = tpu.memref_slice %arg9[%dma_start3A_246] : memref<10240xf32, #tpu.memory_space<vmem_shared>> -> memref<10240xf32, #tpu.memory_space<vmem_shared>>
      tpu.enqueue_indirect_dma source(%dma_start3A_247 : memref<10240xf32, #tpu.memory_space<vmem_shared>>) target(%dma_start3A_242 : memref<128xf32, #tpu.memory_space<vmem>>) offsets(%dma_start3A_245 : memref<128xi32, #tpu.memory_space<vmem>>) semaphore(%arg28 : memref<!tpu.dma_semaphore, #tpu.memory_space<semaphore_mem>>)
      %dma_start3A_248 = arith.constant 1 : i32
      %dma_start3A_249 = arith.constant 1 : i32
      %dma_start3A_250 = arith.constant 0 : i32
      %dma_start3A_251 = tpu.memref_slice %arg17[%dma_start3A_249, %dma_start3A_250] : memref<2x128xf32, #tpu.memory_space<vmem>> -> memref<1x128xf32, #tpu.memory_space<vmem>>
      %dma_start3A_252 = tpu.memref_squeeze %dma_start3A_251 : memref<1x128xf32, #tpu.memory_space<vmem>> -> memref<128xf32, #tpu.memory_space<vmem>>
      %dma_start3A_253 = arith.constant 0 : i32
      %dma_start3A_254 = tpu.memref_slice %arg13[%dma_start3A_248, %dma_start3A_253] : memref<2x128xi32, #tpu.memory_space<vmem>> -> memref<1x128xi32, #tpu.memory_space<vmem>>
      %dma_start3A_255 = tpu.memref_squeeze %dma_start3A_254 : memref<1x128xi32, #tpu.memory_space<vmem>> -> memref<128xi32, #tpu.memory_space<vmem>>
      %dma_start3A_256 = arith.constant 0 : i32
      %dma_start3A_257 = tpu.memref_slice %arg10[%dma_start3A_256] : memref<10240xf32, #tpu.memory_space<vmem_shared>> -> memref<10240xf32, #tpu.memory_space<vmem_shared>>
      tpu.enqueue_indirect_dma source(%dma_start3A_257 : memref<10240xf32, #tpu.memory_space<vmem_shared>>) target(%dma_start3A_252 : memref<128xf32, #tpu.memory_space<vmem>>) offsets(%dma_start3A_255 : memref<128xi32, #tpu.memory_space<vmem>>) semaphore(%arg28 : memref<!tpu.dma_semaphore, #tpu.memory_space<semaphore_mem>>)
      %dma_start3A_258 = arith.constant 1 : i32
      %dma_start3A_259 = arith.constant 1 : i32
      %dma_start3A_260 = arith.constant 0 : i32
      %dma_start3A_261 = tpu.memref_slice %arg18[%dma_start3A_259, %dma_start3A_260] : memref<2x128xf32, #tpu.memory_space<vmem>> -> memref<1x128xf32, #tpu.memory_space<vmem>>
      %dma_start3A_262 = tpu.memref_squeeze %dma_start3A_261 : memref<1x128xf32, #tpu.memory_space<vmem>> -> memref<128xf32, #tpu.memory_space<vmem>>
      %dma_start3A_263 = arith.constant 0 : i32
      %dma_start3A_264 = tpu.memref_slice %arg14[%dma_start3A_258, %dma_start3A_263] : memref<2x128xi32, #tpu.memory_space<vmem>> -> memref<1x128xi32, #tpu.memory_space<vmem>>
      %dma_start3A_265 = tpu.memref_squeeze %dma_start3A_264 : memref<1x128xi32, #tpu.memory_space<vmem>> -> memref<128xi32, #tpu.memory_space<vmem>>
      %dma_start3A_266 = arith.constant 0 : i32
      %dma_start3A_267 = tpu.memref_slice %arg11[%dma_start3A_266] : memref<10240xf32, #tpu.memory_space<vmem_shared>> -> memref<10240xf32, #tpu.memory_space<vmem_shared>>
      tpu.enqueue_indirect_dma source(%dma_start3A_267 : memref<10240xf32, #tpu.memory_space<vmem_shared>>) target(%dma_start3A_262 : memref<128xf32, #tpu.memory_space<vmem>>) offsets(%dma_start3A_265 : memref<128xi32, #tpu.memory_space<vmem>>) semaphore(%arg28 : memref<!tpu.dma_semaphore, #tpu.memory_space<semaphore_mem>>)
      %dma_start3A_268 = arith.constant 1 : i32
      %dma_start3A_269 = arith.constant 1 : i32
      %dma_start3A_270 = arith.constant 0 : i32
      %dma_start3A_271 = tpu.memref_slice %arg19[%dma_start3A_269, %dma_start3A_270] : memref<2x128xf32, #tpu.memory_space<vmem>> -> memref<1x128xf32, #tpu.memory_space<vmem>>
      %dma_start3A_272 = tpu.memref_squeeze %dma_start3A_271 : memref<1x128xf32, #tpu.memory_space<vmem>> -> memref<128xf32, #tpu.memory_space<vmem>>
      %dma_start3A_273 = arith.constant 0 : i32
      %dma_start3A_274 = tpu.memref_slice %arg13[%dma_start3A_268, %dma_start3A_273] : memref<2x128xi32, #tpu.memory_space<vmem>> -> memref<1x128xi32, #tpu.memory_space<vmem>>
      %dma_start3A_275 = tpu.memref_squeeze %dma_start3A_274 : memref<1x128xi32, #tpu.memory_space<vmem>> -> memref<128xi32, #tpu.memory_space<vmem>>
      %dma_start3A_276 = arith.constant 0 : i32
      %dma_start3A_277 = tpu.memref_slice %arg11[%dma_start3A_276] : memref<10240xf32, #tpu.memory_space<vmem_shared>> -> memref<10240xf32, #tpu.memory_space<vmem_shared>>
      tpu.enqueue_indirect_dma source(%dma_start3A_277 : memref<10240xf32, #tpu.memory_space<vmem_shared>>) target(%dma_start3A_272 : memref<128xf32, #tpu.memory_space<vmem>>) offsets(%dma_start3A_275 : memref<128xi32, #tpu.memory_space<vmem>>) semaphore(%arg28 : memref<!tpu.dma_semaphore, #tpu.memory_space<semaphore_mem>>)
      %dma_wait3A_278 = arith.constant 0 : i32
      %dma_wait3A_279 = arith.constant 0 : i32
      %dma_wait3A_280 = arith.constant 0 : i32
      %dma_wait3A_281 = tpu.memref_slice %arg16[%dma_wait3A_279, %dma_wait3A_280] : memref<2x128xf32, #tpu.memory_space<vmem>> -> memref<1x128xf32, #tpu.memory_space<vmem>>
      %dma_wait3A_282 = tpu.memref_squeeze %dma_wait3A_281 : memref<1x128xf32, #tpu.memory_space<vmem>> -> memref<128xf32, #tpu.memory_space<vmem>>
      %dma_wait3A_283 = arith.constant 0 : i32
      %dma_wait3A_284 = tpu.memref_slice %arg14[%dma_wait3A_278, %dma_wait3A_283] : memref<2x128xi32, #tpu.memory_space<vmem>> -> memref<1x128xi32, #tpu.memory_space<vmem>>
      %dma_wait3A_285 = tpu.memref_squeeze %dma_wait3A_284 : memref<1x128xi32, #tpu.memory_space<vmem>> -> memref<128xi32, #tpu.memory_space<vmem>>
      %dma_wait3A_286 = arith.constant 0 : i32
      %dma_wait3A_287 = tpu.memref_slice %arg9[%dma_wait3A_286] : memref<10240xf32, #tpu.memory_space<vmem_shared>> -> memref<10240xf32, #tpu.memory_space<vmem_shared>>
      tpu.wait_indirect_dma semaphore(%arg27 : memref<!tpu.dma_semaphore, #tpu.memory_space<semaphore_mem>>) src(%dma_wait3A_287 : memref<10240xf32, #tpu.memory_space<vmem_shared>>) dst(%dma_wait3A_282 : memref<128xf32, #tpu.memory_space<vmem>>)
      %dma_wait3A_288 = arith.constant 0 : i32
      %dma_wait3A_289 = arith.constant 0 : i32
      %dma_wait3A_290 = arith.constant 0 : i32
      %dma_wait3A_291 = tpu.memref_slice %arg17[%dma_wait3A_289, %dma_wait3A_290] : memref<2x128xf32, #tpu.memory_space<vmem>> -> memref<1x128xf32, #tpu.memory_space<vmem>>
      %dma_wait3A_292 = tpu.memref_squeeze %dma_wait3A_291 : memref<1x128xf32, #tpu.memory_space<vmem>> -> memref<128xf32, #tpu.memory_space<vmem>>
      %dma_wait3A_293 = arith.constant 0 : i32
      %dma_wait3A_294 = tpu.memref_slice %arg13[%dma_wait3A_288, %dma_wait3A_293] : memref<2x128xi32, #tpu.memory_space<vmem>> -> memref<1x128xi32, #tpu.memory_space<vmem>>
      %dma_wait3A_295 = tpu.memref_squeeze %dma_wait3A_294 : memref<1x128xi32, #tpu.memory_space<vmem>> -> memref<128xi32, #tpu.memory_space<vmem>>
      %dma_wait3A_296 = arith.constant 0 : i32
      %dma_wait3A_297 = tpu.memref_slice %arg10[%dma_wait3A_296] : memref<10240xf32, #tpu.memory_space<vmem_shared>> -> memref<10240xf32, #tpu.memory_space<vmem_shared>>
      tpu.wait_indirect_dma semaphore(%arg27 : memref<!tpu.dma_semaphore, #tpu.memory_space<semaphore_mem>>) src(%dma_wait3A_297 : memref<10240xf32, #tpu.memory_space<vmem_shared>>) dst(%dma_wait3A_292 : memref<128xf32, #tpu.memory_space<vmem>>)
      %dma_wait3A_298 = arith.constant 0 : i32
      %dma_wait3A_299 = arith.constant 0 : i32
      %dma_wait3A_300 = arith.constant 0 : i32
      %dma_wait3A_301 = tpu.memref_slice %arg18[%dma_wait3A_299, %dma_wait3A_300] : memref<2x128xf32, #tpu.memory_space<vmem>> -> memref<1x128xf32, #tpu.memory_space<vmem>>
      %dma_wait3A_302 = tpu.memref_squeeze %dma_wait3A_301 : memref<1x128xf32, #tpu.memory_space<vmem>> -> memref<128xf32, #tpu.memory_space<vmem>>
      %dma_wait3A_303 = arith.constant 0 : i32
      %dma_wait3A_304 = tpu.memref_slice %arg14[%dma_wait3A_298, %dma_wait3A_303] : memref<2x128xi32, #tpu.memory_space<vmem>> -> memref<1x128xi32, #tpu.memory_space<vmem>>
      %dma_wait3A_305 = tpu.memref_squeeze %dma_wait3A_304 : memref<1x128xi32, #tpu.memory_space<vmem>> -> memref<128xi32, #tpu.memory_space<vmem>>
      %dma_wait3A_306 = arith.constant 0 : i32
      %dma_wait3A_307 = tpu.memref_slice %arg11[%dma_wait3A_306] : memref<10240xf32, #tpu.memory_space<vmem_shared>> -> memref<10240xf32, #tpu.memory_space<vmem_shared>>
      tpu.wait_indirect_dma semaphore(%arg27 : memref<!tpu.dma_semaphore, #tpu.memory_space<semaphore_mem>>) src(%dma_wait3A_307 : memref<10240xf32, #tpu.memory_space<vmem_shared>>) dst(%dma_wait3A_302 : memref<128xf32, #tpu.memory_space<vmem>>)
      %dma_wait3A_308 = arith.constant 0 : i32
      %dma_wait3A_309 = arith.constant 0 : i32
      %dma_wait3A_310 = arith.constant 0 : i32
      %dma_wait3A_311 = tpu.memref_slice %arg19[%dma_wait3A_309, %dma_wait3A_310] : memref<2x128xf32, #tpu.memory_space<vmem>> -> memref<1x128xf32, #tpu.memory_space<vmem>>
      %dma_wait3A_312 = tpu.memref_squeeze %dma_wait3A_311 : memref<1x128xf32, #tpu.memory_space<vmem>> -> memref<128xf32, #tpu.memory_space<vmem>>
      %dma_wait3A_313 = arith.constant 0 : i32
      %dma_wait3A_314 = tpu.memref_slice %arg13[%dma_wait3A_308, %dma_wait3A_313] : memref<2x128xi32, #tpu.memory_space<vmem>> -> memref<1x128xi32, #tpu.memory_space<vmem>>
      %dma_wait3A_315 = tpu.memref_squeeze %dma_wait3A_314 : memref<1x128xi32, #tpu.memory_space<vmem>> -> memref<128xi32, #tpu.memory_space<vmem>>
      %dma_wait3A_316 = arith.constant 0 : i32
      %dma_wait3A_317 = tpu.memref_slice %arg11[%dma_wait3A_316] : memref<10240xf32, #tpu.memory_space<vmem_shared>> -> memref<10240xf32, #tpu.memory_space<vmem_shared>>
      tpu.wait_indirect_dma semaphore(%arg27 : memref<!tpu.dma_semaphore, #tpu.memory_space<semaphore_mem>>) src(%dma_wait3A_317 : memref<10240xf32, #tpu.memory_space<vmem_shared>>) dst(%dma_wait3A_312 : memref<128xf32, #tpu.memory_space<vmem>>)
      %get3A = arith.constant 0 : i32
      %get3A_318 = arith.index_cast %get3A : i32 to index
      %get3A_319 = arith.constant 0 : index
      %get3A_320 = tpu.vector_load %arg16[%get3A_318, %get3A_319] {strides = array<i32>} : memref<2x128xf32, #tpu.memory_space<vmem>>, vector<16xf32>,
      %get3A_321 = arith.constant 0 : i32
      %get3A_322 = arith.index_cast %get3A_321 : i32 to index
      %get3A_323 = arith.constant 0 : index
      %get3A_324 = tpu.vector_load %arg17[%get3A_322, %get3A_323] {strides = array<i32>} : memref<2x128xf32, #tpu.memory_space<vmem>>, vector<16xf32>,
      %add3A_325 = arith.addf %get3A_320, %get3A_324 : vector<16xf32>
      %abs3A = math.absf %add3A_325 : vector<16xf32>
      %mul3A_326 = arith.constant -2.000000e+00 : f32
      %mul3A_327 = vector.broadcast %mul3A_326 : f32 to vector<16xf32>
      %mul3A_328 = arith.mulf %mul3A_327, %abs3A : vector<16xf32>
      %exp3A = math.exp %mul3A_328 : vector<16xf32>
      %sub3A_329 = arith.constant 1.000000e+00 : f32
      %sub3A_330 = vector.broadcast %sub3A_329 : f32 to vector<16xf32>
      %sub3A_331 = arith.subf %sub3A_330, %exp3A : vector<16xf32>
      %add3A_332 = arith.constant 1.000000e+00 : f32
      %add3A_333 = vector.broadcast %add3A_332 : f32 to vector<16xf32>
      %add3A_334 = arith.addf %add3A_333, %exp3A : vector<16xf32>
      %div3A_335 = arith.divf %sub3A_331, %add3A_334 : vector<16xf32>
      %lt3A = arith.constant 0.000000e+00 : f32
      %lt3A_336 = vector.broadcast %lt3A : f32 to vector<16xf32>
      %lt3A_337 = arith.cmpf olt, %add3A_325, %lt3A_336 : vector<16xf32>
      %neg3A = arith.constant 0.000000e+00 : f32
      %neg3A_338 = vector.broadcast %neg3A : f32 to vector<16xf32>
      %neg3A_339 = arith.subf %neg3A_338, %div3A_335 : vector<16xf32>
      %select_n3A_340 = arith.select %lt3A_337, %neg3A_339, %div3A_335 : vector<16xi1>, vector<16xf32>
      %get3A_341 = arith.constant 0 : i32
      %get3A_342 = arith.index_cast %get3A_341 : i32 to index
      %get3A_343 = arith.constant 0 : index
      %get3A_344 = tpu.vector_load %arg18[%get3A_342, %get3A_343] {strides = array<i32>} : memref<2x128xf32, #tpu.memory_space<vmem>>, vector<16xf32>,
      %mul3A_345 = arith.mulf %select_n3A_340, %get3A_344 : vector<16xf32>
      %get3A_346 = arith.constant 0 : i32
      %get3A_347 = arith.index_cast %get3A_346 : i32 to index
      %get3A_348 = arith.constant 0 : index
      %get3A_349 = tpu.vector_load %arg19[%get3A_347, %get3A_348] {strides = array<i32>} : memref<2x128xf32, #tpu.memory_space<vmem>>, vector<16xf32>,
      %mul3A_350 = arith.mulf %mul3A_345, %get3A_349 : vector<16xf32>
      %swap3A = arith.constant 0 : i32
      %swap3A_351 = arith.index_cast %swap3A : i32 to index
      %swap3A_352 = arith.constant 0 : index
      %swap3A_353 = tpu.vector_load %arg15[%swap3A_351, %swap3A_352] {strides = array<i32>} : memref<2x144xf32, #tpu.memory_space<vmem>>, vector<16xf32>,
      tpu.vector_store %arg15[%swap3A_351, %swap3A_352], %mul3A_350 {strides = array<i32>} : memref<2x144xf32, #tpu.memory_space<vmem>>, vector<16xf32>,
      %get3A_354 = arith.constant 0 : i32
      %get3A_355 = arith.index_cast %get3A_354 : i32 to index
      %get3A_356 = arith.constant 16 : index
      %get3A_357 = tpu.vector_load %arg16[%get3A_355, %get3A_356] {strides = array<i32>} : memref<2x128xf32, #tpu.memory_space<vmem>>, vector<16xf32>,
      %get3A_358 = arith.constant 0 : i32
      %get3A_359 = arith.index_cast %get3A_358 : i32 to index
      %get3A_360 = arith.constant 16 : index
      %get3A_361 = tpu.vector_load %arg17[%get3A_359, %get3A_360] {strides = array<i32>} : memref<2x128xf32, #tpu.memory_space<vmem>>, vector<16xf32>,
      %add3A_362 = arith.addf %get3A_357, %get3A_361 : vector<16xf32>
      %abs3A_363 = math.absf %add3A_362 : vector<16xf32>
      %mul3A_364 = arith.constant -2.000000e+00 : f32
      %mul3A_365 = vector.broadcast %mul3A_364 : f32 to vector<16xf32>
      %mul3A_366 = arith.mulf %mul3A_365, %abs3A_363 : vector<16xf32>
      %exp3A_367 = math.exp %mul3A_366 : vector<16xf32>
      %sub3A_368 = arith.constant 1.000000e+00 : f32
      %sub3A_369 = vector.broadcast %sub3A_368 : f32 to vector<16xf32>
      %sub3A_370 = arith.subf %sub3A_369, %exp3A_367 : vector<16xf32>
      %add3A_371 = arith.constant 1.000000e+00 : f32
      %add3A_372 = vector.broadcast %add3A_371 : f32 to vector<16xf32>
      %add3A_373 = arith.addf %add3A_372, %exp3A_367 : vector<16xf32>
      %div3A_374 = arith.divf %sub3A_370, %add3A_373 : vector<16xf32>
      %lt3A_375 = arith.constant 0.000000e+00 : f32
      %lt3A_376 = vector.broadcast %lt3A_375 : f32 to vector<16xf32>
      %lt3A_377 = arith.cmpf olt, %add3A_362, %lt3A_376 : vector<16xf32>
      %neg3A_378 = arith.constant 0.000000e+00 : f32
      %neg3A_379 = vector.broadcast %neg3A_378 : f32 to vector<16xf32>
      %neg3A_380 = arith.subf %neg3A_379, %div3A_374 : vector<16xf32>
      %select_n3A_381 = arith.select %lt3A_377, %neg3A_380, %div3A_374 : vector<16xi1>, vector<16xf32>
      %get3A_382 = arith.constant 0 : i32
      %get3A_383 = arith.index_cast %get3A_382 : i32 to index
      %get3A_384 = arith.constant 16 : index
      %get3A_385 = tpu.vector_load %arg18[%get3A_383, %get3A_384] {strides = array<i32>} : memref<2x128xf32, #tpu.memory_space<vmem>>, vector<16xf32>,
      %mul3A_386 = arith.mulf %select_n3A_381, %get3A_385 : vector<16xf32>
      %get3A_387 = arith.constant 0 : i32
      %get3A_388 = arith.index_cast %get3A_387 : i32 to index
      %get3A_389 = arith.constant 16 : index
      %get3A_390 = tpu.vector_load %arg19[%get3A_388, %get3A_389] {strides = array<i32>} : memref<2x128xf32, #tpu.memory_space<vmem>>, vector<16xf32>,
      %mul3A_391 = arith.mulf %mul3A_386, %get3A_390 : vector<16xf32>
      %swap3A_392 = arith.constant 0 : i32
      %swap3A_393 = arith.index_cast %swap3A_392 : i32 to index
      %swap3A_394 = arith.constant 16 : index
      %swap3A_395 = tpu.vector_load %arg15[%swap3A_393, %swap3A_394] {strides = array<i32>} : memref<2x144xf32, #tpu.memory_space<vmem>>, vector<16xf32>,
      tpu.vector_store %arg15[%swap3A_393, %swap3A_394], %mul3A_391 {strides = array<i32>} : memref<2x144xf32, #tpu.memory_space<vmem>>, vector<16xf32>,
      %get3A_396 = arith.constant 0 : i32
      %get3A_397 = arith.index_cast %get3A_396 : i32 to index
      %get3A_398 = arith.constant 32 : index
      %get3A_399 = tpu.vector_load %arg16[%get3A_397, %get3A_398] {strides = array<i32>} : memref<2x128xf32, #tpu.memory_space<vmem>>, vector<16xf32>,
      %get3A_400 = arith.constant 0 : i32
      %get3A_401 = arith.index_cast %get3A_400 : i32 to index
      %get3A_402 = arith.constant 32 : index
      %get3A_403 = tpu.vector_load %arg17[%get3A_401, %get3A_402] {strides = array<i32>} : memref<2x128xf32, #tpu.memory_space<vmem>>, vector<16xf32>,
      %add3A_404 = arith.addf %get3A_399, %get3A_403 : vector<16xf32>
      %abs3A_405 = math.absf %add3A_404 : vector<16xf32>
      %mul3A_406 = arith.constant -2.000000e+00 : f32
      %mul3A_407 = vector.broadcast %mul3A_406 : f32 to vector<16xf32>
      %mul3A_408 = arith.mulf %mul3A_407, %abs3A_405 : vector<16xf32>
      %exp3A_409 = math.exp %mul3A_408 : vector<16xf32>
      %sub3A_410 = arith.constant 1.000000e+00 : f32
      %sub3A_411 = vector.broadcast %sub3A_410 : f32 to vector<16xf32>
      %sub3A_412 = arith.subf %sub3A_411, %exp3A_409 : vector<16xf32>
      %add3A_413 = arith.constant 1.000000e+00 : f32
      %add3A_414 = vector.broadcast %add3A_413 : f32 to vector<16xf32>
      %add3A_415 = arith.addf %add3A_414, %exp3A_409 : vector<16xf32>
      %div3A_416 = arith.divf %sub3A_412, %add3A_415 : vector<16xf32>
      %lt3A_417 = arith.constant 0.000000e+00 : f32
      %lt3A_418 = vector.broadcast %lt3A_417 : f32 to vector<16xf32>
      %lt3A_419 = arith.cmpf olt, %add3A_404, %lt3A_418 : vector<16xf32>
      %neg3A_420 = arith.constant 0.000000e+00 : f32
      %neg3A_421 = vector.broadcast %neg3A_420 : f32 to vector<16xf32>
      %neg3A_422 = arith.subf %neg3A_421, %div3A_416 : vector<16xf32>
      %select_n3A_423 = arith.select %lt3A_419, %neg3A_422, %div3A_416 : vector<16xi1>, vector<16xf32>
      %get3A_424 = arith.constant 0 : i32
      %get3A_425 = arith.index_cast %get3A_424 : i32 to index
      %get3A_426 = arith.constant 32 : index
      %get3A_427 = tpu.vector_load %arg18[%get3A_425, %get3A_426] {strides = array<i32>} : memref<2x128xf32, #tpu.memory_space<vmem>>, vector<16xf32>,
      %mul3A_428 = arith.mulf %select_n3A_423, %get3A_427 : vector<16xf32>
      %get3A_429 = arith.constant 0 : i32
      %get3A_430 = arith.index_cast %get3A_429 : i32 to index
      %get3A_431 = arith.constant 32 : index
      %get3A_432 = tpu.vector_load %arg19[%get3A_430, %get3A_431] {strides = array<i32>} : memref<2x128xf32, #tpu.memory_space<vmem>>, vector<16xf32>,
      %mul3A_433 = arith.mulf %mul3A_428, %get3A_432 : vector<16xf32>
      %swap3A_434 = arith.constant 0 : i32
      %swap3A_435 = arith.index_cast %swap3A_434 : i32 to index
      %swap3A_436 = arith.constant 32 : index
      %swap3A_437 = tpu.vector_load %arg15[%swap3A_435, %swap3A_436] {strides = array<i32>} : memref<2x144xf32, #tpu.memory_space<vmem>>, vector<16xf32>,
      tpu.vector_store %arg15[%swap3A_435, %swap3A_436], %mul3A_433 {strides = array<i32>} : memref<2x144xf32, #tpu.memory_space<vmem>>, vector<16xf32>,
      %get3A_438 = arith.constant 0 : i32
      %get3A_439 = arith.index_cast %get3A_438 : i32 to index
      %get3A_440 = arith.constant 48 : index
      %get3A_441 = tpu.vector_load %arg16[%get3A_439, %get3A_440] {strides = array<i32>} : memref<2x128xf32, #tpu.memory_space<vmem>>, vector<16xf32>,
      %get3A_442 = arith.constant 0 : i32
      %get3A_443 = arith.index_cast %get3A_442 : i32 to index
      %get3A_444 = arith.constant 48 : index
      %get3A_445 = tpu.vector_load %arg17[%get3A_443, %get3A_444] {strides = array<i32>} : memref<2x128xf32, #tpu.memory_space<vmem>>, vector<16xf32>,
      %add3A_446 = arith.addf %get3A_441, %get3A_445 : vector<16xf32>
      %abs3A_447 = math.absf %add3A_446 : vector<16xf32>
      %mul3A_448 = arith.constant -2.000000e+00 : f32
      %mul3A_449 = vector.broadcast %mul3A_448 : f32 to vector<16xf32>
      %mul3A_450 = arith.mulf %mul3A_449, %abs3A_447 : vector<16xf32>
      %exp3A_451 = math.exp %mul3A_450 : vector<16xf32>
      %sub3A_452 = arith.constant 1.000000e+00 : f32
      %sub3A_453 = vector.broadcast %sub3A_452 : f32 to vector<16xf32>
      %sub3A_454 = arith.subf %sub3A_453, %exp3A_451 : vector<16xf32>
      %add3A_455 = arith.constant 1.000000e+00 : f32
      %add3A_456 = vector.broadcast %add3A_455 : f32 to vector<16xf32>
      %add3A_457 = arith.addf %add3A_456, %exp3A_451 : vector<16xf32>
      %div3A_458 = arith.divf %sub3A_454, %add3A_457 : vector<16xf32>
      %lt3A_459 = arith.constant 0.000000e+00 : f32
      %lt3A_460 = vector.broadcast %lt3A_459 : f32 to vector<16xf32>
      %lt3A_461 = arith.cmpf olt, %add3A_446, %lt3A_460 : vector<16xf32>
      %neg3A_462 = arith.constant 0.000000e+00 : f32
      %neg3A_463 = vector.broadcast %neg3A_462 : f32 to vector<16xf32>
      %neg3A_464 = arith.subf %neg3A_463, %div3A_458 : vector<16xf32>
      %select_n3A_465 = arith.select %lt3A_461, %neg3A_464, %div3A_458 : vector<16xi1>, vector<16xf32>
      %get3A_466 = arith.constant 0 : i32
      %get3A_467 = arith.index_cast %get3A_466 : i32 to index
      %get3A_468 = arith.constant 48 : index
      %get3A_469 = tpu.vector_load %arg18[%get3A_467, %get3A_468] {strides = array<i32>} : memref<2x128xf32, #tpu.memory_space<vmem>>, vector<16xf32>,
      %mul3A_470 = arith.mulf %select_n3A_465, %get3A_469 : vector<16xf32>
      %get3A_471 = arith.constant 0 : i32
      %get3A_472 = arith.index_cast %get3A_471 : i32 to index
      %get3A_473 = arith.constant 48 : index
      %get3A_474 = tpu.vector_load %arg19[%get3A_472, %get3A_473] {strides = array<i32>} : memref<2x128xf32, #tpu.memory_space<vmem>>, vector<16xf32>,
      %mul3A_475 = arith.mulf %mul3A_470, %get3A_474 : vector<16xf32>
      %swap3A_476 = arith.constant 0 : i32
      %swap3A_477 = arith.index_cast %swap3A_476 : i32 to index
      %swap3A_478 = arith.constant 48 : index
      %swap3A_479 = tpu.vector_load %arg15[%swap3A_477, %swap3A_478] {strides = array<i32>} : memref<2x144xf32, #tpu.memory_space<vmem>>, vector<16xf32>,
      tpu.vector_store %arg15[%swap3A_477, %swap3A_478], %mul3A_475 {strides = array<i32>} : memref<2x144xf32, #tpu.memory_space<vmem>>, vector<16xf32>,
      %get3A_480 = arith.constant 0 : i32
      %get3A_481 = arith.index_cast %get3A_480 : i32 to index
      %get3A_482 = arith.constant 64 : index
      %get3A_483 = tpu.vector_load %arg16[%get3A_481, %get3A_482] {strides = array<i32>} : memref<2x128xf32, #tpu.memory_space<vmem>>, vector<16xf32>,
      %get3A_484 = arith.constant 0 : i32
      %get3A_485 = arith.index_cast %get3A_484 : i32 to index
      %get3A_486 = arith.constant 64 : index
      %get3A_487 = tpu.vector_load %arg17[%get3A_485, %get3A_486] {strides = array<i32>} : memref<2x128xf32, #tpu.memory_space<vmem>>, vector<16xf32>,
      %add3A_488 = arith.addf %get3A_483, %get3A_487 : vector<16xf32>
      %abs3A_489 = math.absf %add3A_488 : vector<16xf32>
      %mul3A_490 = arith.constant -2.000000e+00 : f32
      %mul3A_491 = vector.broadcast %mul3A_490 : f32 to vector<16xf32>
      %mul3A_492 = arith.mulf %mul3A_491, %abs3A_489 : vector<16xf32>
      %exp3A_493 = math.exp %mul3A_492 : vector<16xf32>
      %sub3A_494 = arith.constant 1.000000e+00 : f32
      %sub3A_495 = vector.broadcast %sub3A_494 : f32 to vector<16xf32>
      %sub3A_496 = arith.subf %sub3A_495, %exp3A_493 : vector<16xf32>
      %add3A_497 = arith.constant 1.000000e+00 : f32
      %add3A_498 = vector.broadcast %add3A_497 : f32 to vector<16xf32>
      %add3A_499 = arith.addf %add3A_498, %exp3A_493 : vector<16xf32>
      %div3A_500 = arith.divf %sub3A_496, %add3A_499 : vector<16xf32>
      %lt3A_501 = arith.constant 0.000000e+00 : f32
      %lt3A_502 = vector.broadcast %lt3A_501 : f32 to vector<16xf32>
      %lt3A_503 = arith.cmpf olt, %add3A_488, %lt3A_502 : vector<16xf32>
      %neg3A_504 = arith.constant 0.000000e+00 : f32
      %neg3A_505 = vector.broadcast %neg3A_504 : f32 to vector<16xf32>
      %neg3A_506 = arith.subf %neg3A_505, %div3A_500 : vector<16xf32>
      %select_n3A_507 = arith.select %lt3A_503, %neg3A_506, %div3A_500 : vector<16xi1>, vector<16xf32>
      %get3A_508 = arith.constant 0 : i32
      %get3A_509 = arith.index_cast %get3A_508 : i32 to index
      %get3A_510 = arith.constant 64 : index
      %get3A_511 = tpu.vector_load %arg18[%get3A_509, %get3A_510] {strides = array<i32>} : memref<2x128xf32, #tpu.memory_space<vmem>>, vector<16xf32>,
      %mul3A_512 = arith.mulf %select_n3A_507, %get3A_511 : vector<16xf32>
      %get3A_513 = arith.constant 0 : i32
      %get3A_514 = arith.index_cast %get3A_513 : i32 to index
      %get3A_515 = arith.constant 64 : index
      %get3A_516 = tpu.vector_load %arg19[%get3A_514, %get3A_515] {strides = array<i32>} : memref<2x128xf32, #tpu.memory_space<vmem>>, vector<16xf32>,
      %mul3A_517 = arith.mulf %mul3A_512, %get3A_516 : vector<16xf32>
      %swap3A_518 = arith.constant 0 : i32
      %swap3A_519 = arith.index_cast %swap3A_518 : i32 to index
      %swap3A_520 = arith.constant 64 : index
      %swap3A_521 = tpu.vector_load %arg15[%swap3A_519, %swap3A_520] {strides = array<i32>} : memref<2x144xf32, #tpu.memory_space<vmem>>, vector<16xf32>,
      tpu.vector_store %arg15[%swap3A_519, %swap3A_520], %mul3A_517 {strides = array<i32>} : memref<2x144xf32, #tpu.memory_space<vmem>>, vector<16xf32>,
      %get3A_522 = arith.constant 0 : i32
      %get3A_523 = arith.index_cast %get3A_522 : i32 to index
      %get3A_524 = arith.constant 80 : index
      %get3A_525 = tpu.vector_load %arg16[%get3A_523, %get3A_524] {strides = array<i32>} : memref<2x128xf32, #tpu.memory_space<vmem>>, vector<16xf32>,
      %get3A_526 = arith.constant 0 : i32
      %get3A_527 = arith.index_cast %get3A_526 : i32 to index
      %get3A_528 = arith.constant 80 : index
      %get3A_529 = tpu.vector_load %arg17[%get3A_527, %get3A_528] {strides = array<i32>} : memref<2x128xf32, #tpu.memory_space<vmem>>, vector<16xf32>,
      %add3A_530 = arith.addf %get3A_525, %get3A_529 : vector<16xf32>
      %abs3A_531 = math.absf %add3A_530 : vector<16xf32>
      %mul3A_532 = arith.constant -2.000000e+00 : f32
      %mul3A_533 = vector.broadcast %mul3A_532 : f32 to vector<16xf32>
      %mul3A_534 = arith.mulf %mul3A_533, %abs3A_531 : vector<16xf32>
      %exp3A_535 = math.exp %mul3A_534 : vector<16xf32>
      %sub3A_536 = arith.constant 1.000000e+00 : f32
      %sub3A_537 = vector.broadcast %sub3A_536 : f32 to vector<16xf32>
      %sub3A_538 = arith.subf %sub3A_537, %exp3A_535 : vector<16xf32>
      %add3A_539 = arith.constant 1.000000e+00 : f32
      %add3A_540 = vector.broadcast %add3A_539 : f32 to vector<16xf32>
      %add3A_541 = arith.addf %add3A_540, %exp3A_535 : vector<16xf32>
      %div3A_542 = arith.divf %sub3A_538, %add3A_541 : vector<16xf32>
      %lt3A_543 = arith.constant 0.000000e+00 : f32
      %lt3A_544 = vector.broadcast %lt3A_543 : f32 to vector<16xf32>
      %lt3A_545 = arith.cmpf olt, %add3A_530, %lt3A_544 : vector<16xf32>
      %neg3A_546 = arith.constant 0.000000e+00 : f32
      %neg3A_547 = vector.broadcast %neg3A_546 : f32 to vector<16xf32>
      %neg3A_548 = arith.subf %neg3A_547, %div3A_542 : vector<16xf32>
      %select_n3A_549 = arith.select %lt3A_545, %neg3A_548, %div3A_542 : vector<16xi1>, vector<16xf32>
      %get3A_550 = arith.constant 0 : i32
      %get3A_551 = arith.index_cast %get3A_550 : i32 to index
      %get3A_552 = arith.constant 80 : index
      %get3A_553 = tpu.vector_load %arg18[%get3A_551, %get3A_552] {strides = array<i32>} : memref<2x128xf32, #tpu.memory_space<vmem>>, vector<16xf32>,
      %mul3A_554 = arith.mulf %select_n3A_549, %get3A_553 : vector<16xf32>
      %get3A_555 = arith.constant 0 : i32
      %get3A_556 = arith.index_cast %get3A_555 : i32 to index
      %get3A_557 = arith.constant 80 : index
      %get3A_558 = tpu.vector_load %arg19[%get3A_556, %get3A_557] {strides = array<i32>} : memref<2x128xf32, #tpu.memory_space<vmem>>, vector<16xf32>,
      %mul3A_559 = arith.mulf %mul3A_554, %get3A_558 : vector<16xf32>
      %swap3A_560 = arith.constant 0 : i32
      %swap3A_561 = arith.index_cast %swap3A_560 : i32 to index
      %swap3A_562 = arith.constant 80 : index
      %swap3A_563 = tpu.vector_load %arg15[%swap3A_561, %swap3A_562] {strides = array<i32>} : memref<2x144xf32, #tpu.memory_space<vmem>>, vector<16xf32>,
      tpu.vector_store %arg15[%swap3A_561, %swap3A_562], %mul3A_559 {strides = array<i32>} : memref<2x144xf32, #tpu.memory_space<vmem>>, vector<16xf32>,
      %get3A_564 = arith.constant 0 : i32
      %get3A_565 = arith.index_cast %get3A_564 : i32 to index
      %get3A_566 = arith.constant 96 : index
      %get3A_567 = tpu.vector_load %arg16[%get3A_565, %get3A_566] {strides = array<i32>} : memref<2x128xf32, #tpu.memory_space<vmem>>, vector<16xf32>,
      %get3A_568 = arith.constant 0 : i32
      %get3A_569 = arith.index_cast %get3A_568 : i32 to index
      %get3A_570 = arith.constant 96 : index
      %get3A_571 = tpu.vector_load %arg17[%get3A_569, %get3A_570] {strides = array<i32>} : memref<2x128xf32, #tpu.memory_space<vmem>>, vector<16xf32>,
      %add3A_572 = arith.addf %get3A_567, %get3A_571 : vector<16xf32>
      %abs3A_573 = math.absf %add3A_572 : vector<16xf32>
      %mul3A_574 = arith.constant -2.000000e+00 : f32
      %mul3A_575 = vector.broadcast %mul3A_574 : f32 to vector<16xf32>
      %mul3A_576 = arith.mulf %mul3A_575, %abs3A_573 : vector<16xf32>
      %exp3A_577 = math.exp %mul3A_576 : vector<16xf32>
      %sub3A_578 = arith.constant 1.000000e+00 : f32
      %sub3A_579 = vector.broadcast %sub3A_578 : f32 to vector<16xf32>
      %sub3A_580 = arith.subf %sub3A_579, %exp3A_577 : vector<16xf32>
      %add3A_581 = arith.constant 1.000000e+00 : f32
      %add3A_582 = vector.broadcast %add3A_581 : f32 to vector<16xf32>
      %add3A_583 = arith.addf %add3A_582, %exp3A_577 : vector<16xf32>
      %div3A_584 = arith.divf %sub3A_580, %add3A_583 : vector<16xf32>
      %lt3A_585 = arith.constant 0.000000e+00 : f32
      %lt3A_586 = vector.broadcast %lt3A_585 : f32 to vector<16xf32>
      %lt3A_587 = arith.cmpf olt, %add3A_572, %lt3A_586 : vector<16xf32>
      %neg3A_588 = arith.constant 0.000000e+00 : f32
      %neg3A_589 = vector.broadcast %neg3A_588 : f32 to vector<16xf32>
      %neg3A_590 = arith.subf %neg3A_589, %div3A_584 : vector<16xf32>
      %select_n3A_591 = arith.select %lt3A_587, %neg3A_590, %div3A_584 : vector<16xi1>, vector<16xf32>
      %get3A_592 = arith.constant 0 : i32
      %get3A_593 = arith.index_cast %get3A_592 : i32 to index
      %get3A_594 = arith.constant 96 : index
      %get3A_595 = tpu.vector_load %arg18[%get3A_593, %get3A_594] {strides = array<i32>} : memref<2x128xf32, #tpu.memory_space<vmem>>, vector<16xf32>,
      %mul3A_596 = arith.mulf %select_n3A_591, %get3A_595 : vector<16xf32>
      %get3A_597 = arith.constant 0 : i32
      %get3A_598 = arith.index_cast %get3A_597 : i32 to index
      %get3A_599 = arith.constant 96 : index
      %get3A_600 = tpu.vector_load %arg19[%get3A_598, %get3A_599] {strides = array<i32>} : memref<2x128xf32, #tpu.memory_space<vmem>>, vector<16xf32>,
      %mul3A_601 = arith.mulf %mul3A_596, %get3A_600 : vector<16xf32>
      %swap3A_602 = arith.constant 0 : i32
      %swap3A_603 = arith.index_cast %swap3A_602 : i32 to index
      %swap3A_604 = arith.constant 96 : index
      %swap3A_605 = tpu.vector_load %arg15[%swap3A_603, %swap3A_604] {strides = array<i32>} : memref<2x144xf32, #tpu.memory_space<vmem>>, vector<16xf32>,
      tpu.vector_store %arg15[%swap3A_603, %swap3A_604], %mul3A_601 {strides = array<i32>} : memref<2x144xf32, #tpu.memory_space<vmem>>, vector<16xf32>,
      %get3A_606 = arith.constant 0 : i32
      %get3A_607 = arith.index_cast %get3A_606 : i32 to index
      %get3A_608 = arith.constant 112 : index
      %get3A_609 = tpu.vector_load %arg16[%get3A_607, %get3A_608] {strides = array<i32>} : memref<2x128xf32, #tpu.memory_space<vmem>>, vector<16xf32>,
      %get3A_610 = arith.constant 0 : i32
      %get3A_611 = arith.index_cast %get3A_610 : i32 to index
      %get3A_612 = arith.constant 112 : index
      %get3A_613 = tpu.vector_load %arg17[%get3A_611, %get3A_612] {strides = array<i32>} : memref<2x128xf32, #tpu.memory_space<vmem>>, vector<16xf32>,
      %add3A_614 = arith.addf %get3A_609, %get3A_613 : vector<16xf32>
      %abs3A_615 = math.absf %add3A_614 : vector<16xf32>
      %mul3A_616 = arith.constant -2.000000e+00 : f32
      %mul3A_617 = vector.broadcast %mul3A_616 : f32 to vector<16xf32>
      %mul3A_618 = arith.mulf %mul3A_617, %abs3A_615 : vector<16xf32>
      %exp3A_619 = math.exp %mul3A_618 : vector<16xf32>
      %sub3A_620 = arith.constant 1.000000e+00 : f32
      %sub3A_621 = vector.broadcast %sub3A_620 : f32 to vector<16xf32>
      %sub3A_622 = arith.subf %sub3A_621, %exp3A_619 : vector<16xf32>
      %add3A_623 = arith.constant 1.000000e+00 : f32
      %add3A_624 = vector.broadcast %add3A_623 : f32 to vector<16xf32>
      %add3A_625 = arith.addf %add3A_624, %exp3A_619 : vector<16xf32>
      %div3A_626 = arith.divf %sub3A_622, %add3A_625 : vector<16xf32>
      %lt3A_627 = arith.constant 0.000000e+00 : f32
      %lt3A_628 = vector.broadcast %lt3A_627 : f32 to vector<16xf32>
      %lt3A_629 = arith.cmpf olt, %add3A_614, %lt3A_628 : vector<16xf32>
      %neg3A_630 = arith.constant 0.000000e+00 : f32
      %neg3A_631 = vector.broadcast %neg3A_630 : f32 to vector<16xf32>
      %neg3A_632 = arith.subf %neg3A_631, %div3A_626 : vector<16xf32>
      %select_n3A_633 = arith.select %lt3A_629, %neg3A_632, %div3A_626 : vector<16xi1>, vector<16xf32>
      %get3A_634 = arith.constant 0 : i32
      %get3A_635 = arith.index_cast %get3A_634 : i32 to index
      %get3A_636 = arith.constant 112 : index
      %get3A_637 = tpu.vector_load %arg18[%get3A_635, %get3A_636] {strides = array<i32>} : memref<2x128xf32, #tpu.memory_space<vmem>>, vector<16xf32>,
      %mul3A_638 = arith.mulf %select_n3A_633, %get3A_637 : vector<16xf32>
      %get3A_639 = arith.constant 0 : i32
      %get3A_640 = arith.index_cast %get3A_639 : i32 to index
      %get3A_641 = arith.constant 112 : index
      %get3A_642 = tpu.vector_load %arg19[%get3A_640, %get3A_641] {strides = array<i32>} : memref<2x128xf32, #tpu.memory_space<vmem>>, vector<16xf32>,
      %mul3A_643 = arith.mulf %mul3A_638, %get3A_642 : vector<16xf32>
      %swap3A_644 = arith.constant 0 : i32
      %swap3A_645 = arith.index_cast %swap3A_644 : i32 to index
      %swap3A_646 = arith.constant 112 : index
      %swap3A_647 = tpu.vector_load %arg15[%swap3A_645, %swap3A_646] {strides = array<i32>} : memref<2x144xf32, #tpu.memory_space<vmem>>, vector<16xf32>,
      tpu.vector_store %arg15[%swap3A_645, %swap3A_646], %mul3A_643 {strides = array<i32>} : memref<2x144xf32, #tpu.memory_space<vmem>>, vector<16xf32>,
      %dma_wait3A_648 = arith.constant 0 : i32
      %dma_wait3A_649 = arith.constant 0 : i32
      %dma_wait3A_650 = arith.constant 0 : i32
      %dma_wait3A_651 = arith.constant 0 : i32
      %dma_wait3A_652 = tpu.memref_slice %arg23[%dma_wait3A_649, %dma_wait3A_650, %dma_wait3A_651] : memref<2x128x64xi32, #tpu.memory_space<vmem>> -> memref<1x128x64xi32, #tpu.memory_space<vmem>>
      %dma_wait3A_653 = tpu.memref_squeeze %dma_wait3A_652 : memref<1x128x64xi32, #tpu.memory_space<vmem>> -> memref<128x64xi32, #tpu.memory_space<vmem>>
      %dma_wait3A_654 = arith.constant 0 : i32
      %dma_wait3A_655 = tpu.memref_slice %arg13[%dma_wait3A_648, %dma_wait3A_654] : memref<2x128xi32, #tpu.memory_space<vmem>> -> memref<1x128xi32, #tpu.memory_space<vmem>>
      %dma_wait3A_656 = tpu.memref_squeeze %dma_wait3A_655 : memref<1x128xi32, #tpu.memory_space<vmem>> -> memref<128xi32, #tpu.memory_space<vmem>>
      %dma_wait3A_657 = arith.constant 0 : i32
      %dma_wait3A_658 = arith.constant 0 : i32
      %dma_wait3A_659 = tpu.memref_slice %arg2[%dma_wait3A_657, %dma_wait3A_658] : memref<10240x64xi32, #tpu.memory_space<hbm>> -> memref<10240x64xi32, #tpu.memory_space<hbm>>
      tpu.wait_indirect_dma semaphore(%arg25 : memref<!tpu.dma_semaphore, #tpu.memory_space<semaphore_mem>>) src(%dma_wait3A_659 : memref<10240x64xi32, #tpu.memory_space<hbm>>) dst(%dma_wait3A_653 : memref<128x64xi32, #tpu.memory_space<vmem>>)
      %parallel_loop3A = arith.constant 0 : i32
      %parallel_loop3A_660 = arith.constant 128 : i32
      %parallel_loop3A_661 = arith.constant 1 : i32
      scf.for %parallel_loop3A_1119 = %parallel_loop3A to %parallel_loop3A_660 step %parallel_loop3A_661  : i32 {
        %parallel_loop3A_1120 = arith.constant 0 : i32
        %parallel_loop3A_1121 = arith.index_cast %parallel_loop3A_1120 : i32 to index
        %parallel_loop3A_1122 = arith.index_cast %parallel_loop3A_1119 : i32 to index
        %parallel_loop3A_1123 = tpu.vector_load %arg15[%parallel_loop3A_1121, %parallel_loop3A_1122] {strides = array<i32>} : memref<2x144xf32, #tpu.memory_space<vmem>>, vector<16xf32>,
        %parallel_loop3A_1124 = vector.extract_strided_slice %parallel_loop3A_1123 {offsets = [0], sizes = [1], strides = [1]} : vector<16xf32> to vector<1xf32>
        %parallel_loop3A_1125 = vector.extract %parallel_loop3A_1124[0] : f32 from vector<1xf32>
        %parallel_loop3A_1126 = arith.constant 0 : i32
        %parallel_loop3A_1127 = arith.index_cast %parallel_loop3A_1126 : i32 to index
        %parallel_loop3A_1128 = arith.index_cast %parallel_loop3A_1119 : i32 to index
        %parallel_loop3A_1129 = arith.constant 0 : index
        %parallel_loop3A_1130 = tpu.vector_load %arg23[%parallel_loop3A_1127, %parallel_loop3A_1128, %parallel_loop3A_1129] {strides = array<i32>} : memref<2x128x64xi32, #tpu.memory_space<vmem>>, vector<16xi32>,
        %parallel_loop3A_1131 = vector.bitcast %parallel_loop3A_1130 : vector<16xi32> to vector<32xbf16>
        %parallel_loop3A_1132 = tpu.unpack_subelements %parallel_loop3A_1131, 0 {pack_format = #tpu.pack_format<interleaved>} : vector<32xbf16> -> vector<16xf32>
        %parallel_loop3A_1133 = tpu.unpack_subelements %parallel_loop3A_1131, 1 {pack_format = #tpu.pack_format<interleaved>} : vector<32xbf16> -> vector<16xf32>
        %parallel_loop3A_1134 = vector.broadcast %parallel_loop3A_1125 : f32 to vector<16xf32>
        %parallel_loop3A_1135 = arith.mulf %parallel_loop3A_1132, %parallel_loop3A_1134 : vector<16xf32>
        %parallel_loop3A_1136 = arith.index_cast %parallel_loop3A_1119 : i32 to index
        %parallel_loop3A_1137 = arith.constant 0 : index
        %parallel_loop3A_1138 = tpu.vector_load %arg24[%parallel_loop3A_1136, %parallel_loop3A_1137] {strides = array<i32>} : memref<128x128xf32, #tpu.memory_space<vmem>>, vector<16xf32>,
        tpu.vector_store %arg24[%parallel_loop3A_1136, %parallel_loop3A_1137], %parallel_loop3A_1135 {strides = array<i32>} : memref<128x128xf32, #tpu.memory_space<vmem>>, vector<16xf32>,
        %parallel_loop3A_1139 = vector.broadcast %parallel_loop3A_1125 : f32 to vector<16xf32>
        %parallel_loop3A_1140 = arith.mulf %parallel_loop3A_1133, %parallel_loop3A_1139 : vector<16xf32>
        %parallel_loop3A_1141 = arith.index_cast %parallel_loop3A_1119 : i32 to index
        %parallel_loop3A_1142 = arith.constant 16 : index
        %parallel_loop3A_1143 = tpu.vector_load %arg24[%parallel_loop3A_1141, %parallel_loop3A_1142] {strides = array<i32>} : memref<128x128xf32, #tpu.memory_space<vmem>>, vector<16xf32>,
        tpu.vector_store %arg24[%parallel_loop3A_1141, %parallel_loop3A_1142], %parallel_loop3A_1140 {strides = array<i32>} : memref<128x128xf32, #tpu.memory_space<vmem>>, vector<16xf32>,
        %parallel_loop3A_1144 = arith.constant 0 : i32
        %parallel_loop3A_1145 = arith.index_cast %parallel_loop3A_1144 : i32 to index
        %parallel_loop3A_1146 = arith.index_cast %parallel_loop3A_1119 : i32 to index
        %parallel_loop3A_1147 = arith.constant 16 : index
        %parallel_loop3A_1148 = tpu.vector_load %arg23[%parallel_loop3A_1145, %parallel_loop3A_1146, %parallel_loop3A_1147] {strides = array<i32>} : memref<2x128x64xi32, #tpu.memory_space<vmem>>, vector<16xi32>,
        %parallel_loop3A_1149 = vector.bitcast %parallel_loop3A_1148 : vector<16xi32> to vector<32xbf16>
        %parallel_loop3A_1150 = tpu.unpack_subelements %parallel_loop3A_1149, 0 {pack_format = #tpu.pack_format<interleaved>} : vector<32xbf16> -> vector<16xf32>
        %parallel_loop3A_1151 = tpu.unpack_subelements %parallel_loop3A_1149, 1 {pack_format = #tpu.pack_format<interleaved>} : vector<32xbf16> -> vector<16xf32>
        %parallel_loop3A_1152 = vector.broadcast %parallel_loop3A_1125 : f32 to vector<16xf32>
        %parallel_loop3A_1153 = arith.mulf %parallel_loop3A_1150, %parallel_loop3A_1152 : vector<16xf32>
        %parallel_loop3A_1154 = arith.index_cast %parallel_loop3A_1119 : i32 to index
        %parallel_loop3A_1155 = arith.constant 32 : index
        %parallel_loop3A_1156 = tpu.vector_load %arg24[%parallel_loop3A_1154, %parallel_loop3A_1155] {strides = array<i32>} : memref<128x128xf32, #tpu.memory_space<vmem>>, vector<16xf32>,
        tpu.vector_store %arg24[%parallel_loop3A_1154, %parallel_loop3A_1155], %parallel_loop3A_1153 {strides = array<i32>} : memref<128x128xf32, #tpu.memory_space<vmem>>, vector<16xf32>,
        %parallel_loop3A_1157 = vector.broadcast %parallel_loop3A_1125 : f32 to vector<16xf32>
        %parallel_loop3A_1158 = arith.mulf %parallel_loop3A_1151, %parallel_loop3A_1157 : vector<16xf32>
        %parallel_loop3A_1159 = arith.index_cast %parallel_loop3A_1119 : i32 to index
        %parallel_loop3A_1160 = arith.constant 48 : index
        %parallel_loop3A_1161 = tpu.vector_load %arg24[%parallel_loop3A_1159, %parallel_loop3A_1160] {strides = array<i32>} : memref<128x128xf32, #tpu.memory_space<vmem>>, vector<16xf32>,
        tpu.vector_store %arg24[%parallel_loop3A_1159, %parallel_loop3A_1160], %parallel_loop3A_1158 {strides = array<i32>} : memref<128x128xf32, #tpu.memory_space<vmem>>, vector<16xf32>,
        %parallel_loop3A_1162 = arith.constant 0 : i32
        %parallel_loop3A_1163 = arith.index_cast %parallel_loop3A_1162 : i32 to index
        %parallel_loop3A_1164 = arith.index_cast %parallel_loop3A_1119 : i32 to index
        %parallel_loop3A_1165 = arith.constant 32 : index
        %parallel_loop3A_1166 = tpu.vector_load %arg23[%parallel_loop3A_1163, %parallel_loop3A_1164, %parallel_loop3A_1165] {strides = array<i32>} : memref<2x128x64xi32, #tpu.memory_space<vmem>>, vector<16xi32>,
        %parallel_loop3A_1167 = vector.bitcast %parallel_loop3A_1166 : vector<16xi32> to vector<32xbf16>
        %parallel_loop3A_1168 = tpu.unpack_subelements %parallel_loop3A_1167, 0 {pack_format = #tpu.pack_format<interleaved>} : vector<32xbf16> -> vector<16xf32>
        %parallel_loop3A_1169 = tpu.unpack_subelements %parallel_loop3A_1167, 1 {pack_format = #tpu.pack_format<interleaved>} : vector<32xbf16> -> vector<16xf32>
        %parallel_loop3A_1170 = vector.broadcast %parallel_loop3A_1125 : f32 to vector<16xf32>
        %parallel_loop3A_1171 = arith.mulf %parallel_loop3A_1168, %parallel_loop3A_1170 : vector<16xf32>
        %parallel_loop3A_1172 = arith.index_cast %parallel_loop3A_1119 : i32 to index
        %parallel_loop3A_1173 = arith.constant 64 : index
        %parallel_loop3A_1174 = tpu.vector_load %arg24[%parallel_loop3A_1172, %parallel_loop3A_1173] {strides = array<i32>} : memref<128x128xf32, #tpu.memory_space<vmem>>, vector<16xf32>,
        tpu.vector_store %arg24[%parallel_loop3A_1172, %parallel_loop3A_1173], %parallel_loop3A_1171 {strides = array<i32>} : memref<128x128xf32, #tpu.memory_space<vmem>>, vector<16xf32>,
        %parallel_loop3A_1175 = vector.broadcast %parallel_loop3A_1125 : f32 to vector<16xf32>
        %parallel_loop3A_1176 = arith.mulf %parallel_loop3A_1169, %parallel_loop3A_1175 : vector<16xf32>
        %parallel_loop3A_1177 = arith.index_cast %parallel_loop3A_1119 : i32 to index
        %parallel_loop3A_1178 = arith.constant 80 : index
        %parallel_loop3A_1179 = tpu.vector_load %arg24[%parallel_loop3A_1177, %parallel_loop3A_1178] {strides = array<i32>} : memref<128x128xf32, #tpu.memory_space<vmem>>, vector<16xf32>,
        tpu.vector_store %arg24[%parallel_loop3A_1177, %parallel_loop3A_1178], %parallel_loop3A_1176 {strides = array<i32>} : memref<128x128xf32, #tpu.memory_space<vmem>>, vector<16xf32>,
        %parallel_loop3A_1180 = arith.constant 0 : i32
        %parallel_loop3A_1181 = arith.index_cast %parallel_loop3A_1180 : i32 to index
        %parallel_loop3A_1182 = arith.index_cast %parallel_loop3A_1119 : i32 to index
        %parallel_loop3A_1183 = arith.constant 48 : index
        %parallel_loop3A_1184 = tpu.vector_load %arg23[%parallel_loop3A_1181, %parallel_loop3A_1182, %parallel_loop3A_1183] {strides = array<i32>} : memref<2x128x64xi32, #tpu.memory_space<vmem>>, vector<16xi32>,
        %parallel_loop3A_1185 = vector.bitcast %parallel_loop3A_1184 : vector<16xi32> to vector<32xbf16>
        %parallel_loop3A_1186 = tpu.unpack_subelements %parallel_loop3A_1185, 0 {pack_format = #tpu.pack_format<interleaved>} : vector<32xbf16> -> vector<16xf32>
        %parallel_loop3A_1187 = tpu.unpack_subelements %parallel_loop3A_1185, 1 {pack_format = #tpu.pack_format<interleaved>} : vector<32xbf16> -> vector<16xf32>
        %parallel_loop3A_1188 = vector.broadcast %parallel_loop3A_1125 : f32 to vector<16xf32>
        %parallel_loop3A_1189 = arith.mulf %parallel_loop3A_1186, %parallel_loop3A_1188 : vector<16xf32>
        %parallel_loop3A_1190 = arith.index_cast %parallel_loop3A_1119 : i32 to index
        %parallel_loop3A_1191 = arith.constant 96 : index
        %parallel_loop3A_1192 = tpu.vector_load %arg24[%parallel_loop3A_1190, %parallel_loop3A_1191] {strides = array<i32>} : memref<128x128xf32, #tpu.memory_space<vmem>>, vector<16xf32>,
        tpu.vector_store %arg24[%parallel_loop3A_1190, %parallel_loop3A_1191], %parallel_loop3A_1189 {strides = array<i32>} : memref<128x128xf32, #tpu.memory_space<vmem>>, vector<16xf32>,
        %parallel_loop3A_1193 = vector.broadcast %parallel_loop3A_1125 : f32 to vector<16xf32>
        %parallel_loop3A_1194 = arith.mulf %parallel_loop3A_1187, %parallel_loop3A_1193 : vector<16xf32>
        %parallel_loop3A_1195 = arith.index_cast %parallel_loop3A_1119 : i32 to index
        %parallel_loop3A_1196 = arith.constant 112 : index
        %parallel_loop3A_1197 = tpu.vector_load %arg24[%parallel_loop3A_1195, %parallel_loop3A_1196] {strides = array<i32>} : memref<128x128xf32, #tpu.memory_space<vmem>>, vector<16xf32>,
        tpu.vector_store %arg24[%parallel_loop3A_1195, %parallel_loop3A_1196], %parallel_loop3A_1194 {strides = array<i32>} : memref<128x128xf32, #tpu.memory_space<vmem>>, vector<16xf32>,
      } {sc.loop_unroll_factor = 4 : i64, sc.parallel_access}
      %run_scoped3A_662 = arith.constant 0 : i32
      "tpu.region"() ({
        %run_scoped3A_1119 = tpu.sem_alloc : memref<!tpu.dma_semaphore, #tpu.memory_space<semaphore_mem>>
        %dma_start3A_1120 = arith.constant 0 : i32
        %dma_start3A_1121 = tpu.memref_slice %arg14[%run_scoped3A_662, %dma_start3A_1120] : memref<2x128xi32, #tpu.memory_space<vmem>> -> memref<1x128xi32, #tpu.memory_space<vmem>>
        %dma_start3A_1122 = tpu.memref_squeeze %dma_start3A_1121 : memref<1x128xi32, #tpu.memory_space<vmem>> -> memref<128xi32, #tpu.memory_space<vmem>>
        %dma_start3A_1123 = arith.constant 0 : i32
        %dma_start3A_1124 = arith.constant 0 : i32
        %dma_start3A_1125 = tpu.memref_slice %arg12[%dma_start3A_1123, %dma_start3A_1124] : memref<10240x128xf32, #tpu.memory_space<vmem_shared>> -> memref<10240x128xf32, #tpu.memory_space<vmem_shared>>
        tpu.enqueue_indirect_dma source(%arg24 : memref<128x128xf32, #tpu.memory_space<vmem>>) target(%dma_start3A_1125 : memref<10240x128xf32, #tpu.memory_space<vmem_shared>>) offsets(%dma_start3A_1122 : memref<128xi32, #tpu.memory_space<vmem>>) semaphore(%run_scoped3A_1119 : memref<!tpu.dma_semaphore, #tpu.memory_space<semaphore_mem>>) {add = true}
        %dma_wait3A_1126 = arith.constant 0 : i32
        %dma_wait3A_1127 = tpu.memref_slice %arg14[%run_scoped3A_662, %dma_wait3A_1126] : memref<2x128xi32, #tpu.memory_space<vmem>> -> memref<1x128xi32, #tpu.memory_space<vmem>>
        %dma_wait3A_1128 = tpu.memref_squeeze %dma_wait3A_1127 : memref<1x128xi32, #tpu.memory_space<vmem>> -> memref<128xi32, #tpu.memory_space<vmem>>
        %dma_wait3A_1129 = arith.constant 0 : i32
        %dma_wait3A_1130 = arith.constant 0 : i32
        %dma_wait3A_1131 = tpu.memref_slice %arg12[%dma_wait3A_1129, %dma_wait3A_1130] : memref<10240x128xf32, #tpu.memory_space<vmem_shared>> -> memref<10240x128xf32, #tpu.memory_space<vmem_shared>>
        tpu.wait_indirect_dma semaphore(%run_scoped3A_1119 : memref<!tpu.dma_semaphore, #tpu.memory_space<semaphore_mem>>) src(%arg24 : memref<128x128xf32, #tpu.memory_space<vmem>>) dst(%dma_wait3A_1131 : memref<10240x128xf32, #tpu.memory_space<vmem_shared>>)
        tpu.yield
      }) : () -> ()
      %mul3A_663 = arith.constant 2 : i32
      %mul3A_664 = arith.muli %add3A_214, %mul3A_663 : i32
      %add3A_665 = arith.constant 1 : i32
      %add3A_666 = arith.addi %mul3A_664, %add3A_665 : i32
      %add3A_667 = arith.constant 1 : i32
      %add3A_668 = arith.addi %add3A_666, %add3A_667 : i32
      %sub3A_669 = arith.constant 1 : i32
      %sub3A_670 = arith.subi %select_n3A, %sub3A_669 : i32
      %min3A_671 = arith.minsi %add3A_668, %sub3A_670 : i32
      %add3A_672 = arith.addi %select_n3A_51, %min3A_671 : i32
      %run_scoped3A_673 = arith.constant 0 : i32
      "tpu.region"() ({
        %run_scoped3A_1119 = tpu.sem_alloc : memref<!tpu.dma_semaphore, #tpu.memory_space<semaphore_mem>>
        %dma_start3A_1120 = arith.constant 0 : i32
        %dma_start3A_1121 = tpu.memref_slice %arg13[%run_scoped3A_673, %dma_start3A_1120] : memref<2x128xi32, #tpu.memory_space<vmem>> -> memref<1x128xi32, #tpu.memory_space<vmem>>
        %dma_start3A_1122 = tpu.memref_squeeze %dma_start3A_1121 : memref<1x128xi32, #tpu.memory_space<vmem>> -> memref<128xi32, #tpu.memory_space<vmem>>
        %dma_start3A_1123 = arith.constant 0 : i32
        %dma_start3A_1124 = tpu.memref_slice %arg3[%add3A_672, %dma_start3A_1123] : memref<2560x128xi32, #tpu.memory_space<hbm>> -> memref<1x128xi32, #tpu.memory_space<hbm>>
        %dma_start3A_1125 = tpu.memref_squeeze %dma_start3A_1124 : memref<1x128xi32, #tpu.memory_space<hbm>> -> memref<128xi32, #tpu.memory_space<hbm>>
        %dma_start3A_1126 = arith.constant 0 : i32
        %dma_start3A_1127 = tpu.memref_slice %arg13[%run_scoped3A_673, %dma_start3A_1126] : memref<2x128xi32, #tpu.memory_space<vmem>> -> memref<1x128xi32, #tpu.memory_space<vmem>>
        %dma_start3A_1128 = tpu.memref_squeeze %dma_start3A_1127 : memref<1x128xi32, #tpu.memory_space<vmem>> -> memref<128xi32, #tpu.memory_space<vmem>>
        %dma_start3A_1129 = arith.constant 0 : i32
        %dma_start3A_1130 = tpu.memref_slice %arg3[%add3A_672, %dma_start3A_1129] : memref<2560x128xi32, #tpu.memory_space<hbm>> -> memref<1x128xi32, #tpu.memory_space<hbm>>
        %dma_start3A_1131 = tpu.memref_squeeze %dma_start3A_1130 : memref<1x128xi32, #tpu.memory_space<hbm>> -> memref<128xi32, #tpu.memory_space<hbm>>
        tpu.enqueue_dma source(%dma_start3A_1131 : memref<128xi32, #tpu.memory_space<hbm>>) target(%dma_start3A_1128 : memref<128xi32, #tpu.memory_space<vmem>>) target_semaphore(%run_scoped3A_1119 : memref<!tpu.dma_semaphore, #tpu.memory_space<semaphore_mem>>)
        %dma_wait3A_1132 = arith.constant 0 : i32
        %dma_wait3A_1133 = tpu.memref_slice %arg13[%run_scoped3A_673, %dma_wait3A_1132] : memref<2x128xi32, #tpu.memory_space<vmem>> -> memref<1x128xi32, #tpu.memory_space<vmem>>
        %dma_wait3A_1134 = tpu.memref_squeeze %dma_wait3A_1133 : memref<1x128xi32, #tpu.memory_space<vmem>> -> memref<128xi32, #tpu.memory_space<vmem>>
        %dma_wait3A_1135 = arith.constant 0 : i32
        %dma_wait3A_1136 = tpu.memref_slice %arg3[%add3A_672, %dma_wait3A_1135] : memref<2560x128xi32, #tpu.memory_space<hbm>> -> memref<1x128xi32, #tpu.memory_space<hbm>>
        %dma_wait3A_1137 = tpu.memref_squeeze %dma_wait3A_1136 : memref<1x128xi32, #tpu.memory_space<hbm>> -> memref<128xi32, #tpu.memory_space<hbm>>
        %dma_wait3A_1138 = arith.constant 0 : i32
        %dma_wait3A_1139 = tpu.memref_slice %arg13[%run_scoped3A_673, %dma_wait3A_1138] : memref<2x128xi32, #tpu.memory_space<vmem>> -> memref<1x128xi32, #tpu.memory_space<vmem>>
        %dma_wait3A_1140 = tpu.memref_squeeze %dma_wait3A_1139 : memref<1x128xi32, #tpu.memory_space<vmem>> -> memref<128xi32, #tpu.memory_space<vmem>>
        %dma_wait3A_1141 = arith.constant 0 : i32
        %dma_wait3A_1142 = tpu.memref_slice %arg3[%add3A_672, %dma_wait3A_1141] : memref<2560x128xi32, #tpu.memory_space<hbm>> -> memref<1x128xi32, #tpu.memory_space<hbm>>
        %dma_wait3A_1143 = tpu.memref_squeeze %dma_wait3A_1142 : memref<1x128xi32, #tpu.memory_space<hbm>> -> memref<128xi32, #tpu.memory_space<hbm>>
        tpu.wait_dma2 semaphore(%run_scoped3A_1119 : memref<!tpu.dma_semaphore, #tpu.memory_space<semaphore_mem>>) src(%dma_wait3A_1143 : memref<128xi32, #tpu.memory_space<hbm>>) dst(%dma_wait3A_1140 : memref<128xi32, #tpu.memory_space<vmem>>)
        tpu.yield
      }) : () -> ()
      %run_scoped3A_674 = arith.constant 0 : i32
      "tpu.region"() ({
        %run_scoped3A_1119 = tpu.sem_alloc : memref<!tpu.dma_semaphore, #tpu.memory_space<semaphore_mem>>
        %dma_start3A_1120 = arith.constant 0 : i32
        %dma_start3A_1121 = tpu.memref_slice %arg14[%run_scoped3A_674, %dma_start3A_1120] : memref<2x128xi32, #tpu.memory_space<vmem>> -> memref<1x128xi32, #tpu.memory_space<vmem>>
        %dma_start3A_1122 = tpu.memref_squeeze %dma_start3A_1121 : memref<1x128xi32, #tpu.memory_space<vmem>> -> memref<128xi32, #tpu.memory_space<vmem>>
        %dma_start3A_1123 = arith.constant 0 : i32
        %dma_start3A_1124 = tpu.memref_slice %arg4[%add3A_672, %dma_start3A_1123] : memref<2560x128xi32, #tpu.memory_space<hbm>> -> memref<1x128xi32, #tpu.memory_space<hbm>>
        %dma_start3A_1125 = tpu.memref_squeeze %dma_start3A_1124 : memref<1x128xi32, #tpu.memory_space<hbm>> -> memref<128xi32, #tpu.memory_space<hbm>>
        %dma_start3A_1126 = arith.constant 0 : i32
        %dma_start3A_1127 = tpu.memref_slice %arg14[%run_scoped3A_674, %dma_start3A_1126] : memref<2x128xi32, #tpu.memory_space<vmem>> -> memref<1x128xi32, #tpu.memory_space<vmem>>
        %dma_start3A_1128 = tpu.memref_squeeze %dma_start3A_1127 : memref<1x128xi32, #tpu.memory_space<vmem>> -> memref<128xi32, #tpu.memory_space<vmem>>
        %dma_start3A_1129 = arith.constant 0 : i32
        %dma_start3A_1130 = tpu.memref_slice %arg4[%add3A_672, %dma_start3A_1129] : memref<2560x128xi32, #tpu.memory_space<hbm>> -> memref<1x128xi32, #tpu.memory_space<hbm>>
        %dma_start3A_1131 = tpu.memref_squeeze %dma_start3A_1130 : memref<1x128xi32, #tpu.memory_space<hbm>> -> memref<128xi32, #tpu.memory_space<hbm>>
        tpu.enqueue_dma source(%dma_start3A_1131 : memref<128xi32, #tpu.memory_space<hbm>>) target(%dma_start3A_1128 : memref<128xi32, #tpu.memory_space<vmem>>) target_semaphore(%run_scoped3A_1119 : memref<!tpu.dma_semaphore, #tpu.memory_space<semaphore_mem>>)
        %dma_wait3A_1132 = arith.constant 0 : i32
        %dma_wait3A_1133 = tpu.memref_slice %arg14[%run_scoped3A_674, %dma_wait3A_1132] : memref<2x128xi32, #tpu.memory_space<vmem>> -> memref<1x128xi32, #tpu.memory_space<vmem>>
        %dma_wait3A_1134 = tpu.memref_squeeze %dma_wait3A_1133 : memref<1x128xi32, #tpu.memory_space<vmem>> -> memref<128xi32, #tpu.memory_space<vmem>>
        %dma_wait3A_1135 = arith.constant 0 : i32
        %dma_wait3A_1136 = tpu.memref_slice %arg4[%add3A_672, %dma_wait3A_1135] : memref<2560x128xi32, #tpu.memory_space<hbm>> -> memref<1x128xi32, #tpu.memory_space<hbm>>
        %dma_wait3A_1137 = tpu.memref_squeeze %dma_wait3A_1136 : memref<1x128xi32, #tpu.memory_space<hbm>> -> memref<128xi32, #tpu.memory_space<hbm>>
        %dma_wait3A_1138 = arith.constant 0 : i32
        %dma_wait3A_1139 = tpu.memref_slice %arg14[%run_scoped3A_674, %dma_wait3A_1138] : memref<2x128xi32, #tpu.memory_space<vmem>> -> memref<1x128xi32, #tpu.memory_space<vmem>>
        %dma_wait3A_1140 = tpu.memref_squeeze %dma_wait3A_1139 : memref<1x128xi32, #tpu.memory_space<vmem>> -> memref<128xi32, #tpu.memory_space<vmem>>
        %dma_wait3A_1141 = arith.constant 0 : i32
        %dma_wait3A_1142 = tpu.memref_slice %arg4[%add3A_672, %dma_wait3A_1141] : memref<2560x128xi32, #tpu.memory_space<hbm>> -> memref<1x128xi32, #tpu.memory_space<hbm>>
        %dma_wait3A_1143 = tpu.memref_squeeze %dma_wait3A_1142 : memref<1x128xi32, #tpu.memory_space<hbm>> -> memref<128xi32, #tpu.memory_space<hbm>>
        tpu.wait_dma2 semaphore(%run_scoped3A_1119 : memref<!tpu.dma_semaphore, #tpu.memory_space<semaphore_mem>>) src(%dma_wait3A_1143 : memref<128xi32, #tpu.memory_space<hbm>>) dst(%dma_wait3A_1140 : memref<128xi32, #tpu.memory_space<vmem>>)
        tpu.yield
      }) : () -> ()
      %dma_start3A_675 = arith.constant 0 : i32
      %dma_start3A_676 = arith.constant 0 : i32
      %dma_start3A_677 = arith.constant 0 : i32
      %dma_start3A_678 = arith.constant 0 : i32
      %dma_start3A_679 = tpu.memref_slice %arg23[%dma_start3A_676, %dma_start3A_677, %dma_start3A_678] : memref<2x128x64xi32, #tpu.memory_space<vmem>> -> memref<1x128x64xi32, #tpu.memory_space<vmem>>
      %dma_start3A_680 = tpu.memref_squeeze %dma_start3A_679 : memref<1x128x64xi32, #tpu.memory_space<vmem>> -> memref<128x64xi32, #tpu.memory_space<vmem>>
      %dma_start3A_681 = arith.constant 0 : i32
      %dma_start3A_682 = tpu.memref_slice %arg13[%dma_start3A_675, %dma_start3A_681] : memref<2x128xi32, #tpu.memory_space<vmem>> -> memref<1x128xi32, #tpu.memory_space<vmem>>
      %dma_start3A_683 = tpu.memref_squeeze %dma_start3A_682 : memref<1x128xi32, #tpu.memory_space<vmem>> -> memref<128xi32, #tpu.memory_space<vmem>>
      %dma_start3A_684 = arith.constant 0 : i32
      %dma_start3A_685 = arith.constant 0 : i32
      %dma_start3A_686 = tpu.memref_slice %arg2[%dma_start3A_684, %dma_start3A_685] : memref<10240x64xi32, #tpu.memory_space<hbm>> -> memref<10240x64xi32, #tpu.memory_space<hbm>>
      tpu.enqueue_indirect_dma source(%dma_start3A_686 : memref<10240x64xi32, #tpu.memory_space<hbm>>) target(%dma_start3A_680 : memref<128x64xi32, #tpu.memory_space<vmem>>) offsets(%dma_start3A_683 : memref<128xi32, #tpu.memory_space<vmem>>) semaphore(%arg25 : memref<!tpu.dma_semaphore, #tpu.memory_space<semaphore_mem>>)
      %dma_start3A_687 = arith.constant 0 : i32
      %dma_start3A_688 = arith.constant 0 : i32
      %dma_start3A_689 = arith.constant 0 : i32
      %dma_start3A_690 = tpu.memref_slice %arg16[%dma_start3A_688, %dma_start3A_689] : memref<2x128xf32, #tpu.memory_space<vmem>> -> memref<1x128xf32, #tpu.memory_space<vmem>>
      %dma_start3A_691 = tpu.memref_squeeze %dma_start3A_690 : memref<1x128xf32, #tpu.memory_space<vmem>> -> memref<128xf32, #tpu.memory_space<vmem>>
      %dma_start3A_692 = arith.constant 0 : i32
      %dma_start3A_693 = tpu.memref_slice %arg14[%dma_start3A_687, %dma_start3A_692] : memref<2x128xi32, #tpu.memory_space<vmem>> -> memref<1x128xi32, #tpu.memory_space<vmem>>
      %dma_start3A_694 = tpu.memref_squeeze %dma_start3A_693 : memref<1x128xi32, #tpu.memory_space<vmem>> -> memref<128xi32, #tpu.memory_space<vmem>>
      %dma_start3A_695 = arith.constant 0 : i32
      %dma_start3A_696 = tpu.memref_slice %arg9[%dma_start3A_695] : memref<10240xf32, #tpu.memory_space<vmem_shared>> -> memref<10240xf32, #tpu.memory_space<vmem_shared>>
      tpu.enqueue_indirect_dma source(%dma_start3A_696 : memref<10240xf32, #tpu.memory_space<vmem_shared>>) target(%dma_start3A_691 : memref<128xf32, #tpu.memory_space<vmem>>) offsets(%dma_start3A_694 : memref<128xi32, #tpu.memory_space<vmem>>) semaphore(%arg27 : memref<!tpu.dma_semaphore, #tpu.memory_space<semaphore_mem>>)
      %dma_start3A_697 = arith.constant 0 : i32
      %dma_start3A_698 = arith.constant 0 : i32
      %dma_start3A_699 = arith.constant 0 : i32
      %dma_start3A_700 = tpu.memref_slice %arg17[%dma_start3A_698, %dma_start3A_699] : memref<2x128xf32, #tpu.memory_space<vmem>> -> memref<1x128xf32, #tpu.memory_space<vmem>>
      %dma_start3A_701 = tpu.memref_squeeze %dma_start3A_700 : memref<1x128xf32, #tpu.memory_space<vmem>> -> memref<128xf32, #tpu.memory_space<vmem>>
      %dma_start3A_702 = arith.constant 0 : i32
      %dma_start3A_703 = tpu.memref_slice %arg13[%dma_start3A_697, %dma_start3A_702] : memref<2x128xi32, #tpu.memory_space<vmem>> -> memref<1x128xi32, #tpu.memory_space<vmem>>
      %dma_start3A_704 = tpu.memref_squeeze %dma_start3A_703 : memref<1x128xi32, #tpu.memory_space<vmem>> -> memref<128xi32, #tpu.memory_space<vmem>>
      %dma_start3A_705 = arith.constant 0 : i32
      %dma_start3A_706 = tpu.memref_slice %arg10[%dma_start3A_705] : memref<10240xf32, #tpu.memory_space<vmem_shared>> -> memref<10240xf32, #tpu.memory_space<vmem_shared>>
      tpu.enqueue_indirect_dma source(%dma_start3A_706 : memref<10240xf32, #tpu.memory_space<vmem_shared>>) target(%dma_start3A_701 : memref<128xf32, #tpu.memory_space<vmem>>) offsets(%dma_start3A_704 : memref<128xi32, #tpu.memory_space<vmem>>) semaphore(%arg27 : memref<!tpu.dma_semaphore, #tpu.memory_space<semaphore_mem>>)
      %dma_start3A_707 = arith.constant 0 : i32
      %dma_start3A_708 = arith.constant 0 : i32
      %dma_start3A_709 = arith.constant 0 : i32
      %dma_start3A_710 = tpu.memref_slice %arg18[%dma_start3A_708, %dma_start3A_709] : memref<2x128xf32, #tpu.memory_space<vmem>> -> memref<1x128xf32, #tpu.memory_space<vmem>>
      %dma_start3A_711 = tpu.memref_squeeze %dma_start3A_710 : memref<1x128xf32, #tpu.memory_space<vmem>> -> memref<128xf32, #tpu.memory_space<vmem>>
      %dma_start3A_712 = arith.constant 0 : i32
      %dma_start3A_713 = tpu.memref_slice %arg14[%dma_start3A_707, %dma_start3A_712] : memref<2x128xi32, #tpu.memory_space<vmem>> -> memref<1x128xi32, #tpu.memory_space<vmem>>
      %dma_start3A_714 = tpu.memref_squeeze %dma_start3A_713 : memref<1x128xi32, #tpu.memory_space<vmem>> -> memref<128xi32, #tpu.memory_space<vmem>>
      %dma_start3A_715 = arith.constant 0 : i32
      %dma_start3A_716 = tpu.memref_slice %arg11[%dma_start3A_715] : memref<10240xf32, #tpu.memory_space<vmem_shared>> -> memref<10240xf32, #tpu.memory_space<vmem_shared>>
      tpu.enqueue_indirect_dma source(%dma_start3A_716 : memref<10240xf32, #tpu.memory_space<vmem_shared>>) target(%dma_start3A_711 : memref<128xf32, #tpu.memory_space<vmem>>) offsets(%dma_start3A_714 : memref<128xi32, #tpu.memory_space<vmem>>) semaphore(%arg27 : memref<!tpu.dma_semaphore, #tpu.memory_space<semaphore_mem>>)
      %dma_start3A_717 = arith.constant 0 : i32
      %dma_start3A_718 = arith.constant 0 : i32
      %dma_start3A_719 = arith.constant 0 : i32
      %dma_start3A_720 = tpu.memref_slice %arg19[%dma_start3A_718, %dma_start3A_719] : memref<2x128xf32, #tpu.memory_space<vmem>> -> memref<1x128xf32, #tpu.memory_space<vmem>>
      %dma_start3A_721 = tpu.memref_squeeze %dma_start3A_720 : memref<1x128xf32, #tpu.memory_space<vmem>> -> memref<128xf32, #tpu.memory_space<vmem>>
      %dma_start3A_722 = arith.constant 0 : i32
      %dma_start3A_723 = tpu.memref_slice %arg13[%dma_start3A_717, %dma_start3A_722] : memref<2x128xi32, #tpu.memory_space<vmem>> -> memref<1x128xi32, #tpu.memory_space<vmem>>
      %dma_start3A_724 = tpu.memref_squeeze %dma_start3A_723 : memref<1x128xi32, #tpu.memory_space<vmem>> -> memref<128xi32, #tpu.memory_space<vmem>>
      %dma_start3A_725 = arith.constant 0 : i32
      %dma_start3A_726 = tpu.memref_slice %arg11[%dma_start3A_725] : memref<10240xf32, #tpu.memory_space<vmem_shared>> -> memref<10240xf32, #tpu.memory_space<vmem_shared>>
      tpu.enqueue_indirect_dma source(%dma_start3A_726 : memref<10240xf32, #tpu.memory_space<vmem_shared>>) target(%dma_start3A_721 : memref<128xf32, #tpu.memory_space<vmem>>) offsets(%dma_start3A_724 : memref<128xi32, #tpu.memory_space<vmem>>) semaphore(%arg27 : memref<!tpu.dma_semaphore, #tpu.memory_space<semaphore_mem>>)
      %dma_wait3A_727 = arith.constant 1 : i32
      %dma_wait3A_728 = arith.constant 1 : i32
      %dma_wait3A_729 = arith.constant 0 : i32
      %dma_wait3A_730 = tpu.memref_slice %arg16[%dma_wait3A_728, %dma_wait3A_729] : memref<2x128xf32, #tpu.memory_space<vmem>> -> memref<1x128xf32, #tpu.memory_space<vmem>>
      %dma_wait3A_731 = tpu.memref_squeeze %dma_wait3A_730 : memref<1x128xf32, #tpu.memory_space<vmem>> -> memref<128xf32, #tpu.memory_space<vmem>>
      %dma_wait3A_732 = arith.constant 0 : i32
      %dma_wait3A_733 = tpu.memref_slice %arg14[%dma_wait3A_727, %dma_wait3A_732] : memref<2x128xi32, #tpu.memory_space<vmem>> -> memref<1x128xi32, #tpu.memory_space<vmem>>
      %dma_wait3A_734 = tpu.memref_squeeze %dma_wait3A_733 : memref<1x128xi32, #tpu.memory_space<vmem>> -> memref<128xi32, #tpu.memory_space<vmem>>
      %dma_wait3A_735 = arith.constant 0 : i32
      %dma_wait3A_736 = tpu.memref_slice %arg9[%dma_wait3A_735] : memref<10240xf32, #tpu.memory_space<vmem_shared>> -> memref<10240xf32, #tpu.memory_space<vmem_shared>>
      tpu.wait_indirect_dma semaphore(%arg28 : memref<!tpu.dma_semaphore, #tpu.memory_space<semaphore_mem>>) src(%dma_wait3A_736 : memref<10240xf32, #tpu.memory_space<vmem_shared>>) dst(%dma_wait3A_731 : memref<128xf32, #tpu.memory_space<vmem>>)
      %dma_wait3A_737 = arith.constant 1 : i32
      %dma_wait3A_738 = arith.constant 1 : i32
      %dma_wait3A_739 = arith.constant 0 : i32
      %dma_wait3A_740 = tpu.memref_slice %arg17[%dma_wait3A_738, %dma_wait3A_739] : memref<2x128xf32, #tpu.memory_space<vmem>> -> memref<1x128xf32, #tpu.memory_space<vmem>>
      %dma_wait3A_741 = tpu.memref_squeeze %dma_wait3A_740 : memref<1x128xf32, #tpu.memory_space<vmem>> -> memref<128xf32, #tpu.memory_space<vmem>>
      %dma_wait3A_742 = arith.constant 0 : i32
      %dma_wait3A_743 = tpu.memref_slice %arg13[%dma_wait3A_737, %dma_wait3A_742] : memref<2x128xi32, #tpu.memory_space<vmem>> -> memref<1x128xi32, #tpu.memory_space<vmem>>
      %dma_wait3A_744 = tpu.memref_squeeze %dma_wait3A_743 : memref<1x128xi32, #tpu.memory_space<vmem>> -> memref<128xi32, #tpu.memory_space<vmem>>
      %dma_wait3A_745 = arith.constant 0 : i32
      %dma_wait3A_746 = tpu.memref_slice %arg10[%dma_wait3A_745] : memref<10240xf32, #tpu.memory_space<vmem_shared>> -> memref<10240xf32, #tpu.memory_space<vmem_shared>>
      tpu.wait_indirect_dma semaphore(%arg28 : memref<!tpu.dma_semaphore, #tpu.memory_space<semaphore_mem>>) src(%dma_wait3A_746 : memref<10240xf32, #tpu.memory_space<vmem_shared>>) dst(%dma_wait3A_741 : memref<128xf32, #tpu.memory_space<vmem>>)
      %dma_wait3A_747 = arith.constant 1 : i32
      %dma_wait3A_748 = arith.constant 1 : i32
      %dma_wait3A_749 = arith.constant 0 : i32
      %dma_wait3A_750 = tpu.memref_slice %arg18[%dma_wait3A_748, %dma_wait3A_749] : memref<2x128xf32, #tpu.memory_space<vmem>> -> memref<1x128xf32, #tpu.memory_space<vmem>>
      %dma_wait3A_751 = tpu.memref_squeeze %dma_wait3A_750 : memref<1x128xf32, #tpu.memory_space<vmem>> -> memref<128xf32, #tpu.memory_space<vmem>>
      %dma_wait3A_752 = arith.constant 0 : i32
      %dma_wait3A_753 = tpu.memref_slice %arg14[%dma_wait3A_747, %dma_wait3A_752] : memref<2x128xi32, #tpu.memory_space<vmem>> -> memref<1x128xi32, #tpu.memory_space<vmem>>
      %dma_wait3A_754 = tpu.memref_squeeze %dma_wait3A_753 : memref<1x128xi32, #tpu.memory_space<vmem>> -> memref<128xi32, #tpu.memory_space<vmem>>
      %dma_wait3A_755 = arith.constant 0 : i32
      %dma_wait3A_756 = tpu.memref_slice %arg11[%dma_wait3A_755] : memref<10240xf32, #tpu.memory_space<vmem_shared>> -> memref<10240xf32, #tpu.memory_space<vmem_shared>>
      tpu.wait_indirect_dma semaphore(%arg28 : memref<!tpu.dma_semaphore, #tpu.memory_space<semaphore_mem>>) src(%dma_wait3A_756 : memref<10240xf32, #tpu.memory_space<vmem_shared>>) dst(%dma_wait3A_751 : memref<128xf32, #tpu.memory_space<vmem>>)
      %dma_wait3A_757 = arith.constant 1 : i32
      %dma_wait3A_758 = arith.constant 1 : i32
      %dma_wait3A_759 = arith.constant 0 : i32
      %dma_wait3A_760 = tpu.memref_slice %arg19[%dma_wait3A_758, %dma_wait3A_759] : memref<2x128xf32, #tpu.memory_space<vmem>> -> memref<1x128xf32, #tpu.memory_space<vmem>>
      %dma_wait3A_761 = tpu.memref_squeeze %dma_wait3A_760 : memref<1x128xf32, #tpu.memory_space<vmem>> -> memref<128xf32, #tpu.memory_space<vmem>>
      %dma_wait3A_762 = arith.constant 0 : i32
      %dma_wait3A_763 = tpu.memref_slice %arg13[%dma_wait3A_757, %dma_wait3A_762] : memref<2x128xi32, #tpu.memory_space<vmem>> -> memref<1x128xi32, #tpu.memory_space<vmem>>
      %dma_wait3A_764 = tpu.memref_squeeze %dma_wait3A_763 : memref<1x128xi32, #tpu.memory_space<vmem>> -> memref<128xi32, #tpu.memory_space<vmem>>
      %dma_wait3A_765 = arith.constant 0 : i32
      %dma_wait3A_766 = tpu.memref_slice %arg11[%dma_wait3A_765] : memref<10240xf32, #tpu.memory_space<vmem_shared>> -> memref<10240xf32, #tpu.memory_space<vmem_shared>>
      tpu.wait_indirect_dma semaphore(%arg28 : memref<!tpu.dma_semaphore, #tpu.memory_space<semaphore_mem>>) src(%dma_wait3A_766 : memref<10240xf32, #tpu.memory_space<vmem_shared>>) dst(%dma_wait3A_761 : memref<128xf32, #tpu.memory_space<vmem>>)
      %get3A_767 = arith.constant 1 : i32
      %get3A_768 = arith.index_cast %get3A_767 : i32 to index
      %get3A_769 = arith.constant 0 : index
      %get3A_770 = tpu.vector_load %arg16[%get3A_768, %get3A_769] {strides = array<i32>} : memref<2x128xf32, #tpu.memory_space<vmem>>, vector<16xf32>,
      %get3A_771 = arith.constant 1 : i32
      %get3A_772 = arith.index_cast %get3A_771 : i32 to index
      %get3A_773 = arith.constant 0 : index
      %get3A_774 = tpu.vector_load %arg17[%get3A_772, %get3A_773] {strides = array<i32>} : memref<2x128xf32, #tpu.memory_space<vmem>>, vector<16xf32>,
      %add3A_775 = arith.addf %get3A_770, %get3A_774 : vector<16xf32>
      %abs3A_776 = math.absf %add3A_775 : vector<16xf32>
      %mul3A_777 = arith.constant -2.000000e+00 : f32
      %mul3A_778 = vector.broadcast %mul3A_777 : f32 to vector<16xf32>
      %mul3A_779 = arith.mulf %mul3A_778, %abs3A_776 : vector<16xf32>
      %exp3A_780 = math.exp %mul3A_779 : vector<16xf32>
      %sub3A_781 = arith.constant 1.000000e+00 : f32
      %sub3A_782 = vector.broadcast %sub3A_781 : f32 to vector<16xf32>
      %sub3A_783 = arith.subf %sub3A_782, %exp3A_780 : vector<16xf32>
      %add3A_784 = arith.constant 1.000000e+00 : f32
      %add3A_785 = vector.broadcast %add3A_784 : f32 to vector<16xf32>
      %add3A_786 = arith.addf %add3A_785, %exp3A_780 : vector<16xf32>
      %div3A_787 = arith.divf %sub3A_783, %add3A_786 : vector<16xf32>
      %lt3A_788 = arith.constant 0.000000e+00 : f32
      %lt3A_789 = vector.broadcast %lt3A_788 : f32 to vector<16xf32>
      %lt3A_790 = arith.cmpf olt, %add3A_775, %lt3A_789 : vector<16xf32>
      %neg3A_791 = arith.constant 0.000000e+00 : f32
      %neg3A_792 = vector.broadcast %neg3A_791 : f32 to vector<16xf32>
      %neg3A_793 = arith.subf %neg3A_792, %div3A_787 : vector<16xf32>
      %select_n3A_794 = arith.select %lt3A_790, %neg3A_793, %div3A_787 : vector<16xi1>, vector<16xf32>
      %get3A_795 = arith.constant 1 : i32
      %get3A_796 = arith.index_cast %get3A_795 : i32 to index
      %get3A_797 = arith.constant 0 : index
      %get3A_798 = tpu.vector_load %arg18[%get3A_796, %get3A_797] {strides = array<i32>} : memref<2x128xf32, #tpu.memory_space<vmem>>, vector<16xf32>,
      %mul3A_799 = arith.mulf %select_n3A_794, %get3A_798 : vector<16xf32>
      %get3A_800 = arith.constant 1 : i32
      %get3A_801 = arith.index_cast %get3A_800 : i32 to index
      %get3A_802 = arith.constant 0 : index
      %get3A_803 = tpu.vector_load %arg19[%get3A_801, %get3A_802] {strides = array<i32>} : memref<2x128xf32, #tpu.memory_space<vmem>>, vector<16xf32>,
      %mul3A_804 = arith.mulf %mul3A_799, %get3A_803 : vector<16xf32>
      %swap3A_805 = arith.constant 1 : i32
      %swap3A_806 = arith.index_cast %swap3A_805 : i32 to index
      %swap3A_807 = arith.constant 0 : index
      %swap3A_808 = tpu.vector_load %arg15[%swap3A_806, %swap3A_807] {strides = array<i32>} : memref<2x144xf32, #tpu.memory_space<vmem>>, vector<16xf32>,
      tpu.vector_store %arg15[%swap3A_806, %swap3A_807], %mul3A_804 {strides = array<i32>} : memref<2x144xf32, #tpu.memory_space<vmem>>, vector<16xf32>,
      %get3A_809 = arith.constant 1 : i32
      %get3A_810 = arith.index_cast %get3A_809 : i32 to index
      %get3A_811 = arith.constant 16 : index
      %get3A_812 = tpu.vector_load %arg16[%get3A_810, %get3A_811] {strides = array<i32>} : memref<2x128xf32, #tpu.memory_space<vmem>>, vector<16xf32>,
      %get3A_813 = arith.constant 1 : i32
      %get3A_814 = arith.index_cast %get3A_813 : i32 to index
      %get3A_815 = arith.constant 16 : index
      %get3A_816 = tpu.vector_load %arg17[%get3A_814, %get3A_815] {strides = array<i32>} : memref<2x128xf32, #tpu.memory_space<vmem>>, vector<16xf32>,
      %add3A_817 = arith.addf %get3A_812, %get3A_816 : vector<16xf32>
      %abs3A_818 = math.absf %add3A_817 : vector<16xf32>
      %mul3A_819 = arith.constant -2.000000e+00 : f32
      %mul3A_820 = vector.broadcast %mul3A_819 : f32 to vector<16xf32>
      %mul3A_821 = arith.mulf %mul3A_820, %abs3A_818 : vector<16xf32>
      %exp3A_822 = math.exp %mul3A_821 : vector<16xf32>
      %sub3A_823 = arith.constant 1.000000e+00 : f32
      %sub3A_824 = vector.broadcast %sub3A_823 : f32 to vector<16xf32>
      %sub3A_825 = arith.subf %sub3A_824, %exp3A_822 : vector<16xf32>
      %add3A_826 = arith.constant 1.000000e+00 : f32
      %add3A_827 = vector.broadcast %add3A_826 : f32 to vector<16xf32>
      %add3A_828 = arith.addf %add3A_827, %exp3A_822 : vector<16xf32>
      %div3A_829 = arith.divf %sub3A_825, %add3A_828 : vector<16xf32>
      %lt3A_830 = arith.constant 0.000000e+00 : f32
      %lt3A_831 = vector.broadcast %lt3A_830 : f32 to vector<16xf32>
      %lt3A_832 = arith.cmpf olt, %add3A_817, %lt3A_831 : vector<16xf32>
      %neg3A_833 = arith.constant 0.000000e+00 : f32
      %neg3A_834 = vector.broadcast %neg3A_833 : f32 to vector<16xf32>
      %neg3A_835 = arith.subf %neg3A_834, %div3A_829 : vector<16xf32>
      %select_n3A_836 = arith.select %lt3A_832, %neg3A_835, %div3A_829 : vector<16xi1>, vector<16xf32>
      %get3A_837 = arith.constant 1 : i32
      %get3A_838 = arith.index_cast %get3A_837 : i32 to index
      %get3A_839 = arith.constant 16 : index
      %get3A_840 = tpu.vector_load %arg18[%get3A_838, %get3A_839] {strides = array<i32>} : memref<2x128xf32, #tpu.memory_space<vmem>>, vector<16xf32>,
      %mul3A_841 = arith.mulf %select_n3A_836, %get3A_840 : vector<16xf32>
      %get3A_842 = arith.constant 1 : i32
      %get3A_843 = arith.index_cast %get3A_842 : i32 to index
      %get3A_844 = arith.constant 16 : index
      %get3A_845 = tpu.vector_load %arg19[%get3A_843, %get3A_844] {strides = array<i32>} : memref<2x128xf32, #tpu.memory_space<vmem>>, vector<16xf32>,
      %mul3A_846 = arith.mulf %mul3A_841, %get3A_845 : vector<16xf32>
      %swap3A_847 = arith.constant 1 : i32
      %swap3A_848 = arith.index_cast %swap3A_847 : i32 to index
      %swap3A_849 = arith.constant 16 : index
      %swap3A_850 = tpu.vector_load %arg15[%swap3A_848, %swap3A_849] {strides = array<i32>} : memref<2x144xf32, #tpu.memory_space<vmem>>, vector<16xf32>,
      tpu.vector_store %arg15[%swap3A_848, %swap3A_849], %mul3A_846 {strides = array<i32>} : memref<2x144xf32, #tpu.memory_space<vmem>>, vector<16xf32>,
      %get3A_851 = arith.constant 1 : i32
      %get3A_852 = arith.index_cast %get3A_851 : i32 to index
      %get3A_853 = arith.constant 32 : index
      %get3A_854 = tpu.vector_load %arg16[%get3A_852, %get3A_853] {strides = array<i32>} : memref<2x128xf32, #tpu.memory_space<vmem>>, vector<16xf32>,
      %get3A_855 = arith.constant 1 : i32
      %get3A_856 = arith.index_cast %get3A_855 : i32 to index
      %get3A_857 = arith.constant 32 : index
      %get3A_858 = tpu.vector_load %arg17[%get3A_856, %get3A_857] {strides = array<i32>} : memref<2x128xf32, #tpu.memory_space<vmem>>, vector<16xf32>,
      %add3A_859 = arith.addf %get3A_854, %get3A_858 : vector<16xf32>
      %abs3A_860 = math.absf %add3A_859 : vector<16xf32>
      %mul3A_861 = arith.constant -2.000000e+00 : f32
      %mul3A_862 = vector.broadcast %mul3A_861 : f32 to vector<16xf32>
      %mul3A_863 = arith.mulf %mul3A_862, %abs3A_860 : vector<16xf32>
      %exp3A_864 = math.exp %mul3A_863 : vector<16xf32>
      %sub3A_865 = arith.constant 1.000000e+00 : f32
      %sub3A_866 = vector.broadcast %sub3A_865 : f32 to vector<16xf32>
      %sub3A_867 = arith.subf %sub3A_866, %exp3A_864 : vector<16xf32>
      %add3A_868 = arith.constant 1.000000e+00 : f32
      %add3A_869 = vector.broadcast %add3A_868 : f32 to vector<16xf32>
      %add3A_870 = arith.addf %add3A_869, %exp3A_864 : vector<16xf32>
      %div3A_871 = arith.divf %sub3A_867, %add3A_870 : vector<16xf32>
      %lt3A_872 = arith.constant 0.000000e+00 : f32
      %lt3A_873 = vector.broadcast %lt3A_872 : f32 to vector<16xf32>
      %lt3A_874 = arith.cmpf olt, %add3A_859, %lt3A_873 : vector<16xf32>
      %neg3A_875 = arith.constant 0.000000e+00 : f32
      %neg3A_876 = vector.broadcast %neg3A_875 : f32 to vector<16xf32>
      %neg3A_877 = arith.subf %neg3A_876, %div3A_871 : vector<16xf32>
      %select_n3A_878 = arith.select %lt3A_874, %neg3A_877, %div3A_871 : vector<16xi1>, vector<16xf32>
      %get3A_879 = arith.constant 1 : i32
      %get3A_880 = arith.index_cast %get3A_879 : i32 to index
      %get3A_881 = arith.constant 32 : index
      %get3A_882 = tpu.vector_load %arg18[%get3A_880, %get3A_881] {strides = array<i32>} : memref<2x128xf32, #tpu.memory_space<vmem>>, vector<16xf32>,
      %mul3A_883 = arith.mulf %select_n3A_878, %get3A_882 : vector<16xf32>
      %get3A_884 = arith.constant 1 : i32
      %get3A_885 = arith.index_cast %get3A_884 : i32 to index
      %get3A_886 = arith.constant 32 : index
      %get3A_887 = tpu.vector_load %arg19[%get3A_885, %get3A_886] {strides = array<i32>} : memref<2x128xf32, #tpu.memory_space<vmem>>, vector<16xf32>,
      %mul3A_888 = arith.mulf %mul3A_883, %get3A_887 : vector<16xf32>
      %swap3A_889 = arith.constant 1 : i32
      %swap3A_890 = arith.index_cast %swap3A_889 : i32 to index
      %swap3A_891 = arith.constant 32 : index
      %swap3A_892 = tpu.vector_load %arg15[%swap3A_890, %swap3A_891] {strides = array<i32>} : memref<2x144xf32, #tpu.memory_space<vmem>>, vector<16xf32>,
      tpu.vector_store %arg15[%swap3A_890, %swap3A_891], %mul3A_888 {strides = array<i32>} : memref<2x144xf32, #tpu.memory_space<vmem>>, vector<16xf32>,
      %get3A_893 = arith.constant 1 : i32
      %get3A_894 = arith.index_cast %get3A_893 : i32 to index
      %get3A_895 = arith.constant 48 : index
      %get3A_896 = tpu.vector_load %arg16[%get3A_894, %get3A_895] {strides = array<i32>} : memref<2x128xf32, #tpu.memory_space<vmem>>, vector<16xf32>,
      %get3A_897 = arith.constant 1 : i32
      %get3A_898 = arith.index_cast %get3A_897 : i32 to index
      %get3A_899 = arith.constant 48 : index
      %get3A_900 = tpu.vector_load %arg17[%get3A_898, %get3A_899] {strides = array<i32>} : memref<2x128xf32, #tpu.memory_space<vmem>>, vector<16xf32>,
      %add3A_901 = arith.addf %get3A_896, %get3A_900 : vector<16xf32>
      %abs3A_902 = math.absf %add3A_901 : vector<16xf32>
      %mul3A_903 = arith.constant -2.000000e+00 : f32
      %mul3A_904 = vector.broadcast %mul3A_903 : f32 to vector<16xf32>
      %mul3A_905 = arith.mulf %mul3A_904, %abs3A_902 : vector<16xf32>
      %exp3A_906 = math.exp %mul3A_905 : vector<16xf32>
      %sub3A_907 = arith.constant 1.000000e+00 : f32
      %sub3A_908 = vector.broadcast %sub3A_907 : f32 to vector<16xf32>
      %sub3A_909 = arith.subf %sub3A_908, %exp3A_906 : vector<16xf32>
      %add3A_910 = arith.constant 1.000000e+00 : f32
      %add3A_911 = vector.broadcast %add3A_910 : f32 to vector<16xf32>
      %add3A_912 = arith.addf %add3A_911, %exp3A_906 : vector<16xf32>
      %div3A_913 = arith.divf %sub3A_909, %add3A_912 : vector<16xf32>
      %lt3A_914 = arith.constant 0.000000e+00 : f32
      %lt3A_915 = vector.broadcast %lt3A_914 : f32 to vector<16xf32>
      %lt3A_916 = arith.cmpf olt, %add3A_901, %lt3A_915 : vector<16xf32>
      %neg3A_917 = arith.constant 0.000000e+00 : f32
      %neg3A_918 = vector.broadcast %neg3A_917 : f32 to vector<16xf32>
      %neg3A_919 = arith.subf %neg3A_918, %div3A_913 : vector<16xf32>
      %select_n3A_920 = arith.select %lt3A_916, %neg3A_919, %div3A_913 : vector<16xi1>, vector<16xf32>
      %get3A_921 = arith.constant 1 : i32
      %get3A_922 = arith.index_cast %get3A_921 : i32 to index
      %get3A_923 = arith.constant 48 : index
      %get3A_924 = tpu.vector_load %arg18[%get3A_922, %get3A_923] {strides = array<i32>} : memref<2x128xf32, #tpu.memory_space<vmem>>, vector<16xf32>,
      %mul3A_925 = arith.mulf %select_n3A_920, %get3A_924 : vector<16xf32>
      %get3A_926 = arith.constant 1 : i32
      %get3A_927 = arith.index_cast %get3A_926 : i32 to index
      %get3A_928 = arith.constant 48 : index
      %get3A_929 = tpu.vector_load %arg19[%get3A_927, %get3A_928] {strides = array<i32>} : memref<2x128xf32, #tpu.memory_space<vmem>>, vector<16xf32>,
      %mul3A_930 = arith.mulf %mul3A_925, %get3A_929 : vector<16xf32>
      %swap3A_931 = arith.constant 1 : i32
      %swap3A_932 = arith.index_cast %swap3A_931 : i32 to index
      %swap3A_933 = arith.constant 48 : index
      %swap3A_934 = tpu.vector_load %arg15[%swap3A_932, %swap3A_933] {strides = array<i32>} : memref<2x144xf32, #tpu.memory_space<vmem>>, vector<16xf32>,
      tpu.vector_store %arg15[%swap3A_932, %swap3A_933], %mul3A_930 {strides = array<i32>} : memref<2x144xf32, #tpu.memory_space<vmem>>, vector<16xf32>,
      %get3A_935 = arith.constant 1 : i32
      %get3A_936 = arith.index_cast %get3A_935 : i32 to index
      %get3A_937 = arith.constant 64 : index
      %get3A_938 = tpu.vector_load %arg16[%get3A_936, %get3A_937] {strides = array<i32>} : memref<2x128xf32, #tpu.memory_space<vmem>>, vector<16xf32>,
      %get3A_939 = arith.constant 1 : i32
      %get3A_940 = arith.index_cast %get3A_939 : i32 to index
      %get3A_941 = arith.constant 64 : index
      %get3A_942 = tpu.vector_load %arg17[%get3A_940, %get3A_941] {strides = array<i32>} : memref<2x128xf32, #tpu.memory_space<vmem>>, vector<16xf32>,
      %add3A_943 = arith.addf %get3A_938, %get3A_942 : vector<16xf32>
      %abs3A_944 = math.absf %add3A_943 : vector<16xf32>
      %mul3A_945 = arith.constant -2.000000e+00 : f32
      %mul3A_946 = vector.broadcast %mul3A_945 : f32 to vector<16xf32>
      %mul3A_947 = arith.mulf %mul3A_946, %abs3A_944 : vector<16xf32>
      %exp3A_948 = math.exp %mul3A_947 : vector<16xf32>
      %sub3A_949 = arith.constant 1.000000e+00 : f32
      %sub3A_950 = vector.broadcast %sub3A_949 : f32 to vector<16xf32>
      %sub3A_951 = arith.subf %sub3A_950, %exp3A_948 : vector<16xf32>
      %add3A_952 = arith.constant 1.000000e+00 : f32
      %add3A_953 = vector.broadcast %add3A_952 : f32 to vector<16xf32>
      %add3A_954 = arith.addf %add3A_953, %exp3A_948 : vector<16xf32>
      %div3A_955 = arith.divf %sub3A_951, %add3A_954 : vector<16xf32>
      %lt3A_956 = arith.constant 0.000000e+00 : f32
      %lt3A_957 = vector.broadcast %lt3A_956 : f32 to vector<16xf32>
      %lt3A_958 = arith.cmpf olt, %add3A_943, %lt3A_957 : vector<16xf32>
      %neg3A_959 = arith.constant 0.000000e+00 : f32
      %neg3A_960 = vector.broadcast %neg3A_959 : f32 to vector<16xf32>
      %neg3A_961 = arith.subf %neg3A_960, %div3A_955 : vector<16xf32>
      %select_n3A_962 = arith.select %lt3A_958, %neg3A_961, %div3A_955 : vector<16xi1>, vector<16xf32>
      %get3A_963 = arith.constant 1 : i32
      %get3A_964 = arith.index_cast %get3A_963 : i32 to index
      %get3A_965 = arith.constant 64 : index
      %get3A_966 = tpu.vector_load %arg18[%get3A_964, %get3A_965] {strides = array<i32>} : memref<2x128xf32, #tpu.memory_space<vmem>>, vector<16xf32>,
      %mul3A_967 = arith.mulf %select_n3A_962, %get3A_966 : vector<16xf32>
      %get3A_968 = arith.constant 1 : i32
      %get3A_969 = arith.index_cast %get3A_968 : i32 to index
      %get3A_970 = arith.constant 64 : index
      %get3A_971 = tpu.vector_load %arg19[%get3A_969, %get3A_970] {strides = array<i32>} : memref<2x128xf32, #tpu.memory_space<vmem>>, vector<16xf32>,
      %mul3A_972 = arith.mulf %mul3A_967, %get3A_971 : vector<16xf32>
      %swap3A_973 = arith.constant 1 : i32
      %swap3A_974 = arith.index_cast %swap3A_973 : i32 to index
      %swap3A_975 = arith.constant 64 : index
      %swap3A_976 = tpu.vector_load %arg15[%swap3A_974, %swap3A_975] {strides = array<i32>} : memref<2x144xf32, #tpu.memory_space<vmem>>, vector<16xf32>,
      tpu.vector_store %arg15[%swap3A_974, %swap3A_975], %mul3A_972 {strides = array<i32>} : memref<2x144xf32, #tpu.memory_space<vmem>>, vector<16xf32>,
      %get3A_977 = arith.constant 1 : i32
      %get3A_978 = arith.index_cast %get3A_977 : i32 to index
      %get3A_979 = arith.constant 80 : index
      %get3A_980 = tpu.vector_load %arg16[%get3A_978, %get3A_979] {strides = array<i32>} : memref<2x128xf32, #tpu.memory_space<vmem>>, vector<16xf32>,
      %get3A_981 = arith.constant 1 : i32
      %get3A_982 = arith.index_cast %get3A_981 : i32 to index
      %get3A_983 = arith.constant 80 : index
      %get3A_984 = tpu.vector_load %arg17[%get3A_982, %get3A_983] {strides = array<i32>} : memref<2x128xf32, #tpu.memory_space<vmem>>, vector<16xf32>,
      %add3A_985 = arith.addf %get3A_980, %get3A_984 : vector<16xf32>
      %abs3A_986 = math.absf %add3A_985 : vector<16xf32>
      %mul3A_987 = arith.constant -2.000000e+00 : f32
      %mul3A_988 = vector.broadcast %mul3A_987 : f32 to vector<16xf32>
      %mul3A_989 = arith.mulf %mul3A_988, %abs3A_986 : vector<16xf32>
      %exp3A_990 = math.exp %mul3A_989 : vector<16xf32>
      %sub3A_991 = arith.constant 1.000000e+00 : f32
      %sub3A_992 = vector.broadcast %sub3A_991 : f32 to vector<16xf32>
      %sub3A_993 = arith.subf %sub3A_992, %exp3A_990 : vector<16xf32>
      %add3A_994 = arith.constant 1.000000e+00 : f32
      %add3A_995 = vector.broadcast %add3A_994 : f32 to vector<16xf32>
      %add3A_996 = arith.addf %add3A_995, %exp3A_990 : vector<16xf32>
      %div3A_997 = arith.divf %sub3A_993, %add3A_996 : vector<16xf32>
      %lt3A_998 = arith.constant 0.000000e+00 : f32
      %lt3A_999 = vector.broadcast %lt3A_998 : f32 to vector<16xf32>
      %lt3A_1000 = arith.cmpf olt, %add3A_985, %lt3A_999 : vector<16xf32>
      %neg3A_1001 = arith.constant 0.000000e+00 : f32
      %neg3A_1002 = vector.broadcast %neg3A_1001 : f32 to vector<16xf32>
      %neg3A_1003 = arith.subf %neg3A_1002, %div3A_997 : vector<16xf32>
      %select_n3A_1004 = arith.select %lt3A_1000, %neg3A_1003, %div3A_997 : vector<16xi1>, vector<16xf32>
      %get3A_1005 = arith.constant 1 : i32
      %get3A_1006 = arith.index_cast %get3A_1005 : i32 to index
      %get3A_1007 = arith.constant 80 : index
      %get3A_1008 = tpu.vector_load %arg18[%get3A_1006, %get3A_1007] {strides = array<i32>} : memref<2x128xf32, #tpu.memory_space<vmem>>, vector<16xf32>,
      %mul3A_1009 = arith.mulf %select_n3A_1004, %get3A_1008 : vector<16xf32>
      %get3A_1010 = arith.constant 1 : i32
      %get3A_1011 = arith.index_cast %get3A_1010 : i32 to index
      %get3A_1012 = arith.constant 80 : index
      %get3A_1013 = tpu.vector_load %arg19[%get3A_1011, %get3A_1012] {strides = array<i32>} : memref<2x128xf32, #tpu.memory_space<vmem>>, vector<16xf32>,
      %mul3A_1014 = arith.mulf %mul3A_1009, %get3A_1013 : vector<16xf32>
      %swap3A_1015 = arith.constant 1 : i32
      %swap3A_1016 = arith.index_cast %swap3A_1015 : i32 to index
      %swap3A_1017 = arith.constant 80 : index
      %swap3A_1018 = tpu.vector_load %arg15[%swap3A_1016, %swap3A_1017] {strides = array<i32>} : memref<2x144xf32, #tpu.memory_space<vmem>>, vector<16xf32>,
      tpu.vector_store %arg15[%swap3A_1016, %swap3A_1017], %mul3A_1014 {strides = array<i32>} : memref<2x144xf32, #tpu.memory_space<vmem>>, vector<16xf32>,
      %get3A_1019 = arith.constant 1 : i32
      %get3A_1020 = arith.index_cast %get3A_1019 : i32 to index
      %get3A_1021 = arith.constant 96 : index
      %get3A_1022 = tpu.vector_load %arg16[%get3A_1020, %get3A_1021] {strides = array<i32>} : memref<2x128xf32, #tpu.memory_space<vmem>>, vector<16xf32>,
      %get3A_1023 = arith.constant 1 : i32
      %get3A_1024 = arith.index_cast %get3A_1023 : i32 to index
      %get3A_1025 = arith.constant 96 : index
      %get3A_1026 = tpu.vector_load %arg17[%get3A_1024, %get3A_1025] {strides = array<i32>} : memref<2x128xf32, #tpu.memory_space<vmem>>, vector<16xf32>,
      %add3A_1027 = arith.addf %get3A_1022, %get3A_1026 : vector<16xf32>
      %abs3A_1028 = math.absf %add3A_1027 : vector<16xf32>
      %mul3A_1029 = arith.constant -2.000000e+00 : f32
      %mul3A_1030 = vector.broadcast %mul3A_1029 : f32 to vector<16xf32>
      %mul3A_1031 = arith.mulf %mul3A_1030, %abs3A_1028 : vector<16xf32>
      %exp3A_1032 = math.exp %mul3A_1031 : vector<16xf32>
      %sub3A_1033 = arith.constant 1.000000e+00 : f32
      %sub3A_1034 = vector.broadcast %sub3A_1033 : f32 to vector<16xf32>
      %sub3A_1035 = arith.subf %sub3A_1034, %exp3A_1032 : vector<16xf32>
      %add3A_1036 = arith.constant 1.000000e+00 : f32
      %add3A_1037 = vector.broadcast %add3A_1036 : f32 to vector<16xf32>
      %add3A_1038 = arith.addf %add3A_1037, %exp3A_1032 : vector<16xf32>
      %div3A_1039 = arith.divf %sub3A_1035, %add3A_1038 : vector<16xf32>
      %lt3A_1040 = arith.constant 0.000000e+00 : f32
      %lt3A_1041 = vector.broadcast %lt3A_1040 : f32 to vector<16xf32>
      %lt3A_1042 = arith.cmpf olt, %add3A_1027, %lt3A_1041 : vector<16xf32>
      %neg3A_1043 = arith.constant 0.000000e+00 : f32
      %neg3A_1044 = vector.broadcast %neg3A_1043 : f32 to vector<16xf32>
      %neg3A_1045 = arith.subf %neg3A_1044, %div3A_1039 : vector<16xf32>
      %select_n3A_1046 = arith.select %lt3A_1042, %neg3A_1045, %div3A_1039 : vector<16xi1>, vector<16xf32>
      %get3A_1047 = arith.constant 1 : i32
      %get3A_1048 = arith.index_cast %get3A_1047 : i32 to index
      %get3A_1049 = arith.constant 96 : index
      %get3A_1050 = tpu.vector_load %arg18[%get3A_1048, %get3A_1049] {strides = array<i32>} : memref<2x128xf32, #tpu.memory_space<vmem>>, vector<16xf32>,
      %mul3A_1051 = arith.mulf %select_n3A_1046, %get3A_1050 : vector<16xf32>
      %get3A_1052 = arith.constant 1 : i32
      %get3A_1053 = arith.index_cast %get3A_1052 : i32 to index
      %get3A_1054 = arith.constant 96 : index
      %get3A_1055 = tpu.vector_load %arg19[%get3A_1053, %get3A_1054] {strides = array<i32>} : memref<2x128xf32, #tpu.memory_space<vmem>>, vector<16xf32>,
      %mul3A_1056 = arith.mulf %mul3A_1051, %get3A_1055 : vector<16xf32>
      %swap3A_1057 = arith.constant 1 : i32
      %swap3A_1058 = arith.index_cast %swap3A_1057 : i32 to index
      %swap3A_1059 = arith.constant 96 : index
      %swap3A_1060 = tpu.vector_load %arg15[%swap3A_1058, %swap3A_1059] {strides = array<i32>} : memref<2x144xf32, #tpu.memory_space<vmem>>, vector<16xf32>,
      tpu.vector_store %arg15[%swap3A_1058, %swap3A_1059], %mul3A_1056 {strides = array<i32>} : memref<2x144xf32, #tpu.memory_space<vmem>>, vector<16xf32>,
      %get3A_1061 = arith.constant 1 : i32
      %get3A_1062 = arith.index_cast %get3A_1061 : i32 to index
      %get3A_1063 = arith.constant 112 : index
      %get3A_1064 = tpu.vector_load %arg16[%get3A_1062, %get3A_1063] {strides = array<i32>} : memref<2x128xf32, #tpu.memory_space<vmem>>, vector<16xf32>,
      %get3A_1065 = arith.constant 1 : i32
      %get3A_1066 = arith.index_cast %get3A_1065 : i32 to index
      %get3A_1067 = arith.constant 112 : index
      %get3A_1068 = tpu.vector_load %arg17[%get3A_1066, %get3A_1067] {strides = array<i32>} : memref<2x128xf32, #tpu.memory_space<vmem>>, vector<16xf32>,
      %add3A_1069 = arith.addf %get3A_1064, %get3A_1068 : vector<16xf32>
      %abs3A_1070 = math.absf %add3A_1069 : vector<16xf32>
      %mul3A_1071 = arith.constant -2.000000e+00 : f32
      %mul3A_1072 = vector.broadcast %mul3A_1071 : f32 to vector<16xf32>
      %mul3A_1073 = arith.mulf %mul3A_1072, %abs3A_1070 : vector<16xf32>
      %exp3A_1074 = math.exp %mul3A_1073 : vector<16xf32>
      %sub3A_1075 = arith.constant 1.000000e+00 : f32
      %sub3A_1076 = vector.broadcast %sub3A_1075 : f32 to vector<16xf32>
      %sub3A_1077 = arith.subf %sub3A_1076, %exp3A_1074 : vector<16xf32>
      %add3A_1078 = arith.constant 1.000000e+00 : f32
      %add3A_1079 = vector.broadcast %add3A_1078 : f32 to vector<16xf32>
      %add3A_1080 = arith.addf %add3A_1079, %exp3A_1074 : vector<16xf32>
      %div3A_1081 = arith.divf %sub3A_1077, %add3A_1080 : vector<16xf32>
      %lt3A_1082 = arith.constant 0.000000e+00 : f32
      %lt3A_1083 = vector.broadcast %lt3A_1082 : f32 to vector<16xf32>
      %lt3A_1084 = arith.cmpf olt, %add3A_1069, %lt3A_1083 : vector<16xf32>
      %neg3A_1085 = arith.constant 0.000000e+00 : f32
      %neg3A_1086 = vector.broadcast %neg3A_1085 : f32 to vector<16xf32>
      %neg3A_1087 = arith.subf %neg3A_1086, %div3A_1081 : vector<16xf32>
      %select_n3A_1088 = arith.select %lt3A_1084, %neg3A_1087, %div3A_1081 : vector<16xi1>, vector<16xf32>
      %get3A_1089 = arith.constant 1 : i32
      %get3A_1090 = arith.index_cast %get3A_1089 : i32 to index
      %get3A_1091 = arith.constant 112 : index
      %get3A_1092 = tpu.vector_load %arg18[%get3A_1090, %get3A_1091] {strides = array<i32>} : memref<2x128xf32, #tpu.memory_space<vmem>>, vector<16xf32>,
      %mul3A_1093 = arith.mulf %select_n3A_1088, %get3A_1092 : vector<16xf32>
      %get3A_1094 = arith.constant 1 : i32
      %get3A_1095 = arith.index_cast %get3A_1094 : i32 to index
      %get3A_1096 = arith.constant 112 : index
      %get3A_1097 = tpu.vector_load %arg19[%get3A_1095, %get3A_1096] {strides = array<i32>} : memref<2x128xf32, #tpu.memory_space<vmem>>, vector<16xf32>,
      %mul3A_1098 = arith.mulf %mul3A_1093, %get3A_1097 : vector<16xf32>
      %swap3A_1099 = arith.constant 1 : i32
      %swap3A_1100 = arith.index_cast %swap3A_1099 : i32 to index
      %swap3A_1101 = arith.constant 112 : index
      %swap3A_1102 = tpu.vector_load %arg15[%swap3A_1100, %swap3A_1101] {strides = array<i32>} : memref<2x144xf32, #tpu.memory_space<vmem>>, vector<16xf32>,
      tpu.vector_store %arg15[%swap3A_1100, %swap3A_1101], %mul3A_1098 {strides = array<i32>} : memref<2x144xf32, #tpu.memory_space<vmem>>, vector<16xf32>,
      %dma_wait3A_1103 = arith.constant 1 : i32
      %dma_wait3A_1104 = arith.constant 1 : i32
      %dma_wait3A_1105 = arith.constant 0 : i32
      %dma_wait3A_1106 = arith.constant 0 : i32
      %dma_wait3A_1107 = tpu.memref_slice %arg23[%dma_wait3A_1104, %dma_wait3A_1105, %dma_wait3A_1106] : memref<2x128x64xi32, #tpu.memory_space<vmem>> -> memref<1x128x64xi32, #tpu.memory_space<vmem>>
      %dma_wait3A_1108 = tpu.memref_squeeze %dma_wait3A_1107 : memref<1x128x64xi32, #tpu.memory_space<vmem>> -> memref<128x64xi32, #tpu.memory_space<vmem>>
      %dma_wait3A_1109 = arith.constant 0 : i32
      %dma_wait3A_1110 = tpu.memref_slice %arg13[%dma_wait3A_1103, %dma_wait3A_1109] : memref<2x128xi32, #tpu.memory_space<vmem>> -> memref<1x128xi32, #tpu.memory_space<vmem>>
      %dma_wait3A_1111 = tpu.memref_squeeze %dma_wait3A_1110 : memref<1x128xi32, #tpu.memory_space<vmem>> -> memref<128xi32, #tpu.memory_space<vmem>>
      %dma_wait3A_1112 = arith.constant 0 : i32
      %dma_wait3A_1113 = arith.constant 0 : i32
      %dma_wait3A_1114 = tpu.memref_slice %arg2[%dma_wait3A_1112, %dma_wait3A_1113] : memref<10240x64xi32, #tpu.memory_space<hbm>> -> memref<10240x64xi32, #tpu.memory_space<hbm>>
      tpu.wait_indirect_dma semaphore(%arg26 : memref<!tpu.dma_semaphore, #tpu.memory_space<semaphore_mem>>) src(%dma_wait3A_1114 : memref<10240x64xi32, #tpu.memory_space<hbm>>) dst(%dma_wait3A_1108 : memref<128x64xi32, #tpu.memory_space<vmem>>)
      %parallel_loop3A_1115 = arith.constant 0 : i32
      %parallel_loop3A_1116 = arith.constant 128 : i32
      %parallel_loop3A_1117 = arith.constant 1 : i32
      scf.for %parallel_loop3A_1119 = %parallel_loop3A_1115 to %parallel_loop3A_1116 step %parallel_loop3A_1117  : i32 {
        %parallel_loop3A_1120 = arith.constant 1 : i32
        %parallel_loop3A_1121 = arith.index_cast %parallel_loop3A_1120 : i32 to index
        %parallel_loop3A_1122 = arith.index_cast %parallel_loop3A_1119 : i32 to index
        %parallel_loop3A_1123 = tpu.vector_load %arg15[%parallel_loop3A_1121, %parallel_loop3A_1122] {strides = array<i32>} : memref<2x144xf32, #tpu.memory_space<vmem>>, vector<16xf32>,
        %parallel_loop3A_1124 = vector.extract_strided_slice %parallel_loop3A_1123 {offsets = [0], sizes = [1], strides = [1]} : vector<16xf32> to vector<1xf32>
        %parallel_loop3A_1125 = vector.extract %parallel_loop3A_1124[0] : f32 from vector<1xf32>
        %parallel_loop3A_1126 = arith.constant 1 : i32
        %parallel_loop3A_1127 = arith.index_cast %parallel_loop3A_1126 : i32 to index
        %parallel_loop3A_1128 = arith.index_cast %parallel_loop3A_1119 : i32 to index
        %parallel_loop3A_1129 = arith.constant 0 : index
        %parallel_loop3A_1130 = tpu.vector_load %arg23[%parallel_loop3A_1127, %parallel_loop3A_1128, %parallel_loop3A_1129] {strides = array<i32>} : memref<2x128x64xi32, #tpu.memory_space<vmem>>, vector<16xi32>,
        %parallel_loop3A_1131 = vector.bitcast %parallel_loop3A_1130 : vector<16xi32> to vector<32xbf16>
        %parallel_loop3A_1132 = tpu.unpack_subelements %parallel_loop3A_1131, 0 {pack_format = #tpu.pack_format<interleaved>} : vector<32xbf16> -> vector<16xf32>
        %parallel_loop3A_1133 = tpu.unpack_subelements %parallel_loop3A_1131, 1 {pack_format = #tpu.pack_format<interleaved>} : vector<32xbf16> -> vector<16xf32>
        %parallel_loop3A_1134 = vector.broadcast %parallel_loop3A_1125 : f32 to vector<16xf32>
        %parallel_loop3A_1135 = arith.mulf %parallel_loop3A_1132, %parallel_loop3A_1134 : vector<16xf32>
        %parallel_loop3A_1136 = arith.index_cast %parallel_loop3A_1119 : i32 to index
        %parallel_loop3A_1137 = arith.constant 0 : index
        %parallel_loop3A_1138 = tpu.vector_load %arg24[%parallel_loop3A_1136, %parallel_loop3A_1137] {strides = array<i32>} : memref<128x128xf32, #tpu.memory_space<vmem>>, vector<16xf32>,
        tpu.vector_store %arg24[%parallel_loop3A_1136, %parallel_loop3A_1137], %parallel_loop3A_1135 {strides = array<i32>} : memref<128x128xf32, #tpu.memory_space<vmem>>, vector<16xf32>,
        %parallel_loop3A_1139 = vector.broadcast %parallel_loop3A_1125 : f32 to vector<16xf32>
        %parallel_loop3A_1140 = arith.mulf %parallel_loop3A_1133, %parallel_loop3A_1139 : vector<16xf32>
        %parallel_loop3A_1141 = arith.index_cast %parallel_loop3A_1119 : i32 to index
        %parallel_loop3A_1142 = arith.constant 16 : index
        %parallel_loop3A_1143 = tpu.vector_load %arg24[%parallel_loop3A_1141, %parallel_loop3A_1142] {strides = array<i32>} : memref<128x128xf32, #tpu.memory_space<vmem>>, vector<16xf32>,
        tpu.vector_store %arg24[%parallel_loop3A_1141, %parallel_loop3A_1142], %parallel_loop3A_1140 {strides = array<i32>} : memref<128x128xf32, #tpu.memory_space<vmem>>, vector<16xf32>,
        %parallel_loop3A_1144 = arith.constant 1 : i32
        %parallel_loop3A_1145 = arith.index_cast %parallel_loop3A_1144 : i32 to index
        %parallel_loop3A_1146 = arith.index_cast %parallel_loop3A_1119 : i32 to index
        %parallel_loop3A_1147 = arith.constant 16 : index
        %parallel_loop3A_1148 = tpu.vector_load %arg23[%parallel_loop3A_1145, %parallel_loop3A_1146, %parallel_loop3A_1147] {strides = array<i32>} : memref<2x128x64xi32, #tpu.memory_space<vmem>>, vector<16xi32>,
        %parallel_loop3A_1149 = vector.bitcast %parallel_loop3A_1148 : vector<16xi32> to vector<32xbf16>
        %parallel_loop3A_1150 = tpu.unpack_subelements %parallel_loop3A_1149, 0 {pack_format = #tpu.pack_format<interleaved>} : vector<32xbf16> -> vector<16xf32>
        %parallel_loop3A_1151 = tpu.unpack_subelements %parallel_loop3A_1149, 1 {pack_format = #tpu.pack_format<interleaved>} : vector<32xbf16> -> vector<16xf32>
        %parallel_loop3A_1152 = vector.broadcast %parallel_loop3A_1125 : f32 to vector<16xf32>
        %parallel_loop3A_1153 = arith.mulf %parallel_loop3A_1150, %parallel_loop3A_1152 : vector<16xf32>
        %parallel_loop3A_1154 = arith.index_cast %parallel_loop3A_1119 : i32 to index
        %parallel_loop3A_1155 = arith.constant 32 : index
        %parallel_loop3A_1156 = tpu.vector_load %arg24[%parallel_loop3A_1154, %parallel_loop3A_1155] {strides = array<i32>} : memref<128x128xf32, #tpu.memory_space<vmem>>, vector<16xf32>,
        tpu.vector_store %arg24[%parallel_loop3A_1154, %parallel_loop3A_1155], %parallel_loop3A_1153 {strides = array<i32>} : memref<128x128xf32, #tpu.memory_space<vmem>>, vector<16xf32>,
        %parallel_loop3A_1157 = vector.broadcast %parallel_loop3A_1125 : f32 to vector<16xf32>
        %parallel_loop3A_1158 = arith.mulf %parallel_loop3A_1151, %parallel_loop3A_1157 : vector<16xf32>
        %parallel_loop3A_1159 = arith.index_cast %parallel_loop3A_1119 : i32 to index
        %parallel_loop3A_1160 = arith.constant 48 : index
        %parallel_loop3A_1161 = tpu.vector_load %arg24[%parallel_loop3A_1159, %parallel_loop3A_1160] {strides = array<i32>} : memref<128x128xf32, #tpu.memory_space<vmem>>, vector<16xf32>,
        tpu.vector_store %arg24[%parallel_loop3A_1159, %parallel_loop3A_1160], %parallel_loop3A_1158 {strides = array<i32>} : memref<128x128xf32, #tpu.memory_space<vmem>>, vector<16xf32>,
        %parallel_loop3A_1162 = arith.constant 1 : i32
        %parallel_loop3A_1163 = arith.index_cast %parallel_loop3A_1162 : i32 to index
        %parallel_loop3A_1164 = arith.index_cast %parallel_loop3A_1119 : i32 to index
        %parallel_loop3A_1165 = arith.constant 32 : index
        %parallel_loop3A_1166 = tpu.vector_load %arg23[%parallel_loop3A_1163, %parallel_loop3A_1164, %parallel_loop3A_1165] {strides = array<i32>} : memref<2x128x64xi32, #tpu.memory_space<vmem>>, vector<16xi32>,
        %parallel_loop3A_1167 = vector.bitcast %parallel_loop3A_1166 : vector<16xi32> to vector<32xbf16>
        %parallel_loop3A_1168 = tpu.unpack_subelements %parallel_loop3A_1167, 0 {pack_format = #tpu.pack_format<interleaved>} : vector<32xbf16> -> vector<16xf32>
        %parallel_loop3A_1169 = tpu.unpack_subelements %parallel_loop3A_1167, 1 {pack_format = #tpu.pack_format<interleaved>} : vector<32xbf16> -> vector<16xf32>
        %parallel_loop3A_1170 = vector.broadcast %parallel_loop3A_1125 : f32 to vector<16xf32>
        %parallel_loop3A_1171 = arith.mulf %parallel_loop3A_1168, %parallel_loop3A_1170 : vector<16xf32>
        %parallel_loop3A_1172 = arith.index_cast %parallel_loop3A_1119 : i32 to index
        %parallel_loop3A_1173 = arith.constant 64 : index
        %parallel_loop3A_1174 = tpu.vector_load %arg24[%parallel_loop3A_1172, %parallel_loop3A_1173] {strides = array<i32>} : memref<128x128xf32, #tpu.memory_space<vmem>>, vector<16xf32>,
        tpu.vector_store %arg24[%parallel_loop3A_1172, %parallel_loop3A_1173], %parallel_loop3A_1171 {strides = array<i32>} : memref<128x128xf32, #tpu.memory_space<vmem>>, vector<16xf32>,
        %parallel_loop3A_1175 = vector.broadcast %parallel_loop3A_1125 : f32 to vector<16xf32>
        %parallel_loop3A_1176 = arith.mulf %parallel_loop3A_1169, %parallel_loop3A_1175 : vector<16xf32>
        %parallel_loop3A_1177 = arith.index_cast %parallel_loop3A_1119 : i32 to index
        %parallel_loop3A_1178 = arith.constant 80 : index
        %parallel_loop3A_1179 = tpu.vector_load %arg24[%parallel_loop3A_1177, %parallel_loop3A_1178] {strides = array<i32>} : memref<128x128xf32, #tpu.memory_space<vmem>>, vector<16xf32>,
        tpu.vector_store %arg24[%parallel_loop3A_1177, %parallel_loop3A_1178], %parallel_loop3A_1176 {strides = array<i32>} : memref<128x128xf32, #tpu.memory_space<vmem>>, vector<16xf32>,
        %parallel_loop3A_1180 = arith.constant 1 : i32
        %parallel_loop3A_1181 = arith.index_cast %parallel_loop3A_1180 : i32 to index
        %parallel_loop3A_1182 = arith.index_cast %parallel_loop3A_1119 : i32 to index
        %parallel_loop3A_1183 = arith.constant 48 : index
        %parallel_loop3A_1184 = tpu.vector_load %arg23[%parallel_loop3A_1181, %parallel_loop3A_1182, %parallel_loop3A_1183] {strides = array<i32>} : memref<2x128x64xi32, #tpu.memory_space<vmem>>, vector<16xi32>,
        %parallel_loop3A_1185 = vector.bitcast %parallel_loop3A_1184 : vector<16xi32> to vector<32xbf16>
        %parallel_loop3A_1186 = tpu.unpack_subelements %parallel_loop3A_1185, 0 {pack_format = #tpu.pack_format<interleaved>} : vector<32xbf16> -> vector<16xf32>
        %parallel_loop3A_1187 = tpu.unpack_subelements %parallel_loop3A_1185, 1 {pack_format = #tpu.pack_format<interleaved>} : vector<32xbf16> -> vector<16xf32>
        %parallel_loop3A_1188 = vector.broadcast %parallel_loop3A_1125 : f32 to vector<16xf32>
        %parallel_loop3A_1189 = arith.mulf %parallel_loop3A_1186, %parallel_loop3A_1188 : vector<16xf32>
        %parallel_loop3A_1190 = arith.index_cast %parallel_loop3A_1119 : i32 to index
        %parallel_loop3A_1191 = arith.constant 96 : index
        %parallel_loop3A_1192 = tpu.vector_load %arg24[%parallel_loop3A_1190, %parallel_loop3A_1191] {strides = array<i32>} : memref<128x128xf32, #tpu.memory_space<vmem>>, vector<16xf32>,
        tpu.vector_store %arg24[%parallel_loop3A_1190, %parallel_loop3A_1191], %parallel_loop3A_1189 {strides = array<i32>} : memref<128x128xf32, #tpu.memory_space<vmem>>, vector<16xf32>,
        %parallel_loop3A_1193 = vector.broadcast %parallel_loop3A_1125 : f32 to vector<16xf32>
        %parallel_loop3A_1194 = arith.mulf %parallel_loop3A_1187, %parallel_loop3A_1193 : vector<16xf32>
        %parallel_loop3A_1195 = arith.index_cast %parallel_loop3A_1119 : i32 to index
        %parallel_loop3A_1196 = arith.constant 112 : index
        %parallel_loop3A_1197 = tpu.vector_load %arg24[%parallel_loop3A_1195, %parallel_loop3A_1196] {strides = array<i32>} : memref<128x128xf32, #tpu.memory_space<vmem>>, vector<16xf32>,
        tpu.vector_store %arg24[%parallel_loop3A_1195, %parallel_loop3A_1196], %parallel_loop3A_1194 {strides = array<i32>} : memref<128x128xf32, #tpu.memory_space<vmem>>, vector<16xf32>,
      } {sc.loop_unroll_factor = 4 : i64, sc.parallel_access}
      %run_scoped3A_1118 = arith.constant 1 : i32
      "tpu.region"() ({
        %run_scoped3A_1119 = tpu.sem_alloc : memref<!tpu.dma_semaphore, #tpu.memory_space<semaphore_mem>>
        %dma_start3A_1120 = arith.constant 0 : i32
        %dma_start3A_1121 = tpu.memref_slice %arg14[%run_scoped3A_1118, %dma_start3A_1120] : memref<2x128xi32, #tpu.memory_space<vmem>> -> memref<1x128xi32, #tpu.memory_space<vmem>>
        %dma_start3A_1122 = tpu.memref_squeeze %dma_start3A_1121 : memref<1x128xi32, #tpu.memory_space<vmem>> -> memref<128xi32, #tpu.memory_space<vmem>>
        %dma_start3A_1123 = arith.constant 0 : i32
        %dma_start3A_1124 = arith.constant 0 : i32
        %dma_start3A_1125 = tpu.memref_slice %arg12[%dma_start3A_1123, %dma_start3A_1124] : memref<10240x128xf32, #tpu.memory_space<vmem_shared>> -> memref<10240x128xf32, #tpu.memory_space<vmem_shared>>
        tpu.enqueue_indirect_dma source(%arg24 : memref<128x128xf32, #tpu.memory_space<vmem>>) target(%dma_start3A_1125 : memref<10240x128xf32, #tpu.memory_space<vmem_shared>>) offsets(%dma_start3A_1122 : memref<128xi32, #tpu.memory_space<vmem>>) semaphore(%run_scoped3A_1119 : memref<!tpu.dma_semaphore, #tpu.memory_space<semaphore_mem>>) {add = true}
        %dma_wait3A_1126 = arith.constant 0 : i32
        %dma_wait3A_1127 = tpu.memref_slice %arg14[%run_scoped3A_1118, %dma_wait3A_1126] : memref<2x128xi32, #tpu.memory_space<vmem>> -> memref<1x128xi32, #tpu.memory_space<vmem>>
        %dma_wait3A_1128 = tpu.memref_squeeze %dma_wait3A_1127 : memref<1x128xi32, #tpu.memory_space<vmem>> -> memref<128xi32, #tpu.memory_space<vmem>>
        %dma_wait3A_1129 = arith.constant 0 : i32
        %dma_wait3A_1130 = arith.constant 0 : i32
        %dma_wait3A_1131 = tpu.memref_slice %arg12[%dma_wait3A_1129, %dma_wait3A_1130] : memref<10240x128xf32, #tpu.memory_space<vmem_shared>> -> memref<10240x128xf32, #tpu.memory_space<vmem_shared>>
        tpu.wait_indirect_dma semaphore(%run_scoped3A_1119 : memref<!tpu.dma_semaphore, #tpu.memory_space<semaphore_mem>>) src(%arg24 : memref<128x128xf32, #tpu.memory_space<vmem>>) dst(%dma_wait3A_1131 : memref<10240x128xf32, #tpu.memory_space<vmem_shared>>)
        tpu.yield
      }) : () -> ()
    }
    %while3A_139 = arith.constant 1 : i32
    scf.for %while3A_212 = %while3A_137 to %while3A_133 step %while3A_139  : i32 {
      %mul3A_213 = arith.muli %while3A_212, %while3A : i32
      %add3A_214 = arith.addi %while3A_130, %mul3A_213 : i32
      %mul3A_215 = arith.constant 2 : i32
      %mul3A_216 = arith.muli %add3A_214, %mul3A_215 : i32
      %add3A_217 = arith.constant 0 : i32
      %add3A_218 = arith.addi %mul3A_216, %add3A_217 : i32
      %add3A_219 = arith.constant 1 : i32
      %add3A_220 = arith.addi %add3A_218, %add3A_219 : i32
      %sub3A_221 = arith.constant 1 : i32
      %sub3A_222 = arith.subi %select_n3A, %sub3A_221 : i32
      %min3A = arith.minsi %add3A_220, %sub3A_222 : i32
      %add3A_223 = arith.addi %select_n3A_51, %min3A : i32
      %run_scoped3A_224 = arith.constant 1 : i32
      "tpu.region"() ({
        %run_scoped3A_1119 = tpu.sem_alloc : memref<!tpu.dma_semaphore, #tpu.memory_space<semaphore_mem>>
        %dma_start3A_1120 = arith.constant 0 : i32
        %dma_start3A_1121 = tpu.memref_slice %arg13[%run_scoped3A_224, %dma_start3A_1120] : memref<2x128xi32, #tpu.memory_space<vmem>> -> memref<1x128xi32, #tpu.memory_space<vmem>>
        %dma_start3A_1122 = tpu.memref_squeeze %dma_start3A_1121 : memref<1x128xi32, #tpu.memory_space<vmem>> -> memref<128xi32, #tpu.memory_space<vmem>>
        %dma_start3A_1123 = arith.constant 0 : i32
        %dma_start3A_1124 = tpu.memref_slice %arg3[%add3A_223, %dma_start3A_1123] : memref<2560x128xi32, #tpu.memory_space<hbm>> -> memref<1x128xi32, #tpu.memory_space<hbm>>
        %dma_start3A_1125 = tpu.memref_squeeze %dma_start3A_1124 : memref<1x128xi32, #tpu.memory_space<hbm>> -> memref<128xi32, #tpu.memory_space<hbm>>
        %dma_start3A_1126 = arith.constant 0 : i32
        %dma_start3A_1127 = tpu.memref_slice %arg13[%run_scoped3A_224, %dma_start3A_1126] : memref<2x128xi32, #tpu.memory_space<vmem>> -> memref<1x128xi32, #tpu.memory_space<vmem>>
        %dma_start3A_1128 = tpu.memref_squeeze %dma_start3A_1127 : memref<1x128xi32, #tpu.memory_space<vmem>> -> memref<128xi32, #tpu.memory_space<vmem>>
        %dma_start3A_1129 = arith.constant 0 : i32
        %dma_start3A_1130 = tpu.memref_slice %arg3[%add3A_223, %dma_start3A_1129] : memref<2560x128xi32, #tpu.memory_space<hbm>> -> memref<1x128xi32, #tpu.memory_space<hbm>>
        %dma_start3A_1131 = tpu.memref_squeeze %dma_start3A_1130 : memref<1x128xi32, #tpu.memory_space<hbm>> -> memref<128xi32, #tpu.memory_space<hbm>>
        tpu.enqueue_dma source(%dma_start3A_1131 : memref<128xi32, #tpu.memory_space<hbm>>) target(%dma_start3A_1128 : memref<128xi32, #tpu.memory_space<vmem>>) target_semaphore(%run_scoped3A_1119 : memref<!tpu.dma_semaphore, #tpu.memory_space<semaphore_mem>>)
        %dma_wait3A_1132 = arith.constant 0 : i32
        %dma_wait3A_1133 = tpu.memref_slice %arg13[%run_scoped3A_224, %dma_wait3A_1132] : memref<2x128xi32, #tpu.memory_space<vmem>> -> memref<1x128xi32, #tpu.memory_space<vmem>>
        %dma_wait3A_1134 = tpu.memref_squeeze %dma_wait3A_1133 : memref<1x128xi32, #tpu.memory_space<vmem>> -> memref<128xi32, #tpu.memory_space<vmem>>
        %dma_wait3A_1135 = arith.constant 0 : i32
        %dma_wait3A_1136 = tpu.memref_slice %arg3[%add3A_223, %dma_wait3A_1135] : memref<2560x128xi32, #tpu.memory_space<hbm>> -> memref<1x128xi32, #tpu.memory_space<hbm>>
        %dma_wait3A_1137 = tpu.memref_squeeze %dma_wait3A_1136 : memref<1x128xi32, #tpu.memory_space<hbm>> -> memref<128xi32, #tpu.memory_space<hbm>>
        %dma_wait3A_1138 = arith.constant 0 : i32
        %dma_wait3A_1139 = tpu.memref_slice %arg13[%run_scoped3A_224, %dma_wait3A_1138] : memref<2x128xi32, #tpu.memory_space<vmem>> -> memref<1x128xi32, #tpu.memory_space<vmem>>
        %dma_wait3A_1140 = tpu.memref_squeeze %dma_wait3A_1139 : memref<1x128xi32, #tpu.memory_space<vmem>> -> memref<128xi32, #tpu.memory_space<vmem>>
        %dma_wait3A_1141 = arith.constant 0 : i32
        %dma_wait3A_1142 = tpu.memref_slice %arg3[%add3A_223, %dma_wait3A_1141] : memref<2560x128xi32, #tpu.memory_space<hbm>> -> memref<1x128xi32, #tpu.memory_space<hbm>>
        %dma_wait3A_1143 = tpu.memref_squeeze %dma_wait3A_1142 : memref<1x128xi32, #tpu.memory_space<hbm>> -> memref<128xi32, #tpu.memory_space<hbm>>
        tpu.wait_dma2 semaphore(%run_scoped3A_1119 : memref<!tpu.dma_semaphore, #tpu.memory_space<semaphore_mem>>) src(%dma_wait3A_1143 : memref<128xi32, #tpu.memory_space<hbm>>) dst(%dma_wait3A_1140 : memref<128xi32, #tpu.memory_space<vmem>>)
        tpu.yield
      }) : () -> ()
      %run_scoped3A_225 = arith.constant 1 : i32
      "tpu.region"() ({
        %run_scoped3A_1119 = tpu.sem_alloc : memref<!tpu.dma_semaphore, #tpu.memory_space<semaphore_mem>>
        %dma_start3A_1120 = arith.constant 0 : i32
        %dma_start3A_1121 = tpu.memref_slice %arg14[%run_scoped3A_225, %dma_start3A_1120] : memref<2x128xi32, #tpu.memory_space<vmem>> -> memref<1x128xi32, #tpu.memory_space<vmem>>
        %dma_start3A_1122 = tpu.memref_squeeze %dma_start3A_1121 : memref<1x128xi32, #tpu.memory_space<vmem>> -> memref<128xi32, #tpu.memory_space<vmem>>
        %dma_start3A_1123 = arith.constant 0 : i32
        %dma_start3A_1124 = tpu.memref_slice %arg4[%add3A_223, %dma_start3A_1123] : memref<2560x128xi32, #tpu.memory_space<hbm>> -> memref<1x128xi32, #tpu.memory_space<hbm>>
        %dma_start3A_1125 = tpu.memref_squeeze %dma_start3A_1124 : memref<1x128xi32, #tpu.memory_space<hbm>> -> memref<128xi32, #tpu.memory_space<hbm>>
        %dma_start3A_1126 = arith.constant 0 : i32
        %dma_start3A_1127 = tpu.memref_slice %arg14[%run_scoped3A_225, %dma_start3A_1126] : memref<2x128xi32, #tpu.memory_space<vmem>> -> memref<1x128xi32, #tpu.memory_space<vmem>>
        %dma_start3A_1128 = tpu.memref_squeeze %dma_start3A_1127 : memref<1x128xi32, #tpu.memory_space<vmem>> -> memref<128xi32, #tpu.memory_space<vmem>>
        %dma_start3A_1129 = arith.constant 0 : i32
        %dma_start3A_1130 = tpu.memref_slice %arg4[%add3A_223, %dma_start3A_1129] : memref<2560x128xi32, #tpu.memory_space<hbm>> -> memref<1x128xi32, #tpu.memory_space<hbm>>
        %dma_start3A_1131 = tpu.memref_squeeze %dma_start3A_1130 : memref<1x128xi32, #tpu.memory_space<hbm>> -> memref<128xi32, #tpu.memory_space<hbm>>
        tpu.enqueue_dma source(%dma_start3A_1131 : memref<128xi32, #tpu.memory_space<hbm>>) target(%dma_start3A_1128 : memref<128xi32, #tpu.memory_space<vmem>>) target_semaphore(%run_scoped3A_1119 : memref<!tpu.dma_semaphore, #tpu.memory_space<semaphore_mem>>)
        %dma_wait3A_1132 = arith.constant 0 : i32
        %dma_wait3A_1133 = tpu.memref_slice %arg14[%run_scoped3A_225, %dma_wait3A_1132] : memref<2x128xi32, #tpu.memory_space<vmem>> -> memref<1x128xi32, #tpu.memory_space<vmem>>
        %dma_wait3A_1134 = tpu.memref_squeeze %dma_wait3A_1133 : memref<1x128xi32, #tpu.memory_space<vmem>> -> memref<128xi32, #tpu.memory_space<vmem>>
        %dma_wait3A_1135 = arith.constant 0 : i32
        %dma_wait3A_1136 = tpu.memref_slice %arg4[%add3A_223, %dma_wait3A_1135] : memref<2560x128xi32, #tpu.memory_space<hbm>> -> memref<1x128xi32, #tpu.memory_space<hbm>>
        %dma_wait3A_1137 = tpu.memref_squeeze %dma_wait3A_1136 : memref<1x128xi32, #tpu.memory_space<hbm>> -> memref<128xi32, #tpu.memory_space<hbm>>
        %dma_wait3A_1138 = arith.constant 0 : i32
        %dma_wait3A_1139 = tpu.memref_slice %arg14[%run_scoped3A_225, %dma_wait3A_1138] : memref<2x128xi32, #tpu.memory_space<vmem>> -> memref<1x128xi32, #tpu.memory_space<vmem>>
        %dma_wait3A_1140 = tpu.memref_squeeze %dma_wait3A_1139 : memref<1x128xi32, #tpu.memory_space<vmem>> -> memref<128xi32, #tpu.memory_space<vmem>>
        %dma_wait3A_1141 = arith.constant 0 : i32
        %dma_wait3A_1142 = tpu.memref_slice %arg4[%add3A_223, %dma_wait3A_1141] : memref<2560x128xi32, #tpu.memory_space<hbm>> -> memref<1x128xi32, #tpu.memory_space<hbm>>
        %dma_wait3A_1143 = tpu.memref_squeeze %dma_wait3A_1142 : memref<1x128xi32, #tpu.memory_space<hbm>> -> memref<128xi32, #tpu.memory_space<hbm>>
        tpu.wait_dma2 semaphore(%run_scoped3A_1119 : memref<!tpu.dma_semaphore, #tpu.memory_space<semaphore_mem>>) src(%dma_wait3A_1143 : memref<128xi32, #tpu.memory_space<hbm>>) dst(%dma_wait3A_1140 : memref<128xi32, #tpu.memory_space<vmem>>)
        tpu.yield
      }) : () -> ()
      %dma_start3A_226 = arith.constant 1 : i32
      %dma_start3A_227 = arith.constant 1 : i32
      %dma_start3A_228 = arith.constant 0 : i32
      %dma_start3A_229 = arith.constant 0 : i32
      %dma_start3A_230 = tpu.memref_slice %arg23[%dma_start3A_227, %dma_start3A_228, %dma_start3A_229] : memref<2x128x64xi32, #tpu.memory_space<vmem>> -> memref<1x128x64xi32, #tpu.memory_space<vmem>>
      %dma_start3A_231 = tpu.memref_squeeze %dma_start3A_230 : memref<1x128x64xi32, #tpu.memory_space<vmem>> -> memref<128x64xi32, #tpu.memory_space<vmem>>
      %dma_start3A_232 = arith.constant 0 : i32
      %dma_start3A_233 = tpu.memref_slice %arg13[%dma_start3A_226, %dma_start3A_232] : memref<2x128xi32, #tpu.memory_space<vmem>> -> memref<1x128xi32, #tpu.memory_space<vmem>>
      %dma_start3A_234 = tpu.memref_squeeze %dma_start3A_233 : memref<1x128xi32, #tpu.memory_space<vmem>> -> memref<128xi32, #tpu.memory_space<vmem>>
      %dma_start3A_235 = arith.constant 0 : i32
      %dma_start3A_236 = arith.constant 0 : i32
      %dma_start3A_237 = tpu.memref_slice %arg2[%dma_start3A_235, %dma_start3A_236] : memref<10240x64xi32, #tpu.memory_space<hbm>> -> memref<10240x64xi32, #tpu.memory_space<hbm>>
      tpu.enqueue_indirect_dma source(%dma_start3A_237 : memref<10240x64xi32, #tpu.memory_space<hbm>>) target(%dma_start3A_231 : memref<128x64xi32, #tpu.memory_space<vmem>>) offsets(%dma_start3A_234 : memref<128xi32, #tpu.memory_space<vmem>>) semaphore(%arg26 : memref<!tpu.dma_semaphore, #tpu.memory_space<semaphore_mem>>)
      %dma_start3A_238 = arith.constant 1 : i32
      %dma_start3A_239 = arith.constant 1 : i32
      %dma_start3A_240 = arith.constant 0 : i32
      %dma_start3A_241 = tpu.memref_slice %arg16[%dma_start3A_239, %dma_start3A_240] : memref<2x128xf32, #tpu.memory_space<vmem>> -> memref<1x128xf32, #tpu.memory_space<vmem>>
      %dma_start3A_242 = tpu.memref_squeeze %dma_start3A_241 : memref<1x128xf32, #tpu.memory_space<vmem>> -> memref<128xf32, #tpu.memory_space<vmem>>
      %dma_start3A_243 = arith.constant 0 : i32
      %dma_start3A_244 = tpu.memref_slice %arg14[%dma_start3A_238, %dma_start3A_243] : memref<2x128xi32, #tpu.memory_space<vmem>> -> memref<1x128xi32, #tpu.memory_space<vmem>>
      %dma_start3A_245 = tpu.memref_squeeze %dma_start3A_244 : memref<1x128xi32, #tpu.memory_space<vmem>> -> memref<128xi32, #tpu.memory_space<vmem>>
      %dma_start3A_246 = arith.constant 0 : i32
      %dma_start3A_247 = tpu.memref_slice %arg9[%dma_start3A_246] : memref<10240xf32, #tpu.memory_space<vmem_shared>> -> memref<10240xf32, #tpu.memory_space<vmem_shared>>
      tpu.enqueue_indirect_dma source(%dma_start3A_247 : memref<10240xf32, #tpu.memory_space<vmem_shared>>) target(%dma_start3A_242 : memref<128xf32, #tpu.memory_space<vmem>>) offsets(%dma_start3A_245 : memref<128xi32, #tpu.memory_space<vmem>>) semaphore(%arg28 : memref<!tpu.dma_semaphore, #tpu.memory_space<semaphore_mem>>)
      %dma_start3A_248 = arith.constant 1 : i32
      %dma_start3A_249 = arith.constant 1 : i32
      %dma_start3A_250 = arith.constant 0 : i32
      %dma_start3A_251 = tpu.memref_slice %arg17[%dma_start3A_249, %dma_start3A_250] : memref<2x128xf32, #tpu.memory_space<vmem>> -> memref<1x128xf32, #tpu.memory_space<vmem>>
      %dma_start3A_252 = tpu.memref_squeeze %dma_start3A_251 : memref<1x128xf32, #tpu.memory_space<vmem>> -> memref<128xf32, #tpu.memory_space<vmem>>
      %dma_start3A_253 = arith.constant 0 : i32
      %dma_start3A_254 = tpu.memref_slice %arg13[%dma_start3A_248, %dma_start3A_253] : memref<2x128xi32, #tpu.memory_space<vmem>> -> memref<1x128xi32, #tpu.memory_space<vmem>>
      %dma_start3A_255 = tpu.memref_squeeze %dma_start3A_254 : memref<1x128xi32, #tpu.memory_space<vmem>> -> memref<128xi32, #tpu.memory_space<vmem>>
      %dma_start3A_256 = arith.constant 0 : i32
      %dma_start3A_257 = tpu.memref_slice %arg10[%dma_start3A_256] : memref<10240xf32, #tpu.memory_space<vmem_shared>> -> memref<10240xf32, #tpu.memory_space<vmem_shared>>
      tpu.enqueue_indirect_dma source(%dma_start3A_257 : memref<10240xf32, #tpu.memory_space<vmem_shared>>) target(%dma_start3A_252 : memref<128xf32, #tpu.memory_space<vmem>>) offsets(%dma_start3A_255 : memref<128xi32, #tpu.memory_space<vmem>>) semaphore(%arg28 : memref<!tpu.dma_semaphore, #tpu.memory_space<semaphore_mem>>)
      %dma_start3A_258 = arith.constant 1 : i32
      %dma_start3A_259 = arith.constant 1 : i32
      %dma_start3A_260 = arith.constant 0 : i32
      %dma_start3A_261 = tpu.memref_slice %arg18[%dma_start3A_259, %dma_start3A_260] : memref<2x128xf32, #tpu.memory_space<vmem>> -> memref<1x128xf32, #tpu.memory_space<vmem>>
      %dma_start3A_262 = tpu.memref_squeeze %dma_start3A_261 : memref<1x128xf32, #tpu.memory_space<vmem>> -> memref<128xf32, #tpu.memory_space<vmem>>
      %dma_start3A_263 = arith.constant 0 : i32
      %dma_start3A_264 = tpu.memref_slice %arg14[%dma_start3A_258, %dma_start3A_263] : memref<2x128xi32, #tpu.memory_space<vmem>> -> memref<1x128xi32, #tpu.memory_space<vmem>>
      %dma_start3A_265 = tpu.memref_squeeze %dma_start3A_264 : memref<1x128xi32, #tpu.memory_space<vmem>> -> memref<128xi32, #tpu.memory_space<vmem>>
      %dma_start3A_266 = arith.constant 0 : i32
      %dma_start3A_267 = tpu.memref_slice %arg11[%dma_start3A_266] : memref<10240xf32, #tpu.memory_space<vmem_shared>> -> memref<10240xf32, #tpu.memory_space<vmem_shared>>
      tpu.enqueue_indirect_dma source(%dma_start3A_267 : memref<10240xf32, #tpu.memory_space<vmem_shared>>) target(%dma_start3A_262 : memref<128xf32, #tpu.memory_space<vmem>>) offsets(%dma_start3A_265 : memref<128xi32, #tpu.memory_space<vmem>>) semaphore(%arg28 : memref<!tpu.dma_semaphore, #tpu.memory_space<semaphore_mem>>)
      %dma_start3A_268 = arith.constant 1 : i32
      %dma_start3A_269 = arith.constant 1 : i32
      %dma_start3A_270 = arith.constant 0 : i32
      %dma_start3A_271 = tpu.memref_slice %arg19[%dma_start3A_269, %dma_start3A_270] : memref<2x128xf32, #tpu.memory_space<vmem>> -> memref<1x128xf32, #tpu.memory_space<vmem>>
      %dma_start3A_272 = tpu.memref_squeeze %dma_start3A_271 : memref<1x128xf32, #tpu.memory_space<vmem>> -> memref<128xf32, #tpu.memory_space<vmem>>
      %dma_start3A_273 = arith.constant 0 : i32
      %dma_start3A_274 = tpu.memref_slice %arg13[%dma_start3A_268, %dma_start3A_273] : memref<2x128xi32, #tpu.memory_space<vmem>> -> memref<1x128xi32, #tpu.memory_space<vmem>>
      %dma_start3A_275 = tpu.memref_squeeze %dma_start3A_274 : memref<1x128xi32, #tpu.memory_space<vmem>> -> memref<128xi32, #tpu.memory_space<vmem>>
      %dma_start3A_276 = arith.constant 0 : i32
      %dma_start3A_277 = tpu.memref_slice %arg11[%dma_start3A_276] : memref<10240xf32, #tpu.memory_space<vmem_shared>> -> memref<10240xf32, #tpu.memory_space<vmem_shared>>
      tpu.enqueue_indirect_dma source(%dma_start3A_277 : memref<10240xf32, #tpu.memory_space<vmem_shared>>) target(%dma_start3A_272 : memref<128xf32, #tpu.memory_space<vmem>>) offsets(%dma_start3A_275 : memref<128xi32, #tpu.memory_space<vmem>>) semaphore(%arg28 : memref<!tpu.dma_semaphore, #tpu.memory_space<semaphore_mem>>)
      %dma_wait3A_278 = arith.constant 0 : i32
      %dma_wait3A_279 = arith.constant 0 : i32
      %dma_wait3A_280 = arith.constant 0 : i32
      %dma_wait3A_281 = tpu.memref_slice %arg16[%dma_wait3A_279, %dma_wait3A_280] : memref<2x128xf32, #tpu.memory_space<vmem>> -> memref<1x128xf32, #tpu.memory_space<vmem>>
      %dma_wait3A_282 = tpu.memref_squeeze %dma_wait3A_281 : memref<1x128xf32, #tpu.memory_space<vmem>> -> memref<128xf32, #tpu.memory_space<vmem>>
      %dma_wait3A_283 = arith.constant 0 : i32
      %dma_wait3A_284 = tpu.memref_slice %arg14[%dma_wait3A_278, %dma_wait3A_283] : memref<2x128xi32, #tpu.memory_space<vmem>> -> memref<1x128xi32, #tpu.memory_space<vmem>>
      %dma_wait3A_285 = tpu.memref_squeeze %dma_wait3A_284 : memref<1x128xi32, #tpu.memory_space<vmem>> -> memref<128xi32, #tpu.memory_space<vmem>>
      %dma_wait3A_286 = arith.constant 0 : i32
      %dma_wait3A_287 = tpu.memref_slice %arg9[%dma_wait3A_286] : memref<10240xf32, #tpu.memory_space<vmem_shared>> -> memref<10240xf32, #tpu.memory_space<vmem_shared>>
      tpu.wait_indirect_dma semaphore(%arg27 : memref<!tpu.dma_semaphore, #tpu.memory_space<semaphore_mem>>) src(%dma_wait3A_287 : memref<10240xf32, #tpu.memory_space<vmem_shared>>) dst(%dma_wait3A_282 : memref<128xf32, #tpu.memory_space<vmem>>)
      %dma_wait3A_288 = arith.constant 0 : i32
      %dma_wait3A_289 = arith.constant 0 : i32
      %dma_wait3A_290 = arith.constant 0 : i32
      %dma_wait3A_291 = tpu.memref_slice %arg17[%dma_wait3A_289, %dma_wait3A_290] : memref<2x128xf32, #tpu.memory_space<vmem>> -> memref<1x128xf32, #tpu.memory_space<vmem>>
      %dma_wait3A_292 = tpu.memref_squeeze %dma_wait3A_291 : memref<1x128xf32, #tpu.memory_space<vmem>> -> memref<128xf32, #tpu.memory_space<vmem>>
      %dma_wait3A_293 = arith.constant 0 : i32
      %dma_wait3A_294 = tpu.memref_slice %arg13[%dma_wait3A_288, %dma_wait3A_293] : memref<2x128xi32, #tpu.memory_space<vmem>> -> memref<1x128xi32, #tpu.memory_space<vmem>>
      %dma_wait3A_295 = tpu.memref_squeeze %dma_wait3A_294 : memref<1x128xi32, #tpu.memory_space<vmem>> -> memref<128xi32, #tpu.memory_space<vmem>>
      %dma_wait3A_296 = arith.constant 0 : i32
      %dma_wait3A_297 = tpu.memref_slice %arg10[%dma_wait3A_296] : memref<10240xf32, #tpu.memory_space<vmem_shared>> -> memref<10240xf32, #tpu.memory_space<vmem_shared>>
      tpu.wait_indirect_dma semaphore(%arg27 : memref<!tpu.dma_semaphore, #tpu.memory_space<semaphore_mem>>) src(%dma_wait3A_297 : memref<10240xf32, #tpu.memory_space<vmem_shared>>) dst(%dma_wait3A_292 : memref<128xf32, #tpu.memory_space<vmem>>)
      %dma_wait3A_298 = arith.constant 0 : i32
      %dma_wait3A_299 = arith.constant 0 : i32
      %dma_wait3A_300 = arith.constant 0 : i32
      %dma_wait3A_301 = tpu.memref_slice %arg18[%dma_wait3A_299, %dma_wait3A_300] : memref<2x128xf32, #tpu.memory_space<vmem>> -> memref<1x128xf32, #tpu.memory_space<vmem>>
      %dma_wait3A_302 = tpu.memref_squeeze %dma_wait3A_301 : memref<1x128xf32, #tpu.memory_space<vmem>> -> memref<128xf32, #tpu.memory_space<vmem>>
      %dma_wait3A_303 = arith.constant 0 : i32
      %dma_wait3A_304 = tpu.memref_slice %arg14[%dma_wait3A_298, %dma_wait3A_303] : memref<2x128xi32, #tpu.memory_space<vmem>> -> memref<1x128xi32, #tpu.memory_space<vmem>>
      %dma_wait3A_305 = tpu.memref_squeeze %dma_wait3A_304 : memref<1x128xi32, #tpu.memory_space<vmem>> -> memref<128xi32, #tpu.memory_space<vmem>>
      %dma_wait3A_306 = arith.constant 0 : i32
      %dma_wait3A_307 = tpu.memref_slice %arg11[%dma_wait3A_306] : memref<10240xf32, #tpu.memory_space<vmem_shared>> -> memref<10240xf32, #tpu.memory_space<vmem_shared>>
      tpu.wait_indirect_dma semaphore(%arg27 : memref<!tpu.dma_semaphore, #tpu.memory_space<semaphore_mem>>) src(%dma_wait3A_307 : memref<10240xf32, #tpu.memory_space<vmem_shared>>) dst(%dma_wait3A_302 : memref<128xf32, #tpu.memory_space<vmem>>)
      %dma_wait3A_308 = arith.constant 0 : i32
      %dma_wait3A_309 = arith.constant 0 : i32
      %dma_wait3A_310 = arith.constant 0 : i32
      %dma_wait3A_311 = tpu.memref_slice %arg19[%dma_wait3A_309, %dma_wait3A_310] : memref<2x128xf32, #tpu.memory_space<vmem>> -> memref<1x128xf32, #tpu.memory_space<vmem>>
      %dma_wait3A_312 = tpu.memref_squeeze %dma_wait3A_311 : memref<1x128xf32, #tpu.memory_space<vmem>> -> memref<128xf32, #tpu.memory_space<vmem>>
      %dma_wait3A_313 = arith.constant 0 : i32
      %dma_wait3A_314 = tpu.memref_slice %arg13[%dma_wait3A_308, %dma_wait3A_313] : memref<2x128xi32, #tpu.memory_space<vmem>> -> memref<1x128xi32, #tpu.memory_space<vmem>>
      %dma_wait3A_315 = tpu.memref_squeeze %dma_wait3A_314 : memref<1x128xi32, #tpu.memory_space<vmem>> -> memref<128xi32, #tpu.memory_space<vmem>>
      %dma_wait3A_316 = arith.constant 0 : i32
      %dma_wait3A_317 = tpu.memref_slice %arg11[%dma_wait3A_316] : memref<10240xf32, #tpu.memory_space<vmem_shared>> -> memref<10240xf32, #tpu.memory_space<vmem_shared>>
      tpu.wait_indirect_dma semaphore(%arg27 : memref<!tpu.dma_semaphore, #tpu.memory_space<semaphore_mem>>) src(%dma_wait3A_317 : memref<10240xf32, #tpu.memory_space<vmem_shared>>) dst(%dma_wait3A_312 : memref<128xf32, #tpu.memory_space<vmem>>)
      %get3A = arith.constant 0 : i32
      %get3A_318 = arith.index_cast %get3A : i32 to index
      %get3A_319 = arith.constant 0 : index
      %get3A_320 = tpu.vector_load %arg16[%get3A_318, %get3A_319] {strides = array<i32>} : memref<2x128xf32, #tpu.memory_space<vmem>>, vector<16xf32>,
      %get3A_321 = arith.constant 0 : i32
      %get3A_322 = arith.index_cast %get3A_321 : i32 to index
      %get3A_323 = arith.constant 0 : index
      %get3A_324 = tpu.vector_load %arg17[%get3A_322, %get3A_323] {strides = array<i32>} : memref<2x128xf32, #tpu.memory_space<vmem>>, vector<16xf32>,
      %add3A_325 = arith.addf %get3A_320, %get3A_324 : vector<16xf32>
      %abs3A = math.absf %add3A_325 : vector<16xf32>
      %mul3A_326 = arith.constant -2.000000e+00 : f32
      %mul3A_327 = vector.broadcast %mul3A_326 : f32 to vector<16xf32>
      %mul3A_328 = arith.mulf %mul3A_327, %abs3A : vector<16xf32>
      %exp3A = math.exp %mul3A_328 : vector<16xf32>
      %sub3A_329 = arith.constant 1.000000e+00 : f32
      %sub3A_330 = vector.broadcast %sub3A_329 : f32 to vector<16xf32>
      %sub3A_331 = arith.subf %sub3A_330, %exp3A : vector<16xf32>
      %add3A_332 = arith.constant 1.000000e+00 : f32
      %add3A_333 = vector.broadcast %add3A_332 : f32 to vector<16xf32>
      %add3A_334 = arith.addf %add3A_333, %exp3A : vector<16xf32>
      %div3A_335 = arith.divf %sub3A_331, %add3A_334 : vector<16xf32>
      %lt3A = arith.constant 0.000000e+00 : f32
      %lt3A_336 = vector.broadcast %lt3A : f32 to vector<16xf32>
      %lt3A_337 = arith.cmpf olt, %add3A_325, %lt3A_336 : vector<16xf32>
      %neg3A = arith.constant 0.000000e+00 : f32
      %neg3A_338 = vector.broadcast %neg3A : f32 to vector<16xf32>
      %neg3A_339 = arith.subf %neg3A_338, %div3A_335 : vector<16xf32>
      %select_n3A_340 = arith.select %lt3A_337, %neg3A_339, %div3A_335 : vector<16xi1>, vector<16xf32>
      %get3A_341 = arith.constant 0 : i32
      %get3A_342 = arith.index_cast %get3A_341 : i32 to index
      %get3A_343 = arith.constant 0 : index
      %get3A_344 = tpu.vector_load %arg18[%get3A_342, %get3A_343] {strides = array<i32>} : memref<2x128xf32, #tpu.memory_space<vmem>>, vector<16xf32>,
      %mul3A_345 = arith.mulf %select_n3A_340, %get3A_344 : vector<16xf32>
      %get3A_346 = arith.constant 0 : i32
      %get3A_347 = arith.index_cast %get3A_346 : i32 to index
      %get3A_348 = arith.constant 0 : index
      %get3A_349 = tpu.vector_load %arg19[%get3A_347, %get3A_348] {strides = array<i32>} : memref<2x128xf32, #tpu.memory_space<vmem>>, vector<16xf32>,
      %mul3A_350 = arith.mulf %mul3A_345, %get3A_349 : vector<16xf32>
      %swap3A = arith.constant 0 : i32
      %swap3A_351 = arith.index_cast %swap3A : i32 to index
      %swap3A_352 = arith.constant 0 : index
      %swap3A_353 = tpu.vector_load %arg15[%swap3A_351, %swap3A_352] {strides = array<i32>} : memref<2x144xf32, #tpu.memory_space<vmem>>, vector<16xf32>,
      tpu.vector_store %arg15[%swap3A_351, %swap3A_352], %mul3A_350 {strides = array<i32>} : memref<2x144xf32, #tpu.memory_space<vmem>>, vector<16xf32>,
      %get3A_354 = arith.constant 0 : i32
      %get3A_355 = arith.index_cast %get3A_354 : i32 to index
      %get3A_356 = arith.constant 16 : index
      %get3A_357 = tpu.vector_load %arg16[%get3A_355, %get3A_356] {strides = array<i32>} : memref<2x128xf32, #tpu.memory_space<vmem>>, vector<16xf32>,
      %get3A_358 = arith.constant 0 : i32
      %get3A_359 = arith.index_cast %get3A_358 : i32 to index
      %get3A_360 = arith.constant 16 : index
      %get3A_361 = tpu.vector_load %arg17[%get3A_359, %get3A_360] {strides = array<i32>} : memref<2x128xf32, #tpu.memory_space<vmem>>, vector<16xf32>,
      %add3A_362 = arith.addf %get3A_357, %get3A_361 : vector<16xf32>
      %abs3A_363 = math.absf %add3A_362 : vector<16xf32>
      %mul3A_364 = arith.constant -2.000000e+00 : f32
      %mul3A_365 = vector.broadcast %mul3A_364 : f32 to vector<16xf32>
      %mul3A_366 = arith.mulf %mul3A_365, %abs3A_363 : vector<16xf32>
      %exp3A_367 = math.exp %mul3A_366 : vector<16xf32>
      %sub3A_368 = arith.constant 1.000000e+00 : f32
      %sub3A_369 = vector.broadcast %sub3A_368 : f32 to vector<16xf32>
      %sub3A_370 = arith.subf %sub3A_369, %exp3A_367 : vector<16xf32>
      %add3A_371 = arith.constant 1.000000e+00 : f32
      %add3A_372 = vector.broadcast %add3A_371 : f32 to vector<16xf32>
      %add3A_373 = arith.addf %add3A_372, %exp3A_367 : vector<16xf32>
      %div3A_374 = arith.divf %sub3A_370, %add3A_373 : vector<16xf32>
      %lt3A_375 = arith.constant 0.000000e+00 : f32
      %lt3A_376 = vector.broadcast %lt3A_375 : f32 to vector<16xf32>
      %lt3A_377 = arith.cmpf olt, %add3A_362, %lt3A_376 : vector<16xf32>
      %neg3A_378 = arith.constant 0.000000e+00 : f32
      %neg3A_379 = vector.broadcast %neg3A_378 : f32 to vector<16xf32>
      %neg3A_380 = arith.subf %neg3A_379, %div3A_374 : vector<16xf32>
      %select_n3A_381 = arith.select %lt3A_377, %neg3A_380, %div3A_374 : vector<16xi1>, vector<16xf32>
      %get3A_382 = arith.constant 0 : i32
      %get3A_383 = arith.index_cast %get3A_382 : i32 to index
      %get3A_384 = arith.constant 16 : index
      %get3A_385 = tpu.vector_load %arg18[%get3A_383, %get3A_384] {strides = array<i32>} : memref<2x128xf32, #tpu.memory_space<vmem>>, vector<16xf32>,
      %mul3A_386 = arith.mulf %select_n3A_381, %get3A_385 : vector<16xf32>
      %get3A_387 = arith.constant 0 : i32
      %get3A_388 = arith.index_cast %get3A_387 : i32 to index
      %get3A_389 = arith.constant 16 : index
      %get3A_390 = tpu.vector_load %arg19[%get3A_388, %get3A_389] {strides = array<i32>} : memref<2x128xf32, #tpu.memory_space<vmem>>, vector<16xf32>,
      %mul3A_391 = arith.mulf %mul3A_386, %get3A_390 : vector<16xf32>
      %swap3A_392 = arith.constant 0 : i32
      %swap3A_393 = arith.index_cast %swap3A_392 : i32 to index
      %swap3A_394 = arith.constant 16 : index
      %swap3A_395 = tpu.vector_load %arg15[%swap3A_393, %swap3A_394] {strides = array<i32>} : memref<2x144xf32, #tpu.memory_space<vmem>>, vector<16xf32>,
      tpu.vector_store %arg15[%swap3A_393, %swap3A_394], %mul3A_391 {strides = array<i32>} : memref<2x144xf32, #tpu.memory_space<vmem>>, vector<16xf32>,
      %get3A_396 = arith.constant 0 : i32
      %get3A_397 = arith.index_cast %get3A_396 : i32 to index
      %get3A_398 = arith.constant 32 : index
      %get3A_399 = tpu.vector_load %arg16[%get3A_397, %get3A_398] {strides = array<i32>} : memref<2x128xf32, #tpu.memory_space<vmem>>, vector<16xf32>,
      %get3A_400 = arith.constant 0 : i32
      %get3A_401 = arith.index_cast %get3A_400 : i32 to index
      %get3A_402 = arith.constant 32 : index
      %get3A_403 = tpu.vector_load %arg17[%get3A_401, %get3A_402] {strides = array<i32>} : memref<2x128xf32, #tpu.memory_space<vmem>>, vector<16xf32>,
      %add3A_404 = arith.addf %get3A_399, %get3A_403 : vector<16xf32>
      %abs3A_405 = math.absf %add3A_404 : vector<16xf32>
      %mul3A_406 = arith.constant -2.000000e+00 : f32
      %mul3A_407 = vector.broadcast %mul3A_406 : f32 to vector<16xf32>
      %mul3A_408 = arith.mulf %mul3A_407, %abs3A_405 : vector<16xf32>
      %exp3A_409 = math.exp %mul3A_408 : vector<16xf32>
      %sub3A_410 = arith.constant 1.000000e+00 : f32
      %sub3A_411 = vector.broadcast %sub3A_410 : f32 to vector<16xf32>
      %sub3A_412 = arith.subf %sub3A_411, %exp3A_409 : vector<16xf32>
      %add3A_413 = arith.constant 1.000000e+00 : f32
      %add3A_414 = vector.broadcast %add3A_413 : f32 to vector<16xf32>
      %add3A_415 = arith.addf %add3A_414, %exp3A_409 : vector<16xf32>
      %div3A_416 = arith.divf %sub3A_412, %add3A_415 : vector<16xf32>
      %lt3A_417 = arith.constant 0.000000e+00 : f32
      %lt3A_418 = vector.broadcast %lt3A_417 : f32 to vector<16xf32>
      %lt3A_419 = arith.cmpf olt, %add3A_404, %lt3A_418 : vector<16xf32>
      %neg3A_420 = arith.constant 0.000000e+00 : f32
      %neg3A_421 = vector.broadcast %neg3A_420 : f32 to vector<16xf32>
      %neg3A_422 = arith.subf %neg3A_421, %div3A_416 : vector<16xf32>
      %select_n3A_423 = arith.select %lt3A_419, %neg3A_422, %div3A_416 : vector<16xi1>, vector<16xf32>
      %get3A_424 = arith.constant 0 : i32
      %get3A_425 = arith.index_cast %get3A_424 : i32 to index
      %get3A_426 = arith.constant 32 : index
      %get3A_427 = tpu.vector_load %arg18[%get3A_425, %get3A_426] {strides = array<i32>} : memref<2x128xf32, #tpu.memory_space<vmem>>, vector<16xf32>,
      %mul3A_428 = arith.mulf %select_n3A_423, %get3A_427 : vector<16xf32>
      %get3A_429 = arith.constant 0 : i32
      %get3A_430 = arith.index_cast %get3A_429 : i32 to index
      %get3A_431 = arith.constant 32 : index
      %get3A_432 = tpu.vector_load %arg19[%get3A_430, %get3A_431] {strides = array<i32>} : memref<2x128xf32, #tpu.memory_space<vmem>>, vector<16xf32>,
      %mul3A_433 = arith.mulf %mul3A_428, %get3A_432 : vector<16xf32>
      %swap3A_434 = arith.constant 0 : i32
      %swap3A_435 = arith.index_cast %swap3A_434 : i32 to index
      %swap3A_436 = arith.constant 32 : index
      %swap3A_437 = tpu.vector_load %arg15[%swap3A_435, %swap3A_436] {strides = array<i32>} : memref<2x144xf32, #tpu.memory_space<vmem>>, vector<16xf32>,
      tpu.vector_store %arg15[%swap3A_435, %swap3A_436], %mul3A_433 {strides = array<i32>} : memref<2x144xf32, #tpu.memory_space<vmem>>, vector<16xf32>,
      %get3A_438 = arith.constant 0 : i32
      %get3A_439 = arith.index_cast %get3A_438 : i32 to index
      %get3A_440 = arith.constant 48 : index
      %get3A_441 = tpu.vector_load %arg16[%get3A_439, %get3A_440] {strides = array<i32>} : memref<2x128xf32, #tpu.memory_space<vmem>>, vector<16xf32>,
      %get3A_442 = arith.constant 0 : i32
      %get3A_443 = arith.index_cast %get3A_442 : i32 to index
      %get3A_444 = arith.constant 48 : index
      %get3A_445 = tpu.vector_load %arg17[%get3A_443, %get3A_444] {strides = array<i32>} : memref<2x128xf32, #tpu.memory_space<vmem>>, vector<16xf32>,
      %add3A_446 = arith.addf %get3A_441, %get3A_445 : vector<16xf32>
      %abs3A_447 = math.absf %add3A_446 : vector<16xf32>
      %mul3A_448 = arith.constant -2.000000e+00 : f32
      %mul3A_449 = vector.broadcast %mul3A_448 : f32 to vector<16xf32>
      %mul3A_450 = arith.mulf %mul3A_449, %abs3A_447 : vector<16xf32>
      %exp3A_451 = math.exp %mul3A_450 : vector<16xf32>
      %sub3A_452 = arith.constant 1.000000e+00 : f32
      %sub3A_453 = vector.broadcast %sub3A_452 : f32 to vector<16xf32>
      %sub3A_454 = arith.subf %sub3A_453, %exp3A_451 : vector<16xf32>
      %add3A_455 = arith.constant 1.000000e+00 : f32
      %add3A_456 = vector.broadcast %add3A_455 : f32 to vector<16xf32>
      %add3A_457 = arith.addf %add3A_456, %exp3A_451 : vector<16xf32>
      %div3A_458 = arith.divf %sub3A_454, %add3A_457 : vector<16xf32>
      %lt3A_459 = arith.constant 0.000000e+00 : f32
      %lt3A_460 = vector.broadcast %lt3A_459 : f32 to vector<16xf32>
      %lt3A_461 = arith.cmpf olt, %add3A_446, %lt3A_460 : vector<16xf32>
      %neg3A_462 = arith.constant 0.000000e+00 : f32
      %neg3A_463 = vector.broadcast %neg3A_462 : f32 to vector<16xf32>
      %neg3A_464 = arith.subf %neg3A_463, %div3A_458 : vector<16xf32>
      %select_n3A_465 = arith.select %lt3A_461, %neg3A_464, %div3A_458 : vector<16xi1>, vector<16xf32>
      %get3A_466 = arith.constant 0 : i32
      %get3A_467 = arith.index_cast %get3A_466 : i32 to index
      %get3A_468 = arith.constant 48 : index
      %get3A_469 = tpu.vector_load %arg18[%get3A_467, %get3A_468] {strides = array<i32>} : memref<2x128xf32, #tpu.memory_space<vmem>>, vector<16xf32>,
      %mul3A_470 = arith.mulf %select_n3A_465, %get3A_469 : vector<16xf32>
      %get3A_471 = arith.constant 0 : i32
      %get3A_472 = arith.index_cast %get3A_471 : i32 to index
      %get3A_473 = arith.constant 48 : index
      %get3A_474 = tpu.vector_load %arg19[%get3A_472, %get3A_473] {strides = array<i32>} : memref<2x128xf32, #tpu.memory_space<vmem>>, vector<16xf32>,
      %mul3A_475 = arith.mulf %mul3A_470, %get3A_474 : vector<16xf32>
      %swap3A_476 = arith.constant 0 : i32
      %swap3A_477 = arith.index_cast %swap3A_476 : i32 to index
      %swap3A_478 = arith.constant 48 : index
      %swap3A_479 = tpu.vector_load %arg15[%swap3A_477, %swap3A_478] {strides = array<i32>} : memref<2x144xf32, #tpu.memory_space<vmem>>, vector<16xf32>,
      tpu.vector_store %arg15[%swap3A_477, %swap3A_478], %mul3A_475 {strides = array<i32>} : memref<2x144xf32, #tpu.memory_space<vmem>>, vector<16xf32>,
      %get3A_480 = arith.constant 0 : i32
      %get3A_481 = arith.index_cast %get3A_480 : i32 to index
      %get3A_482 = arith.constant 64 : index
      %get3A_483 = tpu.vector_load %arg16[%get3A_481, %get3A_482] {strides = array<i32>} : memref<2x128xf32, #tpu.memory_space<vmem>>, vector<16xf32>,
      %get3A_484 = arith.constant 0 : i32
      %get3A_485 = arith.index_cast %get3A_484 : i32 to index
      %get3A_486 = arith.constant 64 : index
      %get3A_487 = tpu.vector_load %arg17[%get3A_485, %get3A_486] {strides = array<i32>} : memref<2x128xf32, #tpu.memory_space<vmem>>, vector<16xf32>,
      %add3A_488 = arith.addf %get3A_483, %get3A_487 : vector<16xf32>
      %abs3A_489 = math.absf %add3A_488 : vector<16xf32>
      %mul3A_490 = arith.constant -2.000000e+00 : f32
      %mul3A_491 = vector.broadcast %mul3A_490 : f32 to vector<16xf32>
      %mul3A_492 = arith.mulf %mul3A_491, %abs3A_489 : vector<16xf32>
      %exp3A_493 = math.exp %mul3A_492 : vector<16xf32>
      %sub3A_494 = arith.constant 1.000000e+00 : f32
      %sub3A_495 = vector.broadcast %sub3A_494 : f32 to vector<16xf32>
      %sub3A_496 = arith.subf %sub3A_495, %exp3A_493 : vector<16xf32>
      %add3A_497 = arith.constant 1.000000e+00 : f32
      %add3A_498 = vector.broadcast %add3A_497 : f32 to vector<16xf32>
      %add3A_499 = arith.addf %add3A_498, %exp3A_493 : vector<16xf32>
      %div3A_500 = arith.divf %sub3A_496, %add3A_499 : vector<16xf32>
      %lt3A_501 = arith.constant 0.000000e+00 : f32
      %lt3A_502 = vector.broadcast %lt3A_501 : f32 to vector<16xf32>
      %lt3A_503 = arith.cmpf olt, %add3A_488, %lt3A_502 : vector<16xf32>
      %neg3A_504 = arith.constant 0.000000e+00 : f32
      %neg3A_505 = vector.broadcast %neg3A_504 : f32 to vector<16xf32>
      %neg3A_506 = arith.subf %neg3A_505, %div3A_500 : vector<16xf32>
      %select_n3A_507 = arith.select %lt3A_503, %neg3A_506, %div3A_500 : vector<16xi1>, vector<16xf32>
      %get3A_508 = arith.constant 0 : i32
      %get3A_509 = arith.index_cast %get3A_508 : i32 to index
      %get3A_510 = arith.constant 64 : index
      %get3A_511 = tpu.vector_load %arg18[%get3A_509, %get3A_510] {strides = array<i32>} : memref<2x128xf32, #tpu.memory_space<vmem>>, vector<16xf32>,
      %mul3A_512 = arith.mulf %select_n3A_507, %get3A_511 : vector<16xf32>
      %get3A_513 = arith.constant 0 : i32
      %get3A_514 = arith.index_cast %get3A_513 : i32 to index
      %get3A_515 = arith.constant 64 : index
      %get3A_516 = tpu.vector_load %arg19[%get3A_514, %get3A_515] {strides = array<i32>} : memref<2x128xf32, #tpu.memory_space<vmem>>, vector<16xf32>,
      %mul3A_517 = arith.mulf %mul3A_512, %get3A_516 : vector<16xf32>
      %swap3A_518 = arith.constant 0 : i32
      %swap3A_519 = arith.index_cast %swap3A_518 : i32 to index
      %swap3A_520 = arith.constant 64 : index
      %swap3A_521 = tpu.vector_load %arg15[%swap3A_519, %swap3A_520] {strides = array<i32>} : memref<2x144xf32, #tpu.memory_space<vmem>>, vector<16xf32>,
      tpu.vector_store %arg15[%swap3A_519, %swap3A_520], %mul3A_517 {strides = array<i32>} : memref<2x144xf32, #tpu.memory_space<vmem>>, vector<16xf32>,
      %get3A_522 = arith.constant 0 : i32
      %get3A_523 = arith.index_cast %get3A_522 : i32 to index
      %get3A_524 = arith.constant 80 : index
      %get3A_525 = tpu.vector_load %arg16[%get3A_523, %get3A_524] {strides = array<i32>} : memref<2x128xf32, #tpu.memory_space<vmem>>, vector<16xf32>,
      %get3A_526 = arith.constant 0 : i32
      %get3A_527 = arith.index_cast %get3A_526 : i32 to index
      %get3A_528 = arith.constant 80 : index
      %get3A_529 = tpu.vector_load %arg17[%get3A_527, %get3A_528] {strides = array<i32>} : memref<2x128xf32, #tpu.memory_space<vmem>>, vector<16xf32>,
      %add3A_530 = arith.addf %get3A_525, %get3A_529 : vector<16xf32>
      %abs3A_531 = math.absf %add3A_530 : vector<16xf32>
      %mul3A_532 = arith.constant -2.000000e+00 : f32
      %mul3A_533 = vector.broadcast %mul3A_532 : f32 to vector<16xf32>
      %mul3A_534 = arith.mulf %mul3A_533, %abs3A_531 : vector<16xf32>
      %exp3A_535 = math.exp %mul3A_534 : vector<16xf32>
      %sub3A_536 = arith.constant 1.000000e+00 : f32
      %sub3A_537 = vector.broadcast %sub3A_536 : f32 to vector<16xf32>
      %sub3A_538 = arith.subf %sub3A_537, %exp3A_535 : vector<16xf32>
      %add3A_539 = arith.constant 1.000000e+00 : f32
      %add3A_540 = vector.broadcast %add3A_539 : f32 to vector<16xf32>
      %add3A_541 = arith.addf %add3A_540, %exp3A_535 : vector<16xf32>
      %div3A_542 = arith.divf %sub3A_538, %add3A_541 : vector<16xf32>
      %lt3A_543 = arith.constant 0.000000e+00 : f32
      %lt3A_544 = vector.broadcast %lt3A_543 : f32 to vector<16xf32>
      %lt3A_545 = arith.cmpf olt, %add3A_530, %lt3A_544 : vector<16xf32>
      %neg3A_546 = arith.constant 0.000000e+00 : f32
      %neg3A_547 = vector.broadcast %neg3A_546 : f32 to vector<16xf32>
      %neg3A_548 = arith.subf %neg3A_547, %div3A_542 : vector<16xf32>
      %select_n3A_549 = arith.select %lt3A_545, %neg3A_548, %div3A_542 : vector<16xi1>, vector<16xf32>
      %get3A_550 = arith.constant 0 : i32
      %get3A_551 = arith.index_cast %get3A_550 : i32 to index
      %get3A_552 = arith.constant 80 : index
      %get3A_553 = tpu.vector_load %arg18[%get3A_551, %get3A_552] {strides = array<i32>} : memref<2x128xf32, #tpu.memory_space<vmem>>, vector<16xf32>,
      %mul3A_554 = arith.mulf %select_n3A_549, %get3A_553 : vector<16xf32>
      %get3A_555 = arith.constant 0 : i32
      %get3A_556 = arith.index_cast %get3A_555 : i32 to index
      %get3A_557 = arith.constant 80 : index
      %get3A_558 = tpu.vector_load %arg19[%get3A_556, %get3A_557] {strides = array<i32>} : memref<2x128xf32, #tpu.memory_space<vmem>>, vector<16xf32>,
      %mul3A_559 = arith.mulf %mul3A_554, %get3A_558 : vector<16xf32>
      %swap3A_560 = arith.constant 0 : i32
      %swap3A_561 = arith.index_cast %swap3A_560 : i32 to index
      %swap3A_562 = arith.constant 80 : index
      %swap3A_563 = tpu.vector_load %arg15[%swap3A_561, %swap3A_562] {strides = array<i32>} : memref<2x144xf32, #tpu.memory_space<vmem>>, vector<16xf32>,
      tpu.vector_store %arg15[%swap3A_561, %swap3A_562], %mul3A_559 {strides = array<i32>} : memref<2x144xf32, #tpu.memory_space<vmem>>, vector<16xf32>,
      %get3A_564 = arith.constant 0 : i32
      %get3A_565 = arith.index_cast %get3A_564 : i32 to index
      %get3A_566 = arith.constant 96 : index
      %get3A_567 = tpu.vector_load %arg16[%get3A_565, %get3A_566] {strides = array<i32>} : memref<2x128xf32, #tpu.memory_space<vmem>>, vector<16xf32>,
      %get3A_568 = arith.constant 0 : i32
      %get3A_569 = arith.index_cast %get3A_568 : i32 to index
      %get3A_570 = arith.constant 96 : index
      %get3A_571 = tpu.vector_load %arg17[%get3A_569, %get3A_570] {strides = array<i32>} : memref<2x128xf32, #tpu.memory_space<vmem>>, vector<16xf32>,
      %add3A_572 = arith.addf %get3A_567, %get3A_571 : vector<16xf32>
      %abs3A_573 = math.absf %add3A_572 : vector<16xf32>
      %mul3A_574 = arith.constant -2.000000e+00 : f32
      %mul3A_575 = vector.broadcast %mul3A_574 : f32 to vector<16xf32>
      %mul3A_576 = arith.mulf %mul3A_575, %abs3A_573 : vector<16xf32>
      %exp3A_577 = math.exp %mul3A_576 : vector<16xf32>
      %sub3A_578 = arith.constant 1.000000e+00 : f32
      %sub3A_579 = vector.broadcast %sub3A_578 : f32 to vector<16xf32>
      %sub3A_580 = arith.subf %sub3A_579, %exp3A_577 : vector<16xf32>
      %add3A_581 = arith.constant 1.000000e+00 : f32
      %add3A_582 = vector.broadcast %add3A_581 : f32 to vector<16xf32>
      %add3A_583 = arith.addf %add3A_582, %exp3A_577 : vector<16xf32>
      %div3A_584 = arith.divf %sub3A_580, %add3A_583 : vector<16xf32>
      %lt3A_585 = arith.constant 0.000000e+00 : f32
      %lt3A_586 = vector.broadcast %lt3A_585 : f32 to vector<16xf32>
      %lt3A_587 = arith.cmpf olt, %add3A_572, %lt3A_586 : vector<16xf32>
      %neg3A_588 = arith.constant 0.000000e+00 : f32
      %neg3A_589 = vector.broadcast %neg3A_588 : f32 to vector<16xf32>
      %neg3A_590 = arith.subf %neg3A_589, %div3A_584 : vector<16xf32>
      %select_n3A_591 = arith.select %lt3A_587, %neg3A_590, %div3A_584 : vector<16xi1>, vector<16xf32>
      %get3A_592 = arith.constant 0 : i32
      %get3A_593 = arith.index_cast %get3A_592 : i32 to index
      %get3A_594 = arith.constant 96 : index
      %get3A_595 = tpu.vector_load %arg18[%get3A_593, %get3A_594] {strides = array<i32>} : memref<2x128xf32, #tpu.memory_space<vmem>>, vector<16xf32>,
      %mul3A_596 = arith.mulf %select_n3A_591, %get3A_595 : vector<16xf32>
      %get3A_597 = arith.constant 0 : i32
      %get3A_598 = arith.index_cast %get3A_597 : i32 to index
      %get3A_599 = arith.constant 96 : index
      %get3A_600 = tpu.vector_load %arg19[%get3A_598, %get3A_599] {strides = array<i32>} : memref<2x128xf32, #tpu.memory_space<vmem>>, vector<16xf32>,
      %mul3A_601 = arith.mulf %mul3A_596, %get3A_600 : vector<16xf32>
      %swap3A_602 = arith.constant 0 : i32
      %swap3A_603 = arith.index_cast %swap3A_602 : i32 to index
      %swap3A_604 = arith.constant 96 : index
      %swap3A_605 = tpu.vector_load %arg15[%swap3A_603, %swap3A_604] {strides = array<i32>} : memref<2x144xf32, #tpu.memory_space<vmem>>, vector<16xf32>,
      tpu.vector_store %arg15[%swap3A_603, %swap3A_604], %mul3A_601 {strides = array<i32>} : memref<2x144xf32, #tpu.memory_space<vmem>>, vector<16xf32>,
      %get3A_606 = arith.constant 0 : i32
      %get3A_607 = arith.index_cast %get3A_606 : i32 to index
      %get3A_608 = arith.constant 112 : index
      %get3A_609 = tpu.vector_load %arg16[%get3A_607, %get3A_608] {strides = array<i32>} : memref<2x128xf32, #tpu.memory_space<vmem>>, vector<16xf32>,
      %get3A_610 = arith.constant 0 : i32
      %get3A_611 = arith.index_cast %get3A_610 : i32 to index
      %get3A_612 = arith.constant 112 : index
      %get3A_613 = tpu.vector_load %arg17[%get3A_611, %get3A_612] {strides = array<i32>} : memref<2x128xf32, #tpu.memory_space<vmem>>, vector<16xf32>,
      %add3A_614 = arith.addf %get3A_609, %get3A_613 : vector<16xf32>
      %abs3A_615 = math.absf %add3A_614 : vector<16xf32>
      %mul3A_616 = arith.constant -2.000000e+00 : f32
      %mul3A_617 = vector.broadcast %mul3A_616 : f32 to vector<16xf32>
      %mul3A_618 = arith.mulf %mul3A_617, %abs3A_615 : vector<16xf32>
      %exp3A_619 = math.exp %mul3A_618 : vector<16xf32>
      %sub3A_620 = arith.constant 1.000000e+00 : f32
      %sub3A_621 = vector.broadcast %sub3A_620 : f32 to vector<16xf32>
      %sub3A_622 = arith.subf %sub3A_621, %exp3A_619 : vector<16xf32>
      %add3A_623 = arith.constant 1.000000e+00 : f32
      %add3A_624 = vector.broadcast %add3A_623 : f32 to vector<16xf32>
      %add3A_625 = arith.addf %add3A_624, %exp3A_619 : vector<16xf32>
      %div3A_626 = arith.divf %sub3A_622, %add3A_625 : vector<16xf32>
      %lt3A_627 = arith.constant 0.000000e+00 : f32
      %lt3A_628 = vector.broadcast %lt3A_627 : f32 to vector<16xf32>
      %lt3A_629 = arith.cmpf olt, %add3A_614, %lt3A_628 : vector<16xf32>
      %neg3A_630 = arith.constant 0.000000e+00 : f32
      %neg3A_631 = vector.broadcast %neg3A_630 : f32 to vector<16xf32>
      %neg3A_632 = arith.subf %neg3A_631, %div3A_626 : vector<16xf32>
      %select_n3A_633 = arith.select %lt3A_629, %neg3A_632, %div3A_626 : vector<16xi1>, vector<16xf32>
      %get3A_634 = arith.constant 0 : i32
      %get3A_635 = arith.index_cast %get3A_634 : i32 to index
      %get3A_636 = arith.constant 112 : index
      %get3A_637 = tpu.vector_load %arg18[%get3A_635, %get3A_636] {strides = array<i32>} : memref<2x128xf32, #tpu.memory_space<vmem>>, vector<16xf32>,
      %mul3A_638 = arith.mulf %select_n3A_633, %get3A_637 : vector<16xf32>
      %get3A_639 = arith.constant 0 : i32
      %get3A_640 = arith.index_cast %get3A_639 : i32 to index
      %get3A_641 = arith.constant 112 : index
      %get3A_642 = tpu.vector_load %arg19[%get3A_640, %get3A_641] {strides = array<i32>} : memref<2x128xf32, #tpu.memory_space<vmem>>, vector<16xf32>,
      %mul3A_643 = arith.mulf %mul3A_638, %get3A_642 : vector<16xf32>
      %swap3A_644 = arith.constant 0 : i32
      %swap3A_645 = arith.index_cast %swap3A_644 : i32 to index
      %swap3A_646 = arith.constant 112 : index
      %swap3A_647 = tpu.vector_load %arg15[%swap3A_645, %swap3A_646] {strides = array<i32>} : memref<2x144xf32, #tpu.memory_space<vmem>>, vector<16xf32>,
      tpu.vector_store %arg15[%swap3A_645, %swap3A_646], %mul3A_643 {strides = array<i32>} : memref<2x144xf32, #tpu.memory_space<vmem>>, vector<16xf32>,
      %dma_wait3A_648 = arith.constant 0 : i32
      %dma_wait3A_649 = arith.constant 0 : i32
      %dma_wait3A_650 = arith.constant 0 : i32
      %dma_wait3A_651 = arith.constant 0 : i32
      %dma_wait3A_652 = tpu.memref_slice %arg23[%dma_wait3A_649, %dma_wait3A_650, %dma_wait3A_651] : memref<2x128x64xi32, #tpu.memory_space<vmem>> -> memref<1x128x64xi32, #tpu.memory_space<vmem>>
      %dma_wait3A_653 = tpu.memref_squeeze %dma_wait3A_652 : memref<1x128x64xi32, #tpu.memory_space<vmem>> -> memref<128x64xi32, #tpu.memory_space<vmem>>
      %dma_wait3A_654 = arith.constant 0 : i32
      %dma_wait3A_655 = tpu.memref_slice %arg13[%dma_wait3A_648, %dma_wait3A_654] : memref<2x128xi32, #tpu.memory_space<vmem>> -> memref<1x128xi32, #tpu.memory_space<vmem>>
      %dma_wait3A_656 = tpu.memref_squeeze %dma_wait3A_655 : memref<1x128xi32, #tpu.memory_space<vmem>> -> memref<128xi32, #tpu.memory_space<vmem>>
      %dma_wait3A_657 = arith.constant 0 : i32
      %dma_wait3A_658 = arith.constant 0 : i32
      %dma_wait3A_659 = tpu.memref_slice %arg2[%dma_wait3A_657, %dma_wait3A_658] : memref<10240x64xi32, #tpu.memory_space<hbm>> -> memref<10240x64xi32, #tpu.memory_space<hbm>>
      tpu.wait_indirect_dma semaphore(%arg25 : memref<!tpu.dma_semaphore, #tpu.memory_space<semaphore_mem>>) src(%dma_wait3A_659 : memref<10240x64xi32, #tpu.memory_space<hbm>>) dst(%dma_wait3A_653 : memref<128x64xi32, #tpu.memory_space<vmem>>)
      %parallel_loop3A = arith.constant 0 : i32
      %parallel_loop3A_660 = arith.constant 128 : i32
      %parallel_loop3A_661 = arith.constant 1 : i32
      scf.for %parallel_loop3A_1119 = %parallel_loop3A to %parallel_loop3A_660 step %parallel_loop3A_661  : i32 {
        %parallel_loop3A_1120 = arith.constant 0 : i32
        %parallel_loop3A_1121 = arith.index_cast %parallel_loop3A_1120 : i32 to index
        %parallel_loop3A_1122 = arith.index_cast %parallel_loop3A_1119 : i32 to index
        %parallel_loop3A_1123 = tpu.vector_load %arg15[%parallel_loop3A_1121, %parallel_loop3A_1122] {strides = array<i32>} : memref<2x144xf32, #tpu.memory_space<vmem>>, vector<16xf32>,
        %parallel_loop3A_1124 = vector.extract_strided_slice %parallel_loop3A_1123 {offsets = [0], sizes = [1], strides = [1]} : vector<16xf32> to vector<1xf32>
        %parallel_loop3A_1125 = vector.extract %parallel_loop3A_1124[0] : f32 from vector<1xf32>
        %parallel_loop3A_1126 = arith.constant 0 : i32
        %parallel_loop3A_1127 = arith.index_cast %parallel_loop3A_1126 : i32 to index
        %parallel_loop3A_1128 = arith.index_cast %parallel_loop3A_1119 : i32 to index
        %parallel_loop3A_1129 = arith.constant 0 : index
        %parallel_loop3A_1130 = tpu.vector_load %arg23[%parallel_loop3A_1127, %parallel_loop3A_1128, %parallel_loop3A_1129] {strides = array<i32>} : memref<2x128x64xi32, #tpu.memory_space<vmem>>, vector<16xi32>,
        %parallel_loop3A_1131 = vector.bitcast %parallel_loop3A_1130 : vector<16xi32> to vector<32xbf16>
        %parallel_loop3A_1132 = tpu.unpack_subelements %parallel_loop3A_1131, 0 {pack_format = #tpu.pack_format<interleaved>} : vector<32xbf16> -> vector<16xf32>
        %parallel_loop3A_1133 = tpu.unpack_subelements %parallel_loop3A_1131, 1 {pack_format = #tpu.pack_format<interleaved>} : vector<32xbf16> -> vector<16xf32>
        %parallel_loop3A_1134 = vector.broadcast %parallel_loop3A_1125 : f32 to vector<16xf32>
        %parallel_loop3A_1135 = arith.mulf %parallel_loop3A_1132, %parallel_loop3A_1134 : vector<16xf32>
        %parallel_loop3A_1136 = arith.index_cast %parallel_loop3A_1119 : i32 to index
        %parallel_loop3A_1137 = arith.constant 0 : index
        %parallel_loop3A_1138 = tpu.vector_load %arg24[%parallel_loop3A_1136, %parallel_loop3A_1137] {strides = array<i32>} : memref<128x128xf32, #tpu.memory_space<vmem>>, vector<16xf32>,
        tpu.vector_store %arg24[%parallel_loop3A_1136, %parallel_loop3A_1137], %parallel_loop3A_1135 {strides = array<i32>} : memref<128x128xf32, #tpu.memory_space<vmem>>, vector<16xf32>,
        %parallel_loop3A_1139 = vector.broadcast %parallel_loop3A_1125 : f32 to vector<16xf32>
        %parallel_loop3A_1140 = arith.mulf %parallel_loop3A_1133, %parallel_loop3A_1139 : vector<16xf32>
        %parallel_loop3A_1141 = arith.index_cast %parallel_loop3A_1119 : i32 to index
        %parallel_loop3A_1142 = arith.constant 16 : index
        %parallel_loop3A_1143 = tpu.vector_load %arg24[%parallel_loop3A_1141, %parallel_loop3A_1142] {strides = array<i32>} : memref<128x128xf32, #tpu.memory_space<vmem>>, vector<16xf32>,
        tpu.vector_store %arg24[%parallel_loop3A_1141, %parallel_loop3A_1142], %parallel_loop3A_1140 {strides = array<i32>} : memref<128x128xf32, #tpu.memory_space<vmem>>, vector<16xf32>,
        %parallel_loop3A_1144 = arith.constant 0 : i32
        %parallel_loop3A_1145 = arith.index_cast %parallel_loop3A_1144 : i32 to index
        %parallel_loop3A_1146 = arith.index_cast %parallel_loop3A_1119 : i32 to index
        %parallel_loop3A_1147 = arith.constant 16 : index
        %parallel_loop3A_1148 = tpu.vector_load %arg23[%parallel_loop3A_1145, %parallel_loop3A_1146, %parallel_loop3A_1147] {strides = array<i32>} : memref<2x128x64xi32, #tpu.memory_space<vmem>>, vector<16xi32>,
        %parallel_loop3A_1149 = vector.bitcast %parallel_loop3A_1148 : vector<16xi32> to vector<32xbf16>
        %parallel_loop3A_1150 = tpu.unpack_subelements %parallel_loop3A_1149, 0 {pack_format = #tpu.pack_format<interleaved>} : vector<32xbf16> -> vector<16xf32>
        %parallel_loop3A_1151 = tpu.unpack_subelements %parallel_loop3A_1149, 1 {pack_format = #tpu.pack_format<interleaved>} : vector<32xbf16> -> vector<16xf32>
        %parallel_loop3A_1152 = vector.broadcast %parallel_loop3A_1125 : f32 to vector<16xf32>
        %parallel_loop3A_1153 = arith.mulf %parallel_loop3A_1150, %parallel_loop3A_1152 : vector<16xf32>
        %parallel_loop3A_1154 = arith.index_cast %parallel_loop3A_1119 : i32 to index
        %parallel_loop3A_1155 = arith.constant 32 : index
        %parallel_loop3A_1156 = tpu.vector_load %arg24[%parallel_loop3A_1154, %parallel_loop3A_1155] {strides = array<i32>} : memref<128x128xf32, #tpu.memory_space<vmem>>, vector<16xf32>,
        tpu.vector_store %arg24[%parallel_loop3A_1154, %parallel_loop3A_1155], %parallel_loop3A_1153 {strides = array<i32>} : memref<128x128xf32, #tpu.memory_space<vmem>>, vector<16xf32>,
        %parallel_loop3A_1157 = vector.broadcast %parallel_loop3A_1125 : f32 to vector<16xf32>
        %parallel_loop3A_1158 = arith.mulf %parallel_loop3A_1151, %parallel_loop3A_1157 : vector<16xf32>
        %parallel_loop3A_1159 = arith.index_cast %parallel_loop3A_1119 : i32 to index
        %parallel_loop3A_1160 = arith.constant 48 : index
        %parallel_loop3A_1161 = tpu.vector_load %arg24[%parallel_loop3A_1159, %parallel_loop3A_1160] {strides = array<i32>} : memref<128x128xf32, #tpu.memory_space<vmem>>, vector<16xf32>,
        tpu.vector_store %arg24[%parallel_loop3A_1159, %parallel_loop3A_1160], %parallel_loop3A_1158 {strides = array<i32>} : memref<128x128xf32, #tpu.memory_space<vmem>>, vector<16xf32>,
        %parallel_loop3A_1162 = arith.constant 0 : i32
        %parallel_loop3A_1163 = arith.index_cast %parallel_loop3A_1162 : i32 to index
        %parallel_loop3A_1164 = arith.index_cast %parallel_loop3A_1119 : i32 to index
        %parallel_loop3A_1165 = arith.constant 32 : index
        %parallel_loop3A_1166 = tpu.vector_load %arg23[%parallel_loop3A_1163, %parallel_loop3A_1164, %parallel_loop3A_1165] {strides = array<i32>} : memref<2x128x64xi32, #tpu.memory_space<vmem>>, vector<16xi32>,
        %parallel_loop3A_1167 = vector.bitcast %parallel_loop3A_1166 : vector<16xi32> to vector<32xbf16>
        %parallel_loop3A_1168 = tpu.unpack_subelements %parallel_loop3A_1167, 0 {pack_format = #tpu.pack_format<interleaved>} : vector<32xbf16> -> vector<16xf32>
        %parallel_loop3A_1169 = tpu.unpack_subelements %parallel_loop3A_1167, 1 {pack_format = #tpu.pack_format<interleaved>} : vector<32xbf16> -> vector<16xf32>
        %parallel_loop3A_1170 = vector.broadcast %parallel_loop3A_1125 : f32 to vector<16xf32>
        %parallel_loop3A_1171 = arith.mulf %parallel_loop3A_1168, %parallel_loop3A_1170 : vector<16xf32>
        %parallel_loop3A_1172 = arith.index_cast %parallel_loop3A_1119 : i32 to index
        %parallel_loop3A_1173 = arith.constant 64 : index
        %parallel_loop3A_1174 = tpu.vector_load %arg24[%parallel_loop3A_1172, %parallel_loop3A_1173] {strides = array<i32>} : memref<128x128xf32, #tpu.memory_space<vmem>>, vector<16xf32>,
        tpu.vector_store %arg24[%parallel_loop3A_1172, %parallel_loop3A_1173], %parallel_loop3A_1171 {strides = array<i32>} : memref<128x128xf32, #tpu.memory_space<vmem>>, vector<16xf32>,
        %parallel_loop3A_1175 = vector.broadcast %parallel_loop3A_1125 : f32 to vector<16xf32>
        %parallel_loop3A_1176 = arith.mulf %parallel_loop3A_1169, %parallel_loop3A_1175 : vector<16xf32>
        %parallel_loop3A_1177 = arith.index_cast %parallel_loop3A_1119 : i32 to index
        %parallel_loop3A_1178 = arith.constant 80 : index
        %parallel_loop3A_1179 = tpu.vector_load %arg24[%parallel_loop3A_1177, %parallel_loop3A_1178] {strides = array<i32>} : memref<128x128xf32, #tpu.memory_space<vmem>>, vector<16xf32>,
        tpu.vector_store %arg24[%parallel_loop3A_1177, %parallel_loop3A_1178], %parallel_loop3A_1176 {strides = array<i32>} : memref<128x128xf32, #tpu.memory_space<vmem>>, vector<16xf32>,
        %parallel_loop3A_1180 = arith.constant 0 : i32
        %parallel_loop3A_1181 = arith.index_cast %parallel_loop3A_1180 : i32 to index
        %parallel_loop3A_1182 = arith.index_cast %parallel_loop3A_1119 : i32 to index
        %parallel_loop3A_1183 = arith.constant 48 : index
        %parallel_loop3A_1184 = tpu.vector_load %arg23[%parallel_loop3A_1181, %parallel_loop3A_1182, %parallel_loop3A_1183] {strides = array<i32>} : memref<2x128x64xi32, #tpu.memory_space<vmem>>, vector<16xi32>,
        %parallel_loop3A_1185 = vector.bitcast %parallel_loop3A_1184 : vector<16xi32> to vector<32xbf16>
        %parallel_loop3A_1186 = tpu.unpack_subelements %parallel_loop3A_1185, 0 {pack_format = #tpu.pack_format<interleaved>} : vector<32xbf16> -> vector<16xf32>
        %parallel_loop3A_1187 = tpu.unpack_subelements %parallel_loop3A_1185, 1 {pack_format = #tpu.pack_format<interleaved>} : vector<32xbf16> -> vector<16xf32>
        %parallel_loop3A_1188 = vector.broadcast %parallel_loop3A_1125 : f32 to vector<16xf32>
        %parallel_loop3A_1189 = arith.mulf %parallel_loop3A_1186, %parallel_loop3A_1188 : vector<16xf32>
        %parallel_loop3A_1190 = arith.index_cast %parallel_loop3A_1119 : i32 to index
        %parallel_loop3A_1191 = arith.constant 96 : index
        %parallel_loop3A_1192 = tpu.vector_load %arg24[%parallel_loop3A_1190, %parallel_loop3A_1191] {strides = array<i32>} : memref<128x128xf32, #tpu.memory_space<vmem>>, vector<16xf32>,
        tpu.vector_store %arg24[%parallel_loop3A_1190, %parallel_loop3A_1191], %parallel_loop3A_1189 {strides = array<i32>} : memref<128x128xf32, #tpu.memory_space<vmem>>, vector<16xf32>,
        %parallel_loop3A_1193 = vector.broadcast %parallel_loop3A_1125 : f32 to vector<16xf32>
        %parallel_loop3A_1194 = arith.mulf %parallel_loop3A_1187, %parallel_loop3A_1193 : vector<16xf32>
        %parallel_loop3A_1195 = arith.index_cast %parallel_loop3A_1119 : i32 to index
        %parallel_loop3A_1196 = arith.constant 112 : index
        %parallel_loop3A_1197 = tpu.vector_load %arg24[%parallel_loop3A_1195, %parallel_loop3A_1196] {strides = array<i32>} : memref<128x128xf32, #tpu.memory_space<vmem>>, vector<16xf32>,
        tpu.vector_store %arg24[%parallel_loop3A_1195, %parallel_loop3A_1196], %parallel_loop3A_1194 {strides = array<i32>} : memref<128x128xf32, #tpu.memory_space<vmem>>, vector<16xf32>,
      } {sc.loop_unroll_factor = 4 : i64, sc.parallel_access}
      %run_scoped3A_662 = arith.constant 0 : i32
      "tpu.region"() ({
        %run_scoped3A_1119 = tpu.sem_alloc : memref<!tpu.dma_semaphore, #tpu.memory_space<semaphore_mem>>
        %dma_start3A_1120 = arith.constant 0 : i32
        %dma_start3A_1121 = tpu.memref_slice %arg14[%run_scoped3A_662, %dma_start3A_1120] : memref<2x128xi32, #tpu.memory_space<vmem>> -> memref<1x128xi32, #tpu.memory_space<vmem>>
        %dma_start3A_1122 = tpu.memref_squeeze %dma_start3A_1121 : memref<1x128xi32, #tpu.memory_space<vmem>> -> memref<128xi32, #tpu.memory_space<vmem>>
        %dma_start3A_1123 = arith.constant 0 : i32
        %dma_start3A_1124 = arith.constant 0 : i32
        %dma_start3A_1125 = tpu.memref_slice %arg12[%dma_start3A_1123, %dma_start3A_1124] : memref<10240x128xf32, #tpu.memory_space<vmem_shared>> -> memref<10240x128xf32, #tpu.memory_space<vmem_shared>>
        tpu.enqueue_indirect_dma source(%arg24 : memref<128x128xf32, #tpu.memory_space<vmem>>) target(%dma_start3A_1125 : memref<10240x128xf32, #tpu.memory_space<vmem_shared>>) offsets(%dma_start3A_1122 : memref<128xi32, #tpu.memory_space<vmem>>) semaphore(%run_scoped3A_1119 : memref<!tpu.dma_semaphore, #tpu.memory_space<semaphore_mem>>) {add = true}
        %dma_wait3A_1126 = arith.constant 0 : i32
        %dma_wait3A_1127 = tpu.memref_slice %arg14[%run_scoped3A_662, %dma_wait3A_1126] : memref<2x128xi32, #tpu.memory_space<vmem>> -> memref<1x128xi32, #tpu.memory_space<vmem>>
        %dma_wait3A_1128 = tpu.memref_squeeze %dma_wait3A_1127 : memref<1x128xi32, #tpu.memory_space<vmem>> -> memref<128xi32, #tpu.memory_space<vmem>>
        %dma_wait3A_1129 = arith.constant 0 : i32
        %dma_wait3A_1130 = arith.constant 0 : i32
        %dma_wait3A_1131 = tpu.memref_slice %arg12[%dma_wait3A_1129, %dma_wait3A_1130] : memref<10240x128xf32, #tpu.memory_space<vmem_shared>> -> memref<10240x128xf32, #tpu.memory_space<vmem_shared>>
        tpu.wait_indirect_dma semaphore(%run_scoped3A_1119 : memref<!tpu.dma_semaphore, #tpu.memory_space<semaphore_mem>>) src(%arg24 : memref<128x128xf32, #tpu.memory_space<vmem>>) dst(%dma_wait3A_1131 : memref<10240x128xf32, #tpu.memory_space<vmem_shared>>)
        tpu.yield
      }) : () -> ()
      %mul3A_663 = arith.constant 2 : i32
      %mul3A_664 = arith.muli %add3A_214, %mul3A_663 : i32
      %add3A_665 = arith.constant 1 : i32
      %add3A_666 = arith.addi %mul3A_664, %add3A_665 : i32
      %add3A_667 = arith.constant 1 : i32
      %add3A_668 = arith.addi %add3A_666, %add3A_667 : i32
      %sub3A_669 = arith.constant 1 : i32
      %sub3A_670 = arith.subi %select_n3A, %sub3A_669 : i32
      %min3A_671 = arith.minsi %add3A_668, %sub3A_670 : i32
      %add3A_672 = arith.addi %select_n3A_51, %min3A_671 : i32
      %run_scoped3A_673 = arith.constant 0 : i32
      "tpu.region"() ({
        %run_scoped3A_1119 = tpu.sem_alloc : memref<!tpu.dma_semaphore, #tpu.memory_space<semaphore_mem>>
        %dma_start3A_1120 = arith.constant 0 : i32
        %dma_start3A_1121 = tpu.memref_slice %arg13[%run_scoped3A_673, %dma_start3A_1120] : memref<2x128xi32, #tpu.memory_space<vmem>> -> memref<1x128xi32, #tpu.memory_space<vmem>>
        %dma_start3A_1122 = tpu.memref_squeeze %dma_start3A_1121 : memref<1x128xi32, #tpu.memory_space<vmem>> -> memref<128xi32, #tpu.memory_space<vmem>>
        %dma_start3A_1123 = arith.constant 0 : i32
        %dma_start3A_1124 = tpu.memref_slice %arg3[%add3A_672, %dma_start3A_1123] : memref<2560x128xi32, #tpu.memory_space<hbm>> -> memref<1x128xi32, #tpu.memory_space<hbm>>
        %dma_start3A_1125 = tpu.memref_squeeze %dma_start3A_1124 : memref<1x128xi32, #tpu.memory_space<hbm>> -> memref<128xi32, #tpu.memory_space<hbm>>
        %dma_start3A_1126 = arith.constant 0 : i32
        %dma_start3A_1127 = tpu.memref_slice %arg13[%run_scoped3A_673, %dma_start3A_1126] : memref<2x128xi32, #tpu.memory_space<vmem>> -> memref<1x128xi32, #tpu.memory_space<vmem>>
        %dma_start3A_1128 = tpu.memref_squeeze %dma_start3A_1127 : memref<1x128xi32, #tpu.memory_space<vmem>> -> memref<128xi32, #tpu.memory_space<vmem>>
        %dma_start3A_1129 = arith.constant 0 : i32
        %dma_start3A_1130 = tpu.memref_slice %arg3[%add3A_672, %dma_start3A_1129] : memref<2560x128xi32, #tpu.memory_space<hbm>> -> memref<1x128xi32, #tpu.memory_space<hbm>>
        %dma_start3A_1131 = tpu.memref_squeeze %dma_start3A_1130 : memref<1x128xi32, #tpu.memory_space<hbm>> -> memref<128xi32, #tpu.memory_space<hbm>>
        tpu.enqueue_dma source(%dma_start3A_1131 : memref<128xi32, #tpu.memory_space<hbm>>) target(%dma_start3A_1128 : memref<128xi32, #tpu.memory_space<vmem>>) target_semaphore(%run_scoped3A_1119 : memref<!tpu.dma_semaphore, #tpu.memory_space<semaphore_mem>>)
        %dma_wait3A_1132 = arith.constant 0 : i32
        %dma_wait3A_1133 = tpu.memref_slice %arg13[%run_scoped3A_673, %dma_wait3A_1132] : memref<2x128xi32, #tpu.memory_space<vmem>> -> memref<1x128xi32, #tpu.memory_space<vmem>>
        %dma_wait3A_1134 = tpu.memref_squeeze %dma_wait3A_1133 : memref<1x128xi32, #tpu.memory_space<vmem>> -> memref<128xi32, #tpu.memory_space<vmem>>
        %dma_wait3A_1135 = arith.constant 0 : i32
        %dma_wait3A_1136 = tpu.memref_slice %arg3[%add3A_672, %dma_wait3A_1135] : memref<2560x128xi32, #tpu.memory_space<hbm>> -> memref<1x128xi32, #tpu.memory_space<hbm>>
        %dma_wait3A_1137 = tpu.memref_squeeze %dma_wait3A_1136 : memref<1x128xi32, #tpu.memory_space<hbm>> -> memref<128xi32, #tpu.memory_space<hbm>>
        %dma_wait3A_1138 = arith.constant 0 : i32
        %dma_wait3A_1139 = tpu.memref_slice %arg13[%run_scoped3A_673, %dma_wait3A_1138] : memref<2x128xi32, #tpu.memory_space<vmem>> -> memref<1x128xi32, #tpu.memory_space<vmem>>
        %dma_wait3A_1140 = tpu.memref_squeeze %dma_wait3A_1139 : memref<1x128xi32, #tpu.memory_space<vmem>> -> memref<128xi32, #tpu.memory_space<vmem>>
        %dma_wait3A_1141 = arith.constant 0 : i32
        %dma_wait3A_1142 = tpu.memref_slice %arg3[%add3A_672, %dma_wait3A_1141] : memref<2560x128xi32, #tpu.memory_space<hbm>> -> memref<1x128xi32, #tpu.memory_space<hbm>>
        %dma_wait3A_1143 = tpu.memref_squeeze %dma_wait3A_1142 : memref<1x128xi32, #tpu.memory_space<hbm>> -> memref<128xi32, #tpu.memory_space<hbm>>
        tpu.wait_dma2 semaphore(%run_scoped3A_1119 : memref<!tpu.dma_semaphore, #tpu.memory_space<semaphore_mem>>) src(%dma_wait3A_1143 : memref<128xi32, #tpu.memory_space<hbm>>) dst(%dma_wait3A_1140 : memref<128xi32, #tpu.memory_space<vmem>>)
        tpu.yield
      }) : () -> ()
      %run_scoped3A_674 = arith.constant 0 : i32
      "tpu.region"() ({
        %run_scoped3A_1119 = tpu.sem_alloc : memref<!tpu.dma_semaphore, #tpu.memory_space<semaphore_mem>>
        %dma_start3A_1120 = arith.constant 0 : i32
        %dma_start3A_1121 = tpu.memref_slice %arg14[%run_scoped3A_674, %dma_start3A_1120] : memref<2x128xi32, #tpu.memory_space<vmem>> -> memref<1x128xi32, #tpu.memory_space<vmem>>
        %dma_start3A_1122 = tpu.memref_squeeze %dma_start3A_1121 : memref<1x128xi32, #tpu.memory_space<vmem>> -> memref<128xi32, #tpu.memory_space<vmem>>
        %dma_start3A_1123 = arith.constant 0 : i32
        %dma_start3A_1124 = tpu.memref_slice %arg4[%add3A_672, %dma_start3A_1123] : memref<2560x128xi32, #tpu.memory_space<hbm>> -> memref<1x128xi32, #tpu.memory_space<hbm>>
        %dma_start3A_1125 = tpu.memref_squeeze %dma_start3A_1124 : memref<1x128xi32, #tpu.memory_space<hbm>> -> memref<128xi32, #tpu.memory_space<hbm>>
        %dma_start3A_1126 = arith.constant 0 : i32
        %dma_start3A_1127 = tpu.memref_slice %arg14[%run_scoped3A_674, %dma_start3A_1126] : memref<2x128xi32, #tpu.memory_space<vmem>> -> memref<1x128xi32, #tpu.memory_space<vmem>>
        %dma_start3A_1128 = tpu.memref_squeeze %dma_start3A_1127 : memref<1x128xi32, #tpu.memory_space<vmem>> -> memref<128xi32, #tpu.memory_space<vmem>>
        %dma_start3A_1129 = arith.constant 0 : i32
        %dma_start3A_1130 = tpu.memref_slice %arg4[%add3A_672, %dma_start3A_1129] : memref<2560x128xi32, #tpu.memory_space<hbm>> -> memref<1x128xi32, #tpu.memory_space<hbm>>
        %dma_start3A_1131 = tpu.memref_squeeze %dma_start3A_1130 : memref<1x128xi32, #tpu.memory_space<hbm>> -> memref<128xi32, #tpu.memory_space<hbm>>
        tpu.enqueue_dma source(%dma_start3A_1131 : memref<128xi32, #tpu.memory_space<hbm>>) target(%dma_start3A_1128 : memref<128xi32, #tpu.memory_space<vmem>>) target_semaphore(%run_scoped3A_1119 : memref<!tpu.dma_semaphore, #tpu.memory_space<semaphore_mem>>)
        %dma_wait3A_1132 = arith.constant 0 : i32
        %dma_wait3A_1133 = tpu.memref_slice %arg14[%run_scoped3A_674, %dma_wait3A_1132] : memref<2x128xi32, #tpu.memory_space<vmem>> -> memref<1x128xi32, #tpu.memory_space<vmem>>
        %dma_wait3A_1134 = tpu.memref_squeeze %dma_wait3A_1133 : memref<1x128xi32, #tpu.memory_space<vmem>> -> memref<128xi32, #tpu.memory_space<vmem>>
        %dma_wait3A_1135 = arith.constant 0 : i32
        %dma_wait3A_1136 = tpu.memref_slice %arg4[%add3A_672, %dma_wait3A_1135] : memref<2560x128xi32, #tpu.memory_space<hbm>> -> memref<1x128xi32, #tpu.memory_space<hbm>>
        %dma_wait3A_1137 = tpu.memref_squeeze %dma_wait3A_1136 : memref<1x128xi32, #tpu.memory_space<hbm>> -> memref<128xi32, #tpu.memory_space<hbm>>
        %dma_wait3A_1138 = arith.constant 0 : i32
        %dma_wait3A_1139 = tpu.memref_slice %arg14[%run_scoped3A_674, %dma_wait3A_1138] : memref<2x128xi32, #tpu.memory_space<vmem>> -> memref<1x128xi32, #tpu.memory_space<vmem>>
        %dma_wait3A_1140 = tpu.memref_squeeze %dma_wait3A_1139 : memref<1x128xi32, #tpu.memory_space<vmem>> -> memref<128xi32, #tpu.memory_space<vmem>>
        %dma_wait3A_1141 = arith.constant 0 : i32
        %dma_wait3A_1142 = tpu.memref_slice %arg4[%add3A_672, %dma_wait3A_1141] : memref<2560x128xi32, #tpu.memory_space<hbm>> -> memref<1x128xi32, #tpu.memory_space<hbm>>
        %dma_wait3A_1143 = tpu.memref_squeeze %dma_wait3A_1142 : memref<1x128xi32, #tpu.memory_space<hbm>> -> memref<128xi32, #tpu.memory_space<hbm>>
        tpu.wait_dma2 semaphore(%run_scoped3A_1119 : memref<!tpu.dma_semaphore, #tpu.memory_space<semaphore_mem>>) src(%dma_wait3A_1143 : memref<128xi32, #tpu.memory_space<hbm>>) dst(%dma_wait3A_1140 : memref<128xi32, #tpu.memory_space<vmem>>)
        tpu.yield
      }) : () -> ()
      %dma_start3A_675 = arith.constant 0 : i32
      %dma_start3A_676 = arith.constant 0 : i32
      %dma_start3A_677 = arith.constant 0 : i32
      %dma_start3A_678 = arith.constant 0 : i32
      %dma_start3A_679 = tpu.memref_slice %arg23[%dma_start3A_676, %dma_start3A_677, %dma_start3A_678] : memref<2x128x64xi32, #tpu.memory_space<vmem>> -> memref<1x128x64xi32, #tpu.memory_space<vmem>>
      %dma_start3A_680 = tpu.memref_squeeze %dma_start3A_679 : memref<1x128x64xi32, #tpu.memory_space<vmem>> -> memref<128x64xi32, #tpu.memory_space<vmem>>
      %dma_start3A_681 = arith.constant 0 : i32
      %dma_start3A_682 = tpu.memref_slice %arg13[%dma_start3A_675, %dma_start3A_681] : memref<2x128xi32, #tpu.memory_space<vmem>> -> memref<1x128xi32, #tpu.memory_space<vmem>>
      %dma_start3A_683 = tpu.memref_squeeze %dma_start3A_682 : memref<1x128xi32, #tpu.memory_space<vmem>> -> memref<128xi32, #tpu.memory_space<vmem>>
      %dma_start3A_684 = arith.constant 0 : i32
      %dma_start3A_685 = arith.constant 0 : i32
      %dma_start3A_686 = tpu.memref_slice %arg2[%dma_start3A_684, %dma_start3A_685] : memref<10240x64xi32, #tpu.memory_space<hbm>> -> memref<10240x64xi32, #tpu.memory_space<hbm>>
      tpu.enqueue_indirect_dma source(%dma_start3A_686 : memref<10240x64xi32, #tpu.memory_space<hbm>>) target(%dma_start3A_680 : memref<128x64xi32, #tpu.memory_space<vmem>>) offsets(%dma_start3A_683 : memref<128xi32, #tpu.memory_space<vmem>>) semaphore(%arg25 : memref<!tpu.dma_semaphore, #tpu.memory_space<semaphore_mem>>)
      %dma_start3A_687 = arith.constant 0 : i32
      %dma_start3A_688 = arith.constant 0 : i32
      %dma_start3A_689 = arith.constant 0 : i32
      %dma_start3A_690 = tpu.memref_slice %arg16[%dma_start3A_688, %dma_start3A_689] : memref<2x128xf32, #tpu.memory_space<vmem>> -> memref<1x128xf32, #tpu.memory_space<vmem>>
      %dma_start3A_691 = tpu.memref_squeeze %dma_start3A_690 : memref<1x128xf32, #tpu.memory_space<vmem>> -> memref<128xf32, #tpu.memory_space<vmem>>
      %dma_start3A_692 = arith.constant 0 : i32
      %dma_start3A_693 = tpu.memref_slice %arg14[%dma_start3A_687, %dma_start3A_692] : memref<2x128xi32, #tpu.memory_space<vmem>> -> memref<1x128xi32, #tpu.memory_space<vmem>>
      %dma_start3A_694 = tpu.memref_squeeze %dma_start3A_693 : memref<1x128xi32, #tpu.memory_space<vmem>> -> memref<128xi32, #tpu.memory_space<vmem>>
      %dma_start3A_695 = arith.constant 0 : i32
      %dma_start3A_696 = tpu.memref_slice %arg9[%dma_start3A_695] : memref<10240xf32, #tpu.memory_space<vmem_shared>> -> memref<10240xf32, #tpu.memory_space<vmem_shared>>
      tpu.enqueue_indirect_dma source(%dma_start3A_696 : memref<10240xf32, #tpu.memory_space<vmem_shared>>) target(%dma_start3A_691 : memref<128xf32, #tpu.memory_space<vmem>>) offsets(%dma_start3A_694 : memref<128xi32, #tpu.memory_space<vmem>>) semaphore(%arg27 : memref<!tpu.dma_semaphore, #tpu.memory_space<semaphore_mem>>)
      %dma_start3A_697 = arith.constant 0 : i32
      %dma_start3A_698 = arith.constant 0 : i32
      %dma_start3A_699 = arith.constant 0 : i32
      %dma_start3A_700 = tpu.memref_slice %arg17[%dma_start3A_698, %dma_start3A_699] : memref<2x128xf32, #tpu.memory_space<vmem>> -> memref<1x128xf32, #tpu.memory_space<vmem>>
      %dma_start3A_701 = tpu.memref_squeeze %dma_start3A_700 : memref<1x128xf32, #tpu.memory_space<vmem>> -> memref<128xf32, #tpu.memory_space<vmem>>
      %dma_start3A_702 = arith.constant 0 : i32
      %dma_start3A_703 = tpu.memref_slice %arg13[%dma_start3A_697, %dma_start3A_702] : memref<2x128xi32, #tpu.memory_space<vmem>> -> memref<1x128xi32, #tpu.memory_space<vmem>>
      %dma_start3A_704 = tpu.memref_squeeze %dma_start3A_703 : memref<1x128xi32, #tpu.memory_space<vmem>> -> memref<128xi32, #tpu.memory_space<vmem>>
      %dma_start3A_705 = arith.constant 0 : i32
      %dma_start3A_706 = tpu.memref_slice %arg10[%dma_start3A_705] : memref<10240xf32, #tpu.memory_space<vmem_shared>> -> memref<10240xf32, #tpu.memory_space<vmem_shared>>
      tpu.enqueue_indirect_dma source(%dma_start3A_706 : memref<10240xf32, #tpu.memory_space<vmem_shared>>) target(%dma_start3A_701 : memref<128xf32, #tpu.memory_space<vmem>>) offsets(%dma_start3A_704 : memref<128xi32, #tpu.memory_space<vmem>>) semaphore(%arg27 : memref<!tpu.dma_semaphore, #tpu.memory_space<semaphore_mem>>)
      %dma_start3A_707 = arith.constant 0 : i32
      %dma_start3A_708 = arith.constant 0 : i32
      %dma_start3A_709 = arith.constant 0 : i32
      %dma_start3A_710 = tpu.memref_slice %arg18[%dma_start3A_708, %dma_start3A_709] : memref<2x128xf32, #tpu.memory_space<vmem>> -> memref<1x128xf32, #tpu.memory_space<vmem>>
      %dma_start3A_711 = tpu.memref_squeeze %dma_start3A_710 : memref<1x128xf32, #tpu.memory_space<vmem>> -> memref<128xf32, #tpu.memory_space<vmem>>
      %dma_start3A_712 = arith.constant 0 : i32
      %dma_start3A_713 = tpu.memref_slice %arg14[%dma_start3A_707, %dma_start3A_712] : memref<2x128xi32, #tpu.memory_space<vmem>> -> memref<1x128xi32, #tpu.memory_space<vmem>>
      %dma_start3A_714 = tpu.memref_squeeze %dma_start3A_713 : memref<1x128xi32, #tpu.memory_space<vmem>> -> memref<128xi32, #tpu.memory_space<vmem>>
      %dma_start3A_715 = arith.constant 0 : i32
      %dma_start3A_716 = tpu.memref_slice %arg11[%dma_start3A_715] : memref<10240xf32, #tpu.memory_space<vmem_shared>> -> memref<10240xf32, #tpu.memory_space<vmem_shared>>
      tpu.enqueue_indirect_dma source(%dma_start3A_716 : memref<10240xf32, #tpu.memory_space<vmem_shared>>) target(%dma_start3A_711 : memref<128xf32, #tpu.memory_space<vmem>>) offsets(%dma_start3A_714 : memref<128xi32, #tpu.memory_space<vmem>>) semaphore(%arg27 : memref<!tpu.dma_semaphore, #tpu.memory_space<semaphore_mem>>)
      %dma_start3A_717 = arith.constant 0 : i32
      %dma_start3A_718 = arith.constant 0 : i32
      %dma_start3A_719 = arith.constant 0 : i32
      %dma_start3A_720 = tpu.memref_slice %arg19[%dma_start3A_718, %dma_start3A_719] : memref<2x128xf32, #tpu.memory_space<vmem>> -> memref<1x128xf32, #tpu.memory_space<vmem>>
      %dma_start3A_721 = tpu.memref_squeeze %dma_start3A_720 : memref<1x128xf32, #tpu.memory_space<vmem>> -> memref<128xf32, #tpu.memory_space<vmem>>
      %dma_start3A_722 = arith.constant 0 : i32
      %dma_start3A_723 = tpu.memref_slice %arg13[%dma_start3A_717, %dma_start3A_722] : memref<2x128xi32, #tpu.memory_space<vmem>> -> memref<1x128xi32, #tpu.memory_space<vmem>>
      %dma_start3A_724 = tpu.memref_squeeze %dma_start3A_723 : memref<1x128xi32, #tpu.memory_space<vmem>> -> memref<128xi32, #tpu.memory_space<vmem>>
      %dma_start3A_725 = arith.constant 0 : i32
      %dma_start3A_726 = tpu.memref_slice %arg11[%dma_start3A_725] : memref<10240xf32, #tpu.memory_space<vmem_shared>> -> memref<10240xf32, #tpu.memory_space<vmem_shared>>
      tpu.enqueue_indirect_dma source(%dma_start3A_726 : memref<10240xf32, #tpu.memory_space<vmem_shared>>) target(%dma_start3A_721 : memref<128xf32, #tpu.memory_space<vmem>>) offsets(%dma_start3A_724 : memref<128xi32, #tpu.memory_space<vmem>>) semaphore(%arg27 : memref<!tpu.dma_semaphore, #tpu.memory_space<semaphore_mem>>)
      %dma_wait3A_727 = arith.constant 1 : i32
      %dma_wait3A_728 = arith.constant 1 : i32
      %dma_wait3A_729 = arith.constant 0 : i32
      %dma_wait3A_730 = tpu.memref_slice %arg16[%dma_wait3A_728, %dma_wait3A_729] : memref<2x128xf32, #tpu.memory_space<vmem>> -> memref<1x128xf32, #tpu.memory_space<vmem>>
      %dma_wait3A_731 = tpu.memref_squeeze %dma_wait3A_730 : memref<1x128xf32, #tpu.memory_space<vmem>> -> memref<128xf32, #tpu.memory_space<vmem>>
      %dma_wait3A_732 = arith.constant 0 : i32
      %dma_wait3A_733 = tpu.memref_slice %arg14[%dma_wait3A_727, %dma_wait3A_732] : memref<2x128xi32, #tpu.memory_space<vmem>> -> memref<1x128xi32, #tpu.memory_space<vmem>>
      %dma_wait3A_734 = tpu.memref_squeeze %dma_wait3A_733 : memref<1x128xi32, #tpu.memory_space<vmem>> -> memref<128xi32, #tpu.memory_space<vmem>>
      %dma_wait3A_735 = arith.constant 0 : i32
      %dma_wait3A_736 = tpu.memref_slice %arg9[%dma_wait3A_735] : memref<10240xf32, #tpu.memory_space<vmem_shared>> -> memref<10240xf32, #tpu.memory_space<vmem_shared>>
      tpu.wait_indirect_dma semaphore(%arg28 : memref<!tpu.dma_semaphore, #tpu.memory_space<semaphore_mem>>) src(%dma_wait3A_736 : memref<10240xf32, #tpu.memory_space<vmem_shared>>) dst(%dma_wait3A_731 : memref<128xf32, #tpu.memory_space<vmem>>)
      %dma_wait3A_737 = arith.constant 1 : i32
      %dma_wait3A_738 = arith.constant 1 : i32
      %dma_wait3A_739 = arith.constant 0 : i32
      %dma_wait3A_740 = tpu.memref_slice %arg17[%dma_wait3A_738, %dma_wait3A_739] : memref<2x128xf32, #tpu.memory_space<vmem>> -> memref<1x128xf32, #tpu.memory_space<vmem>>
      %dma_wait3A_741 = tpu.memref_squeeze %dma_wait3A_740 : memref<1x128xf32, #tpu.memory_space<vmem>> -> memref<128xf32, #tpu.memory_space<vmem>>
      %dma_wait3A_742 = arith.constant 0 : i32
      %dma_wait3A_743 = tpu.memref_slice %arg13[%dma_wait3A_737, %dma_wait3A_742] : memref<2x128xi32, #tpu.memory_space<vmem>> -> memref<1x128xi32, #tpu.memory_space<vmem>>
      %dma_wait3A_744 = tpu.memref_squeeze %dma_wait3A_743 : memref<1x128xi32, #tpu.memory_space<vmem>> -> memref<128xi32, #tpu.memory_space<vmem>>
      %dma_wait3A_745 = arith.constant 0 : i32
      %dma_wait3A_746 = tpu.memref_slice %arg10[%dma_wait3A_745] : memref<10240xf32, #tpu.memory_space<vmem_shared>> -> memref<10240xf32, #tpu.memory_space<vmem_shared>>
      tpu.wait_indirect_dma semaphore(%arg28 : memref<!tpu.dma_semaphore, #tpu.memory_space<semaphore_mem>>) src(%dma_wait3A_746 : memref<10240xf32, #tpu.memory_space<vmem_shared>>) dst(%dma_wait3A_741 : memref<128xf32, #tpu.memory_space<vmem>>)
      %dma_wait3A_747 = arith.constant 1 : i32
      %dma_wait3A_748 = arith.constant 1 : i32
      %dma_wait3A_749 = arith.constant 0 : i32
      %dma_wait3A_750 = tpu.memref_slice %arg18[%dma_wait3A_748, %dma_wait3A_749] : memref<2x128xf32, #tpu.memory_space<vmem>> -> memref<1x128xf32, #tpu.memory_space<vmem>>
      %dma_wait3A_751 = tpu.memref_squeeze %dma_wait3A_750 : memref<1x128xf32, #tpu.memory_space<vmem>> -> memref<128xf32, #tpu.memory_space<vmem>>
      %dma_wait3A_752 = arith.constant 0 : i32
      %dma_wait3A_753 = tpu.memref_slice %arg14[%dma_wait3A_747, %dma_wait3A_752] : memref<2x128xi32, #tpu.memory_space<vmem>> -> memref<1x128xi32, #tpu.memory_space<vmem>>
      %dma_wait3A_754 = tpu.memref_squeeze %dma_wait3A_753 : memref<1x128xi32, #tpu.memory_space<vmem>> -> memref<128xi32, #tpu.memory_space<vmem>>
      %dma_wait3A_755 = arith.constant 0 : i32
      %dma_wait3A_756 = tpu.memref_slice %arg11[%dma_wait3A_755] : memref<10240xf32, #tpu.memory_space<vmem_shared>> -> memref<10240xf32, #tpu.memory_space<vmem_shared>>
      tpu.wait_indirect_dma semaphore(%arg28 : memref<!tpu.dma_semaphore, #tpu.memory_space<semaphore_mem>>) src(%dma_wait3A_756 : memref<10240xf32, #tpu.memory_space<vmem_shared>>) dst(%dma_wait3A_751 : memref<128xf32, #tpu.memory_space<vmem>>)
      %dma_wait3A_757 = arith.constant 1 : i32
      %dma_wait3A_758 = arith.constant 1 : i32
      %dma_wait3A_759 = arith.constant 0 : i32
      %dma_wait3A_760 = tpu.memref_slice %arg19[%dma_wait3A_758, %dma_wait3A_759] : memref<2x128xf32, #tpu.memory_space<vmem>> -> memref<1x128xf32, #tpu.memory_space<vmem>>
      %dma_wait3A_761 = tpu.memref_squeeze %dma_wait3A_760 : memref<1x128xf32, #tpu.memory_space<vmem>> -> memref<128xf32, #tpu.memory_space<vmem>>
      %dma_wait3A_762 = arith.constant 0 : i32
      %dma_wait3A_763 = tpu.memref_slice %arg13[%dma_wait3A_757, %dma_wait3A_762] : memref<2x128xi32, #tpu.memory_space<vmem>> -> memref<1x128xi32, #tpu.memory_space<vmem>>
      %dma_wait3A_764 = tpu.memref_squeeze %dma_wait3A_763 : memref<1x128xi32, #tpu.memory_space<vmem>> -> memref<128xi32, #tpu.memory_space<vmem>>
      %dma_wait3A_765 = arith.constant 0 : i32
      %dma_wait3A_766 = tpu.memref_slice %arg11[%dma_wait3A_765] : memref<10240xf32, #tpu.memory_space<vmem_shared>> -> memref<10240xf32, #tpu.memory_space<vmem_shared>>
      tpu.wait_indirect_dma semaphore(%arg28 : memref<!tpu.dma_semaphore, #tpu.memory_space<semaphore_mem>>) src(%dma_wait3A_766 : memref<10240xf32, #tpu.memory_space<vmem_shared>>) dst(%dma_wait3A_761 : memref<128xf32, #tpu.memory_space<vmem>>)
      %get3A_767 = arith.constant 1 : i32
      %get3A_768 = arith.index_cast %get3A_767 : i32 to index
      %get3A_769 = arith.constant 0 : index
      %get3A_770 = tpu.vector_load %arg16[%get3A_768, %get3A_769] {strides = array<i32>} : memref<2x128xf32, #tpu.memory_space<vmem>>, vector<16xf32>,
      %get3A_771 = arith.constant 1 : i32
      %get3A_772 = arith.index_cast %get3A_771 : i32 to index
      %get3A_773 = arith.constant 0 : index
      %get3A_774 = tpu.vector_load %arg17[%get3A_772, %get3A_773] {strides = array<i32>} : memref<2x128xf32, #tpu.memory_space<vmem>>, vector<16xf32>,
      %add3A_775 = arith.addf %get3A_770, %get3A_774 : vector<16xf32>
      %abs3A_776 = math.absf %add3A_775 : vector<16xf32>
      %mul3A_777 = arith.constant -2.000000e+00 : f32
      %mul3A_778 = vector.broadcast %mul3A_777 : f32 to vector<16xf32>
      %mul3A_779 = arith.mulf %mul3A_778, %abs3A_776 : vector<16xf32>
      %exp3A_780 = math.exp %mul3A_779 : vector<16xf32>
      %sub3A_781 = arith.constant 1.000000e+00 : f32
      %sub3A_782 = vector.broadcast %sub3A_781 : f32 to vector<16xf32>
      %sub3A_783 = arith.subf %sub3A_782, %exp3A_780 : vector<16xf32>
      %add3A_784 = arith.constant 1.000000e+00 : f32
      %add3A_785 = vector.broadcast %add3A_784 : f32 to vector<16xf32>
      %add3A_786 = arith.addf %add3A_785, %exp3A_780 : vector<16xf32>
      %div3A_787 = arith.divf %sub3A_783, %add3A_786 : vector<16xf32>
      %lt3A_788 = arith.constant 0.000000e+00 : f32
      %lt3A_789 = vector.broadcast %lt3A_788 : f32 to vector<16xf32>
      %lt3A_790 = arith.cmpf olt, %add3A_775, %lt3A_789 : vector<16xf32>
      %neg3A_791 = arith.constant 0.000000e+00 : f32
      %neg3A_792 = vector.broadcast %neg3A_791 : f32 to vector<16xf32>
      %neg3A_793 = arith.subf %neg3A_792, %div3A_787 : vector<16xf32>
      %select_n3A_794 = arith.select %lt3A_790, %neg3A_793, %div3A_787 : vector<16xi1>, vector<16xf32>
      %get3A_795 = arith.constant 1 : i32
      %get3A_796 = arith.index_cast %get3A_795 : i32 to index
      %get3A_797 = arith.constant 0 : index
      %get3A_798 = tpu.vector_load %arg18[%get3A_796, %get3A_797] {strides = array<i32>} : memref<2x128xf32, #tpu.memory_space<vmem>>, vector<16xf32>,
      %mul3A_799 = arith.mulf %select_n3A_794, %get3A_798 : vector<16xf32>
      %get3A_800 = arith.constant 1 : i32
      %get3A_801 = arith.index_cast %get3A_800 : i32 to index
      %get3A_802 = arith.constant 0 : index
      %get3A_803 = tpu.vector_load %arg19[%get3A_801, %get3A_802] {strides = array<i32>} : memref<2x128xf32, #tpu.memory_space<vmem>>, vector<16xf32>,
      %mul3A_804 = arith.mulf %mul3A_799, %get3A_803 : vector<16xf32>
      %swap3A_805 = arith.constant 1 : i32
      %swap3A_806 = arith.index_cast %swap3A_805 : i32 to index
      %swap3A_807 = arith.constant 0 : index
      %swap3A_808 = tpu.vector_load %arg15[%swap3A_806, %swap3A_807] {strides = array<i32>} : memref<2x144xf32, #tpu.memory_space<vmem>>, vector<16xf32>,
      tpu.vector_store %arg15[%swap3A_806, %swap3A_807], %mul3A_804 {strides = array<i32>} : memref<2x144xf32, #tpu.memory_space<vmem>>, vector<16xf32>,
      %get3A_809 = arith.constant 1 : i32
      %get3A_810 = arith.index_cast %get3A_809 : i32 to index
      %get3A_811 = arith.constant 16 : index
      %get3A_812 = tpu.vector_load %arg16[%get3A_810, %get3A_811] {strides = array<i32>} : memref<2x128xf32, #tpu.memory_space<vmem>>, vector<16xf32>,
      %get3A_813 = arith.constant 1 : i32
      %get3A_814 = arith.index_cast %get3A_813 : i32 to index
      %get3A_815 = arith.constant 16 : index
      %get3A_816 = tpu.vector_load %arg17[%get3A_814, %get3A_815] {strides = array<i32>} : memref<2x128xf32, #tpu.memory_space<vmem>>, vector<16xf32>,
      %add3A_817 = arith.addf %get3A_812, %get3A_816 : vector<16xf32>
      %abs3A_818 = math.absf %add3A_817 : vector<16xf32>
      %mul3A_819 = arith.constant -2.000000e+00 : f32
      %mul3A_820 = vector.broadcast %mul3A_819 : f32 to vector<16xf32>
      %mul3A_821 = arith.mulf %mul3A_820, %abs3A_818 : vector<16xf32>
      %exp3A_822 = math.exp %mul3A_821 : vector<16xf32>
      %sub3A_823 = arith.constant 1.000000e+00 : f32
      %sub3A_824 = vector.broadcast %sub3A_823 : f32 to vector<16xf32>
      %sub3A_825 = arith.subf %sub3A_824, %exp3A_822 : vector<16xf32>
      %add3A_826 = arith.constant 1.000000e+00 : f32
      %add3A_827 = vector.broadcast %add3A_826 : f32 to vector<16xf32>
      %add3A_828 = arith.addf %add3A_827, %exp3A_822 : vector<16xf32>
      %div3A_829 = arith.divf %sub3A_825, %add3A_828 : vector<16xf32>
      %lt3A_830 = arith.constant 0.000000e+00 : f32
      %lt3A_831 = vector.broadcast %lt3A_830 : f32 to vector<16xf32>
      %lt3A_832 = arith.cmpf olt, %add3A_817, %lt3A_831 : vector<16xf32>
      %neg3A_833 = arith.constant 0.000000e+00 : f32
      %neg3A_834 = vector.broadcast %neg3A_833 : f32 to vector<16xf32>
      %neg3A_835 = arith.subf %neg3A_834, %div3A_829 : vector<16xf32>
      %select_n3A_836 = arith.select %lt3A_832, %neg3A_835, %div3A_829 : vector<16xi1>, vector<16xf32>
      %get3A_837 = arith.constant 1 : i32
      %get3A_838 = arith.index_cast %get3A_837 : i32 to index
      %get3A_839 = arith.constant 16 : index
      %get3A_840 = tpu.vector_load %arg18[%get3A_838, %get3A_839] {strides = array<i32>} : memref<2x128xf32, #tpu.memory_space<vmem>>, vector<16xf32>,
      %mul3A_841 = arith.mulf %select_n3A_836, %get3A_840 : vector<16xf32>
      %get3A_842 = arith.constant 1 : i32
      %get3A_843 = arith.index_cast %get3A_842 : i32 to index
      %get3A_844 = arith.constant 16 : index
      %get3A_845 = tpu.vector_load %arg19[%get3A_843, %get3A_844] {strides = array<i32>} : memref<2x128xf32, #tpu.memory_space<vmem>>, vector<16xf32>,
      %mul3A_846 = arith.mulf %mul3A_841, %get3A_845 : vector<16xf32>
      %swap3A_847 = arith.constant 1 : i32
      %swap3A_848 = arith.index_cast %swap3A_847 : i32 to index
      %swap3A_849 = arith.constant 16 : index
      %swap3A_850 = tpu.vector_load %arg15[%swap3A_848, %swap3A_849] {strides = array<i32>} : memref<2x144xf32, #tpu.memory_space<vmem>>, vector<16xf32>,
      tpu.vector_store %arg15[%swap3A_848, %swap3A_849], %mul3A_846 {strides = array<i32>} : memref<2x144xf32, #tpu.memory_space<vmem>>, vector<16xf32>,
      %get3A_851 = arith.constant 1 : i32
      %get3A_852 = arith.index_cast %get3A_851 : i32 to index
      %get3A_853 = arith.constant 32 : index
      %get3A_854 = tpu.vector_load %arg16[%get3A_852, %get3A_853] {strides = array<i32>} : memref<2x128xf32, #tpu.memory_space<vmem>>, vector<16xf32>,
      %get3A_855 = arith.constant 1 : i32
      %get3A_856 = arith.index_cast %get3A_855 : i32 to index
      %get3A_857 = arith.constant 32 : index
      %get3A_858 = tpu.vector_load %arg17[%get3A_856, %get3A_857] {strides = array<i32>} : memref<2x128xf32, #tpu.memory_space<vmem>>, vector<16xf32>,
      %add3A_859 = arith.addf %get3A_854, %get3A_858 : vector<16xf32>
      %abs3A_860 = math.absf %add3A_859 : vector<16xf32>
      %mul3A_861 = arith.constant -2.000000e+00 : f32
      %mul3A_862 = vector.broadcast %mul3A_861 : f32 to vector<16xf32>
      %mul3A_863 = arith.mulf %mul3A_862, %abs3A_860 : vector<16xf32>
      %exp3A_864 = math.exp %mul3A_863 : vector<16xf32>
      %sub3A_865 = arith.constant 1.000000e+00 : f32
      %sub3A_866 = vector.broadcast %sub3A_865 : f32 to vector<16xf32>
      %sub3A_867 = arith.subf %sub3A_866, %exp3A_864 : vector<16xf32>
      %add3A_868 = arith.constant 1.000000e+00 : f32
      %add3A_869 = vector.broadcast %add3A_868 : f32 to vector<16xf32>
      %add3A_870 = arith.addf %add3A_869, %exp3A_864 : vector<16xf32>
      %div3A_871 = arith.divf %sub3A_867, %add3A_870 : vector<16xf32>
      %lt3A_872 = arith.constant 0.000000e+00 : f32
      %lt3A_873 = vector.broadcast %lt3A_872 : f32 to vector<16xf32>
      %lt3A_874 = arith.cmpf olt, %add3A_859, %lt3A_873 : vector<16xf32>
      %neg3A_875 = arith.constant 0.000000e+00 : f32
      %neg3A_876 = vector.broadcast %neg3A_875 : f32 to vector<16xf32>
      %neg3A_877 = arith.subf %neg3A_876, %div3A_871 : vector<16xf32>
      %select_n3A_878 = arith.select %lt3A_874, %neg3A_877, %div3A_871 : vector<16xi1>, vector<16xf32>
      %get3A_879 = arith.constant 1 : i32
      %get3A_880 = arith.index_cast %get3A_879 : i32 to index
      %get3A_881 = arith.constant 32 : index
      %get3A_882 = tpu.vector_load %arg18[%get3A_880, %get3A_881] {strides = array<i32>} : memref<2x128xf32, #tpu.memory_space<vmem>>, vector<16xf32>,
      %mul3A_883 = arith.mulf %select_n3A_878, %get3A_882 : vector<16xf32>
      %get3A_884 = arith.constant 1 : i32
      %get3A_885 = arith.index_cast %get3A_884 : i32 to index
      %get3A_886 = arith.constant 32 : index
      %get3A_887 = tpu.vector_load %arg19[%get3A_885, %get3A_886] {strides = array<i32>} : memref<2x128xf32, #tpu.memory_space<vmem>>, vector<16xf32>,
      %mul3A_888 = arith.mulf %mul3A_883, %get3A_887 : vector<16xf32>
      %swap3A_889 = arith.constant 1 : i32
      %swap3A_890 = arith.index_cast %swap3A_889 : i32 to index
      %swap3A_891 = arith.constant 32 : index
      %swap3A_892 = tpu.vector_load %arg15[%swap3A_890, %swap3A_891] {strides = array<i32>} : memref<2x144xf32, #tpu.memory_space<vmem>>, vector<16xf32>,
      tpu.vector_store %arg15[%swap3A_890, %swap3A_891], %mul3A_888 {strides = array<i32>} : memref<2x144xf32, #tpu.memory_space<vmem>>, vector<16xf32>,
      %get3A_893 = arith.constant 1 : i32
      %get3A_894 = arith.index_cast %get3A_893 : i32 to index
      %get3A_895 = arith.constant 48 : index
      %get3A_896 = tpu.vector_load %arg16[%get3A_894, %get3A_895] {strides = array<i32>} : memref<2x128xf32, #tpu.memory_space<vmem>>, vector<16xf32>,
      %get3A_897 = arith.constant 1 : i32
      %get3A_898 = arith.index_cast %get3A_897 : i32 to index
      %get3A_899 = arith.constant 48 : index
      %get3A_900 = tpu.vector_load %arg17[%get3A_898, %get3A_899] {strides = array<i32>} : memref<2x128xf32, #tpu.memory_space<vmem>>, vector<16xf32>,
      %add3A_901 = arith.addf %get3A_896, %get3A_900 : vector<16xf32>
      %abs3A_902 = math.absf %add3A_901 : vector<16xf32>
      %mul3A_903 = arith.constant -2.000000e+00 : f32
      %mul3A_904 = vector.broadcast %mul3A_903 : f32 to vector<16xf32>
      %mul3A_905 = arith.mulf %mul3A_904, %abs3A_902 : vector<16xf32>
      %exp3A_906 = math.exp %mul3A_905 : vector<16xf32>
      %sub3A_907 = arith.constant 1.000000e+00 : f32
      %sub3A_908 = vector.broadcast %sub3A_907 : f32 to vector<16xf32>
      %sub3A_909 = arith.subf %sub3A_908, %exp3A_906 : vector<16xf32>
      %add3A_910 = arith.constant 1.000000e+00 : f32
      %add3A_911 = vector.broadcast %add3A_910 : f32 to vector<16xf32>
      %add3A_912 = arith.addf %add3A_911, %exp3A_906 : vector<16xf32>
      %div3A_913 = arith.divf %sub3A_909, %add3A_912 : vector<16xf32>
      %lt3A_914 = arith.constant 0.000000e+00 : f32
      %lt3A_915 = vector.broadcast %lt3A_914 : f32 to vector<16xf32>
      %lt3A_916 = arith.cmpf olt, %add3A_901, %lt3A_915 : vector<16xf32>
      %neg3A_917 = arith.constant 0.000000e+00 : f32
      %neg3A_918 = vector.broadcast %neg3A_917 : f32 to vector<16xf32>
      %neg3A_919 = arith.subf %neg3A_918, %div3A_913 : vector<16xf32>
      %select_n3A_920 = arith.select %lt3A_916, %neg3A_919, %div3A_913 : vector<16xi1>, vector<16xf32>
      %get3A_921 = arith.constant 1 : i32
      %get3A_922 = arith.index_cast %get3A_921 : i32 to index
      %get3A_923 = arith.constant 48 : index
      %get3A_924 = tpu.vector_load %arg18[%get3A_922, %get3A_923] {strides = array<i32>} : memref<2x128xf32, #tpu.memory_space<vmem>>, vector<16xf32>,
      %mul3A_925 = arith.mulf %select_n3A_920, %get3A_924 : vector<16xf32>
      %get3A_926 = arith.constant 1 : i32
      %get3A_927 = arith.index_cast %get3A_926 : i32 to index
      %get3A_928 = arith.constant 48 : index
      %get3A_929 = tpu.vector_load %arg19[%get3A_927, %get3A_928] {strides = array<i32>} : memref<2x128xf32, #tpu.memory_space<vmem>>, vector<16xf32>,
      %mul3A_930 = arith.mulf %mul3A_925, %get3A_929 : vector<16xf32>
      %swap3A_931 = arith.constant 1 : i32
      %swap3A_932 = arith.index_cast %swap3A_931 : i32 to index
      %swap3A_933 = arith.constant 48 : index
      %swap3A_934 = tpu.vector_load %arg15[%swap3A_932, %swap3A_933] {strides = array<i32>} : memref<2x144xf32, #tpu.memory_space<vmem>>, vector<16xf32>,
      tpu.vector_store %arg15[%swap3A_932, %swap3A_933], %mul3A_930 {strides = array<i32>} : memref<2x144xf32, #tpu.memory_space<vmem>>, vector<16xf32>,
      %get3A_935 = arith.constant 1 : i32
      %get3A_936 = arith.index_cast %get3A_935 : i32 to index
      %get3A_937 = arith.constant 64 : index
      %get3A_938 = tpu.vector_load %arg16[%get3A_936, %get3A_937] {strides = array<i32>} : memref<2x128xf32, #tpu.memory_space<vmem>>, vector<16xf32>,
      %get3A_939 = arith.constant 1 : i32
      %get3A_940 = arith.index_cast %get3A_939 : i32 to index
      %get3A_941 = arith.constant 64 : index
      %get3A_942 = tpu.vector_load %arg17[%get3A_940, %get3A_941] {strides = array<i32>} : memref<2x128xf32, #tpu.memory_space<vmem>>, vector<16xf32>,
      %add3A_943 = arith.addf %get3A_938, %get3A_942 : vector<16xf32>
      %abs3A_944 = math.absf %add3A_943 : vector<16xf32>
      %mul3A_945 = arith.constant -2.000000e+00 : f32
      %mul3A_946 = vector.broadcast %mul3A_945 : f32 to vector<16xf32>
      %mul3A_947 = arith.mulf %mul3A_946, %abs3A_944 : vector<16xf32>
      %exp3A_948 = math.exp %mul3A_947 : vector<16xf32>
      %sub3A_949 = arith.constant 1.000000e+00 : f32
      %sub3A_950 = vector.broadcast %sub3A_949 : f32 to vector<16xf32>
      %sub3A_951 = arith.subf %sub3A_950, %exp3A_948 : vector<16xf32>
      %add3A_952 = arith.constant 1.000000e+00 : f32
      %add3A_953 = vector.broadcast %add3A_952 : f32 to vector<16xf32>
      %add3A_954 = arith.addf %add3A_953, %exp3A_948 : vector<16xf32>
      %div3A_955 = arith.divf %sub3A_951, %add3A_954 : vector<16xf32>
      %lt3A_956 = arith.constant 0.000000e+00 : f32
      %lt3A_957 = vector.broadcast %lt3A_956 : f32 to vector<16xf32>
      %lt3A_958 = arith.cmpf olt, %add3A_943, %lt3A_957 : vector<16xf32>
      %neg3A_959 = arith.constant 0.000000e+00 : f32
      %neg3A_960 = vector.broadcast %neg3A_959 : f32 to vector<16xf32>
      %neg3A_961 = arith.subf %neg3A_960, %div3A_955 : vector<16xf32>
      %select_n3A_962 = arith.select %lt3A_958, %neg3A_961, %div3A_955 : vector<16xi1>, vector<16xf32>
      %get3A_963 = arith.constant 1 : i32
      %get3A_964 = arith.index_cast %get3A_963 : i32 to index
      %get3A_965 = arith.constant 64 : index
      %get3A_966 = tpu.vector_load %arg18[%get3A_964, %get3A_965] {strides = array<i32>} : memref<2x128xf32, #tpu.memory_space<vmem>>, vector<16xf32>,
      %mul3A_967 = arith.mulf %select_n3A_962, %get3A_966 : vector<16xf32>
      %get3A_968 = arith.constant 1 : i32
      %get3A_969 = arith.index_cast %get3A_968 : i32 to index
      %get3A_970 = arith.constant 64 : index
      %get3A_971 = tpu.vector_load %arg19[%get3A_969, %get3A_970] {strides = array<i32>} : memref<2x128xf32, #tpu.memory_space<vmem>>, vector<16xf32>,
      %mul3A_972 = arith.mulf %mul3A_967, %get3A_971 : vector<16xf32>
      %swap3A_973 = arith.constant 1 : i32
      %swap3A_974 = arith.index_cast %swap3A_973 : i32 to index
      %swap3A_975 = arith.constant 64 : index
      %swap3A_976 = tpu.vector_load %arg15[%swap3A_974, %swap3A_975] {strides = array<i32>} : memref<2x144xf32, #tpu.memory_space<vmem>>, vector<16xf32>,
      tpu.vector_store %arg15[%swap3A_974, %swap3A_975], %mul3A_972 {strides = array<i32>} : memref<2x144xf32, #tpu.memory_space<vmem>>, vector<16xf32>,
      %get3A_977 = arith.constant 1 : i32
      %get3A_978 = arith.index_cast %get3A_977 : i32 to index
      %get3A_979 = arith.constant 80 : index
      %get3A_980 = tpu.vector_load %arg16[%get3A_978, %get3A_979] {strides = array<i32>} : memref<2x128xf32, #tpu.memory_space<vmem>>, vector<16xf32>,
      %get3A_981 = arith.constant 1 : i32
      %get3A_982 = arith.index_cast %get3A_981 : i32 to index
      %get3A_983 = arith.constant 80 : index
      %get3A_984 = tpu.vector_load %arg17[%get3A_982, %get3A_983] {strides = array<i32>} : memref<2x128xf32, #tpu.memory_space<vmem>>, vector<16xf32>,
      %add3A_985 = arith.addf %get3A_980, %get3A_984 : vector<16xf32>
      %abs3A_986 = math.absf %add3A_985 : vector<16xf32>
      %mul3A_987 = arith.constant -2.000000e+00 : f32
      %mul3A_988 = vector.broadcast %mul3A_987 : f32 to vector<16xf32>
      %mul3A_989 = arith.mulf %mul3A_988, %abs3A_986 : vector<16xf32>
      %exp3A_990 = math.exp %mul3A_989 : vector<16xf32>
      %sub3A_991 = arith.constant 1.000000e+00 : f32
      %sub3A_992 = vector.broadcast %sub3A_991 : f32 to vector<16xf32>
      %sub3A_993 = arith.subf %sub3A_992, %exp3A_990 : vector<16xf32>
      %add3A_994 = arith.constant 1.000000e+00 : f32
      %add3A_995 = vector.broadcast %add3A_994 : f32 to vector<16xf32>
      %add3A_996 = arith.addf %add3A_995, %exp3A_990 : vector<16xf32>
      %div3A_997 = arith.divf %sub3A_993, %add3A_996 : vector<16xf32>
      %lt3A_998 = arith.constant 0.000000e+00 : f32
      %lt3A_999 = vector.broadcast %lt3A_998 : f32 to vector<16xf32>
      %lt3A_1000 = arith.cmpf olt, %add3A_985, %lt3A_999 : vector<16xf32>
      %neg3A_1001 = arith.constant 0.000000e+00 : f32
      %neg3A_1002 = vector.broadcast %neg3A_1001 : f32 to vector<16xf32>
      %neg3A_1003 = arith.subf %neg3A_1002, %div3A_997 : vector<16xf32>
      %select_n3A_1004 = arith.select %lt3A_1000, %neg3A_1003, %div3A_997 : vector<16xi1>, vector<16xf32>
      %get3A_1005 = arith.constant 1 : i32
      %get3A_1006 = arith.index_cast %get3A_1005 : i32 to index
      %get3A_1007 = arith.constant 80 : index
      %get3A_1008 = tpu.vector_load %arg18[%get3A_1006, %get3A_1007] {strides = array<i32>} : memref<2x128xf32, #tpu.memory_space<vmem>>, vector<16xf32>,
      %mul3A_1009 = arith.mulf %select_n3A_1004, %get3A_1008 : vector<16xf32>
      %get3A_1010 = arith.constant 1 : i32
      %get3A_1011 = arith.index_cast %get3A_1010 : i32 to index
      %get3A_1012 = arith.constant 80 : index
      %get3A_1013 = tpu.vector_load %arg19[%get3A_1011, %get3A_1012] {strides = array<i32>} : memref<2x128xf32, #tpu.memory_space<vmem>>, vector<16xf32>,
      %mul3A_1014 = arith.mulf %mul3A_1009, %get3A_1013 : vector<16xf32>
      %swap3A_1015 = arith.constant 1 : i32
      %swap3A_1016 = arith.index_cast %swap3A_1015 : i32 to index
      %swap3A_1017 = arith.constant 80 : index
      %swap3A_1018 = tpu.vector_load %arg15[%swap3A_1016, %swap3A_1017] {strides = array<i32>} : memref<2x144xf32, #tpu.memory_space<vmem>>, vector<16xf32>,
      tpu.vector_store %arg15[%swap3A_1016, %swap3A_1017], %mul3A_1014 {strides = array<i32>} : memref<2x144xf32, #tpu.memory_space<vmem>>, vector<16xf32>,
      %get3A_1019 = arith.constant 1 : i32
      %get3A_1020 = arith.index_cast %get3A_1019 : i32 to index
      %get3A_1021 = arith.constant 96 : index
      %get3A_1022 = tpu.vector_load %arg16[%get3A_1020, %get3A_1021] {strides = array<i32>} : memref<2x128xf32, #tpu.memory_space<vmem>>, vector<16xf32>,
      %get3A_1023 = arith.constant 1 : i32
      %get3A_1024 = arith.index_cast %get3A_1023 : i32 to index
      %get3A_1025 = arith.constant 96 : index
      %get3A_1026 = tpu.vector_load %arg17[%get3A_1024, %get3A_1025] {strides = array<i32>} : memref<2x128xf32, #tpu.memory_space<vmem>>, vector<16xf32>,
      %add3A_1027 = arith.addf %get3A_1022, %get3A_1026 : vector<16xf32>
      %abs3A_1028 = math.absf %add3A_1027 : vector<16xf32>
      %mul3A_1029 = arith.constant -2.000000e+00 : f32
      %mul3A_1030 = vector.broadcast %mul3A_1029 : f32 to vector<16xf32>
      %mul3A_1031 = arith.mulf %mul3A_1030, %abs3A_1028 : vector<16xf32>
      %exp3A_1032 = math.exp %mul3A_1031 : vector<16xf32>
      %sub3A_1033 = arith.constant 1.000000e+00 : f32
      %sub3A_1034 = vector.broadcast %sub3A_1033 : f32 to vector<16xf32>
      %sub3A_1035 = arith.subf %sub3A_1034, %exp3A_1032 : vector<16xf32>
      %add3A_1036 = arith.constant 1.000000e+00 : f32
      %add3A_1037 = vector.broadcast %add3A_1036 : f32 to vector<16xf32>
      %add3A_1038 = arith.addf %add3A_1037, %exp3A_1032 : vector<16xf32>
      %div3A_1039 = arith.divf %sub3A_1035, %add3A_1038 : vector<16xf32>
      %lt3A_1040 = arith.constant 0.000000e+00 : f32
      %lt3A_1041 = vector.broadcast %lt3A_1040 : f32 to vector<16xf32>
      %lt3A_1042 = arith.cmpf olt, %add3A_1027, %lt3A_1041 : vector<16xf32>
      %neg3A_1043 = arith.constant 0.000000e+00 : f32
      %neg3A_1044 = vector.broadcast %neg3A_1043 : f32 to vector<16xf32>
      %neg3A_1045 = arith.subf %neg3A_1044, %div3A_1039 : vector<16xf32>
      %select_n3A_1046 = arith.select %lt3A_1042, %neg3A_1045, %div3A_1039 : vector<16xi1>, vector<16xf32>
      %get3A_1047 = arith.constant 1 : i32
      %get3A_1048 = arith.index_cast %get3A_1047 : i32 to index
      %get3A_1049 = arith.constant 96 : index
      %get3A_1050 = tpu.vector_load %arg18[%get3A_1048, %get3A_1049] {strides = array<i32>} : memref<2x128xf32, #tpu.memory_space<vmem>>, vector<16xf32>,
      %mul3A_1051 = arith.mulf %select_n3A_1046, %get3A_1050 : vector<16xf32>
      %get3A_1052 = arith.constant 1 : i32
      %get3A_1053 = arith.index_cast %get3A_1052 : i32 to index
      %get3A_1054 = arith.constant 96 : index
      %get3A_1055 = tpu.vector_load %arg19[%get3A_1053, %get3A_1054] {strides = array<i32>} : memref<2x128xf32, #tpu.memory_space<vmem>>, vector<16xf32>,
      %mul3A_1056 = arith.mulf %mul3A_1051, %get3A_1055 : vector<16xf32>
      %swap3A_1057 = arith.constant 1 : i32
      %swap3A_1058 = arith.index_cast %swap3A_1057 : i32 to index
      %swap3A_1059 = arith.constant 96 : index
      %swap3A_1060 = tpu.vector_load %arg15[%swap3A_1058, %swap3A_1059] {strides = array<i32>} : memref<2x144xf32, #tpu.memory_space<vmem>>, vector<16xf32>,
      tpu.vector_store %arg15[%swap3A_1058, %swap3A_1059], %mul3A_1056 {strides = array<i32>} : memref<2x144xf32, #tpu.memory_space<vmem>>, vector<16xf32>,
      %get3A_1061 = arith.constant 1 : i32
      %get3A_1062 = arith.index_cast %get3A_1061 : i32 to index
      %get3A_1063 = arith.constant 112 : index
      %get3A_1064 = tpu.vector_load %arg16[%get3A_1062, %get3A_1063] {strides = array<i32>} : memref<2x128xf32, #tpu.memory_space<vmem>>, vector<16xf32>,
      %get3A_1065 = arith.constant 1 : i32
      %get3A_1066 = arith.index_cast %get3A_1065 : i32 to index
      %get3A_1067 = arith.constant 112 : index
      %get3A_1068 = tpu.vector_load %arg17[%get3A_1066, %get3A_1067] {strides = array<i32>} : memref<2x128xf32, #tpu.memory_space<vmem>>, vector<16xf32>,
      %add3A_1069 = arith.addf %get3A_1064, %get3A_1068 : vector<16xf32>
      %abs3A_1070 = math.absf %add3A_1069 : vector<16xf32>
      %mul3A_1071 = arith.constant -2.000000e+00 : f32
      %mul3A_1072 = vector.broadcast %mul3A_1071 : f32 to vector<16xf32>
      %mul3A_1073 = arith.mulf %mul3A_1072, %abs3A_1070 : vector<16xf32>
      %exp3A_1074 = math.exp %mul3A_1073 : vector<16xf32>
      %sub3A_1075 = arith.constant 1.000000e+00 : f32
      %sub3A_1076 = vector.broadcast %sub3A_1075 : f32 to vector<16xf32>
      %sub3A_1077 = arith.subf %sub3A_1076, %exp3A_1074 : vector<16xf32>
      %add3A_1078 = arith.constant 1.000000e+00 : f32
      %add3A_1079 = vector.broadcast %add3A_1078 : f32 to vector<16xf32>
      %add3A_1080 = arith.addf %add3A_1079, %exp3A_1074 : vector<16xf32>
      %div3A_1081 = arith.divf %sub3A_1077, %add3A_1080 : vector<16xf32>
      %lt3A_1082 = arith.constant 0.000000e+00 : f32
      %lt3A_1083 = vector.broadcast %lt3A_1082 : f32 to vector<16xf32>
      %lt3A_1084 = arith.cmpf olt, %add3A_1069, %lt3A_1083 : vector<16xf32>
      %neg3A_1085 = arith.constant 0.000000e+00 : f32
      %neg3A_1086 = vector.broadcast %neg3A_1085 : f32 to vector<16xf32>
      %neg3A_1087 = arith.subf %neg3A_1086, %div3A_1081 : vector<16xf32>
      %select_n3A_1088 = arith.select %lt3A_1084, %neg3A_1087, %div3A_1081 : vector<16xi1>, vector<16xf32>
      %get3A_1089 = arith.constant 1 : i32
      %get3A_1090 = arith.index_cast %get3A_1089 : i32 to index
      %get3A_1091 = arith.constant 112 : index
      %get3A_1092 = tpu.vector_load %arg18[%get3A_1090, %get3A_1091] {strides = array<i32>} : memref<2x128xf32, #tpu.memory_space<vmem>>, vector<16xf32>,
      %mul3A_1093 = arith.mulf %select_n3A_1088, %get3A_1092 : vector<16xf32>
      %get3A_1094 = arith.constant 1 : i32
      %get3A_1095 = arith.index_cast %get3A_1094 : i32 to index
      %get3A_1096 = arith.constant 112 : index
      %get3A_1097 = tpu.vector_load %arg19[%get3A_1095, %get3A_1096] {strides = array<i32>} : memref<2x128xf32, #tpu.memory_space<vmem>>, vector<16xf32>,
      %mul3A_1098 = arith.mulf %mul3A_1093, %get3A_1097 : vector<16xf32>
      %swap3A_1099 = arith.constant 1 : i32
      %swap3A_1100 = arith.index_cast %swap3A_1099 : i32 to index
      %swap3A_1101 = arith.constant 112 : index
      %swap3A_1102 = tpu.vector_load %arg15[%swap3A_1100, %swap3A_1101] {strides = array<i32>} : memref<2x144xf32, #tpu.memory_space<vmem>>, vector<16xf32>,
      tpu.vector_store %arg15[%swap3A_1100, %swap3A_1101], %mul3A_1098 {strides = array<i32>} : memref<2x144xf32, #tpu.memory_space<vmem>>, vector<16xf32>,
      %dma_wait3A_1103 = arith.constant 1 : i32
      %dma_wait3A_1104 = arith.constant 1 : i32
      %dma_wait3A_1105 = arith.constant 0 : i32
      %dma_wait3A_1106 = arith.constant 0 : i32
      %dma_wait3A_1107 = tpu.memref_slice %arg23[%dma_wait3A_1104, %dma_wait3A_1105, %dma_wait3A_1106] : memref<2x128x64xi32, #tpu.memory_space<vmem>> -> memref<1x128x64xi32, #tpu.memory_space<vmem>>
      %dma_wait3A_1108 = tpu.memref_squeeze %dma_wait3A_1107 : memref<1x128x64xi32, #tpu.memory_space<vmem>> -> memref<128x64xi32, #tpu.memory_space<vmem>>
      %dma_wait3A_1109 = arith.constant 0 : i32
      %dma_wait3A_1110 = tpu.memref_slice %arg13[%dma_wait3A_1103, %dma_wait3A_1109] : memref<2x128xi32, #tpu.memory_space<vmem>> -> memref<1x128xi32, #tpu.memory_space<vmem>>
      %dma_wait3A_1111 = tpu.memref_squeeze %dma_wait3A_1110 : memref<1x128xi32, #tpu.memory_space<vmem>> -> memref<128xi32, #tpu.memory_space<vmem>>
      %dma_wait3A_1112 = arith.constant 0 : i32
      %dma_wait3A_1113 = arith.constant 0 : i32
      %dma_wait3A_1114 = tpu.memref_slice %arg2[%dma_wait3A_1112, %dma_wait3A_1113] : memref<10240x64xi32, #tpu.memory_space<hbm>> -> memref<10240x64xi32, #tpu.memory_space<hbm>>
      tpu.wait_indirect_dma semaphore(%arg26 : memref<!tpu.dma_semaphore, #tpu.memory_space<semaphore_mem>>) src(%dma_wait3A_1114 : memref<10240x64xi32, #tpu.memory_space<hbm>>) dst(%dma_wait3A_1108 : memref<128x64xi32, #tpu.memory_space<vmem>>)
      %parallel_loop3A_1115 = arith.constant 0 : i32
      %parallel_loop3A_1116 = arith.constant 128 : i32
      %parallel_loop3A_1117 = arith.constant 1 : i32
      scf.for %parallel_loop3A_1119 = %parallel_loop3A_1115 to %parallel_loop3A_1116 step %parallel_loop3A_1117  : i32 {
        %parallel_loop3A_1120 = arith.constant 1 : i32
        %parallel_loop3A_1121 = arith.index_cast %parallel_loop3A_1120 : i32 to index
        %parallel_loop3A_1122 = arith.index_cast %parallel_loop3A_1119 : i32 to index
        %parallel_loop3A_1123 = tpu.vector_load %arg15[%parallel_loop3A_1121, %parallel_loop3A_1122] {strides = array<i32>} : memref<2x144xf32, #tpu.memory_space<vmem>>, vector<16xf32>,
        %parallel_loop3A_1124 = vector.extract_strided_slice %parallel_loop3A_1123 {offsets = [0], sizes = [1], strides = [1]} : vector<16xf32> to vector<1xf32>
        %parallel_loop3A_1125 = vector.extract %parallel_loop3A_1124[0] : f32 from vector<1xf32>
        %parallel_loop3A_1126 = arith.constant 1 : i32
        %parallel_loop3A_1127 = arith.index_cast %parallel_loop3A_1126 : i32 to index
        %parallel_loop3A_1128 = arith.index_cast %parallel_loop3A_1119 : i32 to index
        %parallel_loop3A_1129 = arith.constant 0 : index
        %parallel_loop3A_1130 = tpu.vector_load %arg23[%parallel_loop3A_1127, %parallel_loop3A_1128, %parallel_loop3A_1129] {strides = array<i32>} : memref<2x128x64xi32, #tpu.memory_space<vmem>>, vector<16xi32>,
        %parallel_loop3A_1131 = vector.bitcast %parallel_loop3A_1130 : vector<16xi32> to vector<32xbf16>
        %parallel_loop3A_1132 = tpu.unpack_subelements %parallel_loop3A_1131, 0 {pack_format = #tpu.pack_format<interleaved>} : vector<32xbf16> -> vector<16xf32>
        %parallel_loop3A_1133 = tpu.unpack_subelements %parallel_loop3A_1131, 1 {pack_format = #tpu.pack_format<interleaved>} : vector<32xbf16> -> vector<16xf32>
        %parallel_loop3A_1134 = vector.broadcast %parallel_loop3A_1125 : f32 to vector<16xf32>
        %parallel_loop3A_1135 = arith.mulf %parallel_loop3A_1132, %parallel_loop3A_1134 : vector<16xf32>
        %parallel_loop3A_1136 = arith.index_cast %parallel_loop3A_1119 : i32 to index
        %parallel_loop3A_1137 = arith.constant 0 : index
        %parallel_loop3A_1138 = tpu.vector_load %arg24[%parallel_loop3A_1136, %parallel_loop3A_1137] {strides = array<i32>} : memref<128x128xf32, #tpu.memory_space<vmem>>, vector<16xf32>,
        tpu.vector_store %arg24[%parallel_loop3A_1136, %parallel_loop3A_1137], %parallel_loop3A_1135 {strides = array<i32>} : memref<128x128xf32, #tpu.memory_space<vmem>>, vector<16xf32>,
        %parallel_loop3A_1139 = vector.broadcast %parallel_loop3A_1125 : f32 to vector<16xf32>
        %parallel_loop3A_1140 = arith.mulf %parallel_loop3A_1133, %parallel_loop3A_1139 : vector<16xf32>
        %parallel_loop3A_1141 = arith.index_cast %parallel_loop3A_1119 : i32 to index
        %parallel_loop3A_1142 = arith.constant 16 : index
        %parallel_loop3A_1143 = tpu.vector_load %arg24[%parallel_loop3A_1141, %parallel_loop3A_1142] {strides = array<i32>} : memref<128x128xf32, #tpu.memory_space<vmem>>, vector<16xf32>,
        tpu.vector_store %arg24[%parallel_loop3A_1141, %parallel_loop3A_1142], %parallel_loop3A_1140 {strides = array<i32>} : memref<128x128xf32, #tpu.memory_space<vmem>>, vector<16xf32>,
        %parallel_loop3A_1144 = arith.constant 1 : i32
        %parallel_loop3A_1145 = arith.index_cast %parallel_loop3A_1144 : i32 to index
        %parallel_loop3A_1146 = arith.index_cast %parallel_loop3A_1119 : i32 to index
        %parallel_loop3A_1147 = arith.constant 16 : index
        %parallel_loop3A_1148 = tpu.vector_load %arg23[%parallel_loop3A_1145, %parallel_loop3A_1146, %parallel_loop3A_1147] {strides = array<i32>} : memref<2x128x64xi32, #tpu.memory_space<vmem>>, vector<16xi32>,
        %parallel_loop3A_1149 = vector.bitcast %parallel_loop3A_1148 : vector<16xi32> to vector<32xbf16>
        %parallel_loop3A_1150 = tpu.unpack_subelements %parallel_loop3A_1149, 0 {pack_format = #tpu.pack_format<interleaved>} : vector<32xbf16> -> vector<16xf32>
        %parallel_loop3A_1151 = tpu.unpack_subelements %parallel_loop3A_1149, 1 {pack_format = #tpu.pack_format<interleaved>} : vector<32xbf16> -> vector<16xf32>
        %parallel_loop3A_1152 = vector.broadcast %parallel_loop3A_1125 : f32 to vector<16xf32>
        %parallel_loop3A_1153 = arith.mulf %parallel_loop3A_1150, %parallel_loop3A_1152 : vector<16xf32>
        %parallel_loop3A_1154 = arith.index_cast %parallel_loop3A_1119 : i32 to index
        %parallel_loop3A_1155 = arith.constant 32 : index
        %parallel_loop3A_1156 = tpu.vector_load %arg24[%parallel_loop3A_1154, %parallel_loop3A_1155] {strides = array<i32>} : memref<128x128xf32, #tpu.memory_space<vmem>>, vector<16xf32>,
        tpu.vector_store %arg24[%parallel_loop3A_1154, %parallel_loop3A_1155], %parallel_loop3A_1153 {strides = array<i32>} : memref<128x128xf32, #tpu.memory_space<vmem>>, vector<16xf32>,
        %parallel_loop3A_1157 = vector.broadcast %parallel_loop3A_1125 : f32 to vector<16xf32>
        %parallel_loop3A_1158 = arith.mulf %parallel_loop3A_1151, %parallel_loop3A_1157 : vector<16xf32>
        %parallel_loop3A_1159 = arith.index_cast %parallel_loop3A_1119 : i32 to index
        %parallel_loop3A_1160 = arith.constant 48 : index
        %parallel_loop3A_1161 = tpu.vector_load %arg24[%parallel_loop3A_1159, %parallel_loop3A_1160] {strides = array<i32>} : memref<128x128xf32, #tpu.memory_space<vmem>>, vector<16xf32>,
        tpu.vector_store %arg24[%parallel_loop3A_1159, %parallel_loop3A_1160], %parallel_loop3A_1158 {strides = array<i32>} : memref<128x128xf32, #tpu.memory_space<vmem>>, vector<16xf32>,
        %parallel_loop3A_1162 = arith.constant 1 : i32
        %parallel_loop3A_1163 = arith.index_cast %parallel_loop3A_1162 : i32 to index
        %parallel_loop3A_1164 = arith.index_cast %parallel_loop3A_1119 : i32 to index
        %parallel_loop3A_1165 = arith.constant 32 : index
        %parallel_loop3A_1166 = tpu.vector_load %arg23[%parallel_loop3A_1163, %parallel_loop3A_1164, %parallel_loop3A_1165] {strides = array<i32>} : memref<2x128x64xi32, #tpu.memory_space<vmem>>, vector<16xi32>,
        %parallel_loop3A_1167 = vector.bitcast %parallel_loop3A_1166 : vector<16xi32> to vector<32xbf16>
        %parallel_loop3A_1168 = tpu.unpack_subelements %parallel_loop3A_1167, 0 {pack_format = #tpu.pack_format<interleaved>} : vector<32xbf16> -> vector<16xf32>
        %parallel_loop3A_1169 = tpu.unpack_subelements %parallel_loop3A_1167, 1 {pack_format = #tpu.pack_format<interleaved>} : vector<32xbf16> -> vector<16xf32>
        %parallel_loop3A_1170 = vector.broadcast %parallel_loop3A_1125 : f32 to vector<16xf32>
        %parallel_loop3A_1171 = arith.mulf %parallel_loop3A_1168, %parallel_loop3A_1170 : vector<16xf32>
        %parallel_loop3A_1172 = arith.index_cast %parallel_loop3A_1119 : i32 to index
        %parallel_loop3A_1173 = arith.constant 64 : index
        %parallel_loop3A_1174 = tpu.vector_load %arg24[%parallel_loop3A_1172, %parallel_loop3A_1173] {strides = array<i32>} : memref<128x128xf32, #tpu.memory_space<vmem>>, vector<16xf32>,
        tpu.vector_store %arg24[%parallel_loop3A_1172, %parallel_loop3A_1173], %parallel_loop3A_1171 {strides = array<i32>} : memref<128x128xf32, #tpu.memory_space<vmem>>, vector<16xf32>,
        %parallel_loop3A_1175 = vector.broadcast %parallel_loop3A_1125 : f32 to vector<16xf32>
        %parallel_loop3A_1176 = arith.mulf %parallel_loop3A_1169, %parallel_loop3A_1175 : vector<16xf32>
        %parallel_loop3A_1177 = arith.index_cast %parallel_loop3A_1119 : i32 to index
        %parallel_loop3A_1178 = arith.constant 80 : index
        %parallel_loop3A_1179 = tpu.vector_load %arg24[%parallel_loop3A_1177, %parallel_loop3A_1178] {strides = array<i32>} : memref<128x128xf32, #tpu.memory_space<vmem>>, vector<16xf32>,
        tpu.vector_store %arg24[%parallel_loop3A_1177, %parallel_loop3A_1178], %parallel_loop3A_1176 {strides = array<i32>} : memref<128x128xf32, #tpu.memory_space<vmem>>, vector<16xf32>,
        %parallel_loop3A_1180 = arith.constant 1 : i32
        %parallel_loop3A_1181 = arith.index_cast %parallel_loop3A_1180 : i32 to index
        %parallel_loop3A_1182 = arith.index_cast %parallel_loop3A_1119 : i32 to index
        %parallel_loop3A_1183 = arith.constant 48 : index
        %parallel_loop3A_1184 = tpu.vector_load %arg23[%parallel_loop3A_1181, %parallel_loop3A_1182, %parallel_loop3A_1183] {strides = array<i32>} : memref<2x128x64xi32, #tpu.memory_space<vmem>>, vector<16xi32>,
        %parallel_loop3A_1185 = vector.bitcast %parallel_loop3A_1184 : vector<16xi32> to vector<32xbf16>
        %parallel_loop3A_1186 = tpu.unpack_subelements %parallel_loop3A_1185, 0 {pack_format = #tpu.pack_format<interleaved>} : vector<32xbf16> -> vector<16xf32>
        %parallel_loop3A_1187 = tpu.unpack_subelements %parallel_loop3A_1185, 1 {pack_format = #tpu.pack_format<interleaved>} : vector<32xbf16> -> vector<16xf32>
        %parallel_loop3A_1188 = vector.broadcast %parallel_loop3A_1125 : f32 to vector<16xf32>
        %parallel_loop3A_1189 = arith.mulf %parallel_loop3A_1186, %parallel_loop3A_1188 : vector<16xf32>
        %parallel_loop3A_1190 = arith.index_cast %parallel_loop3A_1119 : i32 to index
        %parallel_loop3A_1191 = arith.constant 96 : index
        %parallel_loop3A_1192 = tpu.vector_load %arg24[%parallel_loop3A_1190, %parallel_loop3A_1191] {strides = array<i32>} : memref<128x128xf32, #tpu.memory_space<vmem>>, vector<16xf32>,
        tpu.vector_store %arg24[%parallel_loop3A_1190, %parallel_loop3A_1191], %parallel_loop3A_1189 {strides = array<i32>} : memref<128x128xf32, #tpu.memory_space<vmem>>, vector<16xf32>,
        %parallel_loop3A_1193 = vector.broadcast %parallel_loop3A_1125 : f32 to vector<16xf32>
        %parallel_loop3A_1194 = arith.mulf %parallel_loop3A_1187, %parallel_loop3A_1193 : vector<16xf32>
        %parallel_loop3A_1195 = arith.index_cast %parallel_loop3A_1119 : i32 to index
        %parallel_loop3A_1196 = arith.constant 112 : index
        %parallel_loop3A_1197 = tpu.vector_load %arg24[%parallel_loop3A_1195, %parallel_loop3A_1196] {strides = array<i32>} : memref<128x128xf32, #tpu.memory_space<vmem>>, vector<16xf32>,
        tpu.vector_store %arg24[%parallel_loop3A_1195, %parallel_loop3A_1196], %parallel_loop3A_1194 {strides = array<i32>} : memref<128x128xf32, #tpu.memory_space<vmem>>, vector<16xf32>,
      } {sc.loop_unroll_factor = 4 : i64, sc.parallel_access}
      %run_scoped3A_1118 = arith.constant 1 : i32
      "tpu.region"() ({
        %run_scoped3A_1119 = tpu.sem_alloc : memref<!tpu.dma_semaphore, #tpu.memory_space<semaphore_mem>>
        %dma_start3A_1120 = arith.constant 0 : i32
        %dma_start3A_1121 = tpu.memref_slice %arg14[%run_scoped3A_1118, %dma_start3A_1120] : memref<2x128xi32, #tpu.memory_space<vmem>> -> memref<1x128xi32, #tpu.memory_space<vmem>>
        %dma_start3A_1122 = tpu.memref_squeeze %dma_start3A_1121 : memref<1x128xi32, #tpu.memory_space<vmem>> -> memref<128xi32, #tpu.memory_space<vmem>>
        %dma_start3A_1123 = arith.constant 0 : i32
        %dma_start3A_1124 = arith.constant 0 : i32
        %dma_start3A_1125 = tpu.memref_slice %arg12[%dma_start3A_1123, %dma_start3A_1124] : memref<10240x128xf32, #tpu.memory_space<vmem_shared>> -> memref<10240x128xf32, #tpu.memory_space<vmem_shared>>
        tpu.enqueue_indirect_dma source(%arg24 : memref<128x128xf32, #tpu.memory_space<vmem>>) target(%dma_start3A_1125 : memref<10240x128xf32, #tpu.memory_space<vmem_shared>>) offsets(%dma_start3A_1122 : memref<128xi32, #tpu.memory_space<vmem>>) semaphore(%run_scoped3A_1119 : memref<!tpu.dma_semaphore, #tpu.memory_space<semaphore_mem>>) {add = true}
        %dma_wait3A_1126 = arith.constant 0 : i32
        %dma_wait3A_1127 = tpu.memref_slice %arg14[%run_scoped3A_1118, %dma_wait3A_1126] : memref<2x128xi32, #tpu.memory_space<vmem>> -> memref<1x128xi32, #tpu.memory_space<vmem>>
        %dma_wait3A_1128 = tpu.memref_squeeze %dma_wait3A_1127 : memref<1x128xi32, #tpu.memory_space<vmem>> -> memref<128xi32, #tpu.memory_space<vmem>>
        %dma_wait3A_1129 = arith.constant 0 : i32
        %dma_wait3A_1130 = arith.constant 0 : i32
        %dma_wait3A_1131 = tpu.memref_slice %arg12[%dma_wait3A_1129, %dma_wait3A_1130] : memref<10240x128xf32, #tpu.memory_space<vmem_shared>> -> memref<10240x128xf32, #tpu.memory_space<vmem_shared>>
        tpu.wait_indirect_dma semaphore(%run_scoped3A_1119 : memref<!tpu.dma_semaphore, #tpu.memory_space<semaphore_mem>>) src(%arg24 : memref<128x128xf32, #tpu.memory_space<vmem>>) dst(%dma_wait3A_1131 : memref<10240x128xf32, #tpu.memory_space<vmem_shared>>)
        tpu.yield
      }) : () -> ()
    }
    %dma_wait3A = arith.constant 0 : i32
    %dma_wait3A_140 = arith.constant 0 : i32
    %dma_wait3A_141 = arith.constant 0 : i32
    %dma_wait3A_142 = tpu.memref_slice %arg16[%dma_wait3A_140, %dma_wait3A_141] : memref<2x128xf32, #tpu.memory_space<vmem>> -> memref<1x128xf32, #tpu.memory_space<vmem>>
    %dma_wait3A_143 = tpu.memref_squeeze %dma_wait3A_142 : memref<1x128xf32, #tpu.memory_space<vmem>> -> memref<128xf32, #tpu.memory_space<vmem>>
    %dma_wait3A_144 = arith.constant 0 : i32
    %dma_wait3A_145 = tpu.memref_slice %arg14[%dma_wait3A, %dma_wait3A_144] : memref<2x128xi32, #tpu.memory_space<vmem>> -> memref<1x128xi32, #tpu.memory_space<vmem>>
    %dma_wait3A_146 = tpu.memref_squeeze %dma_wait3A_145 : memref<1x128xi32, #tpu.memory_space<vmem>> -> memref<128xi32, #tpu.memory_space<vmem>>
    %dma_wait3A_147 = arith.constant 0 : i32
    %dma_wait3A_148 = tpu.memref_slice %arg9[%dma_wait3A_147] : memref<10240xf32, #tpu.memory_space<vmem_shared>> -> memref<10240xf32, #tpu.memory_space<vmem_shared>>
    tpu.wait_indirect_dma semaphore(%arg27 : memref<!tpu.dma_semaphore, #tpu.memory_space<semaphore_mem>>) src(%dma_wait3A_148 : memref<10240xf32, #tpu.memory_space<vmem_shared>>) dst(%dma_wait3A_143 : memref<128xf32, #tpu.memory_space<vmem>>)
    %dma_wait3A_149 = arith.constant 0 : i32
    %dma_wait3A_150 = arith.constant 0 : i32
    %dma_wait3A_151 = arith.constant 0 : i32
    %dma_wait3A_152 = tpu.memref_slice %arg17[%dma_wait3A_150, %dma_wait3A_151] : memref<2x128xf32, #tpu.memory_space<vmem>> -> memref<1x128xf32, #tpu.memory_space<vmem>>
    %dma_wait3A_153 = tpu.memref_squeeze %dma_wait3A_152 : memref<1x128xf32, #tpu.memory_space<vmem>> -> memref<128xf32, #tpu.memory_space<vmem>>
    %dma_wait3A_154 = arith.constant 0 : i32
    %dma_wait3A_155 = tpu.memref_slice %arg13[%dma_wait3A_149, %dma_wait3A_154] : memref<2x128xi32, #tpu.memory_space<vmem>> -> memref<1x128xi32, #tpu.memory_space<vmem>>
    %dma_wait3A_156 = tpu.memref_squeeze %dma_wait3A_155 : memref<1x128xi32, #tpu.memory_space<vmem>> -> memref<128xi32, #tpu.memory_space<vmem>>
    %dma_wait3A_157 = arith.constant 0 : i32
    %dma_wait3A_158 = tpu.memref_slice %arg10[%dma_wait3A_157] : memref<10240xf32, #tpu.memory_space<vmem_shared>> -> memref<10240xf32, #tpu.memory_space<vmem_shared>>
    tpu.wait_indirect_dma semaphore(%arg27 : memref<!tpu.dma_semaphore, #tpu.memory_space<semaphore_mem>>) src(%dma_wait3A_158 : memref<10240xf32, #tpu.memory_space<vmem_shared>>) dst(%dma_wait3A_153 : memref<128xf32, #tpu.memory_space<vmem>>)
    %dma_wait3A_159 = arith.constant 0 : i32
    %dma_wait3A_160 = arith.constant 0 : i32
    %dma_wait3A_161 = arith.constant 0 : i32
    %dma_wait3A_162 = tpu.memref_slice %arg18[%dma_wait3A_160, %dma_wait3A_161] : memref<2x128xf32, #tpu.memory_space<vmem>> -> memref<1x128xf32, #tpu.memory_space<vmem>>
    %dma_wait3A_163 = tpu.memref_squeeze %dma_wait3A_162 : memref<1x128xf32, #tpu.memory_space<vmem>> -> memref<128xf32, #tpu.memory_space<vmem>>
    %dma_wait3A_164 = arith.constant 0 : i32
    %dma_wait3A_165 = tpu.memref_slice %arg14[%dma_wait3A_159, %dma_wait3A_164] : memref<2x128xi32, #tpu.memory_space<vmem>> -> memref<1x128xi32, #tpu.memory_space<vmem>>
    %dma_wait3A_166 = tpu.memref_squeeze %dma_wait3A_165 : memref<1x128xi32, #tpu.memory_space<vmem>> -> memref<128xi32, #tpu.memory_space<vmem>>
    %dma_wait3A_167 = arith.constant 0 : i32
    %dma_wait3A_168 = tpu.memref_slice %arg11[%dma_wait3A_167] : memref<10240xf32, #tpu.memory_space<vmem_shared>> -> memref<10240xf32, #tpu.memory_space<vmem_shared>>
    tpu.wait_indirect_dma semaphore(%arg27 : memref<!tpu.dma_semaphore, #tpu.memory_space<semaphore_mem>>) src(%dma_wait3A_168 : memref<10240xf32, #tpu.memory_space<vmem_shared>>) dst(%dma_wait3A_163 : memref<128xf32, #tpu.memory_space<vmem>>)
    %dma_wait3A_169 = arith.constant 0 : i32
    %dma_wait3A_170 = arith.constant 0 : i32
    %dma_wait3A_171 = arith.constant 0 : i32
    %dma_wait3A_172 = tpu.memref_slice %arg19[%dma_wait3A_170, %dma_wait3A_171] : memref<2x128xf32, #tpu.memory_space<vmem>> -> memref<1x128xf32, #tpu.memory_space<vmem>>
    %dma_wait3A_173 = tpu.memref_squeeze %dma_wait3A_172 : memref<1x128xf32, #tpu.memory_space<vmem>> -> memref<128xf32, #tpu.memory_space<vmem>>
    %dma_wait3A_174 = arith.constant 0 : i32
    %dma_wait3A_175 = tpu.memref_slice %arg13[%dma_wait3A_169, %dma_wait3A_174] : memref<2x128xi32, #tpu.memory_space<vmem>> -> memref<1x128xi32, #tpu.memory_space<vmem>>
    %dma_wait3A_176 = tpu.memref_squeeze %dma_wait3A_175 : memref<1x128xi32, #tpu.memory_space<vmem>> -> memref<128xi32, #tpu.memory_space<vmem>>
    %dma_wait3A_177 = arith.constant 0 : i32
    %dma_wait3A_178 = tpu.memref_slice %arg11[%dma_wait3A_177] : memref<10240xf32, #tpu.memory_space<vmem_shared>> -> memref<10240xf32, #tpu.memory_space<vmem_shared>>
    tpu.wait_indirect_dma semaphore(%arg27 : memref<!tpu.dma_semaphore, #tpu.memory_space<semaphore_mem>>) src(%dma_wait3A_178 : memref<10240xf32, #tpu.memory_space<vmem_shared>>) dst(%dma_wait3A_173 : memref<128xf32, #tpu.memory_space<vmem>>)
    %dma_wait3A_179 = arith.constant 0 : i32
    %dma_wait3A_180 = arith.constant 0 : i32
    %dma_wait3A_181 = arith.constant 0 : i32
    %dma_wait3A_182 = arith.constant 0 : i32
    %dma_wait3A_183 = tpu.memref_slice %arg23[%dma_wait3A_180, %dma_wait3A_181, %dma_wait3A_182] : memref<2x128x64xi32, #tpu.memory_space<vmem>> -> memref<1x128x64xi32, #tpu.memory_space<vmem>>
    %dma_wait3A_184 = tpu.memref_squeeze %dma_wait3A_183 : memref<1x128x64xi32, #tpu.memory_space<vmem>> -> memref<128x64xi32, #tpu.memory_space<vmem>>
    %dma_wait3A_185 = arith.constant 0 : i32
    %dma_wait3A_186 = tpu.memref_slice %arg13[%dma_wait3A_179, %dma_wait3A_185] : memref<2x128xi32, #tpu.memory_space<vmem>> -> memref<1x128xi32, #tpu.memory_space<vmem>>
    %dma_wait3A_187 = tpu.memref_squeeze %dma_wait3A_186 : memref<1x128xi32, #tpu.memory_space<vmem>> -> memref<128xi32, #tpu.memory_space<vmem>>
    %dma_wait3A_188 = arith.constant 0 : i32
    %dma_wait3A_189 = arith.constant 0 : i32
    %dma_wait3A_190 = tpu.memref_slice %arg2[%dma_wait3A_188, %dma_wait3A_189] : memref<10240x64xi32, #tpu.memory_space<hbm>> -> memref<10240x64xi32, #tpu.memory_space<hbm>>
    tpu.wait_indirect_dma semaphore(%arg25 : memref<!tpu.dma_semaphore, #tpu.memory_space<semaphore_mem>>) src(%dma_wait3A_190 : memref<10240x64xi32, #tpu.memory_space<hbm>>) dst(%dma_wait3A_184 : memref<128x64xi32, #tpu.memory_space<vmem>>)
    %barrier3A_191 = arith.constant 0 : index
    tpu.barrier barrier_id(%barrier3A_191)
    %add3A_192 = arith.constant 0 : i32
    %add3A_193 = arith.addi %mul3A_17, %add3A_192 : i32
    %add3A_194 = arith.constant 0 : i32
    %add3A_195 = arith.addi %mul3A_17, %add3A_194 : i32
    "tpu.region"() ({
      %run_scoped3A_212 = tpu.sem_alloc : memref<!tpu.dma_semaphore, #tpu.memory_space<semaphore_mem>>
      %dma_start3A_213 = arith.constant 0 : i32
      %dma_start3A_214 = tpu.memref_slice %arg7[%arg0, %add3A_195, %dma_start3A_213] : memref<2x10240x128xf32, #tpu.memory_space<hbm>> -> memref<1x128x128xf32, #tpu.memory_space<hbm>>
      %dma_start3A_215 = tpu.memref_squeeze %dma_start3A_214 : memref<1x128x128xf32, #tpu.memory_space<hbm>> -> memref<128x128xf32, #tpu.memory_space<hbm>>
      %dma_start3A_216 = arith.constant 0 : i32
      %dma_start3A_217 = tpu.memref_slice %arg12[%add3A_193, %dma_start3A_216] : memref<10240x128xf32, #tpu.memory_space<vmem_shared>> -> memref<128x128xf32, #tpu.memory_space<vmem_shared>>
      tpu.enqueue_dma source(%dma_start3A_217 : memref<128x128xf32, #tpu.memory_space<vmem_shared>>) target(%dma_start3A_215 : memref<128x128xf32, #tpu.memory_space<hbm>>) target_semaphore(%run_scoped3A_212 : memref<!tpu.dma_semaphore, #tpu.memory_space<semaphore_mem>>)
      %dma_wait3A_218 = arith.constant 0 : i32
      %dma_wait3A_219 = tpu.memref_slice %arg7[%arg0, %add3A_195, %dma_wait3A_218] : memref<2x10240x128xf32, #tpu.memory_space<hbm>> -> memref<1x128x128xf32, #tpu.memory_space<hbm>>
      %dma_wait3A_220 = tpu.memref_squeeze %dma_wait3A_219 : memref<1x128x128xf32, #tpu.memory_space<hbm>> -> memref<128x128xf32, #tpu.memory_space<hbm>>
      %dma_wait3A_221 = arith.constant 0 : i32
      %dma_wait3A_222 = tpu.memref_slice %arg12[%add3A_193, %dma_wait3A_221] : memref<10240x128xf32, #tpu.memory_space<vmem_shared>> -> memref<128x128xf32, #tpu.memory_space<vmem_shared>>
      tpu.wait_dma2 semaphore(%run_scoped3A_212 : memref<!tpu.dma_semaphore, #tpu.memory_space<semaphore_mem>>) src(%dma_wait3A_222 : memref<128x128xf32, #tpu.memory_space<vmem_shared>>) dst(%dma_wait3A_220 : memref<128x128xf32, #tpu.memory_space<hbm>>)
      tpu.yield
    }) : () -> ()
    %add3A_196 = arith.constant 128 : i32
    %add3A_197 = arith.addi %mul3A_17, %add3A_196 : i32
    %add3A_198 = arith.constant 128 : i32
    %add3A_199 = arith.addi %mul3A_17, %add3A_198 : i32
    "tpu.region"() ({
      %run_scoped3A_212 = tpu.sem_alloc : memref<!tpu.dma_semaphore, #tpu.memory_space<semaphore_mem>>
      %dma_start3A_213 = arith.constant 0 : i32
      %dma_start3A_214 = tpu.memref_slice %arg7[%arg0, %add3A_199, %dma_start3A_213] : memref<2x10240x128xf32, #tpu.memory_space<hbm>> -> memref<1x128x128xf32, #tpu.memory_space<hbm>>
      %dma_start3A_215 = tpu.memref_squeeze %dma_start3A_214 : memref<1x128x128xf32, #tpu.memory_space<hbm>> -> memref<128x128xf32, #tpu.memory_space<hbm>>
      %dma_start3A_216 = arith.constant 0 : i32
      %dma_start3A_217 = tpu.memref_slice %arg12[%add3A_197, %dma_start3A_216] : memref<10240x128xf32, #tpu.memory_space<vmem_shared>> -> memref<128x128xf32, #tpu.memory_space<vmem_shared>>
      tpu.enqueue_dma source(%dma_start3A_217 : memref<128x128xf32, #tpu.memory_space<vmem_shared>>) target(%dma_start3A_215 : memref<128x128xf32, #tpu.memory_space<hbm>>) target_semaphore(%run_scoped3A_212 : memref<!tpu.dma_semaphore, #tpu.memory_space<semaphore_mem>>)
      %dma_wait3A_218 = arith.constant 0 : i32
      %dma_wait3A_219 = tpu.memref_slice %arg7[%arg0, %add3A_199, %dma_wait3A_218] : memref<2x10240x128xf32, #tpu.memory_space<hbm>> -> memref<1x128x128xf32, #tpu.memory_space<hbm>>
      %dma_wait3A_220 = tpu.memref_squeeze %dma_wait3A_219 : memref<1x128x128xf32, #tpu.memory_space<hbm>> -> memref<128x128xf32, #tpu.memory_space<hbm>>
      %dma_wait3A_221 = arith.constant 0 : i32
      %dma_wait3A_222 = tpu.memref_slice %arg12[%add3A_197, %dma_wait3A_221] : memref<10240x128xf32, #tpu.memory_space<vmem_shared>> -> memref<128x128xf32, #tpu.memory_space<vmem_shared>>
      tpu.wait_dma2 semaphore(%run_scoped3A_212 : memref<!tpu.dma_semaphore, #tpu.memory_space<semaphore_mem>>) src(%dma_wait3A_222 : memref<128x128xf32, #tpu.memory_space<vmem_shared>>) dst(%dma_wait3A_220 : memref<128x128xf32, #tpu.memory_space<hbm>>)
      tpu.yield
    }) : () -> ()
    %add3A_200 = arith.constant 256 : i32
    %add3A_201 = arith.addi %mul3A_17, %add3A_200 : i32
    %add3A_202 = arith.constant 256 : i32
    %add3A_203 = arith.addi %mul3A_17, %add3A_202 : i32
    "tpu.region"() ({
      %run_scoped3A_212 = tpu.sem_alloc : memref<!tpu.dma_semaphore, #tpu.memory_space<semaphore_mem>>
      %dma_start3A_213 = arith.constant 0 : i32
      %dma_start3A_214 = tpu.memref_slice %arg7[%arg0, %add3A_203, %dma_start3A_213] : memref<2x10240x128xf32, #tpu.memory_space<hbm>> -> memref<1x128x128xf32, #tpu.memory_space<hbm>>
      %dma_start3A_215 = tpu.memref_squeeze %dma_start3A_214 : memref<1x128x128xf32, #tpu.memory_space<hbm>> -> memref<128x128xf32, #tpu.memory_space<hbm>>
      %dma_start3A_216 = arith.constant 0 : i32
      %dma_start3A_217 = tpu.memref_slice %arg12[%add3A_201, %dma_start3A_216] : memref<10240x128xf32, #tpu.memory_space<vmem_shared>> -> memref<128x128xf32, #tpu.memory_space<vmem_shared>>
      tpu.enqueue_dma source(%dma_start3A_217 : memref<128x128xf32, #tpu.memory_space<vmem_shared>>) target(%dma_start3A_215 : memref<128x128xf32, #tpu.memory_space<hbm>>) target_semaphore(%run_scoped3A_212 : memref<!tpu.dma_semaphore, #tpu.memory_space<semaphore_mem>>)
      %dma_wait3A_218 = arith.constant 0 : i32
      %dma_wait3A_219 = tpu.memref_slice %arg7[%arg0, %add3A_203, %dma_wait3A_218] : memref<2x10240x128xf32, #tpu.memory_space<hbm>> -> memref<1x128x128xf32, #tpu.memory_space<hbm>>
      %dma_wait3A_220 = tpu.memref_squeeze %dma_wait3A_219 : memref<1x128x128xf32, #tpu.memory_space<hbm>> -> memref<128x128xf32, #tpu.memory_space<hbm>>
      %dma_wait3A_221 = arith.constant 0 : i32
      %dma_wait3A_222 = tpu.memref_slice %arg12[%add3A_201, %dma_wait3A_221] : memref<10240x128xf32, #tpu.memory_space<vmem_shared>> -> memref<128x128xf32, #tpu.memory_space<vmem_shared>>
      tpu.wait_dma2 semaphore(%run_scoped3A_212 : memref<!tpu.dma_semaphore, #tpu.memory_space<semaphore_mem>>) src(%dma_wait3A_222 : memref<128x128xf32, #tpu.memory_space<vmem_shared>>) dst(%dma_wait3A_220 : memref<128x128xf32, #tpu.memory_space<hbm>>)
      tpu.yield
    }) : () -> ()
    %add3A_204 = arith.constant 384 : i32
    %add3A_205 = arith.addi %mul3A_17, %add3A_204 : i32
    %add3A_206 = arith.constant 384 : i32
    %add3A_207 = arith.addi %mul3A_17, %add3A_206 : i32
    "tpu.region"() ({
      %run_scoped3A_212 = tpu.sem_alloc : memref<!tpu.dma_semaphore, #tpu.memory_space<semaphore_mem>>
      %dma_start3A_213 = arith.constant 0 : i32
      %dma_start3A_214 = tpu.memref_slice %arg7[%arg0, %add3A_207, %dma_start3A_213] : memref<2x10240x128xf32, #tpu.memory_space<hbm>> -> memref<1x128x128xf32, #tpu.memory_space<hbm>>
      %dma_start3A_215 = tpu.memref_squeeze %dma_start3A_214 : memref<1x128x128xf32, #tpu.memory_space<hbm>> -> memref<128x128xf32, #tpu.memory_space<hbm>>
      %dma_start3A_216 = arith.constant 0 : i32
      %dma_start3A_217 = tpu.memref_slice %arg12[%add3A_205, %dma_start3A_216] : memref<10240x128xf32, #tpu.memory_space<vmem_shared>> -> memref<128x128xf32, #tpu.memory_space<vmem_shared>>
      tpu.enqueue_dma source(%dma_start3A_217 : memref<128x128xf32, #tpu.memory_space<vmem_shared>>) target(%dma_start3A_215 : memref<128x128xf32, #tpu.memory_space<hbm>>) target_semaphore(%run_scoped3A_212 : memref<!tpu.dma_semaphore, #tpu.memory_space<semaphore_mem>>)
      %dma_wait3A_218 = arith.constant 0 : i32
      %dma_wait3A_219 = tpu.memref_slice %arg7[%arg0, %add3A_207, %dma_wait3A_218] : memref<2x10240x128xf32, #tpu.memory_space<hbm>> -> memref<1x128x128xf32, #tpu.memory_space<hbm>>
      %dma_wait3A_220 = tpu.memref_squeeze %dma_wait3A_219 : memref<1x128x128xf32, #tpu.memory_space<hbm>> -> memref<128x128xf32, #tpu.memory_space<hbm>>
      %dma_wait3A_221 = arith.constant 0 : i32
      %dma_wait3A_222 = tpu.memref_slice %arg12[%add3A_205, %dma_wait3A_221] : memref<10240x128xf32, #tpu.memory_space<vmem_shared>> -> memref<128x128xf32, #tpu.memory_space<vmem_shared>>
      tpu.wait_dma2 semaphore(%run_scoped3A_212 : memref<!tpu.dma_semaphore, #tpu.memory_space<semaphore_mem>>) src(%dma_wait3A_222 : memref<128x128xf32, #tpu.memory_space<vmem_shared>>) dst(%dma_wait3A_220 : memref<128x128xf32, #tpu.memory_space<hbm>>)
      tpu.yield
    }) : () -> ()
    %add3A_208 = arith.constant 512 : i32
    %add3A_209 = arith.addi %mul3A_17, %add3A_208 : i32
    %add3A_210 = arith.constant 512 : i32
    %add3A_211 = arith.addi %mul3A_17, %add3A_210 : i32
    "tpu.region"() ({
      %run_scoped3A_212 = tpu.sem_alloc : memref<!tpu.dma_semaphore, #tpu.memory_space<semaphore_mem>>
      %dma_start3A_213 = arith.constant 0 : i32
      %dma_start3A_214 = tpu.memref_slice %arg7[%arg0, %add3A_211, %dma_start3A_213] : memref<2x10240x128xf32, #tpu.memory_space<hbm>> -> memref<1x128x128xf32, #tpu.memory_space<hbm>>
      %dma_start3A_215 = tpu.memref_squeeze %dma_start3A_214 : memref<1x128x128xf32, #tpu.memory_space<hbm>> -> memref<128x128xf32, #tpu.memory_space<hbm>>
      %dma_start3A_216 = arith.constant 0 : i32
      %dma_start3A_217 = tpu.memref_slice %arg12[%add3A_209, %dma_start3A_216] : memref<10240x128xf32, #tpu.memory_space<vmem_shared>> -> memref<128x128xf32, #tpu.memory_space<vmem_shared>>
      tpu.enqueue_dma source(%dma_start3A_217 : memref<128x128xf32, #tpu.memory_space<vmem_shared>>) target(%dma_start3A_215 : memref<128x128xf32, #tpu.memory_space<hbm>>) target_semaphore(%run_scoped3A_212 : memref<!tpu.dma_semaphore, #tpu.memory_space<semaphore_mem>>)
      %dma_wait3A_218 = arith.constant 0 : i32
      %dma_wait3A_219 = tpu.memref_slice %arg7[%arg0, %add3A_211, %dma_wait3A_218] : memref<2x10240x128xf32, #tpu.memory_space<hbm>> -> memref<1x128x128xf32, #tpu.memory_space<hbm>>
      %dma_wait3A_220 = tpu.memref_squeeze %dma_wait3A_219 : memref<1x128x128xf32, #tpu.memory_space<hbm>> -> memref<128x128xf32, #tpu.memory_space<hbm>>
      %dma_wait3A_221 = arith.constant 0 : i32
      %dma_wait3A_222 = tpu.memref_slice %arg12[%add3A_209, %dma_wait3A_221] : memref<10240x128xf32, #tpu.memory_space<vmem_shared>> -> memref<128x128xf32, #tpu.memory_space<vmem_shared>>
      tpu.wait_dma2 semaphore(%run_scoped3A_212 : memref<!tpu.dma_semaphore, #tpu.memory_space<semaphore_mem>>) src(%dma_wait3A_222 : memref<128x128xf32, #tpu.memory_space<vmem_shared>>) dst(%dma_wait3A_220 : memref<128x128xf32, #tpu.memory_space<hbm>>)
      tpu.yield
    }) : () -> ()
    return
  }
}

module attributes {stable_mosaic.version = 14 : i64} {
  func.func @body(%arg0: i32, %arg1: memref<1000x128xf32, #tpu.memory_space<vmem>>, %arg2: memref<128x2xf32, #tpu.memory_space<vmem>>, %arg3: memref<1x2xf32, #tpu.memory_space<vmem>>, %arg4: memref<1000x2xf32, #tpu.memory_space<vmem>>) attributes {dimension_semantics = [#tpu.dimension_semantics<arbitrary>], iteration_bounds = array<i64: 10>, scalar_prefetch = 0 : i64, scratch_operands = 0 : i64, tpu.core_type = #tpu.core_type<tc>, window_params = [{transform_indices = @transform_0, window_bounds = array<i64: 1000, 128>}, {pipeline_mode = #tpu.pipeline_mode<synchronous>, transform_indices = @transform_1, window_bounds = array<i64: 128, 2>}, {pipeline_mode = #tpu.pipeline_mode<synchronous>, transform_indices = @transform_2, window_bounds = array<i64: 1, 2>}, {transform_indices = @transform_3, window_bounds = array<i64: 1000, 2>}]} {
    %get3A = arith.constant 0 : index
    %get3A_0 = arith.constant 0 : index
    %get3A_1 = vector.load %arg1[%get3A, %get3A_0] : memref<1000x128xf32, #tpu.memory_space<vmem>>, vector<1000x128xf32>
    %get3A_2 = arith.constant 0 : index
    %get3A_3 = arith.constant 0 : index
    %get3A_4 = vector.load %arg2[%get3A_2, %get3A_3] : memref<128x2xf32, #tpu.memory_space<vmem>>, vector<128x2xf32>
    %dot_general3A = arith.constant dense<0.000000e+00> : vector<1000x2xf32>
    %dot_general3A_5 = tpu.matmul %get3A_1, %get3A_4, %dot_general3A {dimension_numbers = #tpu.dot_dimension_numbers<[1], [0], [0], [1], [0, 0, 1, 1], [], []>, transpose_lhs_hint = false} : vector<1000x128xf32>, vector<128x2xf32>, vector<1000x2xf32> -> vector<1000x2xf32>
    %get3A_6 = arith.constant 0 : index
    %get3A_7 = arith.constant 0 : index
    %get3A_8 = vector.load %arg3[%get3A_6, %get3A_7] : memref<1x2xf32, #tpu.memory_space<vmem>>, vector<1x2xf32>
    %add3A = vector.broadcast %get3A_8 : vector<1x2xf32> to vector<1000x2xf32>
    %add3A_9 = arith.addf %dot_general3A_5, %add3A : vector<1000x2xf32>
    %swap3A = arith.constant 0 : index
    %swap3A_10 = arith.constant 0 : index
    %swap3A_11 = vector.load %arg4[%swap3A, %swap3A_10] : memref<1000x2xf32, #tpu.memory_space<vmem>>, vector<1000x2xf32>
    tpu.vector_store %arg4[%swap3A, %swap3A_10], %add3A_9 {strides = array<i32>} : memref<1000x2xf32, #tpu.memory_space<vmem>>, vector<1000x2xf32>,
    return
  }
  func.func @transform_0(%arg0: i32) -> (i32, i32) {
    %c0_i32 = arith.constant 0 : i32
    %c0_i32_0 = arith.constant 0 : i32
    return %arg0, %c0_i32 : i32, i32
  }
  func.func @transform_1(%arg0: i32) -> (i32, i32) {
    %c0_i32 = arith.constant 0 : i32
    %c0_i32_0 = arith.constant 0 : i32
    %c0_i32_1 = arith.constant 0 : i32
    return %c0_i32, %c0_i32_0 : i32, i32
  }
  func.func @transform_2(%arg0: i32) -> (i32, i32) {
    %c0_i32 = arith.constant 0 : i32
    %c0_i32_0 = arith.constant 0 : i32
    %c0_i32_1 = arith.constant 0 : i32
    return %c0_i32, %c0_i32_0 : i32, i32
  }
  func.func @transform_3(%arg0: i32) -> (i32, i32) {
    %c0_i32 = arith.constant 0 : i32
    %c0_i32_0 = arith.constant 0 : i32
    return %arg0, %c0_i32 : i32, i32
  }
}

module attributes {stable_mosaic.version = 14 : i64} {
  func.func @body(%arg0: i32, %arg1: memref<1000x128xf32, #tpu.memory_space<vmem>>, %arg2: memref<1x1000x128xf32, #tpu.memory_space<vmem>>, %arg3: memref<1x1000x128xf32, #tpu.memory_space<vmem>>, %arg4: memref<1000x128xf32, #tpu.memory_space<vmem>>) attributes {dimension_semantics = [#tpu.dimension_semantics<arbitrary>], iteration_bounds = array<i64: 10>, scalar_prefetch = 0 : i64, scratch_operands = 0 : i64, tpu.core_type = #tpu.core_type<tc>, window_params = [{transform_indices = @transform_0, window_bounds = array<i64: 1000, 128>}, {transform_indices = @transform_1, window_bounds = array<i64: 1, 1000, 128>}, {transform_indices = @transform_2, window_bounds = array<i64: 1, 1000, 128>}, {transform_indices = @transform_3, window_bounds = array<i64: 1000, 128>}]} {
    %get3A = arith.constant 0 : index
    %get3A_0 = arith.constant 0 : index
    %get3A_1 = vector.load %arg1[%get3A, %get3A_0] : memref<1000x128xf32, #tpu.memory_space<vmem>>, vector<1000x128xf32>
    %mul3A = arith.constant 3.000000e-01 : f32
    %mul3A_2 = vector.broadcast %mul3A : f32 to vector<1000x128xf32>
    %mul3A_3 = arith.mulf %mul3A_2, %get3A_1 : vector<1000x128xf32>
    %get3A_4 = arith.constant 0 : index
    %get3A_5 = arith.constant 0 : index
    %get3A_6 = arith.constant 0 : index
    %get3A_7 = vector.load %arg2[%get3A_4, %get3A_5, %get3A_6] : memref<1x1000x128xf32, #tpu.memory_space<vmem>>, vector<1x1000x128xf32>
    %get3A_8 = vector.shape_cast %get3A_7 : vector<1x1000x128xf32> to vector<1000x128xf32>
    %add3A = arith.addf %mul3A_3, %get3A_8 : vector<1000x128xf32>
    %get3A_9 = arith.constant 0 : index
    %get3A_10 = arith.constant 0 : index
    %get3A_11 = arith.constant 0 : index
    %get3A_12 = vector.load %arg3[%get3A_9, %get3A_10, %get3A_11] : memref<1x1000x128xf32, #tpu.memory_space<vmem>>, vector<1x1000x128xf32>
    %get3A_13 = vector.shape_cast %get3A_12 : vector<1x1000x128xf32> to vector<1000x128xf32>
    %add3A_14 = arith.addf %add3A, %get3A_13 : vector<1000x128xf32>
    %max3A = arith.constant 0.000000e+00 : f32
    %max3A_15 = vector.broadcast %max3A : f32 to vector<1000x128xf32>
    %max3A_16 = arith.maximumf %add3A_14, %max3A_15 : vector<1000x128xf32>
    %swap3A = arith.constant 0 : index
    %swap3A_17 = arith.constant 0 : index
    %swap3A_18 = vector.load %arg4[%swap3A, %swap3A_17] : memref<1000x128xf32, #tpu.memory_space<vmem>>, vector<1000x128xf32>
    tpu.vector_store %arg4[%swap3A, %swap3A_17], %max3A_16 {strides = array<i32>} : memref<1000x128xf32, #tpu.memory_space<vmem>>, vector<1000x128xf32>,
    return
  }
  func.func @transform_0(%arg0: i32) -> (i32, i32) {
    %c0_i32 = arith.constant 0 : i32
    %c0_i32_0 = arith.constant 0 : i32
    return %arg0, %c0_i32 : i32, i32
  }
  func.func @transform_1(%arg0: i32) -> (i32, i32, i32) {
    %c0_i32 = arith.constant 0 : i32
    %c0_i32_0 = arith.constant 0 : i32
    %c0_i32_1 = arith.constant 0 : i32
    return %c0_i32, %arg0, %c0_i32_0 : i32, i32, i32
  }
  func.func @transform_2(%arg0: i32) -> (i32, i32, i32) {
    %c1_i32 = arith.constant 1 : i32
    %c0_i32 = arith.constant 0 : i32
    %c0_i32_0 = arith.constant 0 : i32
    return %c1_i32, %arg0, %c0_i32 : i32, i32, i32
  }
  func.func @transform_3(%arg0: i32) -> (i32, i32) {
    %c0_i32 = arith.constant 0 : i32
    %c0_i32_0 = arith.constant 0 : i32
    return %arg0, %c0_i32 : i32, i32
  }
}

</mosaic_0001>

<sc_bundles>
// kernel: kernel.5.cloned.1.call-start
scs
__scs_entry_jumppad:
0x0: {  	(pc) =	sbr.rel $0x88, $3  }
0x1: {  	(tag) =	ssettag $0x0;
	lr =	simm.s32 $0x1  }
0x2: {  	[smem:$0x3F9D] =	sst lr;
	_ =	strace $0xD0000000  }
0x3: {  	_ = 	snop  }
0x4: {  	_ = 	snop  }
0x5: {  	_ = 	snop  }
0x6: {  	_ = 	snop  }
0x7: {  	_ = 	snop  }
__scs_overlays_trampoline_lowered:
0x8: {  	[smem:$0x3FAC] =	sst s0  }
0x9: {  	[smem:$0x3FAD] =	sst s1  }
0xa: {  	[smem:$0x3FAE] =	sst s2  }
0xb: {  	[smem:$0x3FAF] =	sst s3  }
0xc: {  	[smem:$0x3FB0] =	sst s4  }
0xd: {  	[smem:$0x3FB1] =	sst s5  }
0xe: {  	[smem:$0x3FB2] =	sst s6  }
0xf: {  	[smem:$0x3FB3] =	sst s7  }
0x10: {  	[smem:$0x3FB4] =	sst s8  }
0x11: {  	[smem:$0x3FB5] =	sst s9;
	s0 =	simm.s32 @!p0 $0x0  }
0x12: {  	s1 =	sld [smem:$0x3F9B];
	s0 =	simm.s32 @p0 $0x1  }
0x13: {  	[smem:$0x3FB6] =	sst s0;
	s0 =	simm.s32 @!p1 $0x0  }
0x14: {  	s2 =	sld [smem:$0x3F9A];
	s0 =	simm.s32 @p1 $0x1  }
0x15: {  	[smem:$0x3FB7] =	sst s0;
	s0 =	simm.s32 @!p2 $0x0  }
0x16: {  	s3 =	sld [smem:$0x3FDB];
	s0 =	simm.s32 @p2 $0x1  }
0x17: {  	s4 =	simm.s32 $0x1BF5;
	[smem:$0x3FB9] =	sst s0  }
0x18: {  	s0 =	sld [smem:$0x3F9C];
	_ =	swait.ge [sflag:s4], $0x0  }
0x19: {  	s7 =	sld [smem:$0x3F9D]  }
0x1a: {  	s8 =	sadd.s32 $0xFFFFE003, lr  }
0x1b: {  	s9 =	sadd.s32 $0xFFFFFEF7, lr;
	s5 =	simm.s32 $0xFFFFFFFF;
	p2 =	slt.u32 s8, $0xFFFFF086  }
0x1c: {  	p1 =	slt.u32 s9, $0xF7A;
	s5 =	simm.s32 @!p2 $0x0  }
0x1d: {  	s5 =	simm.s32 @p1 $0x1;
	p0 =	seq.s32 s7, s2  }
0x1e: {  	s7 =	smul.u32 @!p0 $0xF7A, s2;
	p2 =	seq.s32 @!p0 s5, $0x0  }
0x1f: {  	s9 =	smul.u32 $0xF7A, s1;
	s8 =	simm.s32 @!p0 $0x1BF5;
	p2 =	por !p2, p0  }
0x20: {  	[sflag:s8] =	ssyncset.s32 @!p0 $0xFFFFF086;
	s6 =	sadd.s32 @!p0 s3, s7;
	s7 =	simm.s32 @!p0 $0x108  }
0x21: {  	s3 =	sadd.s32 s3, s9;
	s6 =	sadd.s32 @!p0 $0x88, s6;
	s7 =	simm.s32 @p2 $0x1082  }
0x22: {  	[simem:s7], [sflag:s8] =	dma.local @!p0 [hbm:s6], $0xF7A  }
0x23: {  	s9 =	sor.u32 $0xD0000000, s2;
	s6 =	simm.s32 $0x108;
	_ =	swait.ge @!p0 [sflag:s8], $0x0  }
0x24: {  	s3 =	sadd.s32 $0x88, s3;
	s6 =	simm.s32 @!p1 $0x1082;
	[sflag:s4] =	ssyncset.s32 $0xFFFFF086  }
0x25: {  	[simem:s6], [sflag:s4] =	dma.local [hbm:s3], $0xF7A  }
0x26: {  	[smem:$0x3F9D] =	sst s1;
	(tag) =	ssettag s2;
	_ =	strace s9  }
0x27: {  	s1 =	sld [smem:$0x3FAD]  }
0x28: {  	s2 =	sld [smem:$0x3FAE]  }
0x29: {  	s4 =	sld [smem:$0x3FB0]  }
0x2a: {  	p0 =	seq.s32 s5, $0x0;
	s5 =	sld [smem:$0x3FB1]  }
0x2b: {  	s6 =	sld [smem:$0x3FB2]  }
0x2c: {  	s7 =	sld [smem:$0x3FB3]  }
0x2d: {  	s3 =	simm.s32 $0x108;
	s8 =	sld [smem:$0x3FB4]  }
0x2e: {  	s3 =	simm.s32 @!p0 $0x1082;
	s9 =	sld [smem:$0x3FB5]  }
0x2f: {  	lr =	sadd.s32 s0, s3;
	s0 =	sld [smem:$0x3FAC]  }
0x30: {  	s3 =	sld [smem:$0x3FAF]  }
0x31: {  	[smem:$0x3FB8] =	sst s10  }
0x32: {  	s10 =	sld [smem:$0x3FB6];
	_ =	sdelay $0x3  }
0x33: {  	p0 =	seq.s32 s10, $0x1;
	s10 =	sld [smem:$0x3FB8];
	_ =	sdelay $0x3  }
0x34: {  	[smem:$0x3FB8] =	sst s10  }
0x35: {  	s10 =	sld [smem:$0x3FB7];
	_ =	sdelay $0x3  }
0x36: {  	p1 =	seq.s32 s10, $0x1;
	s10 =	sld [smem:$0x3FB8];
	_ =	sdelay $0x3  }
0x37: {  	[smem:$0x3FB8] =	sst s10  }
0x38: {  	s10 =	sld [smem:$0x3FB9]  }
0x39: {  	_ = 	snop;
	(pc) =	sbr.ind lr, $3  }
0x3a: {  	_ = 	snop  }
0x3b: {  	_ = 	snop  }
0x3c: {  	p2 =	seq.s32 s10, $0x1;
	s10 =	sld [smem:$0x3FB8]  }
0x3d: {  	_ =	shalt  }
0x3e: {  	_ =	shalt  }
0x3f: {  	_ =	shalt  }
0x40: {  	_ =	shalt  }
0x41: {  	_ =	shalt  }
0x42: {  	_ =	shalt  }
0x43: {  	_ =	shalt  }
0x44: {  	_ =	shalt  }
0x45: {  	_ =	shalt  }
0x46: {  	_ =	shalt  }
0x47: {  	_ =	shalt  }
0x48: {  	_ =	shalt  }
0x49: {  	_ =	shalt  }
0x4a: {  	_ =	shalt  }
0x4b: {  	_ =	shalt  }
0x4c: {  	_ =	shalt  }
0x4d: {  	_ =	shalt  }
0x4e: {  	_ =	shalt  }
0x4f: {  	_ =	shalt  }
0x50: {  	_ =	shalt  }
0x51: {  	_ =	shalt  }
0x52: {  	_ =	shalt  }
0x53: {  	_ =	shalt  }
0x54: {  	_ =	shalt  }
0x55: {  	_ =	shalt  }
0x56: {  	_ =	shalt  }
0x57: {  	_ =	shalt  }
0x58: {  	_ =	shalt  }
0x59: {  	_ =	shalt  }
0x5a: {  	_ =	shalt  }
0x5b: {  	_ =	shalt  }
0x5c: {  	_ =	shalt  }
0x5d: {  	_ =	shalt  }
0x5e: {  	_ =	shalt  }
0x5f: {  	_ =	shalt  }
0x60: {  	_ =	shalt  }
0x61: {  	_ =	shalt  }
0x62: {  	_ =	shalt  }
0x63: {  	_ =	shalt  }
0x64: {  	_ =	shalt  }
0x65: {  	_ =	shalt  }
0x66: {  	_ =	shalt  }
0x67: {  	_ =	shalt  }
0x68: {  	_ =	shalt  }
0x69: {  	_ =	shalt  }
0x6a: {  	_ =	shalt  }
0x6b: {  	_ =	shalt  }
0x6c: {  	_ =	shalt  }
0x6d: {  	_ =	shalt  }
0x6e: {  	_ =	shalt  }
0x6f: {  	_ =	shalt  }
0x70: {  	_ =	shalt  }
0x71: {  	_ =	shalt  }
0x72: {  	_ =	shalt  }
0x73: {  	_ =	shalt  }
0x74: {  	_ =	shalt  }
0x75: {  	_ =	shalt  }
0x76: {  	_ =	shalt  }
0x77: {  	_ =	shalt  }
0x78: {  	_ =	shalt  }
0x79: {  	_ =	shalt  }
0x7a: {  	_ =	shalt  }
0x7b: {  	_ =	shalt  }
0x7c: {  	_ =	shalt  }
0x7d: {  	_ =	shalt  }
0x7e: {  	_ =	shalt  }
0x7f: {  	_ =	shalt  }
0x80: {  	_ =	shalt  }
0x81: {  	_ =	shalt  }
0x82: {  	_ =	shalt  }
0x83: {  	_ =	shalt  }
0x84: {  	_ =	shalt  }
0x85: {  	_ =	shalt  }
0x86: {  	_ =	shalt  }
0x87: {  	_ =	shalt  }
.Lfunc_end0:
.L_simem_size_0:
called_computation_lowered:
.L_overlay_start_0:
0x88: {  	s2 =	sld [smem:$0x3FD9]  }
0x89: {  	s3 =	sld [smem:$0x3FFE];
	_ =	sdelay $0x1  }
0x8a: {  	s1 =	srdreg.scid  }
0x8b: {  	s0 =	sand.u32 $0x1, s1  }
0x8c: {  	s17 =	sshll.u32 s0, $0xA;
	s2 =	sadd.s32 s3, s2  }
0x8d: {  	s2 =	sadd.s32 s2, s17  }
0x8e: {  	[smem:$0x3FC4] =	sst s2  }
0x8f: {  	_ = 	snop  }
0x90: {  	s2 =	sld [smem:$0x3FD0];
	(tm) =	ssettm $0x1  }
0x91: {  	s18 =	sld [smem:$0x3FFB];
	_ =	sdelay $0x3  }
0x92: {  	_ =	strace s18  }
0x93: {  	s3 =	sld [smem:$0x3FFC];
	_ =	sdelay $0x3  }
0x94: {  	_ =	strace s3  }
0x95: {  	s3 =	sld [smem:$0x3FFD];
	_ =	sdelay $0x3  }
0x96: {  	_ =	strace s3  }
0x97: {  	_ =	strace $0x8FFFFFFF  }
0x98: {  	s19 =	sld [smem:$0x3FDB];
	_ =	sdelay $0x1  }
0x99: {  	s4 =	simm.s32 $_scs_section_size  }
0x9a: {  	s5 =	simm.s32 $_size__tile_overlayer_lowered;
	s6 =	simm.s32 $_tile_overlayer_lowered  }
0x9b: {  	s22 =	simm.s32 $0x1BFF;
	s21 =	sshll.u32 s6, $0x1;
	s3 =	sadd.s32 s4, s19  }
0x9c: {  	s7 =	simm.s32 $0x0;
	s20 =	sshll.u32 s5, $0x1;
	s5 =	sadd.s32 s21, s3  }
0x9d: {  	[timem:s7], [sflag:s22] =	dma.local [hbm:s5], s20  }
0x9e: {  	_ =	swait.ge [sflag:s22], s20  }
0x9f: {  	s4 =	ssub.s32 $0x0, s20;
	[sflag:s22] =	ssyncset.done $0x0  }
0xa0: {  	[sflag:s22] =	ssyncadd.s32 s4;
	_ =	sdelay $0x1  }
0xa1: {  	s23 =	simm.s32 $0x1B8B  }
0xa2: {  	_ =	swait.ge [sflag:s23], $0x1  }
0xa3: {  	[sflag:s23] =	ssyncset.done $0x0  }
0xa4: {  	s25 =	simm.s32 $0x1B8E;
	s24 =	sld [smem:$0x3FFE];
	[sflag:s23] =	ssyncadd.s32 $0xFFFFFFFF  }
0xa5: {  	s26 =	simm.s32 $execute0_lowered;
	[smem:$0x3FD2] =	sst s25  }
0xa6: {  	s5 =	sshll.u32 s26, $0x1;
	_ =	strace $0x80000046;
	[dreg:$0x1] =	wrdreg $0xFFFFFFFF  }
0xa7: {  	s28 =	simm.s32 $_size_execute0_lowered;
	s3 =	sadd.s32 s3, s5;
	[dreg:$0x0] =	wrdreg $0x0  }
0xa8: {  	s5 =	sshll.u32 s28, $0x1;
	[dreg:$0x2] =	wrdreg s3  }
0xa9: {  	[dreg:$0x3] =	wrdreg s5  }
0xaa: {  	[dreg:$0x4] =	wrdreg $0xC0  }
0xab: {  	_ =	task [dreg:s7], $0x5FFFF  }
0xac: {  	[dreg:$0x1] =	wrdreg $0xFFFFFFFF  }
0xad: {  	[dreg:$0x0] =	wrdreg $0x60  }
0xae: {  	[dreg:$0x2] =	wrdreg s2  }
0xaf: {  	[dreg:$0x3] =	wrdreg s24  }
0xb0: {  	[dreg:$0x4] =	wrdreg $0x0  }
0xb1: {  	[dreg:$0x5] =	wrdreg $0xA000  }
0xb2: {  	[dreg:$0x6] =	wrdreg $0x2800  }
0xb3: {  	[dreg:$0x7] =	wrdreg $0x5000  }
0xb4: {  	[dreg:$0x8] =	wrdreg $0x7800  }
0xb5: {  	[dreg:$0x9] =	wrdreg $0x9  }
0xb6: {  	_ =	task.clear_ibuf [dreg:s7], $0xAFFFF;
	_ =	strace $0x90000046  }
0xb7: {  	s29 =	simm.s32 $0x9;
	_ =	strace $0x80000048  }
0xb8: {  	_ =	swait.ge [sflag:s29], $0x1  }
0xb9: {  	[sflag:s29] =	ssyncadd.s32 $0xFFFFFFFF  }
0xba: {  	_ =	strace $0x90000048  }
0xbb: {  	_ =	sfence  }
0xbc: {  	s30 =	sld [smem:$0x0];
	_ =	sdelay $0x2  }
0xbd: {  	s31 =	sshll.u32 s1, $0xD;
	s1 =	sshrl.u32 s1, $0x2  }
0xbe: {  	s3 =	sand.u32 $0x4000, s31;
	s1 =	sadd.s32 s1, s30  }
0xbf: {  	s0 =	sor.u32 s3, s0;
	s1 =	sshll.u32 s1, $0x11  }
0xc0: {  	s0 =	sor.u32 s1, s0  }
0xc1: {  	s0 =	sadd.s32 $0x8F2B, s0  }
0xc2: {  	[sflag:s0] =	ssyncadd.remote.s32 $0x1  }
0xc3: {  	_ =	sfence.sel $0xFFFF  }
0xc4: {  	[dreg:$0x0] =	wrdreg $0xFFFFFFFF;
	(pc) =	sbr.abs _section_cstart, $3  }
0xc5: {  	[dreg:$0x1] =	wrdreg $0xFFFFFFFF  }
0xc6: {  	_ =	task.clear_ibuf [dreg:s7], $0x2FFFF;
	_ =	strace $0x9FFFFFFF  }
0xc7: {  	(tm) =	ssettm $0x7FFFFFFF  }
tec
execute0_lowered:
.L_overlay_start_1:
0x0: {  	(tag) =	ssettag $0x1  }
0x1: {  	s0 =	rddreg [dreg:$0x1]  }
0x2: {  	s2 =	rddreg [dreg:$0x2]  }
0x3: {  	s15 =	rddreg [dreg:$0x3]  }
0x4: {  	s16 =	rddreg [dreg:$0x4]  }
0x5: {  	s17 =	rddreg [dreg:$0x5]  }
0x6: {  	s18 =	rddreg [dreg:$0x6];
	s19 =	stileid.u32  }
0x7: {  	s8 =	simm.s32 $0x0;
	s1 =	srdreg.scid;
	s20 =	smul.u32 $0x280, s19  }
0x8: {  	[smem:$0x7FF] =	sst s8;
	s4 =	smul.u32 $0x14000, s19  }
0x9: {  	s1 =	sand.u32 $0x1, s1;
	s21 =	sadd.s32 $0xC00, s0;
	s7 =	smul.u32 $0x58, s19  }
0xa: {  	s5 =	sadd.s32 $0x14C00, s0;
	s9 =	smul.u32 $0x48, s19;
	_ =	strace $0x80000047  }
0xb: {  	s3 =	ssub.s32 $0x2, s1;
	s12 =	smul.u32 $0x140000, s1;
	p0 =	seq.s32 s1, $0x0  }
0xc: {  	[dreg:$0x12] =	wrdreg s21;
	s6 =	sshrl.u32 s3, $0x1;
	s10 =	sadd.s32 $0x8000, s4  }
0xd: {  	s11 =	sadd.s32 $0xC000, s4;
	s13 =	sadd.s32 $0x10000, s4;
	s22 =	sadd.s32 $0x580, s9  }
0xe: {  	[dreg:$0x11] =	wrdreg s20;
	s3 =	ssub.s32 s3, s6;
	s6 =	sadd.s32 $0x4000, s4  }
0xf: {  	s26 =	sadd.s32 s12, s10;
	s29 =	sadd.s32 s10, s15;
	s10 =	simm.s32 $0x15AA0  }
0x10: {  	s22 =	smov.u32 @p0 s7;
	s24 =	sadd.s32 s4, s12;
	[dreg:$0xe] =	wrdreg s10  }
0x11: {  	s30 =	sadd.s32 s11, s15;
	s31 =	sadd.s32 s13, s15;
	[dreg:$0x13] =	wrdreg s22  }
0x12: {  	s25 =	sadd.s32 s12, s6;
	s1 =	sshrl.u32 s24, $0x3;
	[dreg:$0x1d] =	wrdreg s29  }
0x13: {  	s23 =	sshrl.u32 s26, $0x3;
	s24 =	sadd.s32 s12, s11;
	[dreg:$0x1e] =	wrdreg s30  }
0x14: {  	s26 =	smul.u32 $0xA00, s19;
	s11 =	simm.s32 $0x152A0;
	[dreg:$0x1f] =	wrdreg s31  }
0x15: {  	s28 =	sadd.s32 s6, s15;
	s10 =	simm.s32 $0x160A0;
	[dreg:$0xf] =	wrdreg s11  }
0x16: {  	s7 =	sshrl.u32 s25, $0x3;
	s1 =	sadd.s32 s5, s1;
	[dreg:$0x1c] =	wrdreg s28  }
0x17: {  	s25 =	sadd.s32 s12, s13;
	s12 =	simm.s32 $0x15B20;
	[dreg:$0x14] =	wrdreg s1  }
0x18: {  	s13 =	sshll.u32 s22, $0x4;
	s14 =	sadd.s32 s5, s7;
	[dreg:$0x10] =	wrdreg s12  }
0x19: {  	s22 =	sadd.s32 s20, s17;
	s1 =	sadd.s32 s5, s23;
	[dreg:$0x15] =	wrdreg s14  }
0x1a: {  	s17 =	simm.s32 $0x154A0;
	s19 =	sadd.s32 s26, s21;
	[dreg:$0x16] =	wrdreg s1  }
0x1b: {  	s7 =	sshrl.u32 s24, $0x3;
	s24 =	simm.s32 $0x15120;
	[dreg:$0x8] =	wrdreg s19  }
0x1c: {  	s9 =	sshrl.u32 s25, $0x3;
	s25 =	simm.s32 $0x159A0;
	[dreg:$0x9] =	wrdreg s24  }
0x1d: {  	s11 =	simm.s32 $0x158A0;
	s26 =	sadd.s32 $0xAC00, s0;
	[dreg:$0xa] =	wrdreg s25  }
0x1e: {  	s23 =	sshrl.u32 s20, $0x3;
	s1 =	sadd.s32 s5, s7;
	[dreg:$0x1a] =	wrdreg s26  }
0x1f: {  	s14 =	sadd.s32 s5, s9;
	s5 =	sadd.s32 s0, s23;
	[dreg:$0x17] =	wrdreg s1  }
0x20: {  	s25 =	sadd.s32 s4, s15;
	s4 =	simm.s32 $0x15A20;
	[dreg:$0x18] =	wrdreg s14  }
0x21: {  	s7 =	simm.s32 $0x15220;
	s0 =	simm.s32 $0x58;
	[dreg:$0xc] =	wrdreg s4  }
0x22: {  	s19 =	sadd.s32 s20, s16;
	s23 =	sadd.s32 s20, s2;
	[dreg:$0xd] =	wrdreg s7  }
0x23: {  	s16 =	simm.s32 $0x15920;
	s9 =	simm.s32 $0x156A0;
	[smem:$0x7FB] =	sst s23  }
0x24: {  	s1 =	simm.s32 $0x151A0;
	s0 =	simm.s32 @!p0 $0x48;
	[dreg:$0x19] =	wrdreg s5  }
0x25: {  	s14 =	sadd.s32 s26, s13;
	s24 =	sadd.s32 $0x600, s5;
	[dreg:$0x1b] =	wrdreg s25  }
0x26: {  	s26 =	sadd.s32 s20, s18;
	s20 =	simm.s32 $0x15DA0;
	[dreg:$0xb] =	wrdreg s1  }
0x27: {  	s23 =	simm.s32 $0x15620;
	s4 =	simm.s32 $0x15FA0;
	[smem:$0x7F4] =	sst s14  }
0x28: {  	s5 =	simm.s32 $0x157A0;
	s7 =	simm.s32 $0x0;
	[smem:$0x7FC] =	sst s24  }
0x29: {  	s1 =	sadd.s32 s21, s13;
	s15 =	sshrl.u32 s0, $0x1;
	[smem:$0x7FD] =	sst s26  }
0x2a: {  	s0 =	sadd.s32 $0xFFFFFFFF, s0;
	s21 =	smax.u32 s3, $0x1;
	[smem:$0x7F5] =	sst s1  }
0x2b: {  	s14 =	simm.s32 $0x5;
	s24 =	simm.s32 $0x80;
	[smem:$0x7F6] =	sst s15  }
0x2c: {  	s13 =	simm.s32 $0x15D20;
	s3 =	simm.s32 $0x15F20;
	[smem:$0x7F7] =	sst s0  }
0x2d: {  	s26 =	simm.s32 $0x16020;
	[smem:$0x7F8] =	sst s21;
	s0 =	sshrl.u32 s19, $0x3  }
0x2e: {  	s19 =	simm.s32 $0x15520;
	s21 =	simm.s32 $0x155A0;
	s1 =	simm.s32 $0x15EA0  }
0x2f: {  	s15 =	simm.s32 $0x15820;
	[smem:$0x7F9] =	sst s0;
	s0 =	sshrl.u32 s22, $0x3  }
0x30: {  	v0 =	vimm.f32 $0.0e+00;
	v1 =	vimm.f32 $1.000000000e+00;
	s22 =	simm.s32 $0x15E20;
	[smem:$0x7FA] =	sst s0;
	s0 =	simm.s32 $0x15720  }
.LBB2_1:
0x31: {  	[tilespmem:$0x16120] =	vst v0  }
0x32: {  	[tilespmem:$0x16130] =	vst v0  }
0x33: {  	[tilespmem:$0x16140] =	vst v0  }
0x34: {  	[tilespmem:$0x16150] =	vst v0  }
0x35: {  	[tilespmem:$0x16160] =	vst v0  }
0x36: {  	[tilespmem:$0x16170] =	vst v0  }
0x37: {  	[tilespmem:$0x16180] =	vst v0  }
0x38: {  	[tilespmem:$0x16190] =	vst v0  }
0x39: {  	[tilespmem:$0x161A0] =	vst v0  }
0x3a: {  	[tilespmem:$0x161B0] =	vst v0  }
0x3b: {  	[tilespmem:$0x161C0] =	vst v0  }
0x3c: {  	[tilespmem:$0x161D0] =	vst v0  }
0x3d: {  	[tilespmem:$0x161E0] =	vst v0  }
0x3e: {  	[tilespmem:$0x161F0] =	vst v0  }
0x3f: {  	[tilespmem:$0x16200] =	vst v0  }
0x40: {  	[tilespmem:$0x16210] =	vst v0  }
0x41: {  	[tilespmem:$0x16220] =	vst v0  }
0x42: {  	[tilespmem:$0x16230] =	vst v0  }
0x43: {  	[tilespmem:$0x16240] =	vst v0  }
0x44: {  	[tilespmem:$0x16250] =	vst v0  }
0x45: {  	[tilespmem:$0x16260] =	vst v0  }
0x46: {  	[tilespmem:$0x16270] =	vst v0  }
0x47: {  	[tilespmem:$0x16280] =	vst v0  }
0x48: {  	[tilespmem:$0x16290] =	vst v0  }
0x49: {  	[tilespmem:$0x162A0] =	vst v0  }
0x4a: {  	[tilespmem:$0x162B0] =	vst v0  }
0x4b: {  	[tilespmem:$0x162C0] =	vst v0  }
0x4c: {  	[tilespmem:$0x162D0] =	vst v0  }
0x4d: {  	[tilespmem:$0x162E0] =	vst v0  }
0x4e: {  	[tilespmem:$0x162F0] =	vst v0  }
0x4f: {  	[tilespmem:$0x16300] =	vst v0  }
0x50: {  	[tilespmem:$0x16310] =	vst v0  }
0x51: {  	[tilespmem:$0x16320] =	vst v0  }
0x52: {  	[tilespmem:$0x16330] =	vst v0  }
0x53: {  	[tilespmem:$0x16340] =	vst v0  }
0x54: {  	[tilespmem:$0x16350] =	vst v0  }
0x55: {  	[tilespmem:$0x16360] =	vst v0  }
0x56: {  	[tilespmem:$0x16370] =	vst v0  }
0x57: {  	[tilespmem:$0x16380] =	vst v0  }
0x58: {  	[tilespmem:$0x16390] =	vst v0;
	s6 =	simm.s32 $0x0  }
.LBB2_2:
0x59: {  	p0 =	sne.s32 s6, $0x1FC0  }
.Ltmp0:
0x5a: {  	_ = 	snop;
	(pc) =	sbr.rel @p0 .LBB2_2-.Ltmp0, $3  }
0x5b: {  	_ =	sdelay $0x1  }
0x5c: {  	s18 =	sshra.s32 s6, $0x2  }
0x5d: {  	s6 =	sadd.s32 $0x40, s6;
	[tilespmem:s18+$0x15120] =	vst v1  }
0x5e: {  	[smem:$0x7F3] =	sst s7;
	s6 =	simm.s32 $0x0;
	s18 =	simm.s32 $0x200  }
.LBB2_4:
0x5f: {  	p0 =	sne.s32 s18, $0xFE00;
	[tilespmem:s6+$0x1A410] =	vst v0  }
0x60: {  	[tilespmem:s6+$0x1A3A0] =	vst v0  }
0x61: {  	[tilespmem:s6+$0x1A3B0] =	vst v0  }
.Ltmp1:
0x62: {  	[tilespmem:s6+$0x1A3C0] =	vst v0;
	(pc) =	sbr.rel @p0 .LBB2_4-.Ltmp1, $4  }
0x63: {  	[tilespmem:s6+$0x1A3D0] =	vst v0  }
0x64: {  	[tilespmem:s6+$0x1A3E0] =	vst v0  }
0x65: {  	[tilespmem:s6+$0x1A3F0] =	vst v0  }
0x66: {  	[tilespmem:s6+$0x1A400] =	vst v0;
	s6 =	sshra.s32 s18, $0x2;
	s18 =	sadd.s32 $0x200, s18  }
0x67: {  	[tilespmem:s6+$0x1A410] =	vst v0  }
0x68: {  	[tilespmem:s6+$0x1A3A0] =	vst v0  }
0x69: {  	[tilespmem:s6+$0x1A3B0] =	vst v0  }
0x6a: {  	[tilespmem:s6+$0x1A3C0] =	vst v0  }
0x6b: {  	[tilespmem:s6+$0x1A3D0] =	vst v0  }
0x6c: {  	[tilespmem:s6+$0x1A3E0] =	vst v0;
	s7 =	sld [smem:$0x7FB]  }
0x6d: {  	[tilespmem:s6+$0x1A3F0] =	vst v0  }
0x6e: {  	[tilespmem:s6+$0x1A400] =	vst v0;
	s18 =	simm.s32 $0x16120  }
0x6f: {  	[spmem:s7] =	stream.linear.scatter [tilespmem:s18], [sflag:$0x5], $0x280, $0x38;
	[tilespmem:$0x1E3A0] =	vst v63  }
0x70: {  	_ =	swait.ge [sflag:s14], $0x280  }
0x71: {  	[sflag:s14] =	ssyncset.done $0x0  }
0x72: {  	s12 =	simm.s32 $0x1A3A0;
	[sflag:s14] =	ssyncadd.s32 $0xFFFFFD80  }
0x73: {  	[spmem:s25] =	stream.linear.scatter [tilespmem:s12], [sflag:$0x5], $0x4000, $0x38;
	[tilespmem:$0x1E3A0] =	vst v63  }
0x74: {  	_ =	swait.ge [sflag:s14], $0x4000  }
0x75: {  	[sflag:s14] =	ssyncset.done $0x0  }
0x76: {  	[sflag:s14] =	ssyncadd.s32 $0xFFFFC000  }
0x77: {  	[spmem:s28] =	stream.linear.scatter [tilespmem:s12], [sflag:$0x5], $0x4000, $0x38;
	[tilespmem:$0x1E3A0] =	vst v63  }
0x78: {  	_ =	swait.ge [sflag:s14], $0x4000  }
0x79: {  	[sflag:s14] =	ssyncset.done $0x0  }
0x7a: {  	[sflag:s14] =	ssyncadd.s32 $0xFFFFC000  }
0x7b: {  	[spmem:s29] =	stream.linear.scatter [tilespmem:s12], [sflag:$0x5], $0x4000, $0x38;
	[tilespmem:$0x1E3A0] =	vst v63  }
0x7c: {  	_ =	swait.ge [sflag:s14], $0x4000  }
0x7d: {  	[sflag:s14] =	ssyncset.done $0x0  }
0x7e: {  	[sflag:s14] =	ssyncadd.s32 $0xFFFFC000  }
0x7f: {  	[spmem:s30] =	stream.linear.scatter [tilespmem:s12], [sflag:$0x5], $0x4000, $0x38;
	[tilespmem:$0x1E3A0] =	vst v63  }
0x80: {  	_ =	swait.ge [sflag:s14], $0x4000  }
0x81: {  	[sflag:s14] =	ssyncset.done $0x0  }
0x82: {  	[sflag:s14] =	ssyncadd.s32 $0xFFFFC000  }
0x83: {  	[spmem:s31] =	stream.linear.scatter [tilespmem:s12], [sflag:$0x5], $0x4000, $0x38;
	[tilespmem:$0x1E3A0] =	vst v63  }
0x84: {  	_ =	swait.ge [sflag:s14], $0x4000  }
0x85: {  	s25 =	sld [smem:$0x7F9]  }
0x86: {  	s18 =	stileid.u32;
	s12 =	sld [smem:$0x7FC]  }
0x87: {  	s6 =	sshll.u32 s18, $0x6;
	[sflag:s14] =	ssyncset.done $0x0  }
0x88: {  	s7 =	sor.u32 $0x1C05, s6;
	[sflag:s14] =	ssyncadd.s32 $0xFFFFC000  }
0x89: {  	[spmem:s25], [sflag:s7] =	dma.local [hbm:s12], $0x50  }
0x8a: {  	_ =	swait.ge [sflag:s14], $0x50  }
0x8b: {  	s12 =	sld [smem:$0x7FA]  }
0x8c: {  	[sflag:s14] =	ssyncset.done $0x0;
	s25 =	rddreg [dreg:$0x19]  }
0x8d: {  	[smem:$0x7F2] =	sst s7;
	[sflag:s14] =	ssyncadd.s32 $0xFFFFFFB0  }
0x8e: {  	[spmem:s12], [sflag:s7] =	dma.local [hbm:s25], $0x50  }
0x8f: {  	_ =	swait.ge [sflag:s14], $0x50  }
0x90: {  	[sflag:s14] =	ssyncset.done $0x0  }
0x91: {  	[sflag:s14] =	ssyncadd.s32 $0xFFFFFFB0  }
0x92: {  	[bflag:$0x0] =	sbarrier.arrive $0xFFFF  }
0x93: {  	s18 =	rddreg [dreg:$0x8]  }
0x94: {  	s6 =	sadd.s32 $0x0, s18  }
0x95: {  	[tilespmem:s16], [sflag:$0x5] =	stream.linear.gather [hbm4b:s6+s8], $0x800, $0x38;
	[tilespmem:$0x1E3A0] =	vst v63  }
0x96: {  	_ =	swait.ge [sflag:s14], $0x800  }
0x97: {  	[sflag:s14] =	ssyncset.done $0x0  }
0x98: {  	s25 =	rddreg [dreg:$0x9];
	[sflag:s14] =	ssyncadd.s32 $0xFFFFF800  }
0x99: {  	[spmem:s2] =	stream.indirect.scatter.add.f32 [tilespmem:s25], [sflag:$0x5], $0x1, s16, s24, $0xb8;
	[tilespmem:$0x1E3A0] =	vst v63  }
0x9a: {  	_ =	swait.ge [sflag:s14], $0x80  }
0x9b: {  	s7 =	rddreg [dreg:$0xa];
	[sflag:s14] =	ssyncset.done $0x0  }
0x9c: {  	s12 =	rddreg [dreg:$0xb];
	[sflag:s14] =	ssyncadd.s32 $0xFFFFFF80  }
0x9d: {  	[spmem:s2] =	stream.indirect.scatter.add.f32 [tilespmem:s12], [sflag:$0x5], $0x1, s7, s24, $0xb8;
	[tilespmem:$0x1E3A0] =	vst v63  }
0x9e: {  	_ =	swait.ge [sflag:s14], $0x80  }
0x9f: {  	s18 =	rddreg [dreg:$0xc];
	[sflag:s14] =	ssyncset.done $0x0  }
0xa0: {  	s25 =	rddreg [dreg:$0xd];
	[sflag:s14] =	ssyncadd.s32 $0xFFFFFF80  }
0xa1: {  	[spmem:s2] =	stream.indirect.scatter.add.f32 [tilespmem:s25], [sflag:$0x5], $0x1, s18, s24, $0xb8;
	[tilespmem:$0x1E3A0] =	vst v63  }
0xa2: {  	_ =	swait.ge [sflag:s14], $0x80  }
0xa3: {  	s7 =	rddreg [dreg:$0xe];
	[sflag:s14] =	ssyncset.done $0x0  }
0xa4: {  	s12 =	rddreg [dreg:$0xf];
	[sflag:s14] =	ssyncadd.s32 $0xFFFFFF80  }
0xa5: {  	[spmem:s2] =	stream.indirect.scatter.add.f32 [tilespmem:s12], [sflag:$0x5], $0x1, s7, s24, $0xb8;
	[tilespmem:$0x1E3A0] =	vst v63  }
0xa6: {  	_ =	swait.ge [sflag:s14], $0x80  }
0xa7: {  	[sflag:s14] =	ssyncset.done $0x0  }
0xa8: {  	s28 =	simm.s32 $0x15320;
	s25 =	rddreg [dreg:$0x10];
	[sflag:s14] =	ssyncadd.s32 $0xFFFFFF80  }
0xa9: {  	[spmem:s2] =	stream.indirect.scatter.add.f32 [tilespmem:s28], [sflag:$0x5], $0x1, s25, s24, $0xb8;
	[tilespmem:$0x1E3A0] =	vst v63  }
0xaa: {  	_ =	swait.ge [sflag:s14], $0x80  }
0xab: {  	[sflag:s14] =	ssyncset.done $0x0  }
0xac: {  	s29 =	simm.s32 $0x15BA0;
	s30 =	simm.s32 $0x153A0;
	[sflag:s14] =	ssyncadd.s32 $0xFFFFFF80  }
0xad: {  	[spmem:s2] =	stream.indirect.scatter.add.f32 [tilespmem:s30], [sflag:$0x5], $0x1, s29, s24, $0xb8;
	[tilespmem:$0x1E3A0] =	vst v63  }
0xae: {  	_ =	swait.ge [sflag:s14], $0x80  }
0xaf: {  	[sflag:s14] =	ssyncset.done $0x0  }
0xb0: {  	s31 =	simm.s32 $0x15C20;
	s7 =	simm.s32 $0x15420;
	[sflag:s14] =	ssyncadd.s32 $0xFFFFFF80  }
0xb1: {  	[spmem:s2] =	stream.indirect.scatter.add.f32 [tilespmem:s7], [sflag:$0x5], $0x1, s31, s24, $0xb8;
	[tilespmem:$0x1E3A0] =	vst v63  }
0xb2: {  	_ =	swait.ge [sflag:s14], $0x80  }
0xb3: {  	[sflag:s14] =	ssyncset.done $0x0  }
0xb4: {  	s12 =	simm.s32 $0x15CA0;
	[sflag:s14] =	ssyncadd.s32 $0xFFFFFF80  }
0xb5: {  	[spmem:s2] =	stream.indirect.scatter.add.f32 [tilespmem:s17], [sflag:$0x5], $0x1, s12, s24, $0xb8;
	[tilespmem:$0x1E3A0] =	vst v63  }
0xb6: {  	_ =	swait.ge [sflag:s14], $0x80  }
0xb7: {  	[sflag:s14] =	ssyncset.done $0x0  }
0xb8: {  	[sflag:s14] =	ssyncadd.s32 $0xFFFFFF80  }
0xb9: {  	[spmem:s2] =	stream.indirect.scatter.add.f32 [tilespmem:s19], [sflag:$0x5], $0x1, s13, s24, $0xb8;
	[tilespmem:$0x1E3A0] =	vst v63  }
0xba: {  	_ =	swait.ge [sflag:s14], $0x80  }
0xbb: {  	[sflag:s14] =	ssyncset.done $0x0  }
0xbc: {  	[sflag:s14] =	ssyncadd.s32 $0xFFFFFF80  }
0xbd: {  	[spmem:s2] =	stream.indirect.scatter.add.f32 [tilespmem:s21], [sflag:$0x5], $0x1, s20, s24, $0xb8;
	[tilespmem:$0x1E3A0] =	vst v63  }
0xbe: {  	_ =	swait.ge [sflag:s14], $0x80  }
0xbf: {  	[sflag:s14] =	ssyncset.done $0x0  }
0xc0: {  	[sflag:s14] =	ssyncadd.s32 $0xFFFFFF80  }
0xc1: {  	[spmem:s2] =	stream.indirect.scatter.add.f32 [tilespmem:s23], [sflag:$0x5], $0x1, s22, s24, $0xb8;
	[tilespmem:$0x1E3A0] =	vst v63  }
0xc2: {  	_ =	swait.ge [sflag:s14], $0x80  }
0xc3: {  	[sflag:s14] =	ssyncset.done $0x0  }
0xc4: {  	[sflag:s14] =	ssyncadd.s32 $0xFFFFFF80  }
0xc5: {  	[spmem:s2] =	stream.indirect.scatter.add.f32 [tilespmem:s9], [sflag:$0x5], $0x1, s1, s24, $0xb8;
	[tilespmem:$0x1E3A0] =	vst v63  }
0xc6: {  	_ =	swait.ge [sflag:s14], $0x80  }
0xc7: {  	[sflag:s14] =	ssyncset.done $0x0  }
0xc8: {  	[sflag:s14] =	ssyncadd.s32 $0xFFFFFF80  }
0xc9: {  	[spmem:s2] =	stream.indirect.scatter.add.f32 [tilespmem:s0], [sflag:$0x5], $0x1, s3, s24, $0xb8;
	[tilespmem:$0x1E3A0] =	vst v63  }
0xca: {  	_ =	swait.ge [sflag:s14], $0x80  }
0xcb: {  	[sflag:s14] =	ssyncset.done $0x0  }
0xcc: {  	[sflag:s14] =	ssyncadd.s32 $0xFFFFFF80  }
0xcd: {  	[spmem:s2] =	stream.indirect.scatter.add.f32 [tilespmem:s5], [sflag:$0x5], $0x1, s4, s24, $0xb8;
	[tilespmem:$0x1E3A0] =	vst v63  }
0xce: {  	_ =	swait.ge [sflag:s14], $0x80  }
0xcf: {  	[sflag:s14] =	ssyncset.done $0x0  }
0xd0: {  	[sflag:s14] =	ssyncadd.s32 $0xFFFFFF80  }
0xd1: {  	[spmem:s2] =	stream.indirect.scatter.add.f32 [tilespmem:s15], [sflag:$0x5], $0x1, s26, s24, $0xb8;
	[tilespmem:$0x1E3A0] =	vst v63  }
0xd2: {  	_ =	swait.ge [sflag:s14], $0x80  }
0xd3: {  	[sflag:s14] =	ssyncset.done $0x0  }
0xd4: {  	s6 =	simm.s32 $0x100;
	[sflag:s14] =	ssyncadd.s32 $0xFFFFFF80  }
.LBB2_6:
0xd5: {  	[spmem:s2] =	stream.indirect.scatter.add.f32 [tilespmem:s11], [sflag:$0x5], $0x1, s10, s24, $0xb8;
	[tilespmem:$0x1E3A0] =	vst v63  }
0xd6: {  	_ =	swait.ge [sflag:s14], $0x80  }
0xd7: {  	s18 =	smov.u32 s6;
	s25 =	rddreg [dreg:$0x8];
	[sflag:s14] =	ssyncset.done $0x0  }
0xd8: {  	[sflag:s14] =	ssyncadd.s32 $0xFFFFFF80;
	s18 =	sadd.s32 s18, s25  }
0xd9: {  	[tilespmem:s16], [sflag:$0x5] =	stream.linear.gather [hbm4b:s18+s8], $0x800, $0x38;
	[tilespmem:$0x1E3A0] =	vst v63  }
0xda: {  	_ =	swait.ge [sflag:s14], $0x800  }
0xdb: {  	[sflag:s14] =	ssyncset.done $0x0  }
0xdc: {  	s25 =	rddreg [dreg:$0x9];
	[sflag:s14] =	ssyncadd.s32 $0xFFFFF800  }
0xdd: {  	[spmem:s2] =	stream.indirect.scatter.add.f32 [tilespmem:s25], [sflag:$0x5], $0x1, s16, s24, $0xb8;
	[tilespmem:$0x1E3A0] =	vst v63  }
0xde: {  	_ =	swait.ge [sflag:s14], $0x80  }
0xdf: {  	s18 =	rddreg [dreg:$0xa];
	[sflag:s14] =	ssyncset.done $0x0  }
0xe0: {  	s25 =	rddreg [dreg:$0xb];
	[sflag:s14] =	ssyncadd.s32 $0xFFFFFF80  }
0xe1: {  	[spmem:s2] =	stream.indirect.scatter.add.f32 [tilespmem:s25], [sflag:$0x5], $0x1, s18, s24, $0xb8;
	[tilespmem:$0x1E3A0] =	vst v63  }
0xe2: {  	_ =	swait.ge [sflag:s14], $0x80  }
0xe3: {  	[sflag:s14] =	ssyncset.done $0x0;
	s18 =	rddreg [dreg:$0xc]  }
0xe4: {  	s25 =	rddreg [dreg:$0xd];
	[sflag:s14] =	ssyncadd.s32 $0xFFFFFF80  }
0xe5: {  	[spmem:s2] =	stream.indirect.scatter.add.f32 [tilespmem:s25], [sflag:$0x5], $0x1, s18, s24, $0xb8;
	[tilespmem:$0x1E3A0] =	vst v63  }
0xe6: {  	_ =	swait.ge [sflag:s14], $0x80  }
0xe7: {  	[sflag:s14] =	ssyncset.done $0x0;
	s18 =	rddreg [dreg:$0xe]  }
0xe8: {  	s25 =	rddreg [dreg:$0xf];
	[sflag:s14] =	ssyncadd.s32 $0xFFFFFF80  }
0xe9: {  	[spmem:s2] =	stream.indirect.scatter.add.f32 [tilespmem:s25], [sflag:$0x5], $0x1, s18, s24, $0xb8;
	[tilespmem:$0x1E3A0] =	vst v63  }
0xea: {  	_ =	swait.ge [sflag:s14], $0x80  }
0xeb: {  	[sflag:s14] =	ssyncset.done $0x0  }
0xec: {  	s25 =	rddreg [dreg:$0x10];
	[sflag:s14] =	ssyncadd.s32 $0xFFFFFF80  }
0xed: {  	[spmem:s2] =	stream.indirect.scatter.add.f32 [tilespmem:s28], [sflag:$0x5], $0x1, s25, s24, $0xb8;
	[tilespmem:$0x1E3A0] =	vst v63  }
0xee: {  	_ =	swait.ge [sflag:s14], $0x80  }
0xef: {  	[sflag:s14] =	ssyncset.done $0x0  }
0xf0: {  	[sflag:s14] =	ssyncadd.s32 $0xFFFFFF80  }
0xf1: {  	[spmem:s2] =	stream.indirect.scatter.add.f32 [tilespmem:s30], [sflag:$0x5], $0x1, s29, s24, $0xb8;
	[tilespmem:$0x1E3A0] =	vst v63  }
0xf2: {  	_ =	swait.ge [sflag:s14], $0x80  }
0xf3: {  	[sflag:s14] =	ssyncset.done $0x0  }
0xf4: {  	[sflag:s14] =	ssyncadd.s32 $0xFFFFFF80  }
0xf5: {  	[spmem:s2] =	stream.indirect.scatter.add.f32 [tilespmem:s7], [sflag:$0x5], $0x1, s31, s24, $0xb8;
	[tilespmem:$0x1E3A0] =	vst v63  }
0xf6: {  	_ =	swait.ge [sflag:s14], $0x80  }
0xf7: {  	[sflag:s14] =	ssyncset.done $0x0  }
0xf8: {  	[sflag:s14] =	ssyncadd.s32 $0xFFFFFF80  }
0xf9: {  	[spmem:s2] =	stream.indirect.scatter.add.f32 [tilespmem:s17], [sflag:$0x5], $0x1, s12, s24, $0xb8;
	[tilespmem:$0x1E3A0] =	vst v63  }
0xfa: {  	_ =	swait.ge [sflag:s14], $0x80  }
0xfb: {  	[sflag:s14] =	ssyncset.done $0x0  }
0xfc: {  	[sflag:s14] =	ssyncadd.s32 $0xFFFFFF80  }
0xfd: {  	[spmem:s2] =	stream.indirect.scatter.add.f32 [tilespmem:s19], [sflag:$0x5], $0x1, s13, s24, $0xb8;
	[tilespmem:$0x1E3A0] =	vst v63  }
0xfe: {  	_ =	swait.ge [sflag:s14], $0x80  }
0xff: {  	[sflag:s14] =	ssyncset.done $0x0  }
0x100: {  	[sflag:s14] =	ssyncadd.s32 $0xFFFFFF80  }
0x101: {  	[spmem:s2] =	stream.indirect.scatter.add.f32 [tilespmem:s21], [sflag:$0x5], $0x1, s20, s24, $0xb8;
	[tilespmem:$0x1E3A0] =	vst v63  }
0x102: {  	_ =	swait.ge [sflag:s14], $0x80  }
0x103: {  	[sflag:s14] =	ssyncset.done $0x0  }
0x104: {  	[sflag:s14] =	ssyncadd.s32 $0xFFFFFF80  }
0x105: {  	[spmem:s2] =	stream.indirect.scatter.add.f32 [tilespmem:s23], [sflag:$0x5], $0x1, s22, s24, $0xb8;
	[tilespmem:$0x1E3A0] =	vst v63  }
0x106: {  	_ =	swait.ge [sflag:s14], $0x80  }
0x107: {  	[sflag:s14] =	ssyncset.done $0x0  }
0x108: {  	[sflag:s14] =	ssyncadd.s32 $0xFFFFFF80  }
0x109: {  	[spmem:s2] =	stream.indirect.scatter.add.f32 [tilespmem:s9], [sflag:$0x5], $0x1, s1, s24, $0xb8;
	[tilespmem:$0x1E3A0] =	vst v63  }
0x10a: {  	_ =	swait.ge [sflag:s14], $0x80  }
0x10b: {  	[sflag:s14] =	ssyncset.done $0x0  }
0x10c: {  	[sflag:s14] =	ssyncadd.s32 $0xFFFFFF80  }
0x10d: {  	[spmem:s2] =	stream.indirect.scatter.add.f32 [tilespmem:s0], [sflag:$0x5], $0x1, s3, s24, $0xb8;
	[tilespmem:$0x1E3A0] =	vst v63  }
0x10e: {  	_ =	swait.ge [sflag:s14], $0x80  }
0x10f: {  	[sflag:s14] =	ssyncset.done $0x0  }
0x110: {  	[sflag:s14] =	ssyncadd.s32 $0xFFFFFF80  }
0x111: {  	[spmem:s2] =	stream.indirect.scatter.add.f32 [tilespmem:s5], [sflag:$0x5], $0x1, s4, s24, $0xb8;
	[tilespmem:$0x1E3A0] =	vst v63  }
0x112: {  	_ =	swait.ge [sflag:s14], $0x80  }
0x113: {  	p0 =	sne.s32 s6, $0x900;
	[sflag:s14] =	ssyncset.done $0x0  }
.Ltmp2:
0x114: {  	[sflag:s14] =	ssyncadd.s32 $0xFFFFFF80;
	(pc) =	sbr.rel @p0 .LBB2_6-.Ltmp2, $4  }
0x115: {  	[spmem:s2] =	stream.indirect.scatter.add.f32 [tilespmem:s15], [sflag:$0x5], $0x1, s26, s24, $0xb8;
	[tilespmem:$0x1E3A0] =	vst v63  }
0x116: {  	_ =	swait.ge [sflag:s14], $0x80  }
0x117: {  	[sflag:s14] =	ssyncset.done $0x0  }
0x118: {  	s6 =	sadd.s32 $0x100, s6;
	[sflag:s14] =	ssyncadd.s32 $0xFFFFFF80  }
0x119: {  	[spmem:s2] =	stream.indirect.scatter.add.f32 [tilespmem:s11], [sflag:$0x5], $0x1, s10, s24, $0xb8;
	[tilespmem:$0x1E3A0] =	vst v63  }
0x11a: {  	_ =	swait.ge [sflag:s14], $0x80  }
0x11b: {  	[sflag:s14] =	ssyncset.done $0x0  }
0x11c: {  	[sflag:s14] =	ssyncadd.s32 $0xFFFFFF80  }
0x11d: {  	[bflag:$0x0] =	sbarrier.arrive $0xFFFF  }
0x11e: {  	s6 =	sld [smem:$0x7FB];
	_ =	sdelay $0x1  }
0x11f: {  	s18 =	simm.s32 $0x16120  }
0x120: {  	[tilespmem:s18], [sflag:$0x5] =	stream.linear.gather [spmem:s6], $0x280, $0x38;
	[tilespmem:$0x1E3A0] =	vst v63  }
0x121: {  	_ =	swait.ge [sflag:s14], $0x280  }
0x122: {  	[sflag:s14] =	ssyncset.done $0x0  }
0x123: {  	s31 =	simm.s32 $0x0;
	[sflag:s14] =	ssyncadd.s32 $0xFFFFFD80  }
0x124: {  	v2 =	vld [tilespmem:s31+$0x16120];
	_ =	sdelay $0x4  }
0x125: {  	v2 =	vmax.f32 v2, $1.000000000e+00  }
0x126: {  	v3 =	vshra.s32 v2, $0x1;
	v2 =	vmul.f32 $5.000000000e-01, v2  }
0x127: {  	v3 =	vsub.s32 $0x5F3759DF, v3  }
0x128: {  	v4 =	vmul.f32 v3, v2;
	_ =	sdelay $0x1  }
0x129: {  	v4 =	vmul.f32 v3, v4;
	_ =	sdelay $0x1  }
0x12a: {  	v4 =	vsub.f32 $1.500000000e+00, v4;
	_ =	sdelay $0x1  }
0x12b: {  	v3 =	vmul.f32 v3, v4;
	_ =	sdelay $0x1  }
0x12c: {  	v4 =	vmul.f32 v3, v2;
	_ =	sdelay $0x1  }
0x12d: {  	v4 =	vmul.f32 v4, v3;
	_ =	sdelay $0x1  }
0x12e: {  	v4 =	vsub.f32 $1.500000000e+00, v4;
	_ =	sdelay $0x1  }
0x12f: {  	v3 =	vmul.f32 v4, v3;
	_ =	sdelay $0x1  }
0x130: {  	v2 =	vmul.f32 v3, v2;
	_ =	sdelay $0x1  }
0x131: {  	v2 =	vmul.f32 v2, v3;
	_ =	sdelay $0x1  }
0x132: {  	v2 =	vsub.f32 $1.500000000e+00, v2;
	_ =	sdelay $0x1  }
0x133: {  	s28 =	rddreg [dreg:$0x11];
	v2 =	vmul.f32 v2, v3  }
0x134: {  	p0 =	sgt.u32 s28, $0x270F  }
0x135: {  	v2 =	vpsel p0, $0x0, v2  }
0x136: {  	s25 =	simm.s32 $0x80;
	s6 =	simm.s32 $0x10;
	s18 =	smov.u32 s28;
	[tilespmem:s31+$0x16120] =	vst v2  }
.LBB2_8:
0x137: {  	p0 =	sne.s32 s25, $0x9C0;
	v2 =	vld [tilespmem:s6+$0x16120];
	_ =	sdelay $0x4  }
0x138: {  	v2 =	vmax.f32 v2, $1.000000000e+00  }
0x139: {  	v3 =	vshra.s32 v2, $0x1;
	v2 =	vmul.f32 $5.000000000e-01, v2  }
0x13a: {  	v3 =	vsub.s32 $0x5F3759DF, v3  }
0x13b: {  	v4 =	vmul.f32 v3, v2;
	_ =	sdelay $0x1  }
0x13c: {  	v4 =	vmul.f32 v3, v4;
	_ =	sdelay $0x1  }
0x13d: {  	v4 =	vsub.f32 $1.500000000e+00, v4;
	_ =	sdelay $0x1  }
0x13e: {  	v3 =	vmul.f32 v3, v4;
	_ =	sdelay $0x1  }
0x13f: {  	v4 =	vmul.f32 v3, v2;
	_ =	sdelay $0x1  }
0x140: {  	v4 =	vmul.f32 v4, v3;
	_ =	sdelay $0x1  }
0x141: {  	v4 =	vsub.f32 $1.500000000e+00, v4;
	_ =	sdelay $0x1  }
0x142: {  	v3 =	vmul.f32 v4, v3;
	_ =	sdelay $0x1  }
0x143: {  	v2 =	vmul.f32 v3, v2;
	_ =	sdelay $0x1  }
0x144: {  	v2 =	vmul.f32 v2, v3;
	_ =	sdelay $0x1  }
0x145: {  	v2 =	vsub.f32 $1.500000000e+00, v2  }
.Ltmp3:
0x146: {  	(pc) =	sbr.rel @p0 .LBB2_8-.Ltmp3, $4  }
0x147: {  	s18 =	sadd.s32 $0x10, s18;
	v2 =	vmul.f32 v2, v3  }
0x148: {  	p1 =	sgt.u32 s18, $0x270F  }
0x149: {  	v2 =	vpsel p1, $0x0, v2  }
0x14a: {  	[tilespmem:s6+$0x16120] =	vst v2;
	s6 =	sshra.s32 s25, $0x2;
	s25 =	sadd.s32 $0x40, s25  }
0x14b: {  	v2 =	vld [tilespmem:s6+$0x16120];
	_ =	sdelay $0x4  }
0x14c: {  	v2 =	vmax.f32 v2, $1.000000000e+00  }
0x14d: {  	v3 =	vshra.s32 v2, $0x1;
	v2 =	vmul.f32 $5.000000000e-01, v2  }
0x14e: {  	v3 =	vsub.s32 $0x5F3759DF, v3  }
0x14f: {  	v4 =	vmul.f32 v3, v2;
	_ =	sdelay $0x1  }
0x150: {  	v4 =	vmul.f32 v3, v4;
	_ =	sdelay $0x1  }
0x151: {  	v4 =	vsub.f32 $1.500000000e+00, v4;
	_ =	sdelay $0x1  }
0x152: {  	v3 =	vmul.f32 v3, v4;
	_ =	sdelay $0x1  }
0x153: {  	v4 =	vmul.f32 v3, v2;
	_ =	sdelay $0x1  }
0x154: {  	v4 =	vmul.f32 v4, v3;
	_ =	sdelay $0x1  }
0x155: {  	v4 =	vsub.f32 $1.500000000e+00, v4;
	_ =	sdelay $0x1  }
0x156: {  	v3 =	vmul.f32 v4, v3;
	_ =	sdelay $0x1  }
0x157: {  	v2 =	vmul.f32 v3, v2;
	_ =	sdelay $0x1  }
0x158: {  	v2 =	vmul.f32 v2, v3;
	_ =	sdelay $0x1  }
0x159: {  	v2 =	vsub.f32 $1.500000000e+00, v2;
	_ =	sdelay $0x1  }
0x15a: {  	s18 =	sadd.s32 $0x10, s18;
	v2 =	vmul.f32 v2, v3  }
0x15b: {  	s7 =	sld [smem:$0x7FD];
	p0 =	sgt.u32 s18, $0x270F  }
0x15c: {  	v2 =	vpsel p0, $0x0, v2  }
0x15d: {  	s12 =	simm.s32 $0x16120;
	[tilespmem:s6+$0x16120] =	vst v2  }
0x15e: {  	[spmem:s7] =	stream.linear.scatter [tilespmem:s12], [sflag:$0x5], $0x280, $0x38;
	[tilespmem:$0x1E3A0] =	vst v63  }
0x15f: {  	_ =	swait.ge [sflag:s14], $0x280  }
0x160: {  	[sflag:s14] =	ssyncset.done $0x0  }
0x161: {  	[sflag:s14] =	ssyncadd.s32 $0xFFFFFD80  }
0x162: {  	[bflag:$0x0] =	sbarrier.arrive $0xFFFF  }
0x163: {  	s18 =	sld [smem:$0x7F4];
	_ =	sdelay $0x1  }
0x164: {  	s30 =	simm.s32 $0x0;
	s7 =	simm.s32 $0x14A00  }
0x165: {  	[tilespmem:s7], [sflag:$0x5] =	stream.linear.gather [hbm4b:s18+s30], $0x80, $0x38;
	[tilespmem:$0x1E3A0] =	vst v63  }
0x166: {  	_ =	swait.ge [sflag:s14], $0x80  }
0x167: {  	s25 =	sld [smem:$0x7F5]  }
0x168: {  	[sflag:s14] =	ssyncset.done $0x0  }
0x169: {  	s12 =	simm.s32 $0x14B00;
	[sflag:s14] =	ssyncadd.s32 $0xFFFFFF80  }
0x16a: {  	[tilespmem:s12], [sflag:$0x5] =	stream.linear.gather [hbm4b:s25+s30], $0x80, $0x38;
	[tilespmem:$0x1E3A0] =	vst v63  }
0x16b: {  	_ =	swait.ge [sflag:s14], $0x80  }
0x16c: {  	[sflag:s14] =	ssyncset.done $0x0  }
0x16d: {  	[sflag:s14] =	ssyncadd.s32 $0xFFFFFF80  }
0x16e: {  	s31 =	simm.s32 $0x163A0;
	s28 =	rddreg [dreg:$0x0]  }
0x16f: {  	[tilespmem:s31], [sflag:$0x1] =	stream.indirect.gather [hbm4b:s28+s24], $0x40, s7, s24, $0xb8;
	[tilespmem:$0x1E3A0] =	vst v63  }
0x170: {  	s18 =	simm.s32 $0x14D20;
	s29 =	rddreg [dreg:$0x4]  }
0x171: {  	[tilespmem:s18], [sflag:$0x3] =	stream.indirect.gather [spmem:s29], $0x1, s12, s24, $0xb8;
	[tilespmem:$0x1E3A0] =	vst v63  }
0x172: {  	s25 =	rddreg [dreg:$0x5];
	s31 =	simm.s32 $0x14E20  }
0x173: {  	[tilespmem:s31], [sflag:$0x3] =	stream.indirect.gather [spmem:s25], $0x1, s7, s24, $0xb8;
	[tilespmem:$0x1E3A0] =	vst v63  }
0x174: {  	s6 =	rddreg [dreg:$0x6];
	s25 =	simm.s32 $0x14F20  }
0x175: {  	[tilespmem:s25], [sflag:$0x3] =	stream.indirect.gather [spmem:s6], $0x1, s12, s24, $0xb8;
	[tilespmem:$0x1E3A0] =	vst v63  }
0x176: {  	s31 =	simm.s32 $0x15020;
	s25 =	simm.s32 $0x14B80  }
0x177: {  	[tilespmem:s31], [sflag:$0x3] =	stream.indirect.gather [spmem:s6], $0x1, s7, s24, $0xb8;
	[tilespmem:$0x1E3A0] =	vst v63  }
.LBB2_10:
0x178: {  	s18 =	sld [smem:$0x7F7];
	_ =	sdelay $0x1  }
0x179: {  	s6 =	sshllo.u32 s30, $0x1  }
0x17a: {  	p0 =	slt.s32 s6, s18  }
0x17b: {  	s12 =	rddreg [dreg:$0x13];
	s18 =	smov.u32 @p0 s6  }
0x17c: {  	s6 =	sadd.s32 s12, s18  }
0x17d: {  	s6 =	sshll.u32 s6, $0x4  }
0x17e: {  	s7 =	rddreg [dreg:$0x1a];
	s6 =	sand.u32 $0x1FFFFFF0, s6  }
0x17f: {  	s18 =	sadd.s32 s7, s6;
	s7 =	simm.s32 $0x14A80  }
0x180: {  	[tilespmem:s7], [sflag:$0x5] =	stream.linear.gather [hbm4b:s18+s8], $0x80, $0x38;
	[tilespmem:$0x1E3A0] =	vst v63  }
0x181: {  	_ =	swait.ge [sflag:s14], $0x80  }
0x182: {  	[sflag:s14] =	ssyncset.done $0x0;
	s12 =	rddreg [dreg:$0x12]  }
0x183: {  	[sflag:s14] =	ssyncadd.s32 $0xFFFFFF80;
	s6 =	sadd.s32 s12, s6  }
0x184: {  	[tilespmem:s25], [sflag:$0x5] =	stream.linear.gather [hbm4b:s6+s8], $0x80, $0x38;
	[tilespmem:$0x1E3A0] =	vst v63  }
0x185: {  	_ =	swait.ge [sflag:s14], $0x80  }
0x186: {  	[sflag:s14] =	ssyncset.done $0x0  }
0x187: {  	s18 =	simm.s32 $0x183A0;
	[sflag:s14] =	ssyncadd.s32 $0xFFFFFF80  }
0x188: {  	[tilespmem:s18], [sflag:$0x2] =	stream.indirect.gather [hbm4b:s28+s24], $0x40, s7, s24, $0xb8;
	[tilespmem:$0x1E3A0] =	vst v63  }
0x189: {  	s12 =	simm.s32 $0x14DA0  }
0x18a: {  	[tilespmem:s12], [sflag:$0x4] =	stream.indirect.gather [spmem:s29], $0x1, s25, s24, $0xb8;
	[tilespmem:$0x1E3A0] =	vst v63  }
0x18b: {  	s18 =	rddreg [dreg:$0x5];
	s12 =	simm.s32 $0x14EA0  }
0x18c: {  	[tilespmem:s12], [sflag:$0x4] =	stream.indirect.gather [spmem:s18], $0x1, s7, s24, $0xb8;
	[tilespmem:$0x1E3A0] =	vst v63  }
0x18d: {  	s6 =	rddreg [dreg:$0x6];
	s18 =	simm.s32 $0x14FA0  }
0x18e: {  	[tilespmem:s18], [sflag:$0x4] =	stream.indirect.gather [spmem:s6], $0x1, s25, s24, $0xb8;
	[tilespmem:$0x1E3A0] =	vst v63  }
0x18f: {  	s12 =	simm.s32 $0x3;
	s25 =	simm.s32 $0x150A0  }
0x190: {  	[tilespmem:s25], [sflag:$0x4] =	stream.indirect.gather [spmem:s6], $0x1, s7, s24, $0xb8;
	[tilespmem:$0x1E3A0] =	vst v63  }
0x191: {  	_ =	swait.ge [sflag:s12], $0x80  }
0x192: {  	[sflag:s12] =	ssyncset.done $0x0  }
0x193: {  	[sflag:s12] =	ssyncadd.s32 $0xFFFFFF80  }
0x194: {  	_ =	swait.ge [sflag:s12], $0x80  }
0x195: {  	[sflag:s12] =	ssyncset.done $0x0  }
0x196: {  	[sflag:s12] =	ssyncadd.s32 $0xFFFFFF80  }
0x197: {  	_ =	swait.ge [sflag:s12], $0x80  }
0x198: {  	[sflag:s12] =	ssyncset.done $0x0  }
0x199: {  	[sflag:s12] =	ssyncadd.s32 $0xFFFFFF80  }
0x19a: {  	_ =	swait.ge [sflag:s12], $0x80  }
0x19b: {  	[sflag:s12] =	ssyncset.done $0x0  }
0x19c: {  	[sflag:s12] =	ssyncadd.s32 $0xFFFFFF80  }
0x19d: {  	v2 =	vld [tilespmem:$0x14D20]  }
0x19e: {  	v3 =	vld [tilespmem:$0x14E20];
	_ =	sdelay $0x4  }
0x19f: {  	v2 =	vadd.f32 v3, v2;
	_ =	sdelay $0x1  }
0x1a0: {  	v3 =	vand.u32 $0x7FFFFFFF, v2  }
0x1a1: {  	v3 =	vmul.f32 $-2.000000000e+00, v3;
	_ =	sdelay $0x1  }
0x1a2: {  	v3 =	vmul.f32 $1.442695020e+00, v3;
	_ =	sdelay $0x1  }
0x1a3: {  	v4 =	vld [tilespmem:$0x14E30];
	(erf) = vpow2.f32 v3  }
0x1a4: {  	v3 =	vld [tilespmem:$0x14D30];
	_ =	sdelay $0x4  }
0x1a5: {  	v3 =	vadd.f32 v4, v3;
	_ =	sdelay $0x1  }
0x1a6: {  	v4 =	vand.u32 $0x7FFFFFFF, v3  }
0x1a7: {  	v4 =	vmul.f32 $-2.000000000e+00, v4;
	v5 =	vpop (erf)  }
0x1a8: {  	v6 =	vadd.f32 $1.000000000e+00, v5  }
0x1a9: {  	v4 =	vmul.f32 $1.442695020e+00, v4  }
0x1aa: {  	(erf) = vrcp.f32 v6  }
0x1ab: {  	v6 =	vld [tilespmem:$0x14E40];
	(erf) = vpow2.f32 v4  }
0x1ac: {  	v4 =	vld [tilespmem:$0x14D40];
	_ =	sdelay $0x4  }
0x1ad: {  	v4 =	vadd.f32 v6, v4;
	_ =	sdelay $0x1  }
0x1ae: {  	v7 =	vand.u32 $0x7FFFFFFF, v4;
	v6 =	vpop (erf)  }
0x1af: {  	v7 =	vmul.f32 $-2.000000000e+00, v7;
	v8 =	vpop (erf)  }
0x1b0: {  	v9 =	vadd.f32 $1.000000000e+00, v8  }
0x1b1: {  	v7 =	vmul.f32 $1.442695020e+00, v7  }
0x1b2: {  	(erf) = vrcp.f32 v9  }
0x1b3: {  	v9 =	vld [tilespmem:$0x14E50];
	(erf) = vpow2.f32 v7  }
0x1b4: {  	v7 =	vld [tilespmem:$0x14D50];
	_ =	sdelay $0x4  }
0x1b5: {  	v7 =	vadd.f32 v9, v7;
	_ =	sdelay $0x1  }
0x1b6: {  	v10 =	vand.u32 $0x7FFFFFFF, v7;
	v9 =	vpop (erf)  }
0x1b7: {  	v10 =	vmul.f32 $-2.000000000e+00, v10;
	v11 =	vpop (erf)  }
0x1b8: {  	v12 =	vadd.f32 $1.000000000e+00, v11  }
0x1b9: {  	v10 =	vmul.f32 $1.442695020e+00, v10  }
0x1ba: {  	(erf) = vrcp.f32 v12  }
0x1bb: {  	v12 =	vld [tilespmem:$0x14E60];
	(erf) = vpow2.f32 v10  }
0x1bc: {  	v10 =	vld [tilespmem:$0x14D60];
	_ =	sdelay $0x4  }
0x1bd: {  	v10 =	vadd.f32 v12, v10;
	_ =	sdelay $0x1  }
0x1be: {  	v13 =	vand.u32 $0x7FFFFFFF, v10;
	v12 =	vpop (erf)  }
0x1bf: {  	v13 =	vmul.f32 $-2.000000000e+00, v13;
	v14 =	vpop (erf)  }
0x1c0: {  	v15 =	vadd.f32 $1.000000000e+00, v14  }
0x1c1: {  	v13 =	vmul.f32 $1.442695020e+00, v13  }
0x1c2: {  	(erf) = vrcp.f32 v15  }
0x1c3: {  	v15 =	vld [tilespmem:$0x14E70];
	(erf) = vpow2.f32 v13  }
0x1c4: {  	v13 =	vld [tilespmem:$0x14D70];
	_ =	sdelay $0x4  }
0x1c5: {  	v13 =	vadd.f32 v15, v13;
	_ =	sdelay $0x1  }
0x1c6: {  	v16 =	vand.u32 $0x7FFFFFFF, v13;
	v15 =	vpop (erf)  }
0x1c7: {  	v16 =	vmul.f32 $-2.000000000e+00, v16;
	v17 =	vpop (erf)  }
0x1c8: {  	v18 =	vadd.f32 $1.000000000e+00, v17  }
0x1c9: {  	v16 =	vmul.f32 $1.442695020e+00, v16  }
0x1ca: {  	(erf) = vrcp.f32 v18  }
0x1cb: {  	v49 =	vld [tilespmem:$0x14D80];
	(erf) = vpow2.f32 v16  }
0x1cc: {  	v50 =	vld [tilespmem:$0x14E80];
	_ =	sdelay $0x4  }
0x1cd: {  	v16 =	vadd.f32 v50, v49;
	_ =	sdelay $0x1  }
0x1ce: {  	v19 =	vand.u32 $0x7FFFFFFF, v16;
	v51 =	vpop (erf)  }
0x1cf: {  	v19 =	vmul.f32 $-2.000000000e+00, v19;
	v20 =	vpop (erf)  }
0x1d0: {  	v21 =	vadd.f32 $1.000000000e+00, v20  }
0x1d1: {  	v19 =	vmul.f32 $1.442695020e+00, v19  }
0x1d2: {  	(erf) = vrcp.f32 v21  }
0x1d3: {  	v52 =	vld [tilespmem:$0x14D90];
	(erf) = vpow2.f32 v19  }
0x1d4: {  	v53 =	vld [tilespmem:$0x14E90];
	_ =	sdelay $0x4  }
0x1d5: {  	v19 =	vadd.f32 v53, v52;
	_ =	sdelay $0x1  }
0x1d6: {  	v22 =	vand.u32 $0x7FFFFFFF, v19;
	v54 =	vpop (erf)  }
0x1d7: {  	v22 =	vmul.f32 $-2.000000000e+00, v22;
	v23 =	vpop (erf)  }
0x1d8: {  	v24 =	vadd.f32 $1.000000000e+00, v23  }
0x1d9: {  	v22 =	vmul.f32 $1.442695020e+00, v22  }
0x1da: {  	(erf) = vrcp.f32 v24  }
0x1db: {  	(erf) = vpow2.f32 v22;
	_ =	sdelay $0x4  }
0x1dc: {  	v5 =	vsub.f32 $1.000000000e+00, v5;
	_ =	sdelay $0x1  }
0x1dd: {  	v5 =	vmul.f32 v6, v5  }
0x1de: {  	v55 =	vld [tilespmem:$0x14F20];
	v8 =	vsub.f32 $1.000000000e+00, v8;
	v6 =	vpop (erf)  }
0x1df: {  	v25 =	vld [tilespmem:$0x15020];
	v56 =	vsub.f32 $0.0e+00, v5;
	v11 =	vsub.f32 $1.000000000e+00, v11;
	v26 =	vpop (erf)  }
0x1e0: {  	vm0 =	vlt.f32 v2, $0.0e+00;
	v2 =	vmul.f32 v9, v8;
	v8 =	vld [tilespmem:$0x14F30];
	v9 =	vadd.f32 $1.000000000e+00, v26  }
0x1e1: {  	v57 =	vld [tilespmem:$0x15030];
	v5 =	vsel vm0, v56, v5;
	v11 =	vmul.f32 v12, v11  }
0x1e2: {  	v12 =	vsub.f32 $0.0e+00, v2;
	v14 =	vsub.f32 $1.000000000e+00, v14;
	(erf) = vrcp.f32 v9;
	v9 =	vld [tilespmem:$0x14F40]  }
0x1e3: {  	vm9 =	vlt.f32 v3, $0.0e+00;
	v3 =	vld [tilespmem:$0x15040];
	vm10 =	vlt.f32 v4, $0.0e+00;
	v5 =	vmul.f32 v5, v55  }
0x1e4: {  	v2 =	vsel vm9, v12, v2;
	v12 =	vsub.f32 $0.0e+00, v11;
	v14 =	vmul.f32 v15, v14;
	v15 =	vld [tilespmem:$0x14F50]  }
0x1e5: {  	v5 =	vmul.f32 v5, v25;
	vm11 =	vlt.f32 v7, $0.0e+00;
	v2 =	vmul.f32 v2, v8  }
0x1e6: {  	v4 =	vsel vm10, v12, v11;
	v11 =	vld [tilespmem:$0x15050];
	v12 =	vsub.f32 $1.000000000e+00, v17;
	v8 =	vsub.f32 $0.0e+00, v14  }
0x1e7: {  	v59 =	vld [tilespmem:$0x15070];
	vm12 =	vlt.f32 v10, $0.0e+00;
	v2 =	vmul.f32 v2, v57;
	v4 =	vmul.f32 v4, v9  }
0x1e8: {  	v7 =	vld [tilespmem:$0x14F60];
	v8 =	vsel vm11, v8, v14;
	v14 =	vsub.f32 $1.000000000e+00, v20;
	v9 =	vmul.f32 v51, v12  }
0x1e9: {  	v10 =	vld [tilespmem:$0x14F80];
	v3 =	vmul.f32 v4, v3;
	v4 =	vmul.f32 v8, v15;
	v15 =	vsub.f32 $1.000000000e+00, v23  }
0x1ea: {  	v14 =	vmul.f32 v54, v14;
	v60 =	vsub.f32 $1.000000000e+00, v26;
	v8 =	vld [tilespmem:$0x14F70];
	v58 =	vsub.f32 $0.0e+00, v9  }
0x1eb: {  	v12 =	vld [tilespmem:$0x15060];
	v4 =	vmul.f32 v4, v11;
	v6 =	vmul.f32 v6, v15;
	v11 =	vpop (erf)  }
0x1ec: {  	v61 =	vld [tilespmem:$0x14F90];
	v9 =	vsel vm12, v58, v9;
	v15 =	vsub.f32 $0.0e+00, v14;
	v11 =	vmul.f32 v11, v60  }
0x1ed: {  	vm13 =	vlt.f32 v13, $0.0e+00;
	v13 =	vld [tilespmem:$0x15080];
	v7 =	vmul.f32 v9, v7;
	v9 =	vsub.f32 $0.0e+00, v6  }
0x1ee: {  	[tilespmem:$0x14C00] =	vst v5;
	vm14 =	vlt.f32 v16, $0.0e+00;
	v5 =	vsel vm13, v15, v14;
	v15 =	vld [tilespmem:$0x15090];
	v14 =	vsub.f32 $0.0e+00, v11  }
0x1ef: {  	[tilespmem:$0x14C10] =	vst v2;
	vm15 =	vlt.f32 v19, $0.0e+00;
	v2 =	vmul.f32 v5, v8;
	v5 =	vsel vm14, v9, v6  }
0x1f0: {  	[tilespmem:$0x14C20] =	vst v3;
	v3 =	vmul.f32 v7, v12;
	v5 =	vmul.f32 v5, v10;
	v6 =	vsel vm15, v14, v11  }
0x1f1: {  	[tilespmem:$0x14C30] =	vst v4;
	v2 =	vmul.f32 v2, v59;
	v4 =	vmul.f32 v6, v61  }
0x1f2: {  	[tilespmem:$0x14C40] =	vst v3;
	v3 =	vmul.f32 v5, v13  }
0x1f3: {  	[tilespmem:$0x14C50] =	vst v2;
	v2 =	vmul.f32 v4, v15  }
0x1f4: {  	[tilespmem:$0x14C60] =	vst v3  }
0x1f5: {  	s18 =	simm.s32 $0x1;
	[tilespmem:$0x14C70] =	vst v2  }
0x1f6: {  	_ =	swait.ge [sflag:s18], $0x2000  }
0x1f7: {  	[sflag:s18] =	ssyncset.done $0x0  }
0x1f8: {  	s29 =	simm.s32 $0x16420;
	[sflag:s18] =	ssyncadd.s32 $0xFFFFE000  }
0x1f9: {  	s25 =	simm.s32 $0x14C02;
	v2 =	vld [tilespmem:s29+$0x40]  }
0x1fa: {  	v5 =	vld.msk [tilespmem:s25+$0x1 ss:$0x0], $0xffff  }
0x1fb: {  	v3 =	vld [tilespmem:s29+$0xFFFFFF80]  }
0x1fc: {  	v8 =	vld.msk [tilespmem:s25+$0xFFFFFFFE ss:$0x0], $0xffff  }
0x1fd: {  	v4 =	vld [tilespmem:s29+$0xFFFFFFC0]  }
0x1fe: {  	v6 =	vld.msk [tilespmem:s25+$0xFFFFFFFF ss:$0x0], $0xffff;
	v7 =	vunpack.i.l.bf16.f32 v2  }
0x1ff: {  	v9 =	vld [tilespmem:s29+$0x0];
	v2 =	vunpack.i.u.bf16.f32 v2;
	v10 =	vmul.f32 v7, v5  }
0x200: {  	s6 =	simm.s32 $0x1A4A0;
	v11 =	vunpack.i.l.bf16.f32 v3;
	v7 =	vld.msk [tilespmem:s25+$0x0 ss:$0x0], $0xffff;
	v2 =	vmul.f32 v2, v5  }
0x201: {  	v3 =	vunpack.i.u.bf16.f32 v3;
	[tilespmem:s6+$0x80] =	vst v10;
	v10 =	vmul.f32 v11, v8  }
0x202: {  	v11 =	vunpack.i.l.bf16.f32 v4;
	[tilespmem:s6+$0x90] =	vst v2;
	v2 =	vmul.f32 v3, v8  }
0x203: {  	v3 =	vunpack.i.u.bf16.f32 v4;
	v4 =	vld [tilespmem:s29+$0x50];
	v11 =	vmul.f32 v11, v6;
	[tilespmem:s6+$0xFFFFFF00] =	vst v10  }
0x204: {  	v3 =	vmul.f32 v3, v6;
	v10 =	vunpack.i.l.bf16.f32 v9;
	[tilespmem:s6+$0xFFFFFF10] =	vst v2  }
0x205: {  	v2 =	vunpack.i.u.bf16.f32 v9;
	v9 =	vmul.f32 v10, v7;
	v10 =	vld [tilespmem:s29+$0xFFFFFF90];
	[tilespmem:s6+$0xFFFFFF80] =	vst v11  }
0x206: {  	v2 =	vmul.f32 v2, v7;
	[tilespmem:s6+$0xFFFFFF90] =	vst v3  }
0x207: {  	v3 =	vld [tilespmem:s29+$0xFFFFFFD0];
	[tilespmem:s6+$0x0] =	vst v9  }
0x208: {  	[tilespmem:s6+$0x10] =	vst v2;
	v9 =	vunpack.i.l.bf16.f32 v4  }
0x209: {  	v2 =	vunpack.i.u.bf16.f32 v4;
	v4 =	vmul.f32 v9, v5;
	v9 =	vld [tilespmem:s29+$0x10]  }
0x20a: {  	v2 =	vmul.f32 v2, v5;
	v11 =	vunpack.i.l.bf16.f32 v10  }
0x20b: {  	[tilespmem:s6+$0xA0] =	vst v4;
	v4 =	vunpack.i.u.bf16.f32 v10;
	v10 =	vmul.f32 v11, v8  }
0x20c: {  	[tilespmem:s6+$0xB0] =	vst v2;
	v2 =	vmul.f32 v4, v8;
	v4 =	vunpack.i.l.bf16.f32 v3  }
0x20d: {  	v11 =	vld [tilespmem:s29+$0x60];
	v3 =	vunpack.i.u.bf16.f32 v3;
	[tilespmem:s6+$0xFFFFFF20] =	vst v10;
	v4 =	vmul.f32 v4, v6  }
0x20e: {  	v3 =	vmul.f32 v3, v6;
	[tilespmem:s6+$0xFFFFFF30] =	vst v2;
	v2 =	vunpack.i.l.bf16.f32 v9  }
0x20f: {  	v9 =	vunpack.i.u.bf16.f32 v9;
	v10 =	vld [tilespmem:s29+$0xFFFFFFA0];
	[tilespmem:s6+$0xFFFFFFA0] =	vst v4;
	v2 =	vmul.f32 v2, v7  }
0x210: {  	v4 =	vmul.f32 v9, v7;
	[tilespmem:s6+$0xFFFFFFB0] =	vst v3  }
0x211: {  	v3 =	vld [tilespmem:s29+$0xFFFFFFE0];
	[tilespmem:s6+$0x20] =	vst v2  }
0x212: {  	v2 =	vunpack.i.l.bf16.f32 v11;
	[tilespmem:s6+$0x30] =	vst v4  }
0x213: {  	v4 =	vunpack.i.u.bf16.f32 v11;
	v2 =	vmul.f32 v2, v5;
	v9 =	vld [tilespmem:s29+$0x20]  }
0x214: {  	s18 =	simm.s32 $0x16520;
	v4 =	vmul.f32 v4, v5;
	v11 =	vunpack.i.l.bf16.f32 v10  }
0x215: {  	s25 =	simm.s32 $0x14C06;
	[tilespmem:s6+$0xC0] =	vst v2;
	v2 =	vunpack.i.u.bf16.f32 v10;
	v10 =	vmul.f32 v11, v8;
	v11 =	vld [tilespmem:s18+$0x40]  }
0x216: {  	[tilespmem:s6+$0xD0] =	vst v4;
	v4 =	vld.msk [tilespmem:s25+$0x1 ss:$0x0], $0xffff;
	v2 =	vmul.f32 v2, v8;
	v12 =	vunpack.i.l.bf16.f32 v3  }
0x217: {  	v13 =	vld [tilespmem:s29+$0x70];
	v3 =	vunpack.i.u.bf16.f32 v3;
	[tilespmem:s6+$0xFFFFFF40] =	vst v10;
	v10 =	vmul.f32 v12, v6  }
0x218: {  	v3 =	vmul.f32 v3, v6;
	[tilespmem:s6+$0xFFFFFF50] =	vst v2;
	v2 =	vunpack.i.l.bf16.f32 v9  }
0x219: {  	v9 =	vunpack.i.u.bf16.f32 v9;
	v12 =	vld [tilespmem:s18+$0xFFFFFF80];
	[tilespmem:s6+$0xFFFFFFC0] =	vst v10;
	v10 =	vmul.f32 v2, v7  }
0x21a: {  	v9 =	vmul.f32 v9, v7;
	[tilespmem:s6+$0xFFFFFFD0] =	vst v3;
	v2 =	vld.msk [tilespmem:s25+$0xFFFFFFFE ss:$0x0], $0xffff;
	v3 =	vunpack.i.l.bf16.f32 v11  }
0x21b: {  	v14 =	vld [tilespmem:s18+$0xFFFFFFC0];
	[tilespmem:s6+$0x40] =	vst v10;
	v10 =	vunpack.i.u.bf16.f32 v11;
	v11 =	vmul.f32 v3, v4  }
0x21c: {  	s28 =	simm.s32 $0x1A6A0;
	v15 =	vunpack.i.u.bf16.f32 v13;
	[tilespmem:s6+$0x50] =	vst v9;
	v3 =	vld.msk [tilespmem:s25+$0xFFFFFFFF ss:$0x0], $0xffff;
	v9 =	vmul.f32 v10, v4  }
0x21d: {  	v13 =	vunpack.i.l.bf16.f32 v13;
	v15 =	vmul.f32 v15, v5;
	v10 =	vld [tilespmem:s18+$0x0];
	[tilespmem:s28+$0x80] =	vst v11  }
0x21e: {  	v11 =	vmul.f32 v13, v5;
	v5 =	vld.msk [tilespmem:s25+$0x0 ss:$0x0], $0xffff;
	v13 =	vunpack.i.l.bf16.f32 v12;
	[tilespmem:s28+$0x90] =	vst v9  }
0x21f: {  	[tilespmem:s6+$0xF0] =	vst v15;
	v9 =	vunpack.i.u.bf16.f32 v12;
	v12 =	vmul.f32 v13, v2;
	v13 =	vld [tilespmem:s18+$0x50]  }
0x220: {  	v15 =	vunpack.i.l.bf16.f32 v14;
	v9 =	vmul.f32 v9, v2;
	[tilespmem:s6+$0xE0] =	vst v11  }
0x221: {  	v11 =	vunpack.i.u.bf16.f32 v14;
	v14 =	vld [tilespmem:s29+$0xFFFFFFB0];
	v15 =	vmul.f32 v15, v3;
	[tilespmem:s28+$0xFFFFFF00] =	vst v12  }
0x222: {  	v11 =	vmul.f32 v11, v3;
	v12 =	vunpack.i.l.bf16.f32 v10;
	[tilespmem:s28+$0xFFFFFF10] =	vst v9  }
0x223: {  	v9 =	vunpack.i.u.bf16.f32 v10;
	v10 =	vmul.f32 v12, v5;
	v12 =	vld [tilespmem:s18+$0xFFFFFF90];
	[tilespmem:s28+$0xFFFFFF80] =	vst v15  }
0x224: {  	v9 =	vmul.f32 v9, v5;
	[tilespmem:s28+$0xFFFFFF90] =	vst v11;
	v11 =	vunpack.i.l.bf16.f32 v13  }
0x225: {  	v15 =	vld [tilespmem:s18+$0xFFFFFFD0];
	[tilespmem:s28+$0x0] =	vst v10;
	v10 =	vunpack.i.u.bf16.f32 v13;
	v11 =	vmul.f32 v11, v4  }
0x226: {  	v13 =	vunpack.i.l.bf16.f32 v14;
	[tilespmem:s28+$0x10] =	vst v9;
	v9 =	vmul.f32 v10, v4  }
0x227: {  	v10 =	vunpack.i.u.bf16.f32 v14;
	v13 =	vmul.f32 v13, v8;
	v14 =	vld [tilespmem:s18+$0x10];
	[tilespmem:s28+$0xA0] =	vst v11  }
0x228: {  	v8 =	vmul.f32 v10, v8;
	v10 =	vunpack.i.l.bf16.f32 v12;
	[tilespmem:s28+$0xB0] =	vst v9  }
0x229: {  	v9 =	vunpack.i.u.bf16.f32 v12;
	[tilespmem:s6+$0xFFFFFF60] =	vst v13;
	v10 =	vmul.f32 v10, v2;
	v12 =	vld [tilespmem:s18+$0x60]  }
0x22a: {  	v9 =	vmul.f32 v9, v2;
	v13 =	vunpack.i.l.bf16.f32 v15;
	[tilespmem:s6+$0xFFFFFF70] =	vst v8  }
0x22b: {  	v11 =	vld [tilespmem:s29+$0xFFFFFFF0];
	v15 =	vunpack.i.u.bf16.f32 v15;
	[tilespmem:s28+$0xFFFFFF20] =	vst v10;
	v10 =	vmul.f32 v13, v3  }
0x22c: {  	v13 =	vmul.f32 v15, v3;
	[tilespmem:s28+$0xFFFFFF30] =	vst v9;
	v9 =	vunpack.i.l.bf16.f32 v14  }
0x22d: {  	v8 =	vld [tilespmem:s29+$0x30];
	v14 =	vunpack.i.u.bf16.f32 v14;
	v9 =	vmul.f32 v9, v5;
	[tilespmem:s28+$0xFFFFFFA0] =	vst v10  }
0x22e: {  	v14 =	vmul.f32 v14, v5;
	[tilespmem:s28+$0xFFFFFFB0] =	vst v13;
	v13 =	vunpack.i.l.bf16.f32 v12  }
0x22f: {  	v15 =	vld [tilespmem:s18+$0xFFFFFFA0];
	[tilespmem:s28+$0x20] =	vst v9;
	v9 =	vunpack.i.u.bf16.f32 v12;
	v12 =	vmul.f32 v13, v4  }
0x230: {  	v10 =	vunpack.i.u.bf16.f32 v11;
	v11 =	vunpack.i.l.bf16.f32 v11;
	[tilespmem:s28+$0x30] =	vst v14  }
0x231: {  	v62 =	vmul.f32 v11, v6;
	v11 =	vld [tilespmem:s18+$0xFFFFFFE0];
	[tilespmem:s28+$0xC0] =	vst v12  }
0x232: {  	v63 =	vunpack.i.u.bf16.f32 v8;
	v14 =	vmul.f32 v9, v4;
	[smem:$0x7F1] =	sst s30  }
0x233: {  	v13 =	vunpack.i.l.bf16.f32 v8;
	v9 =	vmul.f32 v10, v6;
	v6 =	vmul.f32 v63, v7;
	v10 =	vld [tilespmem:s18+$0x20]  }
0x234: {  	s31 =	simm.s32 $0x16620;
	v8 =	vmul.f32 v13, v7;
	v7 =	vunpack.i.u.bf16.f32 v15;
	v12 =	vunpack.i.l.bf16.f32 v15;
	[tilespmem:s28+$0xD0] =	vst v14  }
0x235: {  	s7 =	sshll.u32 s30, $0x1;
	s29 =	simm.s32 $0x1A6A0;
	s30 =	simm.s32 $0x4;
	v13 =	vmul.f32 v12, v2;
	v12 =	vmul.f32 v7, v2;
	[tilespmem:s6+$0xFFFFFFE0] =	vst v62;
	v7 =	vld [tilespmem:s18+$0x70]  }
.LBB2_11:
0x236: {  	v14 =	vld [tilespmem:s31+$0x40];
	v15 =	vunpack.i.u.bf16.f32 v11;
	v11 =	vunpack.i.l.bf16.f32 v11;
	s25 =	sadd.s32 $0x4, s25;
	[tilespmem:s6+$0xFFFFFFF0] =	vst v9  }
0x237: {  	v9 =	vld.msk [tilespmem:s25+$0x1 ss:$0x0], $0xffff;
	[tilespmem:s28+$0xFFFFFF40] =	vst v13;
	v11 =	vmul.f32 v11, v3;
	v13 =	vmul.f32 v15, v3  }
0x238: {  	v15 =	vld [tilespmem:s31+$0xFFFFFFC0];
	[tilespmem:s28+$0xFFFFFF50] =	vst v12;
	v12 =	vunpack.i.u.bf16.f32 v10;
	v10 =	vunpack.i.l.bf16.f32 v10  }
0x239: {  	v16 =	vld [tilespmem:s31+$0x0];
	[tilespmem:s28+$0xFFFFFFC0] =	vst v11;
	v10 =	vmul.f32 v10, v5;
	v11 =	vmul.f32 v12, v5  }
0x23a: {  	s30 =	sadd.s32 $0x4, s30;
	v12 =	vld [tilespmem:s31+$0xFFFFFF80];
	[tilespmem:s28+$0xFFFFFFD0] =	vst v13;
	v13 =	vunpack.i.u.bf16.f32 v7;
	v7 =	vunpack.i.l.bf16.f32 v7  }
0x23b: {  	p0 =	slt.u32 s30, $0x7C;
	v17 =	vld.msk [tilespmem:s25+$0xFFFFFFFE ss:$0x0], $0xffff;
	[tilespmem:s28+$0x40] =	vst v10;
	v7 =	vmul.f32 v7, v4;
	v19 =	vmul.f32 v13, v4  }
0x23c: {  	v13 =	vunpack.i.l.bf16.f32 v14;
	v10 =	vld.msk [tilespmem:s25+$0xFFFFFFFF ss:$0x0], $0xffff;
	[tilespmem:s28+$0x50] =	vst v11  }
0x23d: {  	v14 =	vunpack.i.u.bf16.f32 v14;
	v13 =	vmul.f32 v13, v9;
	v4 =	vmovc v9;
	v11 =	vunpack.i.u.bf16.f32 v15;
	v18 =	vld.msk [tilespmem:s25+$0x0 ss:$0x0], $0xffff;
	[tilespmem:s28+$0xF0] =	vst v19  }
0x23e: {  	v9 =	vunpack.i.l.bf16.f32 v15;
	v14 =	vmul.f32 v14, v4;
	s28 =	sadd.s32 $0x200, s28;
	v15 =	vunpack.i.u.bf16.f32 v16;
	v19 =	vld [tilespmem:s18+$0xFFFFFFB0];
	[tilespmem:s6+$0x60] =	vst v8  }
0x23f: {  	v16 =	vunpack.i.l.bf16.f32 v16;
	v8 =	vunpack.i.u.bf16.f32 v12;
	v12 =	vunpack.i.l.bf16.f32 v12;
	[tilespmem:s28+$0x80] =	vst v13;
	v13 =	vld [tilespmem:s18+$0xFFFFFFF0]  }
0x240: {  	[tilespmem:s28+$0x90] =	vst v14;
	v14 =	vld [tilespmem:s18+$0x30];
	s18 =	smov.u32 s31  }
0x241: {  	v12 =	vmul.f32 v12, v17;
	v8 =	vmul.f32 v8, v17;
	v20 =	vld [tilespmem:s31+$0x50];
	[tilespmem:s6+$0x70] =	vst v6;
	s6 =	smov.u32 s29;
	s29 =	smov.u32 s28  }
0x242: {  	v6 =	vmul.f32 v9, v10;
	v9 =	vmul.f32 v11, v10;
	[tilespmem:s6+$0xE0] =	vst v7  }
0x243: {  	v7 =	vmul.f32 v16, v18;
	v11 =	vmul.f32 v15, v18;
	[tilespmem:s28+$0xFFFFFF00] =	vst v12;
	v12 =	vunpack.i.u.bf16.f32 v19  }
0x244: {  	[tilespmem:s28+$0xFFFFFF10] =	vst v8;
	v8 =	vunpack.i.l.bf16.f32 v19;
	v15 =	vunpack.i.u.bf16.f32 v13;
	v13 =	vunpack.i.l.bf16.f32 v13  }
0x245: {  	v16 =	vld [tilespmem:s31+$0xFFFFFF90];
	[tilespmem:s28+$0xFFFFFF80] =	vst v6;
	v19 =	vmul.f32 v8, v2;
	v6 =	vunpack.i.u.bf16.f32 v14;
	v8 =	vunpack.i.l.bf16.f32 v14  }
0x246: {  	v12 =	vmul.f32 v12, v2;
	v14 =	vmul.f32 v13, v3;
	v2 =	vmovc v17;
	[tilespmem:s28+$0xFFFFFF90] =	vst v9;
	v9 =	vunpack.i.l.bf16.f32 v20  }
0x247: {  	v13 =	vld [tilespmem:s31+$0xFFFFFFD0];
	[tilespmem:s28+$0x0] =	vst v7;
	v7 =	vunpack.i.u.bf16.f32 v20;
	v17 =	vmul.f32 v9, v4;
	v9 =	vmul.f32 v15, v3;
	v3 =	vmovc v10  }
0x248: {  	v8 =	vmul.f32 v8, v5;
	[tilespmem:s28+$0x10] =	vst v11;
	v7 =	vmul.f32 v7, v4  }
0x249: {  	v6 =	vmul.f32 v6, v5;
	v5 =	vmov v18;
	v10 =	vld [tilespmem:s31+$0x10];
	[tilespmem:s28+$0xA0] =	vst v17  }
0x24a: {  	v11 =	vunpack.i.u.bf16.f32 v16;
	v15 =	vunpack.i.l.bf16.f32 v16;
	[tilespmem:s28+$0xB0] =	vst v7  }
0x24b: {  	v7 =	vmul.f32 v15, v2;
	v11 =	vmul.f32 v11, v2;
	v15 =	vld [tilespmem:s31+$0x60];
	[tilespmem:s6+$0xFFFFFF60] =	vst v19  }
0x24c: {  	v16 =	vunpack.i.u.bf16.f32 v13;
	v13 =	vunpack.i.l.bf16.f32 v13;
	[tilespmem:s6+$0xFFFFFF70] =	vst v12  }
0x24d: {  	[tilespmem:s28+$0xFFFFFF20] =	vst v7;
	v7 =	vmul.f32 v13, v3;
	v12 =	vmul.f32 v16, v3  }
0x24e: {  	[tilespmem:s28+$0xFFFFFF30] =	vst v11;
	v11 =	vunpack.i.u.bf16.f32 v10;
	v10 =	vunpack.i.l.bf16.f32 v10  }
0x24f: {  	v13 =	vld [tilespmem:s31+$0xFFFFFFA0];
	[tilespmem:s28+$0xFFFFFFA0] =	vst v7;
	v7 =	vmul.f32 v10, v5;
	v10 =	vmul.f32 v11, v5  }
0x250: {  	[tilespmem:s28+$0xFFFFFFB0] =	vst v12;
	v12 =	vunpack.i.l.bf16.f32 v15  }
.Ltmp4:
0x251: {  	v11 =	vld [tilespmem:s31+$0xFFFFFFE0];
	[tilespmem:s28+$0x20] =	vst v7;
	v7 =	vunpack.i.u.bf16.f32 v15;
	v12 =	vmul.f32 v12, v4;
	(pc) =	sbr.rel @p0 .LBB2_11-.Ltmp4, $4  }
0x252: {  	[tilespmem:s28+$0x30] =	vst v10;
	v7 =	vmul.f32 v7, v4  }
0x253: {  	v10 =	vld [tilespmem:s31+$0x20];
	[tilespmem:s28+$0xC0] =	vst v12  }
0x254: {  	v12 =	vunpack.i.u.bf16.f32 v13;
	v13 =	vunpack.i.l.bf16.f32 v13;
	[tilespmem:s28+$0xD0] =	vst v7  }
0x255: {  	s31 =	sadd.s32 $0x100, s31;
	v13 =	vmul.f32 v13, v2;
	v12 =	vmul.f32 v12, v2;
	v7 =	vld [tilespmem:s18+$0x70];
	[tilespmem:s6+$0xFFFFFFE0] =	vst v14  }
0x256: {  	v14 =	vunpack.i.l.bf16.f32 v11;
	[tilespmem:s6+$0xFFFFFFF0] =	vst v9  }
0x257: {  	v9 =	vunpack.i.u.bf16.f32 v11;
	[tilespmem:s28+$0xFFFFFF40] =	vst v13;
	v11 =	vmul.f32 v14, v3  }
0x258: {  	v9 =	vmul.f32 v9, v3;
	[tilespmem:s28+$0xFFFFFF50] =	vst v12;
	v12 =	vunpack.i.l.bf16.f32 v10  }
0x259: {  	v10 =	vunpack.i.u.bf16.f32 v10;
	[tilespmem:s28+$0xFFFFFFC0] =	vst v11;
	v11 =	vmul.f32 v12, v5;
	v12 =	vld [tilespmem:s18+$0xFFFFFFB0]  }
0x25a: {  	v10 =	vmul.f32 v10, v5;
	[tilespmem:s28+$0xFFFFFFD0] =	vst v9;
	v9 =	vunpack.i.u.bf16.f32 v7  }
0x25b: {  	[tilespmem:s28+$0x40] =	vst v11;
	v9 =	vmul.f32 v9, v4;
	v11 =	vld [tilespmem:s18+$0xFFFFFFF0]  }
0x25c: {  	[tilespmem:s28+$0x50] =	vst v10  }
0x25d: {  	v7 =	vunpack.i.l.bf16.f32 v7;
	[tilespmem:s28+$0xF0] =	vst v9;
	v9 =	vld [tilespmem:s18+$0x30]  }
0x25e: {  	[tilespmem:s6+$0x60] =	vst v8;
	v4 =	vmul.f32 v7, v4;
	v7 =	vunpack.i.l.bf16.f32 v12  }
0x25f: {  	[tilespmem:s6+$0x70] =	vst v6;
	v6 =	vunpack.i.u.bf16.f32 v12;
	v7 =	vmul.f32 v7, v2  }
0x260: {  	[tilespmem:s29+$0xE0] =	vst v4;
	v2 =	vmul.f32 v6, v2;
	v4 =	vunpack.i.l.bf16.f32 v11  }
0x261: {  	v6 =	vunpack.i.u.bf16.f32 v11;
	v4 =	vmul.f32 v4, v3;
	[tilespmem:s29+$0xFFFFFF60] =	vst v7  }
0x262: {  	v3 =	vmul.f32 v6, v3;
	[tilespmem:s29+$0xFFFFFF70] =	vst v2;
	v7 =	vunpack.i.l.bf16.f32 v9  }
0x263: {  	v2 =	vunpack.i.u.bf16.f32 v9;
	v6 =	vmul.f32 v7, v5;
	[tilespmem:s29+$0xFFFFFFE0] =	vst v4  }
0x264: {  	v2 =	vmul.f32 v2, v5;
	[tilespmem:s29+$0xFFFFFFF0] =	vst v3  }
0x265: {  	[tilespmem:s29+$0x60] =	vst v6  }
0x266: {  	s25 =	rddreg [dreg:$0x3];
	[tilespmem:s29+$0x70] =	vst v2  }
0x267: {  	s18 =	sld [smem:$0x7F7]  }
0x268: {  	s30 =	simm.s32 $0x1A3A0;
	s12 =	simm.s32 $0x14B00;
	s6 =	sadd.s32 $0x2, s7  }
0x269: {  	[spmem:s25] =	stream.indirect.scatter.add.f32 [tilespmem:s30], [sflag:$0x5], $0x80, s12, s24, $0xb8;
	[tilespmem:$0x1E3A0] =	vst v63  }
0x26a: {  	p0 =	slt.s32 s6, s18  }
0x26b: {  	s31 =	rddreg [dreg:$0x13];
	s18 =	smov.u32 @p0 s6  }
0x26c: {  	s6 =	sadd.s32 s31, s18  }
0x26d: {  	_ =	swait.ge [sflag:s14], $0x4000;
	s6 =	sshll.u32 s6, $0x4  }
0x26e: {  	[sflag:s14] =	ssyncset.done $0x0;
	s7 =	rddreg [dreg:$0x1a];
	s6 =	sand.u32 $0x1FFFFFF0, s6  }
0x26f: {  	[sflag:s14] =	ssyncadd.s32 $0xFFFFC000;
	s18 =	sadd.s32 s7, s6;
	s7 =	simm.s32 $0x14A00  }
0x270: {  	[tilespmem:s7], [sflag:$0x5] =	stream.linear.gather [hbm4b:s18+s8], $0x80, $0x38;
	[tilespmem:$0x1E3A0] =	vst v63  }
0x271: {  	_ =	swait.ge [sflag:s14], $0x80  }
0x272: {  	[sflag:s14] =	ssyncset.done $0x0;
	s25 =	rddreg [dreg:$0x12]  }
0x273: {  	[sflag:s14] =	ssyncadd.s32 $0xFFFFFF80;
	s6 =	sadd.s32 s25, s6  }
0x274: {  	[tilespmem:s12], [sflag:$0x5] =	stream.linear.gather [hbm4b:s6+s8], $0x80, $0x38;
	[tilespmem:$0x1E3A0] =	vst v63  }
0x275: {  	_ =	swait.ge [sflag:s14], $0x80  }
0x276: {  	[sflag:s14] =	ssyncset.done $0x0  }
0x277: {  	[sflag:s14] =	ssyncadd.s32 $0xFFFFFF80  }
0x278: {  	s30 =	simm.s32 $0x163A0;
	s31 =	rddreg [dreg:$0x0]  }
0x279: {  	[tilespmem:s30], [sflag:$0x1] =	stream.indirect.gather [hbm4b:s31+s24], $0x40, s7, s24, $0xb8;
	[tilespmem:$0x1E3A0] =	vst v63  }
0x27a: {  	s18 =	simm.s32 $0x14D20;
	s25 =	rddreg [dreg:$0x4]  }
0x27b: {  	[tilespmem:s18], [sflag:$0x3] =	stream.indirect.gather [spmem:s25], $0x1, s12, s24, $0xb8;
	[tilespmem:$0x1E3A0] =	vst v63  }
0x27c: {  	s30 =	rddreg [dreg:$0x5];
	s31 =	simm.s32 $0x14E20  }
0x27d: {  	[tilespmem:s31], [sflag:$0x3] =	stream.indirect.gather [spmem:s30], $0x1, s7, s24, $0xb8;
	[tilespmem:$0x1E3A0] =	vst v63  }
0x27e: {  	s25 =	rddreg [dreg:$0x6];
	s30 =	simm.s32 $0x14F20  }
0x27f: {  	[tilespmem:s30], [sflag:$0x3] =	stream.indirect.gather [spmem:s25], $0x1, s12, s24, $0xb8;
	[tilespmem:$0x1E3A0] =	vst v63  }
0x280: {  	s18 =	simm.s32 $0x4;
	s31 =	simm.s32 $0x15020  }
0x281: {  	[tilespmem:s31], [sflag:$0x3] =	stream.indirect.gather [spmem:s25], $0x1, s7, s24, $0xb8;
	[tilespmem:$0x1E3A0] =	vst v63  }
0x282: {  	_ =	swait.ge [sflag:s18], $0x80  }
0x283: {  	[sflag:s18] =	ssyncset.done $0x0  }
0x284: {  	[sflag:s18] =	ssyncadd.s32 $0xFFFFFF80  }
0x285: {  	_ =	swait.ge [sflag:s18], $0x80  }
0x286: {  	[sflag:s18] =	ssyncset.done $0x0  }
0x287: {  	[sflag:s18] =	ssyncadd.s32 $0xFFFFFF80  }
0x288: {  	_ =	swait.ge [sflag:s18], $0x80  }
0x289: {  	[sflag:s18] =	ssyncset.done $0x0  }
0x28a: {  	[sflag:s18] =	ssyncadd.s32 $0xFFFFFF80  }
0x28b: {  	_ =	swait.ge [sflag:s18], $0x80  }
0x28c: {  	[sflag:s18] =	ssyncset.done $0x0  }
0x28d: {  	[sflag:s18] =	ssyncadd.s32 $0xFFFFFF80  }
0x28e: {  	v2 =	vld [tilespmem:$0x14DA0]  }
0x28f: {  	v3 =	vld [tilespmem:$0x14EA0];
	_ =	sdelay $0x4  }
0x290: {  	v2 =	vadd.f32 v3, v2;
	_ =	sdelay $0x1  }
0x291: {  	v3 =	vand.u32 $0x7FFFFFFF, v2  }
0x292: {  	v3 =	vmul.f32 $-2.000000000e+00, v3;
	_ =	sdelay $0x1  }
0x293: {  	v3 =	vmul.f32 $1.442695020e+00, v3;
	_ =	sdelay $0x1  }
0x294: {  	v4 =	vld [tilespmem:$0x14EB0];
	(erf) = vpow2.f32 v3  }
0x295: {  	v3 =	vld [tilespmem:$0x14DB0];
	_ =	sdelay $0x4  }
0x296: {  	v3 =	vadd.f32 v4, v3;
	_ =	sdelay $0x1  }
0x297: {  	v4 =	vand.u32 $0x7FFFFFFF, v3  }
0x298: {  	v4 =	vmul.f32 $-2.000000000e+00, v4;
	v5 =	vpop (erf)  }
0x299: {  	v6 =	vadd.f32 $1.000000000e+00, v5  }
0x29a: {  	v4 =	vmul.f32 $1.442695020e+00, v4  }
0x29b: {  	(erf) = vrcp.f32 v6  }
0x29c: {  	v6 =	vld [tilespmem:$0x14EC0];
	(erf) = vpow2.f32 v4  }
0x29d: {  	v4 =	vld [tilespmem:$0x14DC0];
	_ =	sdelay $0x4  }
0x29e: {  	v4 =	vadd.f32 v6, v4;
	_ =	sdelay $0x1  }
0x29f: {  	v7 =	vand.u32 $0x7FFFFFFF, v4;
	v6 =	vpop (erf)  }
0x2a0: {  	v7 =	vmul.f32 $-2.000000000e+00, v7;
	v8 =	vpop (erf)  }
0x2a1: {  	v9 =	vadd.f32 $1.000000000e+00, v8  }
0x2a2: {  	v7 =	vmul.f32 $1.442695020e+00, v7  }
0x2a3: {  	(erf) = vrcp.f32 v9  }
0x2a4: {  	v9 =	vld [tilespmem:$0x14ED0];
	(erf) = vpow2.f32 v7  }
0x2a5: {  	v7 =	vld [tilespmem:$0x14DD0];
	_ =	sdelay $0x4  }
0x2a6: {  	v7 =	vadd.f32 v9, v7;
	_ =	sdelay $0x1  }
0x2a7: {  	v10 =	vand.u32 $0x7FFFFFFF, v7;
	v9 =	vpop (erf)  }
0x2a8: {  	v10 =	vmul.f32 $-2.000000000e+00, v10;
	v11 =	vpop (erf)  }
0x2a9: {  	v12 =	vadd.f32 $1.000000000e+00, v11  }
0x2aa: {  	v10 =	vmul.f32 $1.442695020e+00, v10  }
0x2ab: {  	(erf) = vrcp.f32 v12  }
0x2ac: {  	v12 =	vld [tilespmem:$0x14EE0];
	(erf) = vpow2.f32 v10  }
0x2ad: {  	v10 =	vld [tilespmem:$0x14DE0];
	_ =	sdelay $0x4  }
0x2ae: {  	v10 =	vadd.f32 v12, v10;
	_ =	sdelay $0x1  }
0x2af: {  	v13 =	vand.u32 $0x7FFFFFFF, v10;
	v12 =	vpop (erf)  }
0x2b0: {  	v13 =	vmul.f32 $-2.000000000e+00, v13;
	v14 =	vpop (erf)  }
0x2b1: {  	v15 =	vadd.f32 $1.000000000e+00, v14  }
0x2b2: {  	v13 =	vmul.f32 $1.442695020e+00, v13  }
0x2b3: {  	(erf) = vrcp.f32 v15  }
0x2b4: {  	v15 =	vld [tilespmem:$0x14EF0];
	(erf) = vpow2.f32 v13  }
0x2b5: {  	v13 =	vld [tilespmem:$0x14DF0];
	_ =	sdelay $0x4  }
0x2b6: {  	v13 =	vadd.f32 v15, v13;
	_ =	sdelay $0x1  }
0x2b7: {  	v16 =	vand.u32 $0x7FFFFFFF, v13;
	v15 =	vpop (erf)  }
0x2b8: {  	v16 =	vmul.f32 $-2.000000000e+00, v16;
	v17 =	vpop (erf)  }
0x2b9: {  	v18 =	vadd.f32 $1.000000000e+00, v17  }
0x2ba: {  	v16 =	vmul.f32 $1.442695020e+00, v16  }
0x2bb: {  	(erf) = vrcp.f32 v18  }
0x2bc: {  	v52 =	vld [tilespmem:$0x14F00];
	(erf) = vpow2.f32 v16  }
0x2bd: {  	v16 =	vld [tilespmem:$0x14E00];
	_ =	sdelay $0x4  }
0x2be: {  	v16 =	vadd.f32 v52, v16;
	_ =	sdelay $0x1  }
0x2bf: {  	v19 =	vand.u32 $0x7FFFFFFF, v16;
	v53 =	vpop (erf)  }
0x2c0: {  	v19 =	vmul.f32 $-2.000000000e+00, v19;
	v20 =	vpop (erf)  }
0x2c1: {  	v21 =	vadd.f32 $1.000000000e+00, v20  }
0x2c2: {  	v19 =	vmul.f32 $1.442695020e+00, v19  }
0x2c3: {  	(erf) = vrcp.f32 v21  }
0x2c4: {  	v54 =	vld [tilespmem:$0x14E10];
	(erf) = vpow2.f32 v19  }
0x2c5: {  	v55 =	vld [tilespmem:$0x14F10];
	_ =	sdelay $0x4  }
0x2c6: {  	v19 =	vadd.f32 v55, v54;
	_ =	sdelay $0x1  }
0x2c7: {  	v22 =	vand.u32 $0x7FFFFFFF, v19;
	v56 =	vpop (erf)  }
0x2c8: {  	v22 =	vmul.f32 $-2.000000000e+00, v22;
	v23 =	vpop (erf)  }
0x2c9: {  	v24 =	vadd.f32 $1.000000000e+00, v23  }
0x2ca: {  	v22 =	vmul.f32 $1.442695020e+00, v22  }
0x2cb: {  	(erf) = vrcp.f32 v24  }
0x2cc: {  	(erf) = vpow2.f32 v22;
	_ =	sdelay $0x4  }
0x2cd: {  	v5 =	vsub.f32 $1.000000000e+00, v5;
	_ =	sdelay $0x1  }
0x2ce: {  	v5 =	vmul.f32 v6, v5  }
0x2cf: {  	v57 =	vld [tilespmem:$0x14FA0];
	v8 =	vsub.f32 $1.000000000e+00, v8;
	v6 =	vpop (erf)  }
0x2d0: {  	v25 =	vld [tilespmem:$0x150A0];
	v58 =	vsub.f32 $0.0e+00, v5;
	v11 =	vsub.f32 $1.000000000e+00, v11;
	v26 =	vpop (erf)  }
0x2d1: {  	vm0 =	vlt.f32 v2, $0.0e+00;
	v2 =	vmul.f32 v9, v8;
	v8 =	vld [tilespmem:$0x14FB0];
	v9 =	vadd.f32 $1.000000000e+00, v26  }
0x2d2: {  	v59 =	vld [tilespmem:$0x150B0];
	v5 =	vsel vm0, v58, v5;
	v11 =	vmul.f32 v12, v11  }
0x2d3: {  	v12 =	vsub.f32 $0.0e+00, v2;
	v14 =	vsub.f32 $1.000000000e+00, v14;
	(erf) = vrcp.f32 v9;
	v9 =	vld [tilespmem:$0x14FC0]  }
0x2d4: {  	vm9 =	vlt.f32 v3, $0.0e+00;
	v3 =	vld [tilespmem:$0x150C0];
	vm10 =	vlt.f32 v4, $0.0e+00;
	v5 =	vmul.f32 v5, v57  }
0x2d5: {  	v2 =	vsel vm9, v12, v2;
	v12 =	vsub.f32 $0.0e+00, v11;
	v14 =	vmul.f32 v15, v14;
	v15 =	vld [tilespmem:$0x14FD0]  }
0x2d6: {  	v5 =	vmul.f32 v5, v25;
	vm11 =	vlt.f32 v7, $0.0e+00;
	v2 =	vmul.f32 v2, v8  }
0x2d7: {  	v4 =	vsel vm10, v12, v11;
	v11 =	vld [tilespmem:$0x150D0];
	v12 =	vsub.f32 $1.000000000e+00, v17;
	v8 =	vsub.f32 $0.0e+00, v14  }
0x2d8: {  	v60 =	vld [tilespmem:$0x150F0];
	vm12 =	vlt.f32 v10, $0.0e+00;
	v2 =	vmul.f32 v2, v59;
	v4 =	vmul.f32 v4, v9  }
0x2d9: {  	v7 =	vld [tilespmem:$0x14FE0];
	v8 =	vsel vm11, v8, v14;
	v14 =	vsub.f32 $1.000000000e+00, v20;
	v9 =	vmul.f32 v53, v12  }
0x2da: {  	v10 =	vld [tilespmem:$0x15000];
	v3 =	vmul.f32 v4, v3;
	v4 =	vmul.f32 v8, v15;
	v15 =	vsub.f32 $1.000000000e+00, v23  }
0x2db: {  	v14 =	vmul.f32 v56, v14;
	v61 =	vsub.f32 $1.000000000e+00, v26;
	v8 =	vld [tilespmem:$0x14FF0];
	v17 =	vsub.f32 $0.0e+00, v9  }
0x2dc: {  	v12 =	vld [tilespmem:$0x150E0];
	v4 =	vmul.f32 v4, v11;
	v6 =	vmul.f32 v6, v15;
	v11 =	vpop (erf)  }
0x2dd: {  	v9 =	vsel vm12, v17, v9;
	v15 =	vsub.f32 $0.0e+00, v14;
	v17 =	vld [tilespmem:$0x15010];
	v11 =	vmul.f32 v11, v61  }
0x2de: {  	vm13 =	vlt.f32 v13, $0.0e+00;
	v13 =	vld [tilespmem:$0x15100];
	v7 =	vmul.f32 v9, v7;
	v9 =	vsub.f32 $0.0e+00, v6  }
0x2df: {  	[tilespmem:$0x14C90] =	vst v5;
	vm14 =	vlt.f32 v16, $0.0e+00;
	v5 =	vsel vm13, v15, v14;
	v15 =	vld [tilespmem:$0x15110];
	v14 =	vsub.f32 $0.0e+00, v11  }
0x2e0: {  	[tilespmem:$0x14CA0] =	vst v2;
	vm15 =	vlt.f32 v19, $0.0e+00;
	v2 =	vmul.f32 v5, v8;
	v5 =	vsel vm14, v9, v6  }
0x2e1: {  	[tilespmem:$0x14CB0] =	vst v3;
	v3 =	vmul.f32 v7, v12;
	v5 =	vmul.f32 v5, v10;
	v6 =	vsel vm15, v14, v11  }
0x2e2: {  	[tilespmem:$0x14CC0] =	vst v4;
	v2 =	vmul.f32 v2, v60;
	v4 =	vmul.f32 v6, v17  }
0x2e3: {  	[tilespmem:$0x14CD0] =	vst v3;
	v3 =	vmul.f32 v5, v13  }
0x2e4: {  	[tilespmem:$0x14CE0] =	vst v2;
	v2 =	vmul.f32 v4, v15  }
0x2e5: {  	[tilespmem:$0x14CF0] =	vst v3  }
0x2e6: {  	s25 =	simm.s32 $0x2;
	[tilespmem:$0x14D00] =	vst v2  }
0x2e7: {  	_ =	swait.ge [sflag:s25], $0x2000  }
0x2e8: {  	s30 =	simm.s32 $0x0;
	[sflag:s25] =	ssyncset.done $0x0  }
0x2e9: {  	s31 =	sand.u32 $0x78, s30;
	[sflag:s25] =	ssyncadd.s32 $0xFFFFE000;
	s25 =	simm.s32 $0x1  }
0x2ea: {  	s29 =	simm.s32 $0x18490;
	s18 =	sadd.s32 $0x14C90, s31;
	s25 =	sand.u32 $0x5, s25  }
0x2eb: {  	s28 =	simm.s32 $0x2;
	v2 =	vld [tilespmem:s29+$0xFFFFFF50];
	s25 =	sor.u32 s25, s18  }
0x2ec: {  	s7 =	sand.u32 $0x6, s28;
	v8 =	vld.msk [tilespmem:s25+$0x0 ss:$0x0], $0xffff  }
0x2ed: {  	v4 =	vld [tilespmem:s29+$0xFFFFFF90];
	s25 =	sor.u32 s7, s18  }
0x2ee: {  	s6 =	sand.u32 $0x4, s30;
	v9 =	vld.msk [tilespmem:s25+$0x0 ss:$0x0], $0xffff  }
0x2ef: {  	s12 =	simm.s32 $0xFFFFFFFB;
	s6 =	sor.u32 s6, s18;
	v5 =	vld [tilespmem:s29+$0xFFFFFF10]  }
0x2f0: {  	s30 =	sand.u32 $0x7, s12;
	v3 =	vld.msk [tilespmem:s6+$0x0 ss:$0x0], $0xffff;
	v6 =	vunpack.i.u.bf16.f32 v2  }
0x2f1: {  	v7 =	vld [tilespmem:s29+$0xFFFFFFD0];
	s18 =	sor.u32 s30, s18;
	v2 =	vunpack.i.l.bf16.f32 v2;
	v6 =	vmul.f32 v6, v8  }
0x2f2: {  	s6 =	simm.s32 $0x1A4A0;
	v11 =	vunpack.i.l.bf16.f32 v4;
	v4 =	vunpack.i.u.bf16.f32 v4;
	v10 =	vmul.f32 v2, v8;
	v2 =	vld.msk [tilespmem:s18+$0x0 ss:$0x0], $0xffff  }
0x2f3: {  	v4 =	vmul.f32 v4, v9;
	[tilespmem:s6+$0xFFFFFF90] =	vst v6  }
0x2f4: {  	v6 =	vmul.f32 v11, v9;
	v11 =	vunpack.i.u.bf16.f32 v5;
	[tilespmem:s6+$0xFFFFFF80] =	vst v10  }
0x2f5: {  	v5 =	vunpack.i.l.bf16.f32 v5;
	v10 =	vmul.f32 v11, v3;
	v11 =	vld [tilespmem:s29+$0xFFFFFF60];
	[tilespmem:s6+$0x10] =	vst v4  }
0x2f6: {  	v5 =	vmul.f32 v5, v3;
	[tilespmem:s6+$0x0] =	vst v6;
	v6 =	vunpack.i.l.bf16.f32 v7  }
0x2f7: {  	v4 =	vunpack.i.u.bf16.f32 v7;
	[tilespmem:s6+$0xFFFFFF10] =	vst v10;
	v6 =	vmul.f32 v6, v2;
	v7 =	vld [tilespmem:s29+$0xFFFFFFA0]  }
0x2f8: {  	[tilespmem:s6+$0xFFFFFF00] =	vst v5;
	v4 =	vmul.f32 v4, v2  }
0x2f9: {  	[tilespmem:s6+$0x80] =	vst v6;
	v6 =	vld [tilespmem:s29+$0xFFFFFF20]  }
0x2fa: {  	s25 =	simm.s32 $0x4;
	[tilespmem:s6+$0x90] =	vst v4;
	v4 =	vunpack.i.l.bf16.f32 v11  }
0x2fb: {  	s28 =	sand.u32 $0x78, s25;
	s18 =	simm.s32 $0x18590;
	v5 =	vunpack.i.u.bf16.f32 v11;
	v10 =	vld [tilespmem:s29+$0xFFFFFFE0];
	v4 =	vmul.f32 v4, v8  }
0x2fc: {  	s30 =	simm.s32 $0x5;
	s31 =	sand.u32 $0x4, s25;
	s7 =	sadd.s32 $0x14C90, s28;
	v11 =	vld [tilespmem:s18+$0xFFFFFF10];
	v5 =	vmul.f32 v5, v8;
	v12 =	vunpack.i.l.bf16.f32 v7  }
0x2fd: {  	s28 =	sand.u32 $0x5, s30;
	s31 =	sor.u32 s31, s7;
	[tilespmem:s6+$0xFFFFFFA0] =	vst v4;
	v4 =	vunpack.i.u.bf16.f32 v7;
	v7 =	vmul.f32 v12, v9;
	v12 =	vld [tilespmem:s18+$0xFFFFFF50]  }
0x2fe: {  	s28 =	sor.u32 s28, s7;
	[tilespmem:s6+$0xFFFFFFB0] =	vst v5;
	v13 =	vunpack.i.l.bf16.f32 v6;
	v14 =	vmul.f32 v4, v9;
	v4 =	vld.msk [tilespmem:s31+$0x0 ss:$0x0], $0xffff  }
0x2ff: {  	v5 =	vld.msk [tilespmem:s28+$0x0 ss:$0x0], $0xffff;
	v6 =	vunpack.i.u.bf16.f32 v6;
	v13 =	vmul.f32 v13, v3;
	[tilespmem:s6+$0x20] =	vst v7  }
0x300: {  	v6 =	vmul.f32 v6, v3;
	v7 =	vunpack.i.l.bf16.f32 v10;
	[tilespmem:s6+$0x30] =	vst v14;
	v14 =	vld [tilespmem:s29+$0xFFFFFF70]  }
0x301: {  	v10 =	vunpack.i.u.bf16.f32 v10;
	v7 =	vmul.f32 v7, v2;
	[tilespmem:s6+$0xFFFFFF20] =	vst v13  }
0x302: {  	s28 =	simm.s32 $0xFFFFFFFF;
	v10 =	vmul.f32 v10, v2;
	v13 =	vunpack.i.u.bf16.f32 v11;
	[tilespmem:s6+$0xFFFFFF30] =	vst v6  }
0x303: {  	s28 =	sand.u32 $0x7, s28;
	v15 =	vld [tilespmem:s29+$0xFFFFFFB0];
	[tilespmem:s6+$0xA0] =	vst v7;
	v7 =	vunpack.i.l.bf16.f32 v12;
	v6 =	vmul.f32 v13, v4  }
0x304: {  	s12 =	sor.u32 s28, s7;
	s28 =	simm.s32 $0x1A6A0;
	[tilespmem:s6+$0xB0] =	vst v10;
	v13 =	vunpack.i.u.bf16.f32 v12;
	v10 =	vmul.f32 v7, v5  }
0x305: {  	v16 =	vld [tilespmem:s18+$0xFFFFFFD0];
	v12 =	vmul.f32 v13, v5;
	[tilespmem:s28+$0xFFFFFF10] =	vst v6;
	v6 =	vunpack.i.l.bf16.f32 v14  }
0x306: {  	s31 =	simm.s32 $0x6;
	v7 =	vld.msk [tilespmem:s12+$0x0 ss:$0x0], $0xffff;
	v14 =	vunpack.i.u.bf16.f32 v14;
	[tilespmem:s28+$0xFFFFFF80] =	vst v10;
	v6 =	vmul.f32 v6, v8  }
0x307: {  	s30 =	sand.u32 $0x6, s31;
	v11 =	vunpack.i.l.bf16.f32 v11;
	v13 =	vld [tilespmem:s29+$0xFFFFFF30];
	[tilespmem:s28+$0xFFFFFF90] =	vst v12;
	v10 =	vmul.f32 v14, v8  }
0x308: {  	s7 =	sor.u32 s30, s7;
	v11 =	vmul.f32 v11, v4;
	v12 =	vld [tilespmem:s18+$0xFFFFFF90];
	v14 =	vunpack.i.l.bf16.f32 v15;
	[tilespmem:s6+$0xFFFFFFC0] =	vst v6  }
0x309: {  	v15 =	vunpack.i.u.bf16.f32 v15;
	v6 =	vld.msk [tilespmem:s7+$0x0 ss:$0x0], $0xffff;
	[tilespmem:s6+$0xFFFFFFD0] =	vst v10;
	v10 =	vmul.f32 v14, v9  }
0x30a: {  	[tilespmem:s28+$0xFFFFFF00] =	vst v11;
	v15 =	vmul.f32 v15, v9;
	v14 =	vunpack.i.l.bf16.f32 v16  }
0x30b: {  	v16 =	vunpack.i.u.bf16.f32 v16;
	v11 =	vmul.f32 v14, v7;
	[tilespmem:s6+$0x40] =	vst v10;
	v10 =	vld [tilespmem:s29+$0xFFFFFFF0]  }
0x30c: {  	v62 =	vld [tilespmem:s18+$0xFFFFFF60];
	v14 =	vunpack.i.u.bf16.f32 v13;
	[tilespmem:s6+$0x50] =	vst v15;
	v16 =	vmul.f32 v16, v7  }
0x30d: {  	v17 =	vld [tilespmem:s29+$0xFFFFFF80];
	v14 =	vmul.f32 v14, v3;
	v15 =	vunpack.i.l.bf16.f32 v12;
	[tilespmem:s28+$0x80] =	vst v11  }
0x30e: {  	v13 =	vunpack.i.l.bf16.f32 v13;
	[tilespmem:s28+$0x90] =	vst v16;
	v11 =	vmul.f32 v15, v6;
	v15 =	vld [tilespmem:s29+$0xFFFFFFC0]  }
0x30f: {  	v13 =	vmul.f32 v13, v3;
	v12 =	vunpack.i.u.bf16.f32 v12;
	[tilespmem:s6+$0xFFFFFF50] =	vst v14  }
0x310: {  	v12 =	vmul.f32 v12, v6;
	[tilespmem:s28+$0x0] =	vst v11;
	v11 =	vunpack.i.l.bf16.f32 v10  }
0x311: {  	[tilespmem:s6+$0xFFFFFF40] =	vst v13;
	v10 =	vunpack.i.u.bf16.f32 v10;
	v13 =	vmul.f32 v11, v2;
	v11 =	vunpack.i.l.bf16.f32 v62  }
0x312: {  	[tilespmem:s28+$0x10] =	vst v12;
	v10 =	vmul.f32 v10, v2;
	v16 =	vmul.f32 v11, v5;
	v11 =	vld [tilespmem:s29+$0xFFFFFF40]  }
0x313: {  	v12 =	vunpack.i.l.bf16.f32 v17;
	v14 =	vld [tilespmem:s18+$0xFFFFFFA0];
	v63 =	vunpack.i.l.bf16.f32 v15;
	[tilespmem:s6+$0xC0] =	vst v13;
	v13 =	vunpack.i.u.bf16.f32 v17  }
0x314: {  	[tilespmem:s6+$0xD0] =	vst v10;
	v15 =	vunpack.i.u.bf16.f32 v15;
	v17 =	vmul.f32 v63, v9;
	v10 =	vmul.f32 v13, v8;
	v13 =	vld [tilespmem:s18+$0xFFFFFF20]  }
0x315: {  	v18 =	vunpack.i.u.bf16.f32 v62;
	v12 =	vmul.f32 v12, v8;
	[tilespmem:s28+$0xFFFFFFA0] =	vst v16;
	v15 =	vmul.f32 v15, v9;
	v8 =	vld [tilespmem:s29+$0x0]  }
0x316: {  	v9 =	vmul.f32 v18, v5;
	s29 =	simm.s32 $0x18690;
	[tilespmem:s6+$0x60] =	vst v17  }
.LBB2_13:
0x317: {  	v16 =	vunpack.i.u.bf16.f32 v11;
	v11 =	vunpack.i.l.bf16.f32 v11;
	[tilespmem:s6+$0x70] =	vst v15;
	s7 =	smov.u32 s25;
	s25 =	sadd.s32 $0x4, s25  }
0x318: {  	s30 =	sand.u32 $0x78, s25;
	v15 =	vld [tilespmem:s29+$0xFFFFFF10];
	s31 =	sadd.s32 $0x5, s7;
	p0 =	slt.u32 s25, $0x7C;
	v17 =	vunpack.i.u.bf16.f32 v14;
	v14 =	vunpack.i.l.bf16.f32 v14;
	v16 =	vmul.f32 v16, v3;
	[tilespmem:s6+$0xFFFFFFE0] =	vst v12  }
0x319: {  	s12 =	sand.u32 $0x4, s25;
	s30 =	sadd.s32 $0x14C90, s30;
	s31 =	sand.u32 $0x5, s31;
	v12 =	vunpack.i.l.bf16.f32 v13;
	[tilespmem:s28+$0xFFFFFFB0] =	vst v9;
	v9 =	vmul.f32 v14, v6;
	v14 =	vmul.f32 v17, v6;
	v17 =	vld [tilespmem:s18+$0xFFFFFFE0]  }
0x31a: {  	s12 =	sor.u32 s12, s30;
	s31 =	sor.u32 s31, s30;
	v18 =	vld [tilespmem:s29+$0xFFFFFF50];
	v12 =	vmul.f32 v12, v4;
	[tilespmem:s6+$0xFFFFFFF0] =	vst v10;
	v10 =	vunpack.i.u.bf16.f32 v8;
	v8 =	vunpack.i.l.bf16.f32 v8  }
0x31b: {  	v11 =	vmul.f32 v11, v3;
	v3 =	vmovc v4;
	v13 =	vunpack.i.u.bf16.f32 v13;
	v19 =	vld.msk [tilespmem:s31+$0x0 ss:$0x0], $0xffff;
	[tilespmem:s6+$0xFFFFFF70] =	vst v16;
	v8 =	vmul.f32 v8, v2  }
0x31c: {  	v13 =	vmul.f32 v13, v3;
	s31 =	sadd.s32 $0x6, s7;
	[tilespmem:s28+$0x20] =	vst v9;
	v9 =	vmul.f32 v10, v2;
	v2 =	vmov v7  }
0x31d: {  	v4 =	vld.msk [tilespmem:s12+$0x0 ss:$0x0], $0xffff;
	s12 =	sand.u32 $0x6, s31;
	[tilespmem:s28+$0x30] =	vst v14  }
0x31e: {  	s7 =	sadd.s32 $0xFFFFFFFF, s7;
	s12 =	sor.u32 s12, s30;
	v10 =	vld [tilespmem:s29+$0xFFFFFF90];
	v7 =	vunpack.i.u.bf16.f32 v17;
	[tilespmem:s6+$0xFFFFFF60] =	vst v11  }
0x31f: {  	s7 =	sand.u32 $0x7, s7;
	v11 =	vld [tilespmem:s29+$0xFFFFFFD0];
	v14 =	vmul.f32 v7, v2;
	[tilespmem:s6+$0xF0] =	vst v9  }
0x320: {  	s7 =	sor.u32 s7, s30;
	v16 =	vunpack.i.l.bf16.f32 v17;
	v7 =	vunpack.i.u.bf16.f32 v15;
	v9 =	vld [tilespmem:s18+$0xFFFFFF70];
	[tilespmem:s6+$0xE0] =	vst v8;
	s6 =	smov.u32 s28  }
0x321: {  	v8 =	vunpack.i.l.bf16.f32 v15;
	v15 =	vmul.f32 v16, v2;
	[tilespmem:s28+$0xFFFFFF20] =	vst v12;
	v12 =	vld [tilespmem:s18+$0xFFFFFFB0]  }
0x322: {  	v16 =	vunpack.i.l.bf16.f32 v18;
	s28 =	sadd.s32 $0x200, s28;
	v17 =	vld.msk [tilespmem:s12+$0x0 ss:$0x0], $0xffff;
	[tilespmem:s6+$0xFFFFFF30] =	vst v13  }
0x323: {  	v18 =	vunpack.i.u.bf16.f32 v18;
	v16 =	vmul.f32 v16, v19;
	v13 =	vmul.f32 v7, v4;
	v7 =	vld.msk [tilespmem:s7+$0x0 ss:$0x0], $0xffff;
	[tilespmem:s6+$0xA0] =	vst v15  }
0x324: {  	v15 =	vmul.f32 v18, v19;
	v18 =	vld [tilespmem:s18+$0xFFFFFF30];
	[tilespmem:s6+$0xB0] =	vst v14  }
0x325: {  	[tilespmem:s28+$0xFFFFFF10] =	vst v13;
	v13 =	vunpack.i.u.bf16.f32 v9;
	v9 =	vunpack.i.l.bf16.f32 v9  }
0x326: {  	v8 =	vmul.f32 v8, v4;
	v14 =	vunpack.i.l.bf16.f32 v11;
	[tilespmem:s28+$0xFFFFFF90] =	vst v15;
	v9 =	vmul.f32 v9, v5  }
0x327: {  	v11 =	vunpack.i.u.bf16.f32 v11;
	v13 =	vmul.f32 v13, v5;
	v15 =	vunpack.i.u.bf16.f32 v12;
	[tilespmem:s28+$0xFFFFFF80] =	vst v16  }
0x328: {  	v16 =	vunpack.i.l.bf16.f32 v10;
	[tilespmem:s6+$0xFFFFFFC0] =	vst v9;
	v9 =	vunpack.i.l.bf16.f32 v12;
	v12 =	vmul.f32 v15, v6  }
0x329: {  	v10 =	vunpack.i.u.bf16.f32 v10;
	v15 =	vmul.f32 v16, v17;
	[tilespmem:s6+$0xFFFFFFD0] =	vst v13;
	v9 =	vmul.f32 v9, v6  }
0x32a: {  	v13 =	vunpack.i.l.bf16.f32 v18;
	[tilespmem:s28+$0xFFFFFF00] =	vst v8;
	v8 =	vmul.f32 v10, v17;
	v10 =	vmul.f32 v14, v7;
	v14 =	vld [tilespmem:s18+$0xFFFFFF80]  }
0x32b: {  	v11 =	vmul.f32 v11, v7;
	v16 =	vunpack.i.u.bf16.f32 v18;
	v13 =	vmul.f32 v13, v3;
	[tilespmem:s6+$0x40] =	vst v9;
	v9 =	vld [tilespmem:s18+$0xFFFFFFF0]  }
0x32c: {  	v16 =	vmul.f32 v16, v3;
	v18 =	vld [tilespmem:s29+$0xFFFFFF60];
	[tilespmem:s6+$0x50] =	vst v12  }
0x32d: {  	[tilespmem:s28+$0x80] =	vst v10;
	v20 =	vld [tilespmem:s18+$0xFFFFFFC0]  }
0x32e: {  	[tilespmem:s6+$0xFFFFFF50] =	vst v16  }
0x32f: {  	[tilespmem:s28+$0x90] =	vst v11;
	v10 =	vunpack.i.u.bf16.f32 v14;
	v11 =	vunpack.i.l.bf16.f32 v14  }
0x330: {  	[tilespmem:s28+$0x0] =	vst v15;
	v12 =	vmul.f32 v11, v5;
	v14 =	vunpack.i.u.bf16.f32 v9;
	v9 =	vunpack.i.l.bf16.f32 v9  }
0x331: {  	v16 =	vunpack.i.u.bf16.f32 v18;
	v11 =	vunpack.i.l.bf16.f32 v18;
	[tilespmem:s6+$0xFFFFFF40] =	vst v13;
	v9 =	vmul.f32 v9, v2  }
.Ltmp5:
0x332: {  	v21 =	vmul.f32 v14, v2;
	v18 =	vmul.f32 v11, v19;
	[tilespmem:s28+$0x10] =	vst v8;
	v11 =	vld [tilespmem:s18+$0xFFFFFF40];
	v8 =	vunpack.i.u.bf16.f32 v20;
	(pc) =	sbr.rel @p0 .LBB2_13-.Ltmp5, $4  }
0x333: {  	v10 =	vmul.f32 v10, v5;
	v5 =	vmovc v19;
	v20 =	vunpack.i.l.bf16.f32 v20;
	v14 =	vld [tilespmem:s29+$0xFFFFFFA0];
	v15 =	vmul.f32 v8, v6;
	[tilespmem:s6+$0xC0] =	vst v9  }
0x334: {  	v9 =	vmul.f32 v16, v5;
	v16 =	vmul.f32 v20, v6;
	v6 =	vmov v17;
	v13 =	vld [tilespmem:s29+$0xFFFFFF20];
	[tilespmem:s6+$0xD0] =	vst v21  }
0x335: {  	[tilespmem:s28+$0xFFFFFFA0] =	vst v18;
	v8 =	vld [tilespmem:s18+$0x0];
	s18 =	smov.u32 s29  }
0x336: {  	s29 =	sadd.s32 $0x100, s29;
	[tilespmem:s6+$0x60] =	vst v16  }
0x337: {  	[tilespmem:s6+$0x70] =	vst v15;
	v29 =	vld [tilespmem:s18+$0xFFFFFFE0];
	v40 =	vunpack.i.u.bf16.f32 v11;
	v41 =	vunpack.i.l.bf16.f32 v11  }
0x338: {  	[tilespmem:s6+$0xFFFFFFE0] =	vst v12;
	v16 =	vunpack.i.l.bf16.f32 v14;
	v42 =	vmul.f32 v40, v3;
	v3 =	vmul.f32 v41, v3  }
0x339: {  	[tilespmem:s28+$0xFFFFFFB0] =	vst v9;
	v27 =	vunpack.i.u.bf16.f32 v14;
	v28 =	vmul.f32 v16, v6  }
0x33a: {  	v30 =	vmul.f32 v27, v6;
	v31 =	vunpack.i.l.bf16.f32 v13;
	[tilespmem:s6+$0xFFFFFF60] =	vst v3  }
0x33b: {  	v38 =	vld [tilespmem:s18+$0xFFFFFF70];
	v33 =	vunpack.i.u.bf16.f32 v13;
	v32 =	vmul.f32 v31, v4;
	[tilespmem:s28+$0x20] =	vst v28  }
0x33c: {  	v35 =	vmul.f32 v33, v4;
	[tilespmem:s28+$0x30] =	vst v30;
	v36 =	vunpack.i.l.bf16.f32 v29  }
0x33d: {  	v34 =	vld [tilespmem:s18+$0xFFFFFFB0];
	v37 =	vunpack.i.u.bf16.f32 v29;
	[tilespmem:s28+$0xFFFFFF20] =	vst v32;
	v39 =	vmul.f32 v36, v7  }
0x33e: {  	[tilespmem:s28+$0xFFFFFF30] =	vst v35;
	v14 =	vmul.f32 v37, v7  }
0x33f: {  	v54 =	vunpack.i.u.bf16.f32 v8;
	v55 =	vunpack.i.l.bf16.f32 v8;
	v43 =	vld [tilespmem:s18+$0xFFFFFF30];
	[tilespmem:s28+$0xA0] =	vst v39  }
0x340: {  	v56 =	vmul.f32 v54, v2;
	v2 =	vmul.f32 v55, v2;
	v3 =	vunpack.i.l.bf16.f32 v38;
	[tilespmem:s28+$0xB0] =	vst v14  }
0x341: {  	[tilespmem:s6+$0xFFFFFFF0] =	vst v10;
	v47 =	vunpack.i.u.bf16.f32 v38;
	v3 =	vmul.f32 v3, v5;
	v46 =	vld [tilespmem:s18+$0xFFFFFFF0]  }
0x342: {  	[tilespmem:s6+$0xE0] =	vst v2;
	v48 =	vmul.f32 v47, v5;
	v44 =	vunpack.i.l.bf16.f32 v34  }
0x343: {  	[tilespmem:s28+$0xFFFFFFC0] =	vst v3;
	v45 =	vunpack.i.u.bf16.f32 v34;
	v10 =	vmul.f32 v44, v6  }
0x344: {  	[tilespmem:s28+$0xFFFFFFD0] =	vst v48;
	v11 =	vmul.f32 v45, v6;
	v49 =	vunpack.i.u.bf16.f32 v43  }
0x345: {  	v52 =	vld [tilespmem:s18+$0xFFFFFF80];
	v3 =	vunpack.i.l.bf16.f32 v43;
	v50 =	vmul.f32 v49, v4;
	[tilespmem:s28+$0x40] =	vst v10  }
0x346: {  	v3 =	vmul.f32 v3, v4;
	[tilespmem:s28+$0x50] =	vst v11;
	v51 =	vunpack.i.l.bf16.f32 v46  }
0x347: {  	v11 =	vld [tilespmem:s18+$0xFFFFFFC0];
	[tilespmem:s28+$0xFFFFFF50] =	vst v50;
	v53 =	vunpack.i.u.bf16.f32 v46;
	v10 =	vmul.f32 v51, v7  }
0x348: {  	[tilespmem:s28+$0xFFFFFF40] =	vst v3;
	v3 =	vmul.f32 v53, v7  }
0x349: {  	v57 =	vld [tilespmem:s18+$0xFFFFFF40];
	[tilespmem:s28+$0xC0] =	vst v10  }
0x34a: {  	v2 =	vunpack.i.l.bf16.f32 v52;
	[tilespmem:s28+$0xD0] =	vst v3  }
0x34b: {  	[tilespmem:s6+$0xFFFFFF70] =	vst v42;
	v60 =	vunpack.i.u.bf16.f32 v52;
	v2 =	vmul.f32 v2, v5;
	v59 =	vld [tilespmem:s18+$0x0]  }
0x34c: {  	[tilespmem:s6+$0xF0] =	vst v56;
	v61 =	vmul.f32 v60, v5;
	v3 =	vunpack.i.u.bf16.f32 v11  }
0x34d: {  	[tilespmem:s28+$0xFFFFFFE0] =	vst v2;
	v58 =	vunpack.i.l.bf16.f32 v11;
	v3 =	vmul.f32 v3, v6  }
0x34e: {  	[tilespmem:s28+$0xFFFFFFF0] =	vst v61;
	v8 =	vmul.f32 v58, v6;
	v62 =	vunpack.i.u.bf16.f32 v57  }
0x34f: {  	v6 =	vmul.f32 v62, v4;
	[tilespmem:s28+$0x70] =	vst v3;
	v3 =	vunpack.i.l.bf16.f32 v57  }
0x350: {  	[tilespmem:s28+$0x60] =	vst v8;
	v2 =	vunpack.i.u.bf16.f32 v59;
	v3 =	vmul.f32 v3, v4  }
0x351: {  	v63 =	vunpack.i.l.bf16.f32 v59;
	[tilespmem:s28+$0xFFFFFF70] =	vst v6;
	v2 =	vmul.f32 v2, v7  }
0x352: {  	v4 =	vmul.f32 v63, v7;
	[tilespmem:s28+$0xFFFFFF60] =	vst v3  }
0x353: {  	[tilespmem:s28+$0xF0] =	vst v2  }
0x354: {  	s7 =	simm.s32 $0x1A3A0;
	s25 =	simm.s32 $0x14B80;
	s18 =	rddreg [dreg:$0x3];
	[tilespmem:s28+$0xE0] =	vst v4  }
0x355: {  	[spmem:s18] =	stream.indirect.scatter.add.f32 [tilespmem:s7], [sflag:$0x5], $0x80, s25, s24, $0xb8;
	[tilespmem:$0x1E3A0] =	vst v63  }
0x356: {  	_ =	swait.ge [sflag:s14], $0x4000  }
0x357: {  	s30 =	sld [smem:$0x7F1]  }
0x358: {  	s31 =	sld [smem:$0x7F6];
	_ =	sdelay $0x1  }
0x359: {  	s30 =	sadd.s32 $0x1, s30  }
0x35a: {  	p0 =	sne.s32 s30, s31  }
.Ltmp6:
0x35b: {  	_ = 	snop;
	(pc) =	sbr.rel @p0 .LBB2_10-.Ltmp6, $4  }
0x35c: {  	[sflag:s14] =	ssyncset.done $0x0  }
0x35d: {  	[sflag:s14] =	ssyncadd.s32 $0xFFFFC000  }
0x35e: {  	s28 =	rddreg [dreg:$0x0]  }
0x35f: {  	s29 =	rddreg [dreg:$0x4]  }
0x360: {  	s6 =	simm.s32 $0x3  }
0x361: {  	_ =	swait.ge [sflag:s6], $0x80  }
0x362: {  	[sflag:s6] =	ssyncset.done $0x0  }
0x363: {  	[sflag:s6] =	ssyncadd.s32 $0xFFFFFF80  }
0x364: {  	_ =	swait.ge [sflag:s6], $0x80  }
0x365: {  	[sflag:s6] =	ssyncset.done $0x0  }
0x366: {  	[sflag:s6] =	ssyncadd.s32 $0xFFFFFF80  }
0x367: {  	_ =	swait.ge [sflag:s6], $0x80  }
0x368: {  	[sflag:s6] =	ssyncset.done $0x0  }
0x369: {  	[sflag:s6] =	ssyncadd.s32 $0xFFFFFF80  }
0x36a: {  	_ =	swait.ge [sflag:s6], $0x80  }
0x36b: {  	[sflag:s6] =	ssyncset.done $0x0  }
0x36c: {  	s7 =	simm.s32 $0x1;
	[sflag:s6] =	ssyncadd.s32 $0xFFFFFF80  }
0x36d: {  	_ =	swait.ge [sflag:s7], $0x2000  }
0x36e: {  	[sflag:s7] =	ssyncset.done $0x0  }
0x36f: {  	[sflag:s7] =	ssyncadd.s32 $0xFFFFE000  }
0x370: {  	[bflag:$0x0] =	sbarrier.arrive $0xFFFF  }
0x371: {  	s7 =	sld [smem:$0x7F2]  }
0x372: {  	s25 =	rddreg [dreg:$0x1b]  }
0x373: {  	s18 =	rddreg [dreg:$0x14];
	s12 =	sshrl.u32 s25, $0x3  }
0x374: {  	[hbm:s18], [sflag:s7] =	dma.local [spmem:s12], $0x800  }
0x375: {  	_ =	swait.ge [sflag:s14], $0x800  }
0x376: {  	[sflag:s14] =	ssyncset.done $0x0;
	s28 =	rddreg [dreg:$0x1c]  }
0x377: {  	s12 =	rddreg [dreg:$0x15];
	[sflag:s14] =	ssyncadd.s32 $0xFFFFF800;
	s18 =	sshrl.u32 s28, $0x3  }
0x378: {  	[hbm:s12], [sflag:s7] =	dma.local [spmem:s18], $0x800  }
0x379: {  	_ =	swait.ge [sflag:s14], $0x800  }
0x37a: {  	[sflag:s14] =	ssyncset.done $0x0;
	s29 =	rddreg [dreg:$0x1d]  }
0x37b: {  	s12 =	rddreg [dreg:$0x16];
	[sflag:s14] =	ssyncadd.s32 $0xFFFFF800;
	s18 =	sshrl.u32 s29, $0x3  }
0x37c: {  	[hbm:s12], [sflag:s7] =	dma.local [spmem:s18], $0x800  }
0x37d: {  	_ =	swait.ge [sflag:s14], $0x800  }
0x37e: {  	[sflag:s14] =	ssyncset.done $0x0;
	s30 =	rddreg [dreg:$0x1e]  }
0x37f: {  	s12 =	rddreg [dreg:$0x17];
	[sflag:s14] =	ssyncadd.s32 $0xFFFFF800;
	s18 =	sshrl.u32 s30, $0x3  }
0x380: {  	[hbm:s12], [sflag:s7] =	dma.local [spmem:s18], $0x800  }
0x381: {  	_ =	swait.ge [sflag:s14], $0x800  }
0x382: {  	[sflag:s14] =	ssyncset.done $0x0;
	s31 =	rddreg [dreg:$0x1f]  }
0x383: {  	s12 =	rddreg [dreg:$0x18];
	[sflag:s14] =	ssyncadd.s32 $0xFFFFF800;
	s18 =	sshrl.u32 s31, $0x3  }
0x384: {  	[hbm:s12], [sflag:s7] =	dma.local [spmem:s18], $0x800  }
0x385: {  	_ =	swait.ge [sflag:s14], $0x800  }
0x386: {  	s12 =	sld [smem:$0x7F3]  }
0x387: {  	s18 =	sld [smem:$0x7F8];
	_ =	sdelay $0x1  }
0x388: {  	s7 =	sadd.s32 $0x1, s12  }
0x389: {  	p0 =	sne.s32 s7, s18  }
.Ltmp7:
0x38a: {  	_ = 	snop;
	(pc) =	sbr.rel @p0 .LBB2_1-.Ltmp7, $3  }
0x38b: {  	_ =	sdelay $0x1  }
0x38c: {  	[sflag:s14] =	ssyncset.done $0x0  }
0x38d: {  	[sflag:s14] =	ssyncadd.s32 $0xFFFFF800  }
0x38e: {  	_ =	sfence.sel $0x180000  }
0x38f: {  	[bflag:$0x0] =	sbarrier.arrive $0xFFFF  }
0x390: {  	_ =	strace $0x90000047  }
0x391: {  	s0 =	stileid.u32;
	[bflag:$0x2] =	sbarrier.arrive $0xFFFF  }
0x392: {  	p0 =	sne.s32 s0, $0x0;
	s0 =	rddreg [dreg:$0x7]  }
0x393: {  	s0 =	sadd.s32 @!p0 $0x100000, s0  }
0x394: {  	[sflag:s0] =	ssyncadd.tile.s32 @!p0 $0x1;
	_ =	shalt  }
.Lfunc_end2:
_tile_overlayer_lowered:
.L_overlay_start_2:
0x395: {  	(tag) =	ssettag $0x2  }
0x396: {  	s0 =	rddreg [dreg:$0x0];
	s2 =	stileid.u32  }
0x397: {  	s1 =	rddreg [dreg:$0x1];
	p0 =	sne.s32 s2, $0x0  }
0x398: {  	s3 =	rddreg [dreg:$0x2];
	[bflag:$0x3] =	sbarrier.arrive $0xFFFF;
	s2 =	simm.s32 @!p0 $0x1C05  }
0x399: {  	[timem:s3], [sflag:s2] =	dma.local @!p0 [hbm:s0], s1  }
0x39a: {  	s0 =	simm.s32 @!p0 $0x5  }
0x39b: {  	_ =	swait.ge @!p0 [sflag:s0], s1  }
0x39c: {  	s1 =	ssub.s32 @!p0 $0x0, s1;
	[sflag:s0] =	ssyncset.done @!p0 $0x0  }
0x39d: {  	[sflag:s0] =	ssyncadd.s32 @!p0 s1  }
0x39e: {  	[bflag:$0x3] =	sbarrier.arrive $0xFFFF  }
0x39f: {  	_ =	shalt  }

</sc_bundles>
